<compile_context>
chip_gen: v7x
topology: tpu7x:2x2x1
jax: 0.10.2.dev20260603
libtpu: 0.0.44.dev20260713+nightly
codegen_flags: <defaults>
</compile_context>

<pallas_src>
import functools

import jax
import jax.numpy as jnp
from jax import lax
from jax.experimental import pallas as pl
from jax.experimental.pallas import tpu as pltpu
from jax.experimental.pallas import tpu_sc as plsc

N_NODES = 10000
N_EDGES = 320000
D_IN = 128
D_HID = 128
D_OUT = 64

NC = 2
NS = 16
NW = NC * NS
CHUNK = 128
GROUP = 8
NG_TOTAL = 20
NG_A = 20
NG_B = NG_TOTAL - NG_A
E_PAD = NS * NG_TOTAL * GROUP * CHUNK
NROWS = E_PAD // CHUNK
TRASH = N_NODES
NT = 10112
ROWS_PER_TILE = NT // NS

ROW_BLK = 1000
GRID = N_NODES // ROW_BLK



def _make_sc_aggregate(d):
    mesh = plsc.VectorSubcoreMesh(core_axis_name="c", subcore_axis_name="s")

    @functools.partial(
        pl.kernel,
        mesh=mesh,
        out_type=jax.ShapeDtypeStruct((NC, NT, d), jnp.float32),
        scratch_types=[
            pltpu.VMEM_SHARED((NT, d), jnp.float32),
            pltpu.VMEM((GROUP, CHUNK), jnp.int32),
            pltpu.VMEM((GROUP, CHUNK), jnp.int32),
            pltpu.VMEM((CHUNK, d), jnp.float32),
            pltpu.VMEM((CHUNK, d), jnp.float32),
            pltpu.SemaphoreType.DMA,
            pltpu.SemaphoreType.DMA,
        ],
    )
    def agg(y_hbm, src_hbm, dst_hbm, zeros_hbm, out_hbm,
            table, src_v, dst_v, buf0, buf1, sem0, sem1):
        cid = lax.axis_index("c")
        sid = lax.axis_index("s")

        z0 = sid * ROWS_PER_TILE
        pltpu.sync_copy(zeros_hbm.at[pl.ds(z0, ROWS_PER_TILE)],
                        table.at[pl.ds(z0, ROWS_PER_TILE)])
        plsc.subcore_barrier()

        row0 = jnp.where(cid == 0, sid * NG_A,
                         NS * NG_A + sid * NG_B) * GROUP
        ng = jnp.where(cid == 0, NG_A, NG_B)

        def group_body(g, _):
            g0 = row0 + g * GROUP
            pltpu.sync_copy(src_hbm.at[pl.ds(g0, GROUP)], src_v)
            pltpu.sync_copy(dst_hbm.at[pl.ds(g0, GROUP)], dst_v)
            pltpu.async_copy(y_hbm.at[src_v.at[0]], buf0, sem0)
            for j in range(GROUP):
                buf, sem = (buf0, sem0) if j % 2 == 0 else (buf1, sem1)
                if j + 1 < GROUP:
                    nbuf, nsem = (buf1, sem1) if j % 2 == 0 else (buf0, sem0)
                    pltpu.async_copy(y_hbm.at[src_v.at[j + 1]], nbuf, nsem)
                pltpu.make_async_copy(y_hbm.at[src_v.at[j]], buf, sem).wait()
                pltpu.sync_copy(buf, table.at[dst_v.at[j]], add=True)
            return 0

        lax.fori_loop(0, ng, group_body, 0)
        plsc.subcore_barrier()

        pltpu.sync_copy(table.at[pl.ds(z0, ROWS_PER_TILE)],
                        out_hbm.at[cid, pl.ds(z0, ROWS_PER_TILE)])

    return agg


_agg128 = _make_sc_aggregate(D_HID)



def _dot(a, b):
    return lax.dot_general(a, b, (((1,), (0,)), ((), ())),
                           preferred_element_type=jnp.float32)


def _mm_body(h_ref, w_ref, y_ref, r_ref, *, d):
    hw = _dot(h_ref[...], w_ref[...])
    y_ref[...] = hw[:, :d]
    r_ref[...] = hw[:, d:]


def _mm(h, w_cat, d):
    din = h.shape[1]
    dtot = w_cat.shape[1]
    return pl.pallas_call(
        functools.partial(_mm_body, d=d),
        grid=(GRID,),
        in_specs=[
            pl.BlockSpec((ROW_BLK, din), lambda i: (i, 0)),
            pl.BlockSpec((din, dtot), lambda i: (0, 0)),
        ],
        out_specs=[
            pl.BlockSpec((ROW_BLK, d), lambda i: (i, 0)),
            pl.BlockSpec((ROW_BLK, dtot - d), lambda i: (i, 0)),
        ],
        out_shape=[
            jax.ShapeDtypeStruct((N_NODES, d), jnp.float32),
            jax.ShapeDtypeStruct((N_NODES, dtot - d), jnp.float32),
        ],
    )(h, w_cat)


def _comb_body(p_ref, r_ref, b_ref, z_ref, s_ref):
    i = pl.program_id(0)
    z = p_ref[0] + p_ref[1] + r_ref[...] + b_ref[...]
    z_ref[...] = z

    @pl.when(i == 0)
    def _():
        s_ref[...] = jnp.zeros_like(s_ref)

    s_ref[0:1, :] += jnp.sum(z, axis=0, keepdims=True)
    s_ref[1:2, :] += jnp.sum(z * z, axis=0, keepdims=True)


def _comb(p, r, b):
    d = r.shape[1]
    return pl.pallas_call(
        _comb_body,
        grid=(GRID,),
        in_specs=[
            pl.BlockSpec((NC, ROW_BLK, d), lambda i: (0, i, 0)),
            pl.BlockSpec((ROW_BLK, d), lambda i: (i, 0)),
            pl.BlockSpec((1, d), lambda i: (0, 0)),
        ],
        out_specs=[
            pl.BlockSpec((ROW_BLK, d), lambda i: (i, 0)),
            pl.BlockSpec((2, d), lambda i: (0, 0)),
        ],
        out_shape=[
            jax.ShapeDtypeStruct((N_NODES, d), jnp.float32),
            jax.ShapeDtypeStruct((2, d), jnp.float32),
        ],
    )(p, r, b.reshape(1, d))


def _bn_mm_body(z_ref, s_ref, g_ref, be_ref, w_ref, y_ref, r_ref, *, d):
    inv_n = 1.0 / N_NODES
    mu = s_ref[0:1, :] * inv_n
    var = s_ref[1:2, :] * inv_n - mu * mu
    scale = g_ref[...] * lax.rsqrt(var + 1e-5)
    h = jnp.maximum((z_ref[...] - mu) * scale + be_ref[...], 0.0)
    hw = _dot(h, w_ref[...])
    y_ref[...] = hw[:, :d]
    r_ref[...] = hw[:, d:]


def _bn_mm(z, s, gamma, beta, w_cat, d):
    din = z.shape[1]
    dtot = w_cat.shape[1]
    return pl.pallas_call(
        functools.partial(_bn_mm_body, d=d),
        grid=(GRID,),
        in_specs=[
            pl.BlockSpec((ROW_BLK, din), lambda i: (i, 0)),
            pl.BlockSpec((2, din), lambda i: (0, 0)),
            pl.BlockSpec((1, din), lambda i: (0, 0)),
            pl.BlockSpec((1, din), lambda i: (0, 0)),
            pl.BlockSpec((din, dtot), lambda i: (0, 0)),
        ],
        out_specs=[
            pl.BlockSpec((ROW_BLK, d), lambda i: (i, 0)),
            pl.BlockSpec((ROW_BLK, dtot - d), lambda i: (i, 0)),
        ],
        out_shape=[
            jax.ShapeDtypeStruct((N_NODES, d), jnp.float32),
            jax.ShapeDtypeStruct((N_NODES, dtot - d), jnp.float32),
        ],
    )(z, s, gamma.reshape(1, din), beta.reshape(1, din), w_cat)


def _final_body(p_ref, r_ref, b_ref, o_ref, *, d):
    z = p_ref[0][:, :d] + p_ref[1][:, :d] + r_ref[...] + b_ref[...]
    m = jnp.max(z, axis=-1, keepdims=True)
    lse = jnp.log(jnp.sum(jnp.exp(z - m), axis=-1, keepdims=True)) + m
    o_ref[...] = z - lse


def _final(p, r, b):
    d = r.shape[1]
    dp = p.shape[2]
    return pl.pallas_call(
        functools.partial(_final_body, d=d),
        grid=(GRID,),
        in_specs=[
            pl.BlockSpec((NC, ROW_BLK, dp), lambda i: (0, i, 0)),
            pl.BlockSpec((ROW_BLK, d), lambda i: (i, 0)),
            pl.BlockSpec((1, d), lambda i: (0, 0)),
        ],
        out_specs=pl.BlockSpec((ROW_BLK, d), lambda i: (i, 0)),
        out_shape=jax.ShapeDtypeStruct((N_NODES, d), jnp.float32),
    )(p, r, b.reshape(1, d))



def kernel(x, edge_index, W_rel1, b_rel1, W_root1, gamma1, beta1,
           W_rel2, b_rel2, W_root2, gamma2, beta2,
           W_rel3, b_rel3, W_root3):
    src = edge_index[0].astype(jnp.int32)
    dst = edge_index[1].astype(jnp.int32)
    pad = E_PAD - N_EDGES
    srcs = jnp.concatenate([src, jnp.zeros((pad,), jnp.int32)])
    dsts = jnp.concatenate([dst, jnp.full((pad,), TRASH, jnp.int32)])
    srcs = srcs.reshape(NROWS, CHUNK)
    dsts = dsts.reshape(NROWS, CHUNK)
    zeros128 = jnp.zeros((NT, D_HID), jnp.float32)

    wc1 = jnp.concatenate([W_rel1, W_root1], axis=1)
    wc2 = jnp.concatenate([W_rel2, W_root2], axis=1)
    wc3 = jnp.concatenate(
        [W_rel3, jnp.zeros((D_HID, D_HID - D_OUT), jnp.float32), W_root3],
        axis=1)

    y1, r1 = _mm(x, wc1, D_HID)
    p1 = _agg128(y1, srcs, dsts, zeros128)
    z1, s1 = _comb(p1, r1, b_rel1)

    y2, r2 = _bn_mm(z1, s1, gamma1, beta1, wc2, D_HID)
    p2 = _agg128(y2, srcs, dsts, zeros128)
    z2, s2 = _comb(p2, r2, b_rel2)

    y3, r3 = _bn_mm(z2, s2, gamma2, beta2, wc3, D_HID)
    p3 = _agg128(y3, srcs, dsts, zeros128)
    return _final(p3, r3, b_rel3)

# --- scband reference (transcript-rebuilt; emitter-appended) ---
"""Pipeline reference for scband-gcgraph-conv-model-40827959115989 (READ-ONLY COPY).

The authoritative reference and input builder live on the scoring server;
editing this copy changes nothing except your own understanding.
"""

import jax, jax.numpy as jnp
import numpy as np

N_NODES = 10000
N_EDGES = 320000
D_IN = 128
D_HID = 128
D_OUT = 64

def setup_inputs(seed: int = 0) -> dict:
    key = jax.random.key(seed)
    ks = jax.random.split(key, 16)
    x = jax.random.normal(ks[0], (N_NODES, D_IN), dtype=jnp.float32)
    edge_index = jax.random.randint(ks[1], (2, N_EDGES), 0, N_NODES, dtype=jnp.int64)
    def lin(k, fan_in, fan_out):
        s = 1.0 / np.sqrt(fan_in)
        return jax.random.uniform(k, (fan_in, fan_out), dtype=jnp.float32, minval=-s, maxval=s)
    inp = {
        'x': x,
        'edge_index': edge_index,
        'W_rel1': lin(ks[2], D_IN, D_HID),
        'b_rel1': jnp.zeros((D_HID,), jnp.float32),
        'W_root1': lin(ks[3], D_IN, D_HID),
        'gamma1': jnp.ones((D_HID,), jnp.float32),
        'beta1': jnp.zeros((D_HID,), jnp.float32),
        'W_rel2': lin(ks[4], D_HID, D_HID),
        'b_rel2': jnp.zeros((D_HID,), jnp.float32),
        'W_root2': lin(ks[5], D_HID, D_HID),
        'gamma2': jnp.ones((D_HID,), jnp.float32),
        'beta2': jnp.zeros((D_HID,), jnp.float32),
        'W_rel3': lin(ks[6], D_HID, D_OUT),
        'b_rel3': jnp.zeros((D_OUT,), jnp.float32),
        'W_root3': lin(ks[7], D_HID, D_OUT),
    }
    return inp

def _graph_conv(x, edge_index, W_rel, b_rel, W_root):
    # PyG GraphConv: out = lin_rel(sum_{j in N(i)} x_j) + lin_root(x_i)
    src = edge_index[0]
    dst = edge_index[1]
    msgs = jnp.take(x, src, axis=0)                      # gather (SparseCore)
    aggr = jax.ops.segment_sum(msgs, dst, num_segments=x.shape[0])  # scatter-add
    return aggr @ W_rel + b_rel + x @ W_root

def _batchnorm(x, gamma, beta, eps=1e-5):
    mu = jnp.mean(x, axis=0)
    var = jnp.var(x, axis=0)
    return gamma * (x - mu) / jnp.sqrt(var + eps) + beta

def reference(x, edge_index, W_rel1, b_rel1, W_root1, gamma1, beta1,
              W_rel2, b_rel2, W_root2, gamma2, beta2,
              W_rel3, b_rel3, W_root3):
    h = _graph_conv(x, edge_index, W_rel1, b_rel1, W_root1)
    h = _batchnorm(h, gamma1, beta1)
    h = jax.nn.relu(h)
    # dropout is identity in eval / deterministic reference
    h = _graph_conv(h, edge_index, W_rel2, b_rel2, W_root2)
    h = _batchnorm(h, gamma2, beta2)
    h = jax.nn.relu(h)
    h = _graph_conv(h, edge_index, W_rel3, b_rel3, W_root3)
    return jax.nn.log_softmax(h, axis=-1)

if __name__ == "__main__":
    import jax
    _d = setup_inputs()
    print(jax.jit(kernel)(*tuple(_d.values())))

</pallas_src>

<mosaic_0001>
#map = affine_map<(d0, d1) -> (0, 0)>
#map1 = affine_map<(d0, d1) -> (0, 0, 0)>
module attributes {stable_mosaic.version = 14 : i64} {
  func.func @agg(%arg0: i32, %arg1: i32, %arg2: memref<10000x128xf32, #tpu.memory_space<hbm>>, %arg3: memref<2560x128xi32, #tpu.memory_space<hbm>>, %arg4: memref<2560x128xi32, #tpu.memory_space<hbm>>, %arg5: memref<10112x128xf32, #tpu.memory_space<hbm>>, %arg6: memref<2x10112x128xf32, #tpu.memory_space<hbm>>, %arg7: memref<10112x128xf32, #tpu.memory_space<vmem_shared>>, %arg8: memref<8x128xi32, #tpu.memory_space<vmem>>, %arg9: memref<8x128xi32, #tpu.memory_space<vmem>>, %arg10: memref<128x128xf32, #tpu.memory_space<vmem>>, %arg11: memref<128x128xf32, #tpu.memory_space<vmem>>, %arg12: memref<!tpu.dma_semaphore, #tpu.memory_space<semaphore_mem>>, %arg13: memref<!tpu.dma_semaphore, #tpu.memory_space<semaphore_mem>>) attributes {dimension_semantics = [#tpu.dimension_semantics<core_parallel>, #tpu.dimension_semantics<subcore_parallel>], iteration_bounds = array<i64: 2, 16>, scalar_prefetch = 0 : i64, scratch_operands = 7 : i64, tpu.core_type = #tpu.core_type<sc_vector_subcore>, window_params = [{transform_indices = #map}, {transform_indices = #map}, {transform_indices = #map}, {transform_indices = #map}, {transform_indices = #map1}]} {
    %mul3A = arith.constant 632 : i32
    %mul3A_0 = arith.muli %arg1, %mul3A : i32
    "tpu.region"() ({
      %run_scoped3A = tpu.sem_alloc : memref<!tpu.dma_semaphore, #tpu.memory_space<semaphore_mem>>
      %dma_start3A = arith.constant 0 : i32
      %dma_start3A_25 = tpu.memref_slice %arg7[%mul3A_0, %dma_start3A] : memref<10112x128xf32, #tpu.memory_space<vmem_shared>> -> memref<632x128xf32, #tpu.memory_space<vmem_shared>>
      %dma_start3A_26 = arith.constant 0 : i32
      %dma_start3A_27 = tpu.memref_slice %arg5[%mul3A_0, %dma_start3A_26] : memref<10112x128xf32, #tpu.memory_space<hbm>> -> memref<632x128xf32, #tpu.memory_space<hbm>>
      tpu.enqueue_dma source(%dma_start3A_27 : memref<632x128xf32, #tpu.memory_space<hbm>>) target(%dma_start3A_25 : memref<632x128xf32, #tpu.memory_space<vmem_shared>>) target_semaphore(%run_scoped3A : memref<!tpu.dma_semaphore, #tpu.memory_space<semaphore_mem>>)
      %dma_wait3A = arith.constant 0 : i32
      %dma_wait3A_28 = tpu.memref_slice %arg7[%mul3A_0, %dma_wait3A] : memref<10112x128xf32, #tpu.memory_space<vmem_shared>> -> memref<632x128xf32, #tpu.memory_space<vmem_shared>>
      %dma_wait3A_29 = arith.constant 0 : i32
      %dma_wait3A_30 = tpu.memref_slice %arg5[%mul3A_0, %dma_wait3A_29] : memref<10112x128xf32, #tpu.memory_space<hbm>> -> memref<632x128xf32, #tpu.memory_space<hbm>>
      tpu.wait_dma2 semaphore(%run_scoped3A : memref<!tpu.dma_semaphore, #tpu.memory_space<semaphore_mem>>) src(%dma_wait3A_30 : memref<632x128xf32, #tpu.memory_space<hbm>>) dst(%dma_wait3A_28 : memref<632x128xf32, #tpu.memory_space<vmem_shared>>)
      tpu.yield
    }) : () -> ()
    %barrier3A = arith.constant 0 : index
    tpu.barrier barrier_id(%barrier3A)
    %eq3A = arith.constant 0 : i32
    %eq3A_1 = arith.cmpi eq, %arg0, %eq3A : i32
    %mul3A_2 = arith.constant 20 : i32
    %mul3A_3 = arith.muli %arg1, %mul3A_2 : i32
    %mul3A_4 = arith.constant 0 : i32
    %mul3A_5 = arith.muli %arg1, %mul3A_4 : i32
    %add3A = arith.constant 320 : i32
    %add3A_6 = arith.addi %add3A, %mul3A_5 : i32
    %select_n3A = arith.select %eq3A_1, %mul3A_3, %add3A_6 : i32
    %mul3A_7 = arith.constant 8 : i32
    %mul3A_8 = arith.muli %select_n3A, %mul3A_7 : i32
    %eq3A_9 = arith.constant 0 : i32
    %eq3A_10 = arith.cmpi eq, %arg0, %eq3A_9 : i32
    %jit3A = arith.constant 20 : i32
    %jit3A_11 = arith.constant 0 : i32
    %select_n3A_12 = arith.select %eq3A_10, %jit3A, %jit3A_11 : i32
    %while3A = arith.constant 0 : i32
    %while3A_13 = arith.constant 0 : i32
    %while3A_14 = arith.subi %select_n3A_12, %while3A : i32
    %while3A_15 = arith.addi %while3A, %while3A_14 : i32
    %while3A_16 = arith.constant 1 : i32
    %while3A_17 = arith.divsi %while3A_14, %while3A_16 : i32
    %while3A_18 = arith.muli %while3A_17, %while3A_16 : i32
    %while3A_19 = arith.addi %while3A, %while3A_18 : i32
    %while3A_20 = arith.constant 1 : i32
    %while3A_21 = scf.for %while3A_25 = %while3A to %while3A_19 step %while3A_20 iter_args(%while3A_26 = %while3A_13) -> (i32)  : i32 {
      %mul3A_27 = arith.constant 8 : i32
      %mul3A_28 = arith.muli %while3A_25, %mul3A_27 : i32
      %add3A_29 = arith.addi %mul3A_8, %mul3A_28 : i32
      "tpu.region"() ({
        %run_scoped3A_148 = tpu.sem_alloc : memref<!tpu.dma_semaphore, #tpu.memory_space<semaphore_mem>>
        %dma_start3A_149 = arith.constant 0 : i32
        %dma_start3A_150 = tpu.memref_slice %arg3[%add3A_29, %dma_start3A_149] : memref<2560x128xi32, #tpu.memory_space<hbm>> -> memref<8x128xi32, #tpu.memory_space<hbm>>
        %dma_start3A_151 = arith.constant 0 : i32
        %dma_start3A_152 = tpu.memref_slice %arg3[%add3A_29, %dma_start3A_151] : memref<2560x128xi32, #tpu.memory_space<hbm>> -> memref<8x128xi32, #tpu.memory_space<hbm>>
        tpu.enqueue_dma source(%dma_start3A_152 : memref<8x128xi32, #tpu.memory_space<hbm>>) target(%arg8 : memref<8x128xi32, #tpu.memory_space<vmem>>) target_semaphore(%run_scoped3A_148 : memref<!tpu.dma_semaphore, #tpu.memory_space<semaphore_mem>>)
        %dma_wait3A_153 = arith.constant 0 : i32
        %dma_wait3A_154 = tpu.memref_slice %arg3[%add3A_29, %dma_wait3A_153] : memref<2560x128xi32, #tpu.memory_space<hbm>> -> memref<8x128xi32, #tpu.memory_space<hbm>>
        %dma_wait3A_155 = arith.constant 0 : i32
        %dma_wait3A_156 = tpu.memref_slice %arg3[%add3A_29, %dma_wait3A_155] : memref<2560x128xi32, #tpu.memory_space<hbm>> -> memref<8x128xi32, #tpu.memory_space<hbm>>
        tpu.wait_dma2 semaphore(%run_scoped3A_148 : memref<!tpu.dma_semaphore, #tpu.memory_space<semaphore_mem>>) src(%dma_wait3A_156 : memref<8x128xi32, #tpu.memory_space<hbm>>) dst(%arg8 : memref<8x128xi32, #tpu.memory_space<vmem>>)
        tpu.yield
      }) : () -> ()
      "tpu.region"() ({
        %run_scoped3A_148 = tpu.sem_alloc : memref<!tpu.dma_semaphore, #tpu.memory_space<semaphore_mem>>
        %dma_start3A_149 = arith.constant 0 : i32
        %dma_start3A_150 = tpu.memref_slice %arg4[%add3A_29, %dma_start3A_149] : memref<2560x128xi32, #tpu.memory_space<hbm>> -> memref<8x128xi32, #tpu.memory_space<hbm>>
        %dma_start3A_151 = arith.constant 0 : i32
        %dma_start3A_152 = tpu.memref_slice %arg4[%add3A_29, %dma_start3A_151] : memref<2560x128xi32, #tpu.memory_space<hbm>> -> memref<8x128xi32, #tpu.memory_space<hbm>>
        tpu.enqueue_dma source(%dma_start3A_152 : memref<8x128xi32, #tpu.memory_space<hbm>>) target(%arg9 : memref<8x128xi32, #tpu.memory_space<vmem>>) target_semaphore(%run_scoped3A_148 : memref<!tpu.dma_semaphore, #tpu.memory_space<semaphore_mem>>)
        %dma_wait3A_153 = arith.constant 0 : i32
        %dma_wait3A_154 = tpu.memref_slice %arg4[%add3A_29, %dma_wait3A_153] : memref<2560x128xi32, #tpu.memory_space<hbm>> -> memref<8x128xi32, #tpu.memory_space<hbm>>
        %dma_wait3A_155 = arith.constant 0 : i32
        %dma_wait3A_156 = tpu.memref_slice %arg4[%add3A_29, %dma_wait3A_155] : memref<2560x128xi32, #tpu.memory_space<hbm>> -> memref<8x128xi32, #tpu.memory_space<hbm>>
        tpu.wait_dma2 semaphore(%run_scoped3A_148 : memref<!tpu.dma_semaphore, #tpu.memory_space<semaphore_mem>>) src(%dma_wait3A_156 : memref<8x128xi32, #tpu.memory_space<hbm>>) dst(%arg9 : memref<8x128xi32, #tpu.memory_space<vmem>>)
        tpu.yield
      }) : () -> ()
      %dma_start3A = arith.constant 0 : i32
      %dma_start3A_30 = arith.constant 0 : i32
      %dma_start3A_31 = tpu.memref_slice %arg8[%dma_start3A, %dma_start3A_30] : memref<8x128xi32, #tpu.memory_space<vmem>> -> memref<1x128xi32, #tpu.memory_space<vmem>>
      %dma_start3A_32 = tpu.memref_squeeze %dma_start3A_31 : memref<1x128xi32, #tpu.memory_space<vmem>> -> memref<128xi32, #tpu.memory_space<vmem>>
      %dma_start3A_33 = arith.constant 0 : i32
      %dma_start3A_34 = arith.constant 0 : i32
      %dma_start3A_35 = tpu.memref_slice %arg2[%dma_start3A_33, %dma_start3A_34] : memref<10000x128xf32, #tpu.memory_space<hbm>> -> memref<10000x128xf32, #tpu.memory_space<hbm>>
      tpu.enqueue_indirect_dma source(%dma_start3A_35 : memref<10000x128xf32, #tpu.memory_space<hbm>>) target(%arg10 : memref<128x128xf32, #tpu.memory_space<vmem>>) offsets(%dma_start3A_32 : memref<128xi32, #tpu.memory_space<vmem>>) semaphore(%arg12 : memref<!tpu.dma_semaphore, #tpu.memory_space<semaphore_mem>>)
      %dma_start3A_36 = arith.constant 1 : i32
      %dma_start3A_37 = arith.constant 0 : i32
      %dma_start3A_38 = tpu.memref_slice %arg8[%dma_start3A_36, %dma_start3A_37] : memref<8x128xi32, #tpu.memory_space<vmem>> -> memref<1x128xi32, #tpu.memory_space<vmem>>
      %dma_start3A_39 = tpu.memref_squeeze %dma_start3A_38 : memref<1x128xi32, #tpu.memory_space<vmem>> -> memref<128xi32, #tpu.memory_space<vmem>>
      %dma_start3A_40 = arith.constant 0 : i32
      %dma_start3A_41 = arith.constant 0 : i32
      %dma_start3A_42 = tpu.memref_slice %arg2[%dma_start3A_40, %dma_start3A_41] : memref<10000x128xf32, #tpu.memory_space<hbm>> -> memref<10000x128xf32, #tpu.memory_space<hbm>>
      tpu.enqueue_indirect_dma source(%dma_start3A_42 : memref<10000x128xf32, #tpu.memory_space<hbm>>) target(%arg11 : memref<128x128xf32, #tpu.memory_space<vmem>>) offsets(%dma_start3A_39 : memref<128xi32, #tpu.memory_space<vmem>>) semaphore(%arg13 : memref<!tpu.dma_semaphore, #tpu.memory_space<semaphore_mem>>)
      %dma_wait3A = arith.constant 0 : i32
      %dma_wait3A_43 = arith.constant 0 : i32
      %dma_wait3A_44 = tpu.memref_slice %arg8[%dma_wait3A, %dma_wait3A_43] : memref<8x128xi32, #tpu.memory_space<vmem>> -> memref<1x128xi32, #tpu.memory_space<vmem>>
      %dma_wait3A_45 = tpu.memref_squeeze %dma_wait3A_44 : memref<1x128xi32, #tpu.memory_space<vmem>> -> memref<128xi32, #tpu.memory_space<vmem>>
      %dma_wait3A_46 = arith.constant 0 : i32
      %dma_wait3A_47 = arith.constant 0 : i32
      %dma_wait3A_48 = tpu.memref_slice %arg2[%dma_wait3A_46, %dma_wait3A_47] : memref<10000x128xf32, #tpu.memory_space<hbm>> -> memref<10000x128xf32, #tpu.memory_space<hbm>>
      tpu.wait_indirect_dma semaphore(%arg12 : memref<!tpu.dma_semaphore, #tpu.memory_space<semaphore_mem>>) src(%dma_wait3A_48 : memref<10000x128xf32, #tpu.memory_space<hbm>>) dst(%arg10 : memref<128x128xf32, #tpu.memory_space<vmem>>)
      %run_scoped3A = arith.constant 0 : i32
      "tpu.region"() ({
        %run_scoped3A_148 = tpu.sem_alloc : memref<!tpu.dma_semaphore, #tpu.memory_space<semaphore_mem>>
        %dma_start3A_149 = arith.constant 0 : i32
        %dma_start3A_150 = tpu.memref_slice %arg9[%run_scoped3A, %dma_start3A_149] : memref<8x128xi32, #tpu.memory_space<vmem>> -> memref<1x128xi32, #tpu.memory_space<vmem>>
        %dma_start3A_151 = tpu.memref_squeeze %dma_start3A_150 : memref<1x128xi32, #tpu.memory_space<vmem>> -> memref<128xi32, #tpu.memory_space<vmem>>
        %dma_start3A_152 = arith.constant 0 : i32
        %dma_start3A_153 = arith.constant 0 : i32
        %dma_start3A_154 = tpu.memref_slice %arg7[%dma_start3A_152, %dma_start3A_153] : memref<10112x128xf32, #tpu.memory_space<vmem_shared>> -> memref<10112x128xf32, #tpu.memory_space<vmem_shared>>
        tpu.enqueue_indirect_dma source(%arg10 : memref<128x128xf32, #tpu.memory_space<vmem>>) target(%dma_start3A_154 : memref<10112x128xf32, #tpu.memory_space<vmem_shared>>) offsets(%dma_start3A_151 : memref<128xi32, #tpu.memory_space<vmem>>) semaphore(%run_scoped3A_148 : memref<!tpu.dma_semaphore, #tpu.memory_space<semaphore_mem>>) {add = true}
        %dma_wait3A_155 = arith.constant 0 : i32
        %dma_wait3A_156 = tpu.memref_slice %arg9[%run_scoped3A, %dma_wait3A_155] : memref<8x128xi32, #tpu.memory_space<vmem>> -> memref<1x128xi32, #tpu.memory_space<vmem>>
        %dma_wait3A_157 = tpu.memref_squeeze %dma_wait3A_156 : memref<1x128xi32, #tpu.memory_space<vmem>> -> memref<128xi32, #tpu.memory_space<vmem>>
        %dma_wait3A_158 = arith.constant 0 : i32
        %dma_wait3A_159 = arith.constant 0 : i32
        %dma_wait3A_160 = tpu.memref_slice %arg7[%dma_wait3A_158, %dma_wait3A_159] : memref<10112x128xf32, #tpu.memory_space<vmem_shared>> -> memref<10112x128xf32, #tpu.memory_space<vmem_shared>>
        tpu.wait_indirect_dma semaphore(%run_scoped3A_148 : memref<!tpu.dma_semaphore, #tpu.memory_space<semaphore_mem>>) src(%arg10 : memref<128x128xf32, #tpu.memory_space<vmem>>) dst(%dma_wait3A_160 : memref<10112x128xf32, #tpu.memory_space<vmem_shared>>)
        tpu.yield
      }) : () -> ()
      %dma_start3A_49 = arith.constant 2 : i32
      %dma_start3A_50 = arith.constant 0 : i32
      %dma_start3A_51 = tpu.memref_slice %arg8[%dma_start3A_49, %dma_start3A_50] : memref<8x128xi32, #tpu.memory_space<vmem>> -> memref<1x128xi32, #tpu.memory_space<vmem>>
      %dma_start3A_52 = tpu.memref_squeeze %dma_start3A_51 : memref<1x128xi32, #tpu.memory_space<vmem>> -> memref<128xi32, #tpu.memory_space<vmem>>
      %dma_start3A_53 = arith.constant 0 : i32
      %dma_start3A_54 = arith.constant 0 : i32
      %dma_start3A_55 = tpu.memref_slice %arg2[%dma_start3A_53, %dma_start3A_54] : memref<10000x128xf32, #tpu.memory_space<hbm>> -> memref<10000x128xf32, #tpu.memory_space<hbm>>
      tpu.enqueue_indirect_dma source(%dma_start3A_55 : memref<10000x128xf32, #tpu.memory_space<hbm>>) target(%arg10 : memref<128x128xf32, #tpu.memory_space<vmem>>) offsets(%dma_start3A_52 : memref<128xi32, #tpu.memory_space<vmem>>) semaphore(%arg12 : memref<!tpu.dma_semaphore, #tpu.memory_space<semaphore_mem>>)
      %dma_wait3A_56 = arith.constant 1 : i32
      %dma_wait3A_57 = arith.constant 0 : i32
      %dma_wait3A_58 = tpu.memref_slice %arg8[%dma_wait3A_56, %dma_wait3A_57] : memref<8x128xi32, #tpu.memory_space<vmem>> -> memref<1x128xi32, #tpu.memory_space<vmem>>
      %dma_wait3A_59 = tpu.memref_squeeze %dma_wait3A_58 : memref<1x128xi32, #tpu.memory_space<vmem>> -> memref<128xi32, #tpu.memory_space<vmem>>
      %dma_wait3A_60 = arith.constant 0 : i32
      %dma_wait3A_61 = arith.constant 0 : i32
      %dma_wait3A_62 = tpu.memref_slice %arg2[%dma_wait3A_60, %dma_wait3A_61] : memref<10000x128xf32, #tpu.memory_space<hbm>> -> memref<10000x128xf32, #tpu.memory_space<hbm>>
      tpu.wait_indirect_dma semaphore(%arg13 : memref<!tpu.dma_semaphore, #tpu.memory_space<semaphore_mem>>) src(%dma_wait3A_62 : memref<10000x128xf32, #tpu.memory_space<hbm>>) dst(%arg11 : memref<128x128xf32, #tpu.memory_space<vmem>>)
      %run_scoped3A_63 = arith.constant 1 : i32
      "tpu.region"() ({
        %run_scoped3A_148 = tpu.sem_alloc : memref<!tpu.dma_semaphore, #tpu.memory_space<semaphore_mem>>
        %dma_start3A_149 = arith.constant 0 : i32
        %dma_start3A_150 = tpu.memref_slice %arg9[%run_scoped3A_63, %dma_start3A_149] : memref<8x128xi32, #tpu.memory_space<vmem>> -> memref<1x128xi32, #tpu.memory_space<vmem>>
        %dma_start3A_151 = tpu.memref_squeeze %dma_start3A_150 : memref<1x128xi32, #tpu.memory_space<vmem>> -> memref<128xi32, #tpu.memory_space<vmem>>
        %dma_start3A_152 = arith.constant 0 : i32
        %dma_start3A_153 = arith.constant 0 : i32
        %dma_start3A_154 = tpu.memref_slice %arg7[%dma_start3A_152, %dma_start3A_153] : memref<10112x128xf32, #tpu.memory_space<vmem_shared>> -> memref<10112x128xf32, #tpu.memory_space<vmem_shared>>
        tpu.enqueue_indirect_dma source(%arg11 : memref<128x128xf32, #tpu.memory_space<vmem>>) target(%dma_start3A_154 : memref<10112x128xf32, #tpu.memory_space<vmem_shared>>) offsets(%dma_start3A_151 : memref<128xi32, #tpu.memory_space<vmem>>) semaphore(%run_scoped3A_148 : memref<!tpu.dma_semaphore, #tpu.memory_space<semaphore_mem>>) {add = true}
        %dma_wait3A_155 = arith.constant 0 : i32
        %dma_wait3A_156 = tpu.memref_slice %arg9[%run_scoped3A_63, %dma_wait3A_155] : memref<8x128xi32, #tpu.memory_space<vmem>> -> memref<1x128xi32, #tpu.memory_space<vmem>>
        %dma_wait3A_157 = tpu.memref_squeeze %dma_wait3A_156 : memref<1x128xi32, #tpu.memory_space<vmem>> -> memref<128xi32, #tpu.memory_space<vmem>>
        %dma_wait3A_158 = arith.constant 0 : i32
        %dma_wait3A_159 = arith.constant 0 : i32
        %dma_wait3A_160 = tpu.memref_slice %arg7[%dma_wait3A_158, %dma_wait3A_159] : memref<10112x128xf32, #tpu.memory_space<vmem_shared>> -> memref<10112x128xf32, #tpu.memory_space<vmem_shared>>
        tpu.wait_indirect_dma semaphore(%run_scoped3A_148 : memref<!tpu.dma_semaphore, #tpu.memory_space<semaphore_mem>>) src(%arg11 : memref<128x128xf32, #tpu.memory_space<vmem>>) dst(%dma_wait3A_160 : memref<10112x128xf32, #tpu.memory_space<vmem_shared>>)
        tpu.yield
      }) : () -> ()
      %dma_start3A_64 = arith.constant 3 : i32
      %dma_start3A_65 = arith.constant 0 : i32
      %dma_start3A_66 = tpu.memref_slice %arg8[%dma_start3A_64, %dma_start3A_65] : memref<8x128xi32, #tpu.memory_space<vmem>> -> memref<1x128xi32, #tpu.memory_space<vmem>>
      %dma_start3A_67 = tpu.memref_squeeze %dma_start3A_66 : memref<1x128xi32, #tpu.memory_space<vmem>> -> memref<128xi32, #tpu.memory_space<vmem>>
      %dma_start3A_68 = arith.constant 0 : i32
      %dma_start3A_69 = arith.constant 0 : i32
      %dma_start3A_70 = tpu.memref_slice %arg2[%dma_start3A_68, %dma_start3A_69] : memref<10000x128xf32, #tpu.memory_space<hbm>> -> memref<10000x128xf32, #tpu.memory_space<hbm>>
      tpu.enqueue_indirect_dma source(%dma_start3A_70 : memref<10000x128xf32, #tpu.memory_space<hbm>>) target(%arg11 : memref<128x128xf32, #tpu.memory_space<vmem>>) offsets(%dma_start3A_67 : memref<128xi32, #tpu.memory_space<vmem>>) semaphore(%arg13 : memref<!tpu.dma_semaphore, #tpu.memory_space<semaphore_mem>>)
      %dma_wait3A_71 = arith.constant 2 : i32
      %dma_wait3A_72 = arith.constant 0 : i32
      %dma_wait3A_73 = tpu.memref_slice %arg8[%dma_wait3A_71, %dma_wait3A_72] : memref<8x128xi32, #tpu.memory_space<vmem>> -> memref<1x128xi32, #tpu.memory_space<vmem>>
      %dma_wait3A_74 = tpu.memref_squeeze %dma_wait3A_73 : memref<1x128xi32, #tpu.memory_space<vmem>> -> memref<128xi32, #tpu.memory_space<vmem>>
      %dma_wait3A_75 = arith.constant 0 : i32
      %dma_wait3A_76 = arith.constant 0 : i32
      %dma_wait3A_77 = tpu.memref_slice %arg2[%dma_wait3A_75, %dma_wait3A_76] : memref<10000x128xf32, #tpu.memory_space<hbm>> -> memref<10000x128xf32, #tpu.memory_space<hbm>>
      tpu.wait_indirect_dma semaphore(%arg12 : memref<!tpu.dma_semaphore, #tpu.memory_space<semaphore_mem>>) src(%dma_wait3A_77 : memref<10000x128xf32, #tpu.memory_space<hbm>>) dst(%arg10 : memref<128x128xf32, #tpu.memory_space<vmem>>)
      %run_scoped3A_78 = arith.constant 2 : i32
      "tpu.region"() ({
        %run_scoped3A_148 = tpu.sem_alloc : memref<!tpu.dma_semaphore, #tpu.memory_space<semaphore_mem>>
        %dma_start3A_149 = arith.constant 0 : i32
        %dma_start3A_150 = tpu.memref_slice %arg9[%run_scoped3A_78, %dma_start3A_149] : memref<8x128xi32, #tpu.memory_space<vmem>> -> memref<1x128xi32, #tpu.memory_space<vmem>>
        %dma_start3A_151 = tpu.memref_squeeze %dma_start3A_150 : memref<1x128xi32, #tpu.memory_space<vmem>> -> memref<128xi32, #tpu.memory_space<vmem>>
        %dma_start3A_152 = arith.constant 0 : i32
        %dma_start3A_153 = arith.constant 0 : i32
        %dma_start3A_154 = tpu.memref_slice %arg7[%dma_start3A_152, %dma_start3A_153] : memref<10112x128xf32, #tpu.memory_space<vmem_shared>> -> memref<10112x128xf32, #tpu.memory_space<vmem_shared>>
        tpu.enqueue_indirect_dma source(%arg10 : memref<128x128xf32, #tpu.memory_space<vmem>>) target(%dma_start3A_154 : memref<10112x128xf32, #tpu.memory_space<vmem_shared>>) offsets(%dma_start3A_151 : memref<128xi32, #tpu.memory_space<vmem>>) semaphore(%run_scoped3A_148 : memref<!tpu.dma_semaphore, #tpu.memory_space<semaphore_mem>>) {add = true}
        %dma_wait3A_155 = arith.constant 0 : i32
        %dma_wait3A_156 = tpu.memref_slice %arg9[%run_scoped3A_78, %dma_wait3A_155] : memref<8x128xi32, #tpu.memory_space<vmem>> -> memref<1x128xi32, #tpu.memory_space<vmem>>
        %dma_wait3A_157 = tpu.memref_squeeze %dma_wait3A_156 : memref<1x128xi32, #tpu.memory_space<vmem>> -> memref<128xi32, #tpu.memory_space<vmem>>
        %dma_wait3A_158 = arith.constant 0 : i32
        %dma_wait3A_159 = arith.constant 0 : i32
        %dma_wait3A_160 = tpu.memref_slice %arg7[%dma_wait3A_158, %dma_wait3A_159] : memref<10112x128xf32, #tpu.memory_space<vmem_shared>> -> memref<10112x128xf32, #tpu.memory_space<vmem_shared>>
        tpu.wait_indirect_dma semaphore(%run_scoped3A_148 : memref<!tpu.dma_semaphore, #tpu.memory_space<semaphore_mem>>) src(%arg10 : memref<128x128xf32, #tpu.memory_space<vmem>>) dst(%dma_wait3A_160 : memref<10112x128xf32, #tpu.memory_space<vmem_shared>>)
        tpu.yield
      }) : () -> ()
      %dma_start3A_79 = arith.constant 4 : i32
      %dma_start3A_80 = arith.constant 0 : i32
      %dma_start3A_81 = tpu.memref_slice %arg8[%dma_start3A_79, %dma_start3A_80] : memref<8x128xi32, #tpu.memory_space<vmem>> -> memref<1x128xi32, #tpu.memory_space<vmem>>
      %dma_start3A_82 = tpu.memref_squeeze %dma_start3A_81 : memref<1x128xi32, #tpu.memory_space<vmem>> -> memref<128xi32, #tpu.memory_space<vmem>>
      %dma_start3A_83 = arith.constant 0 : i32
      %dma_start3A_84 = arith.constant 0 : i32
      %dma_start3A_85 = tpu.memref_slice %arg2[%dma_start3A_83, %dma_start3A_84] : memref<10000x128xf32, #tpu.memory_space<hbm>> -> memref<10000x128xf32, #tpu.memory_space<hbm>>
      tpu.enqueue_indirect_dma source(%dma_start3A_85 : memref<10000x128xf32, #tpu.memory_space<hbm>>) target(%arg10 : memref<128x128xf32, #tpu.memory_space<vmem>>) offsets(%dma_start3A_82 : memref<128xi32, #tpu.memory_space<vmem>>) semaphore(%arg12 : memref<!tpu.dma_semaphore, #tpu.memory_space<semaphore_mem>>)
      %dma_wait3A_86 = arith.constant 3 : i32
      %dma_wait3A_87 = arith.constant 0 : i32
      %dma_wait3A_88 = tpu.memref_slice %arg8[%dma_wait3A_86, %dma_wait3A_87] : memref<8x128xi32, #tpu.memory_space<vmem>> -> memref<1x128xi32, #tpu.memory_space<vmem>>
      %dma_wait3A_89 = tpu.memref_squeeze %dma_wait3A_88 : memref<1x128xi32, #tpu.memory_space<vmem>> -> memref<128xi32, #tpu.memory_space<vmem>>
      %dma_wait3A_90 = arith.constant 0 : i32
      %dma_wait3A_91 = arith.constant 0 : i32
      %dma_wait3A_92 = tpu.memref_slice %arg2[%dma_wait3A_90, %dma_wait3A_91] : memref<10000x128xf32, #tpu.memory_space<hbm>> -> memref<10000x128xf32, #tpu.memory_space<hbm>>
      tpu.wait_indirect_dma semaphore(%arg13 : memref<!tpu.dma_semaphore, #tpu.memory_space<semaphore_mem>>) src(%dma_wait3A_92 : memref<10000x128xf32, #tpu.memory_space<hbm>>) dst(%arg11 : memref<128x128xf32, #tpu.memory_space<vmem>>)
      %run_scoped3A_93 = arith.constant 3 : i32
      "tpu.region"() ({
        %run_scoped3A_148 = tpu.sem_alloc : memref<!tpu.dma_semaphore, #tpu.memory_space<semaphore_mem>>
        %dma_start3A_149 = arith.constant 0 : i32
        %dma_start3A_150 = tpu.memref_slice %arg9[%run_scoped3A_93, %dma_start3A_149] : memref<8x128xi32, #tpu.memory_space<vmem>> -> memref<1x128xi32, #tpu.memory_space<vmem>>
        %dma_start3A_151 = tpu.memref_squeeze %dma_start3A_150 : memref<1x128xi32, #tpu.memory_space<vmem>> -> memref<128xi32, #tpu.memory_space<vmem>>
        %dma_start3A_152 = arith.constant 0 : i32
        %dma_start3A_153 = arith.constant 0 : i32
        %dma_start3A_154 = tpu.memref_slice %arg7[%dma_start3A_152, %dma_start3A_153] : memref<10112x128xf32, #tpu.memory_space<vmem_shared>> -> memref<10112x128xf32, #tpu.memory_space<vmem_shared>>
        tpu.enqueue_indirect_dma source(%arg11 : memref<128x128xf32, #tpu.memory_space<vmem>>) target(%dma_start3A_154 : memref<10112x128xf32, #tpu.memory_space<vmem_shared>>) offsets(%dma_start3A_151 : memref<128xi32, #tpu.memory_space<vmem>>) semaphore(%run_scoped3A_148 : memref<!tpu.dma_semaphore, #tpu.memory_space<semaphore_mem>>) {add = true}
        %dma_wait3A_155 = arith.constant 0 : i32
        %dma_wait3A_156 = tpu.memref_slice %arg9[%run_scoped3A_93, %dma_wait3A_155] : memref<8x128xi32, #tpu.memory_space<vmem>> -> memref<1x128xi32, #tpu.memory_space<vmem>>
        %dma_wait3A_157 = tpu.memref_squeeze %dma_wait3A_156 : memref<1x128xi32, #tpu.memory_space<vmem>> -> memref<128xi32, #tpu.memory_space<vmem>>
        %dma_wait3A_158 = arith.constant 0 : i32
        %dma_wait3A_159 = arith.constant 0 : i32
        %dma_wait3A_160 = tpu.memref_slice %arg7[%dma_wait3A_158, %dma_wait3A_159] : memref<10112x128xf32, #tpu.memory_space<vmem_shared>> -> memref<10112x128xf32, #tpu.memory_space<vmem_shared>>
        tpu.wait_indirect_dma semaphore(%run_scoped3A_148 : memref<!tpu.dma_semaphore, #tpu.memory_space<semaphore_mem>>) src(%arg11 : memref<128x128xf32, #tpu.memory_space<vmem>>) dst(%dma_wait3A_160 : memref<10112x128xf32, #tpu.memory_space<vmem_shared>>)
        tpu.yield
      }) : () -> ()
      %dma_start3A_94 = arith.constant 5 : i32
      %dma_start3A_95 = arith.constant 0 : i32
      %dma_start3A_96 = tpu.memref_slice %arg8[%dma_start3A_94, %dma_start3A_95] : memref<8x128xi32, #tpu.memory_space<vmem>> -> memref<1x128xi32, #tpu.memory_space<vmem>>
      %dma_start3A_97 = tpu.memref_squeeze %dma_start3A_96 : memref<1x128xi32, #tpu.memory_space<vmem>> -> memref<128xi32, #tpu.memory_space<vmem>>
      %dma_start3A_98 = arith.constant 0 : i32
      %dma_start3A_99 = arith.constant 0 : i32
      %dma_start3A_100 = tpu.memref_slice %arg2[%dma_start3A_98, %dma_start3A_99] : memref<10000x128xf32, #tpu.memory_space<hbm>> -> memref<10000x128xf32, #tpu.memory_space<hbm>>
      tpu.enqueue_indirect_dma source(%dma_start3A_100 : memref<10000x128xf32, #tpu.memory_space<hbm>>) target(%arg11 : memref<128x128xf32, #tpu.memory_space<vmem>>) offsets(%dma_start3A_97 : memref<128xi32, #tpu.memory_space<vmem>>) semaphore(%arg13 : memref<!tpu.dma_semaphore, #tpu.memory_space<semaphore_mem>>)
      %dma_wait3A_101 = arith.constant 4 : i32
      %dma_wait3A_102 = arith.constant 0 : i32
      %dma_wait3A_103 = tpu.memref_slice %arg8[%dma_wait3A_101, %dma_wait3A_102] : memref<8x128xi32, #tpu.memory_space<vmem>> -> memref<1x128xi32, #tpu.memory_space<vmem>>
      %dma_wait3A_104 = tpu.memref_squeeze %dma_wait3A_103 : memref<1x128xi32, #tpu.memory_space<vmem>> -> memref<128xi32, #tpu.memory_space<vmem>>
      %dma_wait3A_105 = arith.constant 0 : i32
      %dma_wait3A_106 = arith.constant 0 : i32
      %dma_wait3A_107 = tpu.memref_slice %arg2[%dma_wait3A_105, %dma_wait3A_106] : memref<10000x128xf32, #tpu.memory_space<hbm>> -> memref<10000x128xf32, #tpu.memory_space<hbm>>
      tpu.wait_indirect_dma semaphore(%arg12 : memref<!tpu.dma_semaphore, #tpu.memory_space<semaphore_mem>>) src(%dma_wait3A_107 : memref<10000x128xf32, #tpu.memory_space<hbm>>) dst(%arg10 : memref<128x128xf32, #tpu.memory_space<vmem>>)
      %run_scoped3A_108 = arith.constant 4 : i32
      "tpu.region"() ({
        %run_scoped3A_148 = tpu.sem_alloc : memref<!tpu.dma_semaphore, #tpu.memory_space<semaphore_mem>>
        %dma_start3A_149 = arith.constant 0 : i32
        %dma_start3A_150 = tpu.memref_slice %arg9[%run_scoped3A_108, %dma_start3A_149] : memref<8x128xi32, #tpu.memory_space<vmem>> -> memref<1x128xi32, #tpu.memory_space<vmem>>
        %dma_start3A_151 = tpu.memref_squeeze %dma_start3A_150 : memref<1x128xi32, #tpu.memory_space<vmem>> -> memref<128xi32, #tpu.memory_space<vmem>>
        %dma_start3A_152 = arith.constant 0 : i32
        %dma_start3A_153 = arith.constant 0 : i32
        %dma_start3A_154 = tpu.memref_slice %arg7[%dma_start3A_152, %dma_start3A_153] : memref<10112x128xf32, #tpu.memory_space<vmem_shared>> -> memref<10112x128xf32, #tpu.memory_space<vmem_shared>>
        tpu.enqueue_indirect_dma source(%arg10 : memref<128x128xf32, #tpu.memory_space<vmem>>) target(%dma_start3A_154 : memref<10112x128xf32, #tpu.memory_space<vmem_shared>>) offsets(%dma_start3A_151 : memref<128xi32, #tpu.memory_space<vmem>>) semaphore(%run_scoped3A_148 : memref<!tpu.dma_semaphore, #tpu.memory_space<semaphore_mem>>) {add = true}
        %dma_wait3A_155 = arith.constant 0 : i32
        %dma_wait3A_156 = tpu.memref_slice %arg9[%run_scoped3A_108, %dma_wait3A_155] : memref<8x128xi32, #tpu.memory_space<vmem>> -> memref<1x128xi32, #tpu.memory_space<vmem>>
        %dma_wait3A_157 = tpu.memref_squeeze %dma_wait3A_156 : memref<1x128xi32, #tpu.memory_space<vmem>> -> memref<128xi32, #tpu.memory_space<vmem>>
        %dma_wait3A_158 = arith.constant 0 : i32
        %dma_wait3A_159 = arith.constant 0 : i32
        %dma_wait3A_160 = tpu.memref_slice %arg7[%dma_wait3A_158, %dma_wait3A_159] : memref<10112x128xf32, #tpu.memory_space<vmem_shared>> -> memref<10112x128xf32, #tpu.memory_space<vmem_shared>>
        tpu.wait_indirect_dma semaphore(%run_scoped3A_148 : memref<!tpu.dma_semaphore, #tpu.memory_space<semaphore_mem>>) src(%arg10 : memref<128x128xf32, #tpu.memory_space<vmem>>) dst(%dma_wait3A_160 : memref<10112x128xf32, #tpu.memory_space<vmem_shared>>)
        tpu.yield
      }) : () -> ()
      %dma_start3A_109 = arith.constant 6 : i32
      %dma_start3A_110 = arith.constant 0 : i32
      %dma_start3A_111 = tpu.memref_slice %arg8[%dma_start3A_109, %dma_start3A_110] : memref<8x128xi32, #tpu.memory_space<vmem>> -> memref<1x128xi32, #tpu.memory_space<vmem>>
      %dma_start3A_112 = tpu.memref_squeeze %dma_start3A_111 : memref<1x128xi32, #tpu.memory_space<vmem>> -> memref<128xi32, #tpu.memory_space<vmem>>
      %dma_start3A_113 = arith.constant 0 : i32
      %dma_start3A_114 = arith.constant 0 : i32
      %dma_start3A_115 = tpu.memref_slice %arg2[%dma_start3A_113, %dma_start3A_114] : memref<10000x128xf32, #tpu.memory_space<hbm>> -> memref<10000x128xf32, #tpu.memory_space<hbm>>
      tpu.enqueue_indirect_dma source(%dma_start3A_115 : memref<10000x128xf32, #tpu.memory_space<hbm>>) target(%arg10 : memref<128x128xf32, #tpu.memory_space<vmem>>) offsets(%dma_start3A_112 : memref<128xi32, #tpu.memory_space<vmem>>) semaphore(%arg12 : memref<!tpu.dma_semaphore, #tpu.memory_space<semaphore_mem>>)
      %dma_wait3A_116 = arith.constant 5 : i32
      %dma_wait3A_117 = arith.constant 0 : i32
      %dma_wait3A_118 = tpu.memref_slice %arg8[%dma_wait3A_116, %dma_wait3A_117] : memref<8x128xi32, #tpu.memory_space<vmem>> -> memref<1x128xi32, #tpu.memory_space<vmem>>
      %dma_wait3A_119 = tpu.memref_squeeze %dma_wait3A_118 : memref<1x128xi32, #tpu.memory_space<vmem>> -> memref<128xi32, #tpu.memory_space<vmem>>
      %dma_wait3A_120 = arith.constant 0 : i32
      %dma_wait3A_121 = arith.constant 0 : i32
      %dma_wait3A_122 = tpu.memref_slice %arg2[%dma_wait3A_120, %dma_wait3A_121] : memref<10000x128xf32, #tpu.memory_space<hbm>> -> memref<10000x128xf32, #tpu.memory_space<hbm>>
      tpu.wait_indirect_dma semaphore(%arg13 : memref<!tpu.dma_semaphore, #tpu.memory_space<semaphore_mem>>) src(%dma_wait3A_122 : memref<10000x128xf32, #tpu.memory_space<hbm>>) dst(%arg11 : memref<128x128xf32, #tpu.memory_space<vmem>>)
      %run_scoped3A_123 = arith.constant 5 : i32
      "tpu.region"() ({
        %run_scoped3A_148 = tpu.sem_alloc : memref<!tpu.dma_semaphore, #tpu.memory_space<semaphore_mem>>
        %dma_start3A_149 = arith.constant 0 : i32
        %dma_start3A_150 = tpu.memref_slice %arg9[%run_scoped3A_123, %dma_start3A_149] : memref<8x128xi32, #tpu.memory_space<vmem>> -> memref<1x128xi32, #tpu.memory_space<vmem>>
        %dma_start3A_151 = tpu.memref_squeeze %dma_start3A_150 : memref<1x128xi32, #tpu.memory_space<vmem>> -> memref<128xi32, #tpu.memory_space<vmem>>
        %dma_start3A_152 = arith.constant 0 : i32
        %dma_start3A_153 = arith.constant 0 : i32
        %dma_start3A_154 = tpu.memref_slice %arg7[%dma_start3A_152, %dma_start3A_153] : memref<10112x128xf32, #tpu.memory_space<vmem_shared>> -> memref<10112x128xf32, #tpu.memory_space<vmem_shared>>
        tpu.enqueue_indirect_dma source(%arg11 : memref<128x128xf32, #tpu.memory_space<vmem>>) target(%dma_start3A_154 : memref<10112x128xf32, #tpu.memory_space<vmem_shared>>) offsets(%dma_start3A_151 : memref<128xi32, #tpu.memory_space<vmem>>) semaphore(%run_scoped3A_148 : memref<!tpu.dma_semaphore, #tpu.memory_space<semaphore_mem>>) {add = true}
        %dma_wait3A_155 = arith.constant 0 : i32
        %dma_wait3A_156 = tpu.memref_slice %arg9[%run_scoped3A_123, %dma_wait3A_155] : memref<8x128xi32, #tpu.memory_space<vmem>> -> memref<1x128xi32, #tpu.memory_space<vmem>>
        %dma_wait3A_157 = tpu.memref_squeeze %dma_wait3A_156 : memref<1x128xi32, #tpu.memory_space<vmem>> -> memref<128xi32, #tpu.memory_space<vmem>>
        %dma_wait3A_158 = arith.constant 0 : i32
        %dma_wait3A_159 = arith.constant 0 : i32
        %dma_wait3A_160 = tpu.memref_slice %arg7[%dma_wait3A_158, %dma_wait3A_159] : memref<10112x128xf32, #tpu.memory_space<vmem_shared>> -> memref<10112x128xf32, #tpu.memory_space<vmem_shared>>
        tpu.wait_indirect_dma semaphore(%run_scoped3A_148 : memref<!tpu.dma_semaphore, #tpu.memory_space<semaphore_mem>>) src(%arg11 : memref<128x128xf32, #tpu.memory_space<vmem>>) dst(%dma_wait3A_160 : memref<10112x128xf32, #tpu.memory_space<vmem_shared>>)
        tpu.yield
      }) : () -> ()
      %dma_start3A_124 = arith.constant 7 : i32
      %dma_start3A_125 = arith.constant 0 : i32
      %dma_start3A_126 = tpu.memref_slice %arg8[%dma_start3A_124, %dma_start3A_125] : memref<8x128xi32, #tpu.memory_space<vmem>> -> memref<1x128xi32, #tpu.memory_space<vmem>>
      %dma_start3A_127 = tpu.memref_squeeze %dma_start3A_126 : memref<1x128xi32, #tpu.memory_space<vmem>> -> memref<128xi32, #tpu.memory_space<vmem>>
      %dma_start3A_128 = arith.constant 0 : i32
      %dma_start3A_129 = arith.constant 0 : i32
      %dma_start3A_130 = tpu.memref_slice %arg2[%dma_start3A_128, %dma_start3A_129] : memref<10000x128xf32, #tpu.memory_space<hbm>> -> memref<10000x128xf32, #tpu.memory_space<hbm>>
      tpu.enqueue_indirect_dma source(%dma_start3A_130 : memref<10000x128xf32, #tpu.memory_space<hbm>>) target(%arg11 : memref<128x128xf32, #tpu.memory_space<vmem>>) offsets(%dma_start3A_127 : memref<128xi32, #tpu.memory_space<vmem>>) semaphore(%arg13 : memref<!tpu.dma_semaphore, #tpu.memory_space<semaphore_mem>>)
      %dma_wait3A_131 = arith.constant 6 : i32
      %dma_wait3A_132 = arith.constant 0 : i32
      %dma_wait3A_133 = tpu.memref_slice %arg8[%dma_wait3A_131, %dma_wait3A_132] : memref<8x128xi32, #tpu.memory_space<vmem>> -> memref<1x128xi32, #tpu.memory_space<vmem>>
      %dma_wait3A_134 = tpu.memref_squeeze %dma_wait3A_133 : memref<1x128xi32, #tpu.memory_space<vmem>> -> memref<128xi32, #tpu.memory_space<vmem>>
      %dma_wait3A_135 = arith.constant 0 : i32
      %dma_wait3A_136 = arith.constant 0 : i32
      %dma_wait3A_137 = tpu.memref_slice %arg2[%dma_wait3A_135, %dma_wait3A_136] : memref<10000x128xf32, #tpu.memory_space<hbm>> -> memref<10000x128xf32, #tpu.memory_space<hbm>>
      tpu.wait_indirect_dma semaphore(%arg12 : memref<!tpu.dma_semaphore, #tpu.memory_space<semaphore_mem>>) src(%dma_wait3A_137 : memref<10000x128xf32, #tpu.memory_space<hbm>>) dst(%arg10 : memref<128x128xf32, #tpu.memory_space<vmem>>)
      %run_scoped3A_138 = arith.constant 6 : i32
      "tpu.region"() ({
        %run_scoped3A_148 = tpu.sem_alloc : memref<!tpu.dma_semaphore, #tpu.memory_space<semaphore_mem>>
        %dma_start3A_149 = arith.constant 0 : i32
        %dma_start3A_150 = tpu.memref_slice %arg9[%run_scoped3A_138, %dma_start3A_149] : memref<8x128xi32, #tpu.memory_space<vmem>> -> memref<1x128xi32, #tpu.memory_space<vmem>>
        %dma_start3A_151 = tpu.memref_squeeze %dma_start3A_150 : memref<1x128xi32, #tpu.memory_space<vmem>> -> memref<128xi32, #tpu.memory_space<vmem>>
        %dma_start3A_152 = arith.constant 0 : i32
        %dma_start3A_153 = arith.constant 0 : i32
        %dma_start3A_154 = tpu.memref_slice %arg7[%dma_start3A_152, %dma_start3A_153] : memref<10112x128xf32, #tpu.memory_space<vmem_shared>> -> memref<10112x128xf32, #tpu.memory_space<vmem_shared>>
        tpu.enqueue_indirect_dma source(%arg10 : memref<128x128xf32, #tpu.memory_space<vmem>>) target(%dma_start3A_154 : memref<10112x128xf32, #tpu.memory_space<vmem_shared>>) offsets(%dma_start3A_151 : memref<128xi32, #tpu.memory_space<vmem>>) semaphore(%run_scoped3A_148 : memref<!tpu.dma_semaphore, #tpu.memory_space<semaphore_mem>>) {add = true}
        %dma_wait3A_155 = arith.constant 0 : i32
        %dma_wait3A_156 = tpu.memref_slice %arg9[%run_scoped3A_138, %dma_wait3A_155] : memref<8x128xi32, #tpu.memory_space<vmem>> -> memref<1x128xi32, #tpu.memory_space<vmem>>
        %dma_wait3A_157 = tpu.memref_squeeze %dma_wait3A_156 : memref<1x128xi32, #tpu.memory_space<vmem>> -> memref<128xi32, #tpu.memory_space<vmem>>
        %dma_wait3A_158 = arith.constant 0 : i32
        %dma_wait3A_159 = arith.constant 0 : i32
        %dma_wait3A_160 = tpu.memref_slice %arg7[%dma_wait3A_158, %dma_wait3A_159] : memref<10112x128xf32, #tpu.memory_space<vmem_shared>> -> memref<10112x128xf32, #tpu.memory_space<vmem_shared>>
        tpu.wait_indirect_dma semaphore(%run_scoped3A_148 : memref<!tpu.dma_semaphore, #tpu.memory_space<semaphore_mem>>) src(%arg10 : memref<128x128xf32, #tpu.memory_space<vmem>>) dst(%dma_wait3A_160 : memref<10112x128xf32, #tpu.memory_space<vmem_shared>>)
        tpu.yield
      }) : () -> ()
      %dma_wait3A_139 = arith.constant 7 : i32
      %dma_wait3A_140 = arith.constant 0 : i32
      %dma_wait3A_141 = tpu.memref_slice %arg8[%dma_wait3A_139, %dma_wait3A_140] : memref<8x128xi32, #tpu.memory_space<vmem>> -> memref<1x128xi32, #tpu.memory_space<vmem>>
      %dma_wait3A_142 = tpu.memref_squeeze %dma_wait3A_141 : memref<1x128xi32, #tpu.memory_space<vmem>> -> memref<128xi32, #tpu.memory_space<vmem>>
      %dma_wait3A_143 = arith.constant 0 : i32
      %dma_wait3A_144 = arith.constant 0 : i32
      %dma_wait3A_145 = tpu.memref_slice %arg2[%dma_wait3A_143, %dma_wait3A_144] : memref<10000x128xf32, #tpu.memory_space<hbm>> -> memref<10000x128xf32, #tpu.memory_space<hbm>>
      tpu.wait_indirect_dma semaphore(%arg13 : memref<!tpu.dma_semaphore, #tpu.memory_space<semaphore_mem>>) src(%dma_wait3A_145 : memref<10000x128xf32, #tpu.memory_space<hbm>>) dst(%arg11 : memref<128x128xf32, #tpu.memory_space<vmem>>)
      %run_scoped3A_146 = arith.constant 7 : i32
      "tpu.region"() ({
        %run_scoped3A_148 = tpu.sem_alloc : memref<!tpu.dma_semaphore, #tpu.memory_space<semaphore_mem>>
        %dma_start3A_149 = arith.constant 0 : i32
        %dma_start3A_150 = tpu.memref_slice %arg9[%run_scoped3A_146, %dma_start3A_149] : memref<8x128xi32, #tpu.memory_space<vmem>> -> memref<1x128xi32, #tpu.memory_space<vmem>>
        %dma_start3A_151 = tpu.memref_squeeze %dma_start3A_150 : memref<1x128xi32, #tpu.memory_space<vmem>> -> memref<128xi32, #tpu.memory_space<vmem>>
        %dma_start3A_152 = arith.constant 0 : i32
        %dma_start3A_153 = arith.constant 0 : i32
        %dma_start3A_154 = tpu.memref_slice %arg7[%dma_start3A_152, %dma_start3A_153] : memref<10112x128xf32, #tpu.memory_space<vmem_shared>> -> memref<10112x128xf32, #tpu.memory_space<vmem_shared>>
        tpu.enqueue_indirect_dma source(%arg11 : memref<128x128xf32, #tpu.memory_space<vmem>>) target(%dma_start3A_154 : memref<10112x128xf32, #tpu.memory_space<vmem_shared>>) offsets(%dma_start3A_151 : memref<128xi32, #tpu.memory_space<vmem>>) semaphore(%run_scoped3A_148 : memref<!tpu.dma_semaphore, #tpu.memory_space<semaphore_mem>>) {add = true}
        %dma_wait3A_155 = arith.constant 0 : i32
        %dma_wait3A_156 = tpu.memref_slice %arg9[%run_scoped3A_146, %dma_wait3A_155] : memref<8x128xi32, #tpu.memory_space<vmem>> -> memref<1x128xi32, #tpu.memory_space<vmem>>
        %dma_wait3A_157 = tpu.memref_squeeze %dma_wait3A_156 : memref<1x128xi32, #tpu.memory_space<vmem>> -> memref<128xi32, #tpu.memory_space<vmem>>
        %dma_wait3A_158 = arith.constant 0 : i32
        %dma_wait3A_159 = arith.constant 0 : i32
        %dma_wait3A_160 = tpu.memref_slice %arg7[%dma_wait3A_158, %dma_wait3A_159] : memref<10112x128xf32, #tpu.memory_space<vmem_shared>> -> memref<10112x128xf32, #tpu.memory_space<vmem_shared>>
        tpu.wait_indirect_dma semaphore(%run_scoped3A_148 : memref<!tpu.dma_semaphore, #tpu.memory_space<semaphore_mem>>) src(%arg11 : memref<128x128xf32, #tpu.memory_space<vmem>>) dst(%dma_wait3A_160 : memref<10112x128xf32, #tpu.memory_space<vmem_shared>>)
        tpu.yield
      }) : () -> ()
      %while3A_147 = arith.constant 0 : i32
      scf.yield %while3A_147 : i32
    }
    %while3A_22 = arith.constant 1 : i32
    %while3A_23 = scf.for %while3A_25 = %while3A_19 to %while3A_15 step %while3A_22 iter_args(%while3A_26 = %while3A_21) -> (i32)  : i32 {
      %mul3A_27 = arith.constant 8 : i32
      %mul3A_28 = arith.muli %while3A_25, %mul3A_27 : i32
      %add3A_29 = arith.addi %mul3A_8, %mul3A_28 : i32
      "tpu.region"() ({
        %run_scoped3A_148 = tpu.sem_alloc : memref<!tpu.dma_semaphore, #tpu.memory_space<semaphore_mem>>
        %dma_start3A_149 = arith.constant 0 : i32
        %dma_start3A_150 = tpu.memref_slice %arg3[%add3A_29, %dma_start3A_149] : memref<2560x128xi32, #tpu.memory_space<hbm>> -> memref<8x128xi32, #tpu.memory_space<hbm>>
        %dma_start3A_151 = arith.constant 0 : i32
        %dma_start3A_152 = tpu.memref_slice %arg3[%add3A_29, %dma_start3A_151] : memref<2560x128xi32, #tpu.memory_space<hbm>> -> memref<8x128xi32, #tpu.memory_space<hbm>>
        tpu.enqueue_dma source(%dma_start3A_152 : memref<8x128xi32, #tpu.memory_space<hbm>>) target(%arg8 : memref<8x128xi32, #tpu.memory_space<vmem>>) target_semaphore(%run_scoped3A_148 : memref<!tpu.dma_semaphore, #tpu.memory_space<semaphore_mem>>)
        %dma_wait3A_153 = arith.constant 0 : i32
        %dma_wait3A_154 = tpu.memref_slice %arg3[%add3A_29, %dma_wait3A_153] : memref<2560x128xi32, #tpu.memory_space<hbm>> -> memref<8x128xi32, #tpu.memory_space<hbm>>
        %dma_wait3A_155 = arith.constant 0 : i32
        %dma_wait3A_156 = tpu.memref_slice %arg3[%add3A_29, %dma_wait3A_155] : memref<2560x128xi32, #tpu.memory_space<hbm>> -> memref<8x128xi32, #tpu.memory_space<hbm>>
        tpu.wait_dma2 semaphore(%run_scoped3A_148 : memref<!tpu.dma_semaphore, #tpu.memory_space<semaphore_mem>>) src(%dma_wait3A_156 : memref<8x128xi32, #tpu.memory_space<hbm>>) dst(%arg8 : memref<8x128xi32, #tpu.memory_space<vmem>>)
        tpu.yield
      }) : () -> ()
      "tpu.region"() ({
        %run_scoped3A_148 = tpu.sem_alloc : memref<!tpu.dma_semaphore, #tpu.memory_space<semaphore_mem>>
        %dma_start3A_149 = arith.constant 0 : i32
        %dma_start3A_150 = tpu.memref_slice %arg4[%add3A_29, %dma_start3A_149] : memref<2560x128xi32, #tpu.memory_space<hbm>> -> memref<8x128xi32, #tpu.memory_space<hbm>>
        %dma_start3A_151 = arith.constant 0 : i32
        %dma_start3A_152 = tpu.memref_slice %arg4[%add3A_29, %dma_start3A_151] : memref<2560x128xi32, #tpu.memory_space<hbm>> -> memref<8x128xi32, #tpu.memory_space<hbm>>
        tpu.enqueue_dma source(%dma_start3A_152 : memref<8x128xi32, #tpu.memory_space<hbm>>) target(%arg9 : memref<8x128xi32, #tpu.memory_space<vmem>>) target_semaphore(%run_scoped3A_148 : memref<!tpu.dma_semaphore, #tpu.memory_space<semaphore_mem>>)
        %dma_wait3A_153 = arith.constant 0 : i32
        %dma_wait3A_154 = tpu.memref_slice %arg4[%add3A_29, %dma_wait3A_153] : memref<2560x128xi32, #tpu.memory_space<hbm>> -> memref<8x128xi32, #tpu.memory_space<hbm>>
        %dma_wait3A_155 = arith.constant 0 : i32
        %dma_wait3A_156 = tpu.memref_slice %arg4[%add3A_29, %dma_wait3A_155] : memref<2560x128xi32, #tpu.memory_space<hbm>> -> memref<8x128xi32, #tpu.memory_space<hbm>>
        tpu.wait_dma2 semaphore(%run_scoped3A_148 : memref<!tpu.dma_semaphore, #tpu.memory_space<semaphore_mem>>) src(%dma_wait3A_156 : memref<8x128xi32, #tpu.memory_space<hbm>>) dst(%arg9 : memref<8x128xi32, #tpu.memory_space<vmem>>)
        tpu.yield
      }) : () -> ()
      %dma_start3A = arith.constant 0 : i32
      %dma_start3A_30 = arith.constant 0 : i32
      %dma_start3A_31 = tpu.memref_slice %arg8[%dma_start3A, %dma_start3A_30] : memref<8x128xi32, #tpu.memory_space<vmem>> -> memref<1x128xi32, #tpu.memory_space<vmem>>
      %dma_start3A_32 = tpu.memref_squeeze %dma_start3A_31 : memref<1x128xi32, #tpu.memory_space<vmem>> -> memref<128xi32, #tpu.memory_space<vmem>>
      %dma_start3A_33 = arith.constant 0 : i32
      %dma_start3A_34 = arith.constant 0 : i32
      %dma_start3A_35 = tpu.memref_slice %arg2[%dma_start3A_33, %dma_start3A_34] : memref<10000x128xf32, #tpu.memory_space<hbm>> -> memref<10000x128xf32, #tpu.memory_space<hbm>>
      tpu.enqueue_indirect_dma source(%dma_start3A_35 : memref<10000x128xf32, #tpu.memory_space<hbm>>) target(%arg10 : memref<128x128xf32, #tpu.memory_space<vmem>>) offsets(%dma_start3A_32 : memref<128xi32, #tpu.memory_space<vmem>>) semaphore(%arg12 : memref<!tpu.dma_semaphore, #tpu.memory_space<semaphore_mem>>)
      %dma_start3A_36 = arith.constant 1 : i32
      %dma_start3A_37 = arith.constant 0 : i32
      %dma_start3A_38 = tpu.memref_slice %arg8[%dma_start3A_36, %dma_start3A_37] : memref<8x128xi32, #tpu.memory_space<vmem>> -> memref<1x128xi32, #tpu.memory_space<vmem>>
      %dma_start3A_39 = tpu.memref_squeeze %dma_start3A_38 : memref<1x128xi32, #tpu.memory_space<vmem>> -> memref<128xi32, #tpu.memory_space<vmem>>
      %dma_start3A_40 = arith.constant 0 : i32
      %dma_start3A_41 = arith.constant 0 : i32
      %dma_start3A_42 = tpu.memref_slice %arg2[%dma_start3A_40, %dma_start3A_41] : memref<10000x128xf32, #tpu.memory_space<hbm>> -> memref<10000x128xf32, #tpu.memory_space<hbm>>
      tpu.enqueue_indirect_dma source(%dma_start3A_42 : memref<10000x128xf32, #tpu.memory_space<hbm>>) target(%arg11 : memref<128x128xf32, #tpu.memory_space<vmem>>) offsets(%dma_start3A_39 : memref<128xi32, #tpu.memory_space<vmem>>) semaphore(%arg13 : memref<!tpu.dma_semaphore, #tpu.memory_space<semaphore_mem>>)
      %dma_wait3A = arith.constant 0 : i32
      %dma_wait3A_43 = arith.constant 0 : i32
      %dma_wait3A_44 = tpu.memref_slice %arg8[%dma_wait3A, %dma_wait3A_43] : memref<8x128xi32, #tpu.memory_space<vmem>> -> memref<1x128xi32, #tpu.memory_space<vmem>>
      %dma_wait3A_45 = tpu.memref_squeeze %dma_wait3A_44 : memref<1x128xi32, #tpu.memory_space<vmem>> -> memref<128xi32, #tpu.memory_space<vmem>>
      %dma_wait3A_46 = arith.constant 0 : i32
      %dma_wait3A_47 = arith.constant 0 : i32
      %dma_wait3A_48 = tpu.memref_slice %arg2[%dma_wait3A_46, %dma_wait3A_47] : memref<10000x128xf32, #tpu.memory_space<hbm>> -> memref<10000x128xf32, #tpu.memory_space<hbm>>
      tpu.wait_indirect_dma semaphore(%arg12 : memref<!tpu.dma_semaphore, #tpu.memory_space<semaphore_mem>>) src(%dma_wait3A_48 : memref<10000x128xf32, #tpu.memory_space<hbm>>) dst(%arg10 : memref<128x128xf32, #tpu.memory_space<vmem>>)
      %run_scoped3A = arith.constant 0 : i32
      "tpu.region"() ({
        %run_scoped3A_148 = tpu.sem_alloc : memref<!tpu.dma_semaphore, #tpu.memory_space<semaphore_mem>>
        %dma_start3A_149 = arith.constant 0 : i32
        %dma_start3A_150 = tpu.memref_slice %arg9[%run_scoped3A, %dma_start3A_149] : memref<8x128xi32, #tpu.memory_space<vmem>> -> memref<1x128xi32, #tpu.memory_space<vmem>>
        %dma_start3A_151 = tpu.memref_squeeze %dma_start3A_150 : memref<1x128xi32, #tpu.memory_space<vmem>> -> memref<128xi32, #tpu.memory_space<vmem>>
        %dma_start3A_152 = arith.constant 0 : i32
        %dma_start3A_153 = arith.constant 0 : i32
        %dma_start3A_154 = tpu.memref_slice %arg7[%dma_start3A_152, %dma_start3A_153] : memref<10112x128xf32, #tpu.memory_space<vmem_shared>> -> memref<10112x128xf32, #tpu.memory_space<vmem_shared>>
        tpu.enqueue_indirect_dma source(%arg10 : memref<128x128xf32, #tpu.memory_space<vmem>>) target(%dma_start3A_154 : memref<10112x128xf32, #tpu.memory_space<vmem_shared>>) offsets(%dma_start3A_151 : memref<128xi32, #tpu.memory_space<vmem>>) semaphore(%run_scoped3A_148 : memref<!tpu.dma_semaphore, #tpu.memory_space<semaphore_mem>>) {add = true}
        %dma_wait3A_155 = arith.constant 0 : i32
        %dma_wait3A_156 = tpu.memref_slice %arg9[%run_scoped3A, %dma_wait3A_155] : memref<8x128xi32, #tpu.memory_space<vmem>> -> memref<1x128xi32, #tpu.memory_space<vmem>>
        %dma_wait3A_157 = tpu.memref_squeeze %dma_wait3A_156 : memref<1x128xi32, #tpu.memory_space<vmem>> -> memref<128xi32, #tpu.memory_space<vmem>>
        %dma_wait3A_158 = arith.constant 0 : i32
        %dma_wait3A_159 = arith.constant 0 : i32
        %dma_wait3A_160 = tpu.memref_slice %arg7[%dma_wait3A_158, %dma_wait3A_159] : memref<10112x128xf32, #tpu.memory_space<vmem_shared>> -> memref<10112x128xf32, #tpu.memory_space<vmem_shared>>
        tpu.wait_indirect_dma semaphore(%run_scoped3A_148 : memref<!tpu.dma_semaphore, #tpu.memory_space<semaphore_mem>>) src(%arg10 : memref<128x128xf32, #tpu.memory_space<vmem>>) dst(%dma_wait3A_160 : memref<10112x128xf32, #tpu.memory_space<vmem_shared>>)
        tpu.yield
      }) : () -> ()
      %dma_start3A_49 = arith.constant 2 : i32
      %dma_start3A_50 = arith.constant 0 : i32
      %dma_start3A_51 = tpu.memref_slice %arg8[%dma_start3A_49, %dma_start3A_50] : memref<8x128xi32, #tpu.memory_space<vmem>> -> memref<1x128xi32, #tpu.memory_space<vmem>>
      %dma_start3A_52 = tpu.memref_squeeze %dma_start3A_51 : memref<1x128xi32, #tpu.memory_space<vmem>> -> memref<128xi32, #tpu.memory_space<vmem>>
      %dma_start3A_53 = arith.constant 0 : i32
      %dma_start3A_54 = arith.constant 0 : i32
      %dma_start3A_55 = tpu.memref_slice %arg2[%dma_start3A_53, %dma_start3A_54] : memref<10000x128xf32, #tpu.memory_space<hbm>> -> memref<10000x128xf32, #tpu.memory_space<hbm>>
      tpu.enqueue_indirect_dma source(%dma_start3A_55 : memref<10000x128xf32, #tpu.memory_space<hbm>>) target(%arg10 : memref<128x128xf32, #tpu.memory_space<vmem>>) offsets(%dma_start3A_52 : memref<128xi32, #tpu.memory_space<vmem>>) semaphore(%arg12 : memref<!tpu.dma_semaphore, #tpu.memory_space<semaphore_mem>>)
      %dma_wait3A_56 = arith.constant 1 : i32
      %dma_wait3A_57 = arith.constant 0 : i32
      %dma_wait3A_58 = tpu.memref_slice %arg8[%dma_wait3A_56, %dma_wait3A_57] : memref<8x128xi32, #tpu.memory_space<vmem>> -> memref<1x128xi32, #tpu.memory_space<vmem>>
      %dma_wait3A_59 = tpu.memref_squeeze %dma_wait3A_58 : memref<1x128xi32, #tpu.memory_space<vmem>> -> memref<128xi32, #tpu.memory_space<vmem>>
      %dma_wait3A_60 = arith.constant 0 : i32
      %dma_wait3A_61 = arith.constant 0 : i32
      %dma_wait3A_62 = tpu.memref_slice %arg2[%dma_wait3A_60, %dma_wait3A_61] : memref<10000x128xf32, #tpu.memory_space<hbm>> -> memref<10000x128xf32, #tpu.memory_space<hbm>>
      tpu.wait_indirect_dma semaphore(%arg13 : memref<!tpu.dma_semaphore, #tpu.memory_space<semaphore_mem>>) src(%dma_wait3A_62 : memref<10000x128xf32, #tpu.memory_space<hbm>>) dst(%arg11 : memref<128x128xf32, #tpu.memory_space<vmem>>)
      %run_scoped3A_63 = arith.constant 1 : i32
      "tpu.region"() ({
        %run_scoped3A_148 = tpu.sem_alloc : memref<!tpu.dma_semaphore, #tpu.memory_space<semaphore_mem>>
        %dma_start3A_149 = arith.constant 0 : i32
        %dma_start3A_150 = tpu.memref_slice %arg9[%run_scoped3A_63, %dma_start3A_149] : memref<8x128xi32, #tpu.memory_space<vmem>> -> memref<1x128xi32, #tpu.memory_space<vmem>>
        %dma_start3A_151 = tpu.memref_squeeze %dma_start3A_150 : memref<1x128xi32, #tpu.memory_space<vmem>> -> memref<128xi32, #tpu.memory_space<vmem>>
        %dma_start3A_152 = arith.constant 0 : i32
        %dma_start3A_153 = arith.constant 0 : i32
        %dma_start3A_154 = tpu.memref_slice %arg7[%dma_start3A_152, %dma_start3A_153] : memref<10112x128xf32, #tpu.memory_space<vmem_shared>> -> memref<10112x128xf32, #tpu.memory_space<vmem_shared>>
        tpu.enqueue_indirect_dma source(%arg11 : memref<128x128xf32, #tpu.memory_space<vmem>>) target(%dma_start3A_154 : memref<10112x128xf32, #tpu.memory_space<vmem_shared>>) offsets(%dma_start3A_151 : memref<128xi32, #tpu.memory_space<vmem>>) semaphore(%run_scoped3A_148 : memref<!tpu.dma_semaphore, #tpu.memory_space<semaphore_mem>>) {add = true}
        %dma_wait3A_155 = arith.constant 0 : i32
        %dma_wait3A_156 = tpu.memref_slice %arg9[%run_scoped3A_63, %dma_wait3A_155] : memref<8x128xi32, #tpu.memory_space<vmem>> -> memref<1x128xi32, #tpu.memory_space<vmem>>
        %dma_wait3A_157 = tpu.memref_squeeze %dma_wait3A_156 : memref<1x128xi32, #tpu.memory_space<vmem>> -> memref<128xi32, #tpu.memory_space<vmem>>
        %dma_wait3A_158 = arith.constant 0 : i32
        %dma_wait3A_159 = arith.constant 0 : i32
        %dma_wait3A_160 = tpu.memref_slice %arg7[%dma_wait3A_158, %dma_wait3A_159] : memref<10112x128xf32, #tpu.memory_space<vmem_shared>> -> memref<10112x128xf32, #tpu.memory_space<vmem_shared>>
        tpu.wait_indirect_dma semaphore(%run_scoped3A_148 : memref<!tpu.dma_semaphore, #tpu.memory_space<semaphore_mem>>) src(%arg11 : memref<128x128xf32, #tpu.memory_space<vmem>>) dst(%dma_wait3A_160 : memref<10112x128xf32, #tpu.memory_space<vmem_shared>>)
        tpu.yield
      }) : () -> ()
      %dma_start3A_64 = arith.constant 3 : i32
      %dma_start3A_65 = arith.constant 0 : i32
      %dma_start3A_66 = tpu.memref_slice %arg8[%dma_start3A_64, %dma_start3A_65] : memref<8x128xi32, #tpu.memory_space<vmem>> -> memref<1x128xi32, #tpu.memory_space<vmem>>
      %dma_start3A_67 = tpu.memref_squeeze %dma_start3A_66 : memref<1x128xi32, #tpu.memory_space<vmem>> -> memref<128xi32, #tpu.memory_space<vmem>>
      %dma_start3A_68 = arith.constant 0 : i32
      %dma_start3A_69 = arith.constant 0 : i32
      %dma_start3A_70 = tpu.memref_slice %arg2[%dma_start3A_68, %dma_start3A_69] : memref<10000x128xf32, #tpu.memory_space<hbm>> -> memref<10000x128xf32, #tpu.memory_space<hbm>>
      tpu.enqueue_indirect_dma source(%dma_start3A_70 : memref<10000x128xf32, #tpu.memory_space<hbm>>) target(%arg11 : memref<128x128xf32, #tpu.memory_space<vmem>>) offsets(%dma_start3A_67 : memref<128xi32, #tpu.memory_space<vmem>>) semaphore(%arg13 : memref<!tpu.dma_semaphore, #tpu.memory_space<semaphore_mem>>)
      %dma_wait3A_71 = arith.constant 2 : i32
      %dma_wait3A_72 = arith.constant 0 : i32
      %dma_wait3A_73 = tpu.memref_slice %arg8[%dma_wait3A_71, %dma_wait3A_72] : memref<8x128xi32, #tpu.memory_space<vmem>> -> memref<1x128xi32, #tpu.memory_space<vmem>>
      %dma_wait3A_74 = tpu.memref_squeeze %dma_wait3A_73 : memref<1x128xi32, #tpu.memory_space<vmem>> -> memref<128xi32, #tpu.memory_space<vmem>>
      %dma_wait3A_75 = arith.constant 0 : i32
      %dma_wait3A_76 = arith.constant 0 : i32
      %dma_wait3A_77 = tpu.memref_slice %arg2[%dma_wait3A_75, %dma_wait3A_76] : memref<10000x128xf32, #tpu.memory_space<hbm>> -> memref<10000x128xf32, #tpu.memory_space<hbm>>
      tpu.wait_indirect_dma semaphore(%arg12 : memref<!tpu.dma_semaphore, #tpu.memory_space<semaphore_mem>>) src(%dma_wait3A_77 : memref<10000x128xf32, #tpu.memory_space<hbm>>) dst(%arg10 : memref<128x128xf32, #tpu.memory_space<vmem>>)
      %run_scoped3A_78 = arith.constant 2 : i32
      "tpu.region"() ({
        %run_scoped3A_148 = tpu.sem_alloc : memref<!tpu.dma_semaphore, #tpu.memory_space<semaphore_mem>>
        %dma_start3A_149 = arith.constant 0 : i32
        %dma_start3A_150 = tpu.memref_slice %arg9[%run_scoped3A_78, %dma_start3A_149] : memref<8x128xi32, #tpu.memory_space<vmem>> -> memref<1x128xi32, #tpu.memory_space<vmem>>
        %dma_start3A_151 = tpu.memref_squeeze %dma_start3A_150 : memref<1x128xi32, #tpu.memory_space<vmem>> -> memref<128xi32, #tpu.memory_space<vmem>>
        %dma_start3A_152 = arith.constant 0 : i32
        %dma_start3A_153 = arith.constant 0 : i32
        %dma_start3A_154 = tpu.memref_slice %arg7[%dma_start3A_152, %dma_start3A_153] : memref<10112x128xf32, #tpu.memory_space<vmem_shared>> -> memref<10112x128xf32, #tpu.memory_space<vmem_shared>>
        tpu.enqueue_indirect_dma source(%arg10 : memref<128x128xf32, #tpu.memory_space<vmem>>) target(%dma_start3A_154 : memref<10112x128xf32, #tpu.memory_space<vmem_shared>>) offsets(%dma_start3A_151 : memref<128xi32, #tpu.memory_space<vmem>>) semaphore(%run_scoped3A_148 : memref<!tpu.dma_semaphore, #tpu.memory_space<semaphore_mem>>) {add = true}
        %dma_wait3A_155 = arith.constant 0 : i32
        %dma_wait3A_156 = tpu.memref_slice %arg9[%run_scoped3A_78, %dma_wait3A_155] : memref<8x128xi32, #tpu.memory_space<vmem>> -> memref<1x128xi32, #tpu.memory_space<vmem>>
        %dma_wait3A_157 = tpu.memref_squeeze %dma_wait3A_156 : memref<1x128xi32, #tpu.memory_space<vmem>> -> memref<128xi32, #tpu.memory_space<vmem>>
        %dma_wait3A_158 = arith.constant 0 : i32
        %dma_wait3A_159 = arith.constant 0 : i32
        %dma_wait3A_160 = tpu.memref_slice %arg7[%dma_wait3A_158, %dma_wait3A_159] : memref<10112x128xf32, #tpu.memory_space<vmem_shared>> -> memref<10112x128xf32, #tpu.memory_space<vmem_shared>>
        tpu.wait_indirect_dma semaphore(%run_scoped3A_148 : memref<!tpu.dma_semaphore, #tpu.memory_space<semaphore_mem>>) src(%arg10 : memref<128x128xf32, #tpu.memory_space<vmem>>) dst(%dma_wait3A_160 : memref<10112x128xf32, #tpu.memory_space<vmem_shared>>)
        tpu.yield
      }) : () -> ()
      %dma_start3A_79 = arith.constant 4 : i32
      %dma_start3A_80 = arith.constant 0 : i32
      %dma_start3A_81 = tpu.memref_slice %arg8[%dma_start3A_79, %dma_start3A_80] : memref<8x128xi32, #tpu.memory_space<vmem>> -> memref<1x128xi32, #tpu.memory_space<vmem>>
      %dma_start3A_82 = tpu.memref_squeeze %dma_start3A_81 : memref<1x128xi32, #tpu.memory_space<vmem>> -> memref<128xi32, #tpu.memory_space<vmem>>
      %dma_start3A_83 = arith.constant 0 : i32
      %dma_start3A_84 = arith.constant 0 : i32
      %dma_start3A_85 = tpu.memref_slice %arg2[%dma_start3A_83, %dma_start3A_84] : memref<10000x128xf32, #tpu.memory_space<hbm>> -> memref<10000x128xf32, #tpu.memory_space<hbm>>
      tpu.enqueue_indirect_dma source(%dma_start3A_85 : memref<10000x128xf32, #tpu.memory_space<hbm>>) target(%arg10 : memref<128x128xf32, #tpu.memory_space<vmem>>) offsets(%dma_start3A_82 : memref<128xi32, #tpu.memory_space<vmem>>) semaphore(%arg12 : memref<!tpu.dma_semaphore, #tpu.memory_space<semaphore_mem>>)
      %dma_wait3A_86 = arith.constant 3 : i32
      %dma_wait3A_87 = arith.constant 0 : i32
      %dma_wait3A_88 = tpu.memref_slice %arg8[%dma_wait3A_86, %dma_wait3A_87] : memref<8x128xi32, #tpu.memory_space<vmem>> -> memref<1x128xi32, #tpu.memory_space<vmem>>
      %dma_wait3A_89 = tpu.memref_squeeze %dma_wait3A_88 : memref<1x128xi32, #tpu.memory_space<vmem>> -> memref<128xi32, #tpu.memory_space<vmem>>
      %dma_wait3A_90 = arith.constant 0 : i32
      %dma_wait3A_91 = arith.constant 0 : i32
      %dma_wait3A_92 = tpu.memref_slice %arg2[%dma_wait3A_90, %dma_wait3A_91] : memref<10000x128xf32, #tpu.memory_space<hbm>> -> memref<10000x128xf32, #tpu.memory_space<hbm>>
      tpu.wait_indirect_dma semaphore(%arg13 : memref<!tpu.dma_semaphore, #tpu.memory_space<semaphore_mem>>) src(%dma_wait3A_92 : memref<10000x128xf32, #tpu.memory_space<hbm>>) dst(%arg11 : memref<128x128xf32, #tpu.memory_space<vmem>>)
      %run_scoped3A_93 = arith.constant 3 : i32
      "tpu.region"() ({
        %run_scoped3A_148 = tpu.sem_alloc : memref<!tpu.dma_semaphore, #tpu.memory_space<semaphore_mem>>
        %dma_start3A_149 = arith.constant 0 : i32
        %dma_start3A_150 = tpu.memref_slice %arg9[%run_scoped3A_93, %dma_start3A_149] : memref<8x128xi32, #tpu.memory_space<vmem>> -> memref<1x128xi32, #tpu.memory_space<vmem>>
        %dma_start3A_151 = tpu.memref_squeeze %dma_start3A_150 : memref<1x128xi32, #tpu.memory_space<vmem>> -> memref<128xi32, #tpu.memory_space<vmem>>
        %dma_start3A_152 = arith.constant 0 : i32
        %dma_start3A_153 = arith.constant 0 : i32
        %dma_start3A_154 = tpu.memref_slice %arg7[%dma_start3A_152, %dma_start3A_153] : memref<10112x128xf32, #tpu.memory_space<vmem_shared>> -> memref<10112x128xf32, #tpu.memory_space<vmem_shared>>
        tpu.enqueue_indirect_dma source(%arg11 : memref<128x128xf32, #tpu.memory_space<vmem>>) target(%dma_start3A_154 : memref<10112x128xf32, #tpu.memory_space<vmem_shared>>) offsets(%dma_start3A_151 : memref<128xi32, #tpu.memory_space<vmem>>) semaphore(%run_scoped3A_148 : memref<!tpu.dma_semaphore, #tpu.memory_space<semaphore_mem>>) {add = true}
        %dma_wait3A_155 = arith.constant 0 : i32
        %dma_wait3A_156 = tpu.memref_slice %arg9[%run_scoped3A_93, %dma_wait3A_155] : memref<8x128xi32, #tpu.memory_space<vmem>> -> memref<1x128xi32, #tpu.memory_space<vmem>>
        %dma_wait3A_157 = tpu.memref_squeeze %dma_wait3A_156 : memref<1x128xi32, #tpu.memory_space<vmem>> -> memref<128xi32, #tpu.memory_space<vmem>>
        %dma_wait3A_158 = arith.constant 0 : i32
        %dma_wait3A_159 = arith.constant 0 : i32
        %dma_wait3A_160 = tpu.memref_slice %arg7[%dma_wait3A_158, %dma_wait3A_159] : memref<10112x128xf32, #tpu.memory_space<vmem_shared>> -> memref<10112x128xf32, #tpu.memory_space<vmem_shared>>
        tpu.wait_indirect_dma semaphore(%run_scoped3A_148 : memref<!tpu.dma_semaphore, #tpu.memory_space<semaphore_mem>>) src(%arg11 : memref<128x128xf32, #tpu.memory_space<vmem>>) dst(%dma_wait3A_160 : memref<10112x128xf32, #tpu.memory_space<vmem_shared>>)
        tpu.yield
      }) : () -> ()
      %dma_start3A_94 = arith.constant 5 : i32
      %dma_start3A_95 = arith.constant 0 : i32
      %dma_start3A_96 = tpu.memref_slice %arg8[%dma_start3A_94, %dma_start3A_95] : memref<8x128xi32, #tpu.memory_space<vmem>> -> memref<1x128xi32, #tpu.memory_space<vmem>>
      %dma_start3A_97 = tpu.memref_squeeze %dma_start3A_96 : memref<1x128xi32, #tpu.memory_space<vmem>> -> memref<128xi32, #tpu.memory_space<vmem>>
      %dma_start3A_98 = arith.constant 0 : i32
      %dma_start3A_99 = arith.constant 0 : i32
      %dma_start3A_100 = tpu.memref_slice %arg2[%dma_start3A_98, %dma_start3A_99] : memref<10000x128xf32, #tpu.memory_space<hbm>> -> memref<10000x128xf32, #tpu.memory_space<hbm>>
      tpu.enqueue_indirect_dma source(%dma_start3A_100 : memref<10000x128xf32, #tpu.memory_space<hbm>>) target(%arg11 : memref<128x128xf32, #tpu.memory_space<vmem>>) offsets(%dma_start3A_97 : memref<128xi32, #tpu.memory_space<vmem>>) semaphore(%arg13 : memref<!tpu.dma_semaphore, #tpu.memory_space<semaphore_mem>>)
      %dma_wait3A_101 = arith.constant 4 : i32
      %dma_wait3A_102 = arith.constant 0 : i32
      %dma_wait3A_103 = tpu.memref_slice %arg8[%dma_wait3A_101, %dma_wait3A_102] : memref<8x128xi32, #tpu.memory_space<vmem>> -> memref<1x128xi32, #tpu.memory_space<vmem>>
      %dma_wait3A_104 = tpu.memref_squeeze %dma_wait3A_103 : memref<1x128xi32, #tpu.memory_space<vmem>> -> memref<128xi32, #tpu.memory_space<vmem>>
      %dma_wait3A_105 = arith.constant 0 : i32
      %dma_wait3A_106 = arith.constant 0 : i32
      %dma_wait3A_107 = tpu.memref_slice %arg2[%dma_wait3A_105, %dma_wait3A_106] : memref<10000x128xf32, #tpu.memory_space<hbm>> -> memref<10000x128xf32, #tpu.memory_space<hbm>>
      tpu.wait_indirect_dma semaphore(%arg12 : memref<!tpu.dma_semaphore, #tpu.memory_space<semaphore_mem>>) src(%dma_wait3A_107 : memref<10000x128xf32, #tpu.memory_space<hbm>>) dst(%arg10 : memref<128x128xf32, #tpu.memory_space<vmem>>)
      %run_scoped3A_108 = arith.constant 4 : i32
      "tpu.region"() ({
        %run_scoped3A_148 = tpu.sem_alloc : memref<!tpu.dma_semaphore, #tpu.memory_space<semaphore_mem>>
        %dma_start3A_149 = arith.constant 0 : i32
        %dma_start3A_150 = tpu.memref_slice %arg9[%run_scoped3A_108, %dma_start3A_149] : memref<8x128xi32, #tpu.memory_space<vmem>> -> memref<1x128xi32, #tpu.memory_space<vmem>>
        %dma_start3A_151 = tpu.memref_squeeze %dma_start3A_150 : memref<1x128xi32, #tpu.memory_space<vmem>> -> memref<128xi32, #tpu.memory_space<vmem>>
        %dma_start3A_152 = arith.constant 0 : i32
        %dma_start3A_153 = arith.constant 0 : i32
        %dma_start3A_154 = tpu.memref_slice %arg7[%dma_start3A_152, %dma_start3A_153] : memref<10112x128xf32, #tpu.memory_space<vmem_shared>> -> memref<10112x128xf32, #tpu.memory_space<vmem_shared>>
        tpu.enqueue_indirect_dma source(%arg10 : memref<128x128xf32, #tpu.memory_space<vmem>>) target(%dma_start3A_154 : memref<10112x128xf32, #tpu.memory_space<vmem_shared>>) offsets(%dma_start3A_151 : memref<128xi32, #tpu.memory_space<vmem>>) semaphore(%run_scoped3A_148 : memref<!tpu.dma_semaphore, #tpu.memory_space<semaphore_mem>>) {add = true}
        %dma_wait3A_155 = arith.constant 0 : i32
        %dma_wait3A_156 = tpu.memref_slice %arg9[%run_scoped3A_108, %dma_wait3A_155] : memref<8x128xi32, #tpu.memory_space<vmem>> -> memref<1x128xi32, #tpu.memory_space<vmem>>
        %dma_wait3A_157 = tpu.memref_squeeze %dma_wait3A_156 : memref<1x128xi32, #tpu.memory_space<vmem>> -> memref<128xi32, #tpu.memory_space<vmem>>
        %dma_wait3A_158 = arith.constant 0 : i32
        %dma_wait3A_159 = arith.constant 0 : i32
        %dma_wait3A_160 = tpu.memref_slice %arg7[%dma_wait3A_158, %dma_wait3A_159] : memref<10112x128xf32, #tpu.memory_space<vmem_shared>> -> memref<10112x128xf32, #tpu.memory_space<vmem_shared>>
        tpu.wait_indirect_dma semaphore(%run_scoped3A_148 : memref<!tpu.dma_semaphore, #tpu.memory_space<semaphore_mem>>) src(%arg10 : memref<128x128xf32, #tpu.memory_space<vmem>>) dst(%dma_wait3A_160 : memref<10112x128xf32, #tpu.memory_space<vmem_shared>>)
        tpu.yield
      }) : () -> ()
      %dma_start3A_109 = arith.constant 6 : i32
      %dma_start3A_110 = arith.constant 0 : i32
      %dma_start3A_111 = tpu.memref_slice %arg8[%dma_start3A_109, %dma_start3A_110] : memref<8x128xi32, #tpu.memory_space<vmem>> -> memref<1x128xi32, #tpu.memory_space<vmem>>
      %dma_start3A_112 = tpu.memref_squeeze %dma_start3A_111 : memref<1x128xi32, #tpu.memory_space<vmem>> -> memref<128xi32, #tpu.memory_space<vmem>>
      %dma_start3A_113 = arith.constant 0 : i32
      %dma_start3A_114 = arith.constant 0 : i32
      %dma_start3A_115 = tpu.memref_slice %arg2[%dma_start3A_113, %dma_start3A_114] : memref<10000x128xf32, #tpu.memory_space<hbm>> -> memref<10000x128xf32, #tpu.memory_space<hbm>>
      tpu.enqueue_indirect_dma source(%dma_start3A_115 : memref<10000x128xf32, #tpu.memory_space<hbm>>) target(%arg10 : memref<128x128xf32, #tpu.memory_space<vmem>>) offsets(%dma_start3A_112 : memref<128xi32, #tpu.memory_space<vmem>>) semaphore(%arg12 : memref<!tpu.dma_semaphore, #tpu.memory_space<semaphore_mem>>)
      %dma_wait3A_116 = arith.constant 5 : i32
      %dma_wait3A_117 = arith.constant 0 : i32
      %dma_wait3A_118 = tpu.memref_slice %arg8[%dma_wait3A_116, %dma_wait3A_117] : memref<8x128xi32, #tpu.memory_space<vmem>> -> memref<1x128xi32, #tpu.memory_space<vmem>>
      %dma_wait3A_119 = tpu.memref_squeeze %dma_wait3A_118 : memref<1x128xi32, #tpu.memory_space<vmem>> -> memref<128xi32, #tpu.memory_space<vmem>>
      %dma_wait3A_120 = arith.constant 0 : i32
      %dma_wait3A_121 = arith.constant 0 : i32
      %dma_wait3A_122 = tpu.memref_slice %arg2[%dma_wait3A_120, %dma_wait3A_121] : memref<10000x128xf32, #tpu.memory_space<hbm>> -> memref<10000x128xf32, #tpu.memory_space<hbm>>
      tpu.wait_indirect_dma semaphore(%arg13 : memref<!tpu.dma_semaphore, #tpu.memory_space<semaphore_mem>>) src(%dma_wait3A_122 : memref<10000x128xf32, #tpu.memory_space<hbm>>) dst(%arg11 : memref<128x128xf32, #tpu.memory_space<vmem>>)
      %run_scoped3A_123 = arith.constant 5 : i32
      "tpu.region"() ({
        %run_scoped3A_148 = tpu.sem_alloc : memref<!tpu.dma_semaphore, #tpu.memory_space<semaphore_mem>>
        %dma_start3A_149 = arith.constant 0 : i32
        %dma_start3A_150 = tpu.memref_slice %arg9[%run_scoped3A_123, %dma_start3A_149] : memref<8x128xi32, #tpu.memory_space<vmem>> -> memref<1x128xi32, #tpu.memory_space<vmem>>
        %dma_start3A_151 = tpu.memref_squeeze %dma_start3A_150 : memref<1x128xi32, #tpu.memory_space<vmem>> -> memref<128xi32, #tpu.memory_space<vmem>>
        %dma_start3A_152 = arith.constant 0 : i32
        %dma_start3A_153 = arith.constant 0 : i32
        %dma_start3A_154 = tpu.memref_slice %arg7[%dma_start3A_152, %dma_start3A_153] : memref<10112x128xf32, #tpu.memory_space<vmem_shared>> -> memref<10112x128xf32, #tpu.memory_space<vmem_shared>>
        tpu.enqueue_indirect_dma source(%arg11 : memref<128x128xf32, #tpu.memory_space<vmem>>) target(%dma_start3A_154 : memref<10112x128xf32, #tpu.memory_space<vmem_shared>>) offsets(%dma_start3A_151 : memref<128xi32, #tpu.memory_space<vmem>>) semaphore(%run_scoped3A_148 : memref<!tpu.dma_semaphore, #tpu.memory_space<semaphore_mem>>) {add = true}
        %dma_wait3A_155 = arith.constant 0 : i32
        %dma_wait3A_156 = tpu.memref_slice %arg9[%run_scoped3A_123, %dma_wait3A_155] : memref<8x128xi32, #tpu.memory_space<vmem>> -> memref<1x128xi32, #tpu.memory_space<vmem>>
        %dma_wait3A_157 = tpu.memref_squeeze %dma_wait3A_156 : memref<1x128xi32, #tpu.memory_space<vmem>> -> memref<128xi32, #tpu.memory_space<vmem>>
        %dma_wait3A_158 = arith.constant 0 : i32
        %dma_wait3A_159 = arith.constant 0 : i32
        %dma_wait3A_160 = tpu.memref_slice %arg7[%dma_wait3A_158, %dma_wait3A_159] : memref<10112x128xf32, #tpu.memory_space<vmem_shared>> -> memref<10112x128xf32, #tpu.memory_space<vmem_shared>>
        tpu.wait_indirect_dma semaphore(%run_scoped3A_148 : memref<!tpu.dma_semaphore, #tpu.memory_space<semaphore_mem>>) src(%arg11 : memref<128x128xf32, #tpu.memory_space<vmem>>) dst(%dma_wait3A_160 : memref<10112x128xf32, #tpu.memory_space<vmem_shared>>)
        tpu.yield
      }) : () -> ()
      %dma_start3A_124 = arith.constant 7 : i32
      %dma_start3A_125 = arith.constant 0 : i32
      %dma_start3A_126 = tpu.memref_slice %arg8[%dma_start3A_124, %dma_start3A_125] : memref<8x128xi32, #tpu.memory_space<vmem>> -> memref<1x128xi32, #tpu.memory_space<vmem>>
      %dma_start3A_127 = tpu.memref_squeeze %dma_start3A_126 : memref<1x128xi32, #tpu.memory_space<vmem>> -> memref<128xi32, #tpu.memory_space<vmem>>
      %dma_start3A_128 = arith.constant 0 : i32
      %dma_start3A_129 = arith.constant 0 : i32
      %dma_start3A_130 = tpu.memref_slice %arg2[%dma_start3A_128, %dma_start3A_129] : memref<10000x128xf32, #tpu.memory_space<hbm>> -> memref<10000x128xf32, #tpu.memory_space<hbm>>
      tpu.enqueue_indirect_dma source(%dma_start3A_130 : memref<10000x128xf32, #tpu.memory_space<hbm>>) target(%arg11 : memref<128x128xf32, #tpu.memory_space<vmem>>) offsets(%dma_start3A_127 : memref<128xi32, #tpu.memory_space<vmem>>) semaphore(%arg13 : memref<!tpu.dma_semaphore, #tpu.memory_space<semaphore_mem>>)
      %dma_wait3A_131 = arith.constant 6 : i32
      %dma_wait3A_132 = arith.constant 0 : i32
      %dma_wait3A_133 = tpu.memref_slice %arg8[%dma_wait3A_131, %dma_wait3A_132] : memref<8x128xi32, #tpu.memory_space<vmem>> -> memref<1x128xi32, #tpu.memory_space<vmem>>
      %dma_wait3A_134 = tpu.memref_squeeze %dma_wait3A_133 : memref<1x128xi32, #tpu.memory_space<vmem>> -> memref<128xi32, #tpu.memory_space<vmem>>
      %dma_wait3A_135 = arith.constant 0 : i32
      %dma_wait3A_136 = arith.constant 0 : i32
      %dma_wait3A_137 = tpu.memref_slice %arg2[%dma_wait3A_135, %dma_wait3A_136] : memref<10000x128xf32, #tpu.memory_space<hbm>> -> memref<10000x128xf32, #tpu.memory_space<hbm>>
      tpu.wait_indirect_dma semaphore(%arg12 : memref<!tpu.dma_semaphore, #tpu.memory_space<semaphore_mem>>) src(%dma_wait3A_137 : memref<10000x128xf32, #tpu.memory_space<hbm>>) dst(%arg10 : memref<128x128xf32, #tpu.memory_space<vmem>>)
      %run_scoped3A_138 = arith.constant 6 : i32
      "tpu.region"() ({
        %run_scoped3A_148 = tpu.sem_alloc : memref<!tpu.dma_semaphore, #tpu.memory_space<semaphore_mem>>
        %dma_start3A_149 = arith.constant 0 : i32
        %dma_start3A_150 = tpu.memref_slice %arg9[%run_scoped3A_138, %dma_start3A_149] : memref<8x128xi32, #tpu.memory_space<vmem>> -> memref<1x128xi32, #tpu.memory_space<vmem>>
        %dma_start3A_151 = tpu.memref_squeeze %dma_start3A_150 : memref<1x128xi32, #tpu.memory_space<vmem>> -> memref<128xi32, #tpu.memory_space<vmem>>
        %dma_start3A_152 = arith.constant 0 : i32
        %dma_start3A_153 = arith.constant 0 : i32
        %dma_start3A_154 = tpu.memref_slice %arg7[%dma_start3A_152, %dma_start3A_153] : memref<10112x128xf32, #tpu.memory_space<vmem_shared>> -> memref<10112x128xf32, #tpu.memory_space<vmem_shared>>
        tpu.enqueue_indirect_dma source(%arg10 : memref<128x128xf32, #tpu.memory_space<vmem>>) target(%dma_start3A_154 : memref<10112x128xf32, #tpu.memory_space<vmem_shared>>) offsets(%dma_start3A_151 : memref<128xi32, #tpu.memory_space<vmem>>) semaphore(%run_scoped3A_148 : memref<!tpu.dma_semaphore, #tpu.memory_space<semaphore_mem>>) {add = true}
        %dma_wait3A_155 = arith.constant 0 : i32
        %dma_wait3A_156 = tpu.memref_slice %arg9[%run_scoped3A_138, %dma_wait3A_155] : memref<8x128xi32, #tpu.memory_space<vmem>> -> memref<1x128xi32, #tpu.memory_space<vmem>>
        %dma_wait3A_157 = tpu.memref_squeeze %dma_wait3A_156 : memref<1x128xi32, #tpu.memory_space<vmem>> -> memref<128xi32, #tpu.memory_space<vmem>>
        %dma_wait3A_158 = arith.constant 0 : i32
        %dma_wait3A_159 = arith.constant 0 : i32
        %dma_wait3A_160 = tpu.memref_slice %arg7[%dma_wait3A_158, %dma_wait3A_159] : memref<10112x128xf32, #tpu.memory_space<vmem_shared>> -> memref<10112x128xf32, #tpu.memory_space<vmem_shared>>
        tpu.wait_indirect_dma semaphore(%run_scoped3A_148 : memref<!tpu.dma_semaphore, #tpu.memory_space<semaphore_mem>>) src(%arg10 : memref<128x128xf32, #tpu.memory_space<vmem>>) dst(%dma_wait3A_160 : memref<10112x128xf32, #tpu.memory_space<vmem_shared>>)
        tpu.yield
      }) : () -> ()
      %dma_wait3A_139 = arith.constant 7 : i32
      %dma_wait3A_140 = arith.constant 0 : i32
      %dma_wait3A_141 = tpu.memref_slice %arg8[%dma_wait3A_139, %dma_wait3A_140] : memref<8x128xi32, #tpu.memory_space<vmem>> -> memref<1x128xi32, #tpu.memory_space<vmem>>
      %dma_wait3A_142 = tpu.memref_squeeze %dma_wait3A_141 : memref<1x128xi32, #tpu.memory_space<vmem>> -> memref<128xi32, #tpu.memory_space<vmem>>
      %dma_wait3A_143 = arith.constant 0 : i32
      %dma_wait3A_144 = arith.constant 0 : i32
      %dma_wait3A_145 = tpu.memref_slice %arg2[%dma_wait3A_143, %dma_wait3A_144] : memref<10000x128xf32, #tpu.memory_space<hbm>> -> memref<10000x128xf32, #tpu.memory_space<hbm>>
      tpu.wait_indirect_dma semaphore(%arg13 : memref<!tpu.dma_semaphore, #tpu.memory_space<semaphore_mem>>) src(%dma_wait3A_145 : memref<10000x128xf32, #tpu.memory_space<hbm>>) dst(%arg11 : memref<128x128xf32, #tpu.memory_space<vmem>>)
      %run_scoped3A_146 = arith.constant 7 : i32
      "tpu.region"() ({
        %run_scoped3A_148 = tpu.sem_alloc : memref<!tpu.dma_semaphore, #tpu.memory_space<semaphore_mem>>
        %dma_start3A_149 = arith.constant 0 : i32
        %dma_start3A_150 = tpu.memref_slice %arg9[%run_scoped3A_146, %dma_start3A_149] : memref<8x128xi32, #tpu.memory_space<vmem>> -> memref<1x128xi32, #tpu.memory_space<vmem>>
        %dma_start3A_151 = tpu.memref_squeeze %dma_start3A_150 : memref<1x128xi32, #tpu.memory_space<vmem>> -> memref<128xi32, #tpu.memory_space<vmem>>
        %dma_start3A_152 = arith.constant 0 : i32
        %dma_start3A_153 = arith.constant 0 : i32
        %dma_start3A_154 = tpu.memref_slice %arg7[%dma_start3A_152, %dma_start3A_153] : memref<10112x128xf32, #tpu.memory_space<vmem_shared>> -> memref<10112x128xf32, #tpu.memory_space<vmem_shared>>
        tpu.enqueue_indirect_dma source(%arg11 : memref<128x128xf32, #tpu.memory_space<vmem>>) target(%dma_start3A_154 : memref<10112x128xf32, #tpu.memory_space<vmem_shared>>) offsets(%dma_start3A_151 : memref<128xi32, #tpu.memory_space<vmem>>) semaphore(%run_scoped3A_148 : memref<!tpu.dma_semaphore, #tpu.memory_space<semaphore_mem>>) {add = true}
        %dma_wait3A_155 = arith.constant 0 : i32
        %dma_wait3A_156 = tpu.memref_slice %arg9[%run_scoped3A_146, %dma_wait3A_155] : memref<8x128xi32, #tpu.memory_space<vmem>> -> memref<1x128xi32, #tpu.memory_space<vmem>>
        %dma_wait3A_157 = tpu.memref_squeeze %dma_wait3A_156 : memref<1x128xi32, #tpu.memory_space<vmem>> -> memref<128xi32, #tpu.memory_space<vmem>>
        %dma_wait3A_158 = arith.constant 0 : i32
        %dma_wait3A_159 = arith.constant 0 : i32
        %dma_wait3A_160 = tpu.memref_slice %arg7[%dma_wait3A_158, %dma_wait3A_159] : memref<10112x128xf32, #tpu.memory_space<vmem_shared>> -> memref<10112x128xf32, #tpu.memory_space<vmem_shared>>
        tpu.wait_indirect_dma semaphore(%run_scoped3A_148 : memref<!tpu.dma_semaphore, #tpu.memory_space<semaphore_mem>>) src(%arg11 : memref<128x128xf32, #tpu.memory_space<vmem>>) dst(%dma_wait3A_160 : memref<10112x128xf32, #tpu.memory_space<vmem_shared>>)
        tpu.yield
      }) : () -> ()
      %while3A_147 = arith.constant 0 : i32
      scf.yield %while3A_147 : i32
    }
    %barrier3A_24 = arith.constant 0 : index
    tpu.barrier barrier_id(%barrier3A_24)
    "tpu.region"() ({
      %run_scoped3A = tpu.sem_alloc : memref<!tpu.dma_semaphore, #tpu.memory_space<semaphore_mem>>
      %dma_start3A = arith.constant 0 : i32
      %dma_start3A_25 = tpu.memref_slice %arg6[%arg0, %mul3A_0, %dma_start3A] : memref<2x10112x128xf32, #tpu.memory_space<hbm>> -> memref<1x632x128xf32, #tpu.memory_space<hbm>>
      %dma_start3A_26 = tpu.memref_squeeze %dma_start3A_25 : memref<1x632x128xf32, #tpu.memory_space<hbm>> -> memref<632x128xf32, #tpu.memory_space<hbm>>
      %dma_start3A_27 = arith.constant 0 : i32
      %dma_start3A_28 = tpu.memref_slice %arg7[%mul3A_0, %dma_start3A_27] : memref<10112x128xf32, #tpu.memory_space<vmem_shared>> -> memref<632x128xf32, #tpu.memory_space<vmem_shared>>
      tpu.enqueue_dma source(%dma_start3A_28 : memref<632x128xf32, #tpu.memory_space<vmem_shared>>) target(%dma_start3A_26 : memref<632x128xf32, #tpu.memory_space<hbm>>) target_semaphore(%run_scoped3A : memref<!tpu.dma_semaphore, #tpu.memory_space<semaphore_mem>>)
      %dma_wait3A = arith.constant 0 : i32
      %dma_wait3A_29 = tpu.memref_slice %arg6[%arg0, %mul3A_0, %dma_wait3A] : memref<2x10112x128xf32, #tpu.memory_space<hbm>> -> memref<1x632x128xf32, #tpu.memory_space<hbm>>
      %dma_wait3A_30 = tpu.memref_squeeze %dma_wait3A_29 : memref<1x632x128xf32, #tpu.memory_space<hbm>> -> memref<632x128xf32, #tpu.memory_space<hbm>>
      %dma_wait3A_31 = arith.constant 0 : i32
      %dma_wait3A_32 = tpu.memref_slice %arg7[%mul3A_0, %dma_wait3A_31] : memref<10112x128xf32, #tpu.memory_space<vmem_shared>> -> memref<632x128xf32, #tpu.memory_space<vmem_shared>>
      tpu.wait_dma2 semaphore(%run_scoped3A : memref<!tpu.dma_semaphore, #tpu.memory_space<semaphore_mem>>) src(%dma_wait3A_32 : memref<632x128xf32, #tpu.memory_space<vmem_shared>>) dst(%dma_wait3A_30 : memref<632x128xf32, #tpu.memory_space<hbm>>)
      tpu.yield
    }) : () -> ()
    return
  }
}

#map = affine_map<(d0, d1) -> (0, 0)>
#map1 = affine_map<(d0, d1) -> (0, 0, 0)>
module attributes {stable_mosaic.version = 14 : i64} {
  func.func @agg(%arg0: i32, %arg1: i32, %arg2: memref<10000x128xf32, #tpu.memory_space<hbm>>, %arg3: memref<2560x128xi32, #tpu.memory_space<hbm>>, %arg4: memref<2560x128xi32, #tpu.memory_space<hbm>>, %arg5: memref<10112x128xf32, #tpu.memory_space<hbm>>, %arg6: memref<2x10112x128xf32, #tpu.memory_space<hbm>>, %arg7: memref<10112x128xf32, #tpu.memory_space<vmem_shared>>, %arg8: memref<8x128xi32, #tpu.memory_space<vmem>>, %arg9: memref<8x128xi32, #tpu.memory_space<vmem>>, %arg10: memref<128x128xf32, #tpu.memory_space<vmem>>, %arg11: memref<128x128xf32, #tpu.memory_space<vmem>>, %arg12: memref<!tpu.dma_semaphore, #tpu.memory_space<semaphore_mem>>, %arg13: memref<!tpu.dma_semaphore, #tpu.memory_space<semaphore_mem>>) attributes {dimension_semantics = [#tpu.dimension_semantics<core_parallel>, #tpu.dimension_semantics<subcore_parallel>], iteration_bounds = array<i64: 2, 16>, scalar_prefetch = 0 : i64, scratch_operands = 7 : i64, tpu.core_type = #tpu.core_type<sc_vector_subcore>, window_params = [{transform_indices = #map}, {transform_indices = #map}, {transform_indices = #map}, {transform_indices = #map}, {transform_indices = #map1}]} {
    %mul3A = arith.constant 632 : i32
    %mul3A_0 = arith.muli %arg1, %mul3A : i32
    "tpu.region"() ({
      %run_scoped3A = tpu.sem_alloc : memref<!tpu.dma_semaphore, #tpu.memory_space<semaphore_mem>>
      %dma_start3A = arith.constant 0 : i32
      %dma_start3A_25 = tpu.memref_slice %arg7[%mul3A_0, %dma_start3A] : memref<10112x128xf32, #tpu.memory_space<vmem_shared>> -> memref<632x128xf32, #tpu.memory_space<vmem_shared>>
      %dma_start3A_26 = arith.constant 0 : i32
      %dma_start3A_27 = tpu.memref_slice %arg5[%mul3A_0, %dma_start3A_26] : memref<10112x128xf32, #tpu.memory_space<hbm>> -> memref<632x128xf32, #tpu.memory_space<hbm>>
      tpu.enqueue_dma source(%dma_start3A_27 : memref<632x128xf32, #tpu.memory_space<hbm>>) target(%dma_start3A_25 : memref<632x128xf32, #tpu.memory_space<vmem_shared>>) target_semaphore(%run_scoped3A : memref<!tpu.dma_semaphore, #tpu.memory_space<semaphore_mem>>)
      %dma_wait3A = arith.constant 0 : i32
      %dma_wait3A_28 = tpu.memref_slice %arg7[%mul3A_0, %dma_wait3A] : memref<10112x128xf32, #tpu.memory_space<vmem_shared>> -> memref<632x128xf32, #tpu.memory_space<vmem_shared>>
      %dma_wait3A_29 = arith.constant 0 : i32
      %dma_wait3A_30 = tpu.memref_slice %arg5[%mul3A_0, %dma_wait3A_29] : memref<10112x128xf32, #tpu.memory_space<hbm>> -> memref<632x128xf32, #tpu.memory_space<hbm>>
      tpu.wait_dma2 semaphore(%run_scoped3A : memref<!tpu.dma_semaphore, #tpu.memory_space<semaphore_mem>>) src(%dma_wait3A_30 : memref<632x128xf32, #tpu.memory_space<hbm>>) dst(%dma_wait3A_28 : memref<632x128xf32, #tpu.memory_space<vmem_shared>>)
      tpu.yield
    }) : () -> ()
    %barrier3A = arith.constant 0 : index
    tpu.barrier barrier_id(%barrier3A)
    %eq3A = arith.constant 0 : i32
    %eq3A_1 = arith.cmpi eq, %arg0, %eq3A : i32
    %mul3A_2 = arith.constant 20 : i32
    %mul3A_3 = arith.muli %arg1, %mul3A_2 : i32
    %mul3A_4 = arith.constant 0 : i32
    %mul3A_5 = arith.muli %arg1, %mul3A_4 : i32
    %add3A = arith.constant 320 : i32
    %add3A_6 = arith.addi %add3A, %mul3A_5 : i32
    %select_n3A = arith.select %eq3A_1, %mul3A_3, %add3A_6 : i32
    %mul3A_7 = arith.constant 8 : i32
    %mul3A_8 = arith.muli %select_n3A, %mul3A_7 : i32
    %eq3A_9 = arith.constant 0 : i32
    %eq3A_10 = arith.cmpi eq, %arg0, %eq3A_9 : i32
    %jit3A = arith.constant 20 : i32
    %jit3A_11 = arith.constant 0 : i32
    %select_n3A_12 = arith.select %eq3A_10, %jit3A, %jit3A_11 : i32
    %while3A = arith.constant 0 : i32
    %while3A_13 = arith.constant 0 : i32
    %while3A_14 = arith.subi %select_n3A_12, %while3A : i32
    %while3A_15 = arith.addi %while3A, %while3A_14 : i32
    %while3A_16 = arith.constant 1 : i32
    %while3A_17 = arith.divsi %while3A_14, %while3A_16 : i32
    %while3A_18 = arith.muli %while3A_17, %while3A_16 : i32
    %while3A_19 = arith.addi %while3A, %while3A_18 : i32
    %while3A_20 = arith.constant 1 : i32
    %while3A_21 = scf.for %while3A_25 = %while3A to %while3A_19 step %while3A_20 iter_args(%while3A_26 = %while3A_13) -> (i32)  : i32 {
      %mul3A_27 = arith.constant 8 : i32
      %mul3A_28 = arith.muli %while3A_25, %mul3A_27 : i32
      %add3A_29 = arith.addi %mul3A_8, %mul3A_28 : i32
      "tpu.region"() ({
        %run_scoped3A_148 = tpu.sem_alloc : memref<!tpu.dma_semaphore, #tpu.memory_space<semaphore_mem>>
        %dma_start3A_149 = arith.constant 0 : i32
        %dma_start3A_150 = tpu.memref_slice %arg3[%add3A_29, %dma_start3A_149] : memref<2560x128xi32, #tpu.memory_space<hbm>> -> memref<8x128xi32, #tpu.memory_space<hbm>>
        %dma_start3A_151 = arith.constant 0 : i32
        %dma_start3A_152 = tpu.memref_slice %arg3[%add3A_29, %dma_start3A_151] : memref<2560x128xi32, #tpu.memory_space<hbm>> -> memref<8x128xi32, #tpu.memory_space<hbm>>
        tpu.enqueue_dma source(%dma_start3A_152 : memref<8x128xi32, #tpu.memory_space<hbm>>) target(%arg8 : memref<8x128xi32, #tpu.memory_space<vmem>>) target_semaphore(%run_scoped3A_148 : memref<!tpu.dma_semaphore, #tpu.memory_space<semaphore_mem>>)
        %dma_wait3A_153 = arith.constant 0 : i32
        %dma_wait3A_154 = tpu.memref_slice %arg3[%add3A_29, %dma_wait3A_153] : memref<2560x128xi32, #tpu.memory_space<hbm>> -> memref<8x128xi32, #tpu.memory_space<hbm>>
        %dma_wait3A_155 = arith.constant 0 : i32
        %dma_wait3A_156 = tpu.memref_slice %arg3[%add3A_29, %dma_wait3A_155] : memref<2560x128xi32, #tpu.memory_space<hbm>> -> memref<8x128xi32, #tpu.memory_space<hbm>>
        tpu.wait_dma2 semaphore(%run_scoped3A_148 : memref<!tpu.dma_semaphore, #tpu.memory_space<semaphore_mem>>) src(%dma_wait3A_156 : memref<8x128xi32, #tpu.memory_space<hbm>>) dst(%arg8 : memref<8x128xi32, #tpu.memory_space<vmem>>)
        tpu.yield
      }) : () -> ()
      "tpu.region"() ({
        %run_scoped3A_148 = tpu.sem_alloc : memref<!tpu.dma_semaphore, #tpu.memory_space<semaphore_mem>>
        %dma_start3A_149 = arith.constant 0 : i32
        %dma_start3A_150 = tpu.memref_slice %arg4[%add3A_29, %dma_start3A_149] : memref<2560x128xi32, #tpu.memory_space<hbm>> -> memref<8x128xi32, #tpu.memory_space<hbm>>
        %dma_start3A_151 = arith.constant 0 : i32
        %dma_start3A_152 = tpu.memref_slice %arg4[%add3A_29, %dma_start3A_151] : memref<2560x128xi32, #tpu.memory_space<hbm>> -> memref<8x128xi32, #tpu.memory_space<hbm>>
        tpu.enqueue_dma source(%dma_start3A_152 : memref<8x128xi32, #tpu.memory_space<hbm>>) target(%arg9 : memref<8x128xi32, #tpu.memory_space<vmem>>) target_semaphore(%run_scoped3A_148 : memref<!tpu.dma_semaphore, #tpu.memory_space<semaphore_mem>>)
        %dma_wait3A_153 = arith.constant 0 : i32
        %dma_wait3A_154 = tpu.memref_slice %arg4[%add3A_29, %dma_wait3A_153] : memref<2560x128xi32, #tpu.memory_space<hbm>> -> memref<8x128xi32, #tpu.memory_space<hbm>>
        %dma_wait3A_155 = arith.constant 0 : i32
        %dma_wait3A_156 = tpu.memref_slice %arg4[%add3A_29, %dma_wait3A_155] : memref<2560x128xi32, #tpu.memory_space<hbm>> -> memref<8x128xi32, #tpu.memory_space<hbm>>
        tpu.wait_dma2 semaphore(%run_scoped3A_148 : memref<!tpu.dma_semaphore, #tpu.memory_space<semaphore_mem>>) src(%dma_wait3A_156 : memref<8x128xi32, #tpu.memory_space<hbm>>) dst(%arg9 : memref<8x128xi32, #tpu.memory_space<vmem>>)
        tpu.yield
      }) : () -> ()
      %dma_start3A = arith.constant 0 : i32
      %dma_start3A_30 = arith.constant 0 : i32
      %dma_start3A_31 = tpu.memref_slice %arg8[%dma_start3A, %dma_start3A_30] : memref<8x128xi32, #tpu.memory_space<vmem>> -> memref<1x128xi32, #tpu.memory_space<vmem>>
      %dma_start3A_32 = tpu.memref_squeeze %dma_start3A_31 : memref<1x128xi32, #tpu.memory_space<vmem>> -> memref<128xi32, #tpu.memory_space<vmem>>
      %dma_start3A_33 = arith.constant 0 : i32
      %dma_start3A_34 = arith.constant 0 : i32
      %dma_start3A_35 = tpu.memref_slice %arg2[%dma_start3A_33, %dma_start3A_34] : memref<10000x128xf32, #tpu.memory_space<hbm>> -> memref<10000x128xf32, #tpu.memory_space<hbm>>
      tpu.enqueue_indirect_dma source(%dma_start3A_35 : memref<10000x128xf32, #tpu.memory_space<hbm>>) target(%arg10 : memref<128x128xf32, #tpu.memory_space<vmem>>) offsets(%dma_start3A_32 : memref<128xi32, #tpu.memory_space<vmem>>) semaphore(%arg12 : memref<!tpu.dma_semaphore, #tpu.memory_space<semaphore_mem>>)
      %dma_start3A_36 = arith.constant 1 : i32
      %dma_start3A_37 = arith.constant 0 : i32
      %dma_start3A_38 = tpu.memref_slice %arg8[%dma_start3A_36, %dma_start3A_37] : memref<8x128xi32, #tpu.memory_space<vmem>> -> memref<1x128xi32, #tpu.memory_space<vmem>>
      %dma_start3A_39 = tpu.memref_squeeze %dma_start3A_38 : memref<1x128xi32, #tpu.memory_space<vmem>> -> memref<128xi32, #tpu.memory_space<vmem>>
      %dma_start3A_40 = arith.constant 0 : i32
      %dma_start3A_41 = arith.constant 0 : i32
      %dma_start3A_42 = tpu.memref_slice %arg2[%dma_start3A_40, %dma_start3A_41] : memref<10000x128xf32, #tpu.memory_space<hbm>> -> memref<10000x128xf32, #tpu.memory_space<hbm>>
      tpu.enqueue_indirect_dma source(%dma_start3A_42 : memref<10000x128xf32, #tpu.memory_space<hbm>>) target(%arg11 : memref<128x128xf32, #tpu.memory_space<vmem>>) offsets(%dma_start3A_39 : memref<128xi32, #tpu.memory_space<vmem>>) semaphore(%arg13 : memref<!tpu.dma_semaphore, #tpu.memory_space<semaphore_mem>>)
      %dma_wait3A = arith.constant 0 : i32
      %dma_wait3A_43 = arith.constant 0 : i32
      %dma_wait3A_44 = tpu.memref_slice %arg8[%dma_wait3A, %dma_wait3A_43] : memref<8x128xi32, #tpu.memory_space<vmem>> -> memref<1x128xi32, #tpu.memory_space<vmem>>
      %dma_wait3A_45 = tpu.memref_squeeze %dma_wait3A_44 : memref<1x128xi32, #tpu.memory_space<vmem>> -> memref<128xi32, #tpu.memory_space<vmem>>
      %dma_wait3A_46 = arith.constant 0 : i32
      %dma_wait3A_47 = arith.constant 0 : i32
      %dma_wait3A_48 = tpu.memref_slice %arg2[%dma_wait3A_46, %dma_wait3A_47] : memref<10000x128xf32, #tpu.memory_space<hbm>> -> memref<10000x128xf32, #tpu.memory_space<hbm>>
      tpu.wait_indirect_dma semaphore(%arg12 : memref<!tpu.dma_semaphore, #tpu.memory_space<semaphore_mem>>) src(%dma_wait3A_48 : memref<10000x128xf32, #tpu.memory_space<hbm>>) dst(%arg10 : memref<128x128xf32, #tpu.memory_space<vmem>>)
      %run_scoped3A = arith.constant 0 : i32
      "tpu.region"() ({
        %run_scoped3A_148 = tpu.sem_alloc : memref<!tpu.dma_semaphore, #tpu.memory_space<semaphore_mem>>
        %dma_start3A_149 = arith.constant 0 : i32
        %dma_start3A_150 = tpu.memref_slice %arg9[%run_scoped3A, %dma_start3A_149] : memref<8x128xi32, #tpu.memory_space<vmem>> -> memref<1x128xi32, #tpu.memory_space<vmem>>
        %dma_start3A_151 = tpu.memref_squeeze %dma_start3A_150 : memref<1x128xi32, #tpu.memory_space<vmem>> -> memref<128xi32, #tpu.memory_space<vmem>>
        %dma_start3A_152 = arith.constant 0 : i32
        %dma_start3A_153 = arith.constant 0 : i32
        %dma_start3A_154 = tpu.memref_slice %arg7[%dma_start3A_152, %dma_start3A_153] : memref<10112x128xf32, #tpu.memory_space<vmem_shared>> -> memref<10112x128xf32, #tpu.memory_space<vmem_shared>>
        tpu.enqueue_indirect_dma source(%arg10 : memref<128x128xf32, #tpu.memory_space<vmem>>) target(%dma_start3A_154 : memref<10112x128xf32, #tpu.memory_space<vmem_shared>>) offsets(%dma_start3A_151 : memref<128xi32, #tpu.memory_space<vmem>>) semaphore(%run_scoped3A_148 : memref<!tpu.dma_semaphore, #tpu.memory_space<semaphore_mem>>) {add = true}
        %dma_wait3A_155 = arith.constant 0 : i32
        %dma_wait3A_156 = tpu.memref_slice %arg9[%run_scoped3A, %dma_wait3A_155] : memref<8x128xi32, #tpu.memory_space<vmem>> -> memref<1x128xi32, #tpu.memory_space<vmem>>
        %dma_wait3A_157 = tpu.memref_squeeze %dma_wait3A_156 : memref<1x128xi32, #tpu.memory_space<vmem>> -> memref<128xi32, #tpu.memory_space<vmem>>
        %dma_wait3A_158 = arith.constant 0 : i32
        %dma_wait3A_159 = arith.constant 0 : i32
        %dma_wait3A_160 = tpu.memref_slice %arg7[%dma_wait3A_158, %dma_wait3A_159] : memref<10112x128xf32, #tpu.memory_space<vmem_shared>> -> memref<10112x128xf32, #tpu.memory_space<vmem_shared>>
        tpu.wait_indirect_dma semaphore(%run_scoped3A_148 : memref<!tpu.dma_semaphore, #tpu.memory_space<semaphore_mem>>) src(%arg10 : memref<128x128xf32, #tpu.memory_space<vmem>>) dst(%dma_wait3A_160 : memref<10112x128xf32, #tpu.memory_space<vmem_shared>>)
        tpu.yield
      }) : () -> ()
      %dma_start3A_49 = arith.constant 2 : i32
      %dma_start3A_50 = arith.constant 0 : i32
      %dma_start3A_51 = tpu.memref_slice %arg8[%dma_start3A_49, %dma_start3A_50] : memref<8x128xi32, #tpu.memory_space<vmem>> -> memref<1x128xi32, #tpu.memory_space<vmem>>
      %dma_start3A_52 = tpu.memref_squeeze %dma_start3A_51 : memref<1x128xi32, #tpu.memory_space<vmem>> -> memref<128xi32, #tpu.memory_space<vmem>>
      %dma_start3A_53 = arith.constant 0 : i32
      %dma_start3A_54 = arith.constant 0 : i32
      %dma_start3A_55 = tpu.memref_slice %arg2[%dma_start3A_53, %dma_start3A_54] : memref<10000x128xf32, #tpu.memory_space<hbm>> -> memref<10000x128xf32, #tpu.memory_space<hbm>>
      tpu.enqueue_indirect_dma source(%dma_start3A_55 : memref<10000x128xf32, #tpu.memory_space<hbm>>) target(%arg10 : memref<128x128xf32, #tpu.memory_space<vmem>>) offsets(%dma_start3A_52 : memref<128xi32, #tpu.memory_space<vmem>>) semaphore(%arg12 : memref<!tpu.dma_semaphore, #tpu.memory_space<semaphore_mem>>)
      %dma_wait3A_56 = arith.constant 1 : i32
      %dma_wait3A_57 = arith.constant 0 : i32
      %dma_wait3A_58 = tpu.memref_slice %arg8[%dma_wait3A_56, %dma_wait3A_57] : memref<8x128xi32, #tpu.memory_space<vmem>> -> memref<1x128xi32, #tpu.memory_space<vmem>>
      %dma_wait3A_59 = tpu.memref_squeeze %dma_wait3A_58 : memref<1x128xi32, #tpu.memory_space<vmem>> -> memref<128xi32, #tpu.memory_space<vmem>>
      %dma_wait3A_60 = arith.constant 0 : i32
      %dma_wait3A_61 = arith.constant 0 : i32
      %dma_wait3A_62 = tpu.memref_slice %arg2[%dma_wait3A_60, %dma_wait3A_61] : memref<10000x128xf32, #tpu.memory_space<hbm>> -> memref<10000x128xf32, #tpu.memory_space<hbm>>
      tpu.wait_indirect_dma semaphore(%arg13 : memref<!tpu.dma_semaphore, #tpu.memory_space<semaphore_mem>>) src(%dma_wait3A_62 : memref<10000x128xf32, #tpu.memory_space<hbm>>) dst(%arg11 : memref<128x128xf32, #tpu.memory_space<vmem>>)
      %run_scoped3A_63 = arith.constant 1 : i32
      "tpu.region"() ({
        %run_scoped3A_148 = tpu.sem_alloc : memref<!tpu.dma_semaphore, #tpu.memory_space<semaphore_mem>>
        %dma_start3A_149 = arith.constant 0 : i32
        %dma_start3A_150 = tpu.memref_slice %arg9[%run_scoped3A_63, %dma_start3A_149] : memref<8x128xi32, #tpu.memory_space<vmem>> -> memref<1x128xi32, #tpu.memory_space<vmem>>
        %dma_start3A_151 = tpu.memref_squeeze %dma_start3A_150 : memref<1x128xi32, #tpu.memory_space<vmem>> -> memref<128xi32, #tpu.memory_space<vmem>>
        %dma_start3A_152 = arith.constant 0 : i32
        %dma_start3A_153 = arith.constant 0 : i32
        %dma_start3A_154 = tpu.memref_slice %arg7[%dma_start3A_152, %dma_start3A_153] : memref<10112x128xf32, #tpu.memory_space<vmem_shared>> -> memref<10112x128xf32, #tpu.memory_space<vmem_shared>>
        tpu.enqueue_indirect_dma source(%arg11 : memref<128x128xf32, #tpu.memory_space<vmem>>) target(%dma_start3A_154 : memref<10112x128xf32, #tpu.memory_space<vmem_shared>>) offsets(%dma_start3A_151 : memref<128xi32, #tpu.memory_space<vmem>>) semaphore(%run_scoped3A_148 : memref<!tpu.dma_semaphore, #tpu.memory_space<semaphore_mem>>) {add = true}
        %dma_wait3A_155 = arith.constant 0 : i32
        %dma_wait3A_156 = tpu.memref_slice %arg9[%run_scoped3A_63, %dma_wait3A_155] : memref<8x128xi32, #tpu.memory_space<vmem>> -> memref<1x128xi32, #tpu.memory_space<vmem>>
        %dma_wait3A_157 = tpu.memref_squeeze %dma_wait3A_156 : memref<1x128xi32, #tpu.memory_space<vmem>> -> memref<128xi32, #tpu.memory_space<vmem>>
        %dma_wait3A_158 = arith.constant 0 : i32
        %dma_wait3A_159 = arith.constant 0 : i32
        %dma_wait3A_160 = tpu.memref_slice %arg7[%dma_wait3A_158, %dma_wait3A_159] : memref<10112x128xf32, #tpu.memory_space<vmem_shared>> -> memref<10112x128xf32, #tpu.memory_space<vmem_shared>>
        tpu.wait_indirect_dma semaphore(%run_scoped3A_148 : memref<!tpu.dma_semaphore, #tpu.memory_space<semaphore_mem>>) src(%arg11 : memref<128x128xf32, #tpu.memory_space<vmem>>) dst(%dma_wait3A_160 : memref<10112x128xf32, #tpu.memory_space<vmem_shared>>)
        tpu.yield
      }) : () -> ()
      %dma_start3A_64 = arith.constant 3 : i32
      %dma_start3A_65 = arith.constant 0 : i32
      %dma_start3A_66 = tpu.memref_slice %arg8[%dma_start3A_64, %dma_start3A_65] : memref<8x128xi32, #tpu.memory_space<vmem>> -> memref<1x128xi32, #tpu.memory_space<vmem>>
      %dma_start3A_67 = tpu.memref_squeeze %dma_start3A_66 : memref<1x128xi32, #tpu.memory_space<vmem>> -> memref<128xi32, #tpu.memory_space<vmem>>
      %dma_start3A_68 = arith.constant 0 : i32
      %dma_start3A_69 = arith.constant 0 : i32
      %dma_start3A_70 = tpu.memref_slice %arg2[%dma_start3A_68, %dma_start3A_69] : memref<10000x128xf32, #tpu.memory_space<hbm>> -> memref<10000x128xf32, #tpu.memory_space<hbm>>
      tpu.enqueue_indirect_dma source(%dma_start3A_70 : memref<10000x128xf32, #tpu.memory_space<hbm>>) target(%arg11 : memref<128x128xf32, #tpu.memory_space<vmem>>) offsets(%dma_start3A_67 : memref<128xi32, #tpu.memory_space<vmem>>) semaphore(%arg13 : memref<!tpu.dma_semaphore, #tpu.memory_space<semaphore_mem>>)
      %dma_wait3A_71 = arith.constant 2 : i32
      %dma_wait3A_72 = arith.constant 0 : i32
      %dma_wait3A_73 = tpu.memref_slice %arg8[%dma_wait3A_71, %dma_wait3A_72] : memref<8x128xi32, #tpu.memory_space<vmem>> -> memref<1x128xi32, #tpu.memory_space<vmem>>
      %dma_wait3A_74 = tpu.memref_squeeze %dma_wait3A_73 : memref<1x128xi32, #tpu.memory_space<vmem>> -> memref<128xi32, #tpu.memory_space<vmem>>
      %dma_wait3A_75 = arith.constant 0 : i32
      %dma_wait3A_76 = arith.constant 0 : i32
      %dma_wait3A_77 = tpu.memref_slice %arg2[%dma_wait3A_75, %dma_wait3A_76] : memref<10000x128xf32, #tpu.memory_space<hbm>> -> memref<10000x128xf32, #tpu.memory_space<hbm>>
      tpu.wait_indirect_dma semaphore(%arg12 : memref<!tpu.dma_semaphore, #tpu.memory_space<semaphore_mem>>) src(%dma_wait3A_77 : memref<10000x128xf32, #tpu.memory_space<hbm>>) dst(%arg10 : memref<128x128xf32, #tpu.memory_space<vmem>>)
      %run_scoped3A_78 = arith.constant 2 : i32
      "tpu.region"() ({
        %run_scoped3A_148 = tpu.sem_alloc : memref<!tpu.dma_semaphore, #tpu.memory_space<semaphore_mem>>
        %dma_start3A_149 = arith.constant 0 : i32
        %dma_start3A_150 = tpu.memref_slice %arg9[%run_scoped3A_78, %dma_start3A_149] : memref<8x128xi32, #tpu.memory_space<vmem>> -> memref<1x128xi32, #tpu.memory_space<vmem>>
        %dma_start3A_151 = tpu.memref_squeeze %dma_start3A_150 : memref<1x128xi32, #tpu.memory_space<vmem>> -> memref<128xi32, #tpu.memory_space<vmem>>
        %dma_start3A_152 = arith.constant 0 : i32
        %dma_start3A_153 = arith.constant 0 : i32
        %dma_start3A_154 = tpu.memref_slice %arg7[%dma_start3A_152, %dma_start3A_153] : memref<10112x128xf32, #tpu.memory_space<vmem_shared>> -> memref<10112x128xf32, #tpu.memory_space<vmem_shared>>
        tpu.enqueue_indirect_dma source(%arg10 : memref<128x128xf32, #tpu.memory_space<vmem>>) target(%dma_start3A_154 : memref<10112x128xf32, #tpu.memory_space<vmem_shared>>) offsets(%dma_start3A_151 : memref<128xi32, #tpu.memory_space<vmem>>) semaphore(%run_scoped3A_148 : memref<!tpu.dma_semaphore, #tpu.memory_space<semaphore_mem>>) {add = true}
        %dma_wait3A_155 = arith.constant 0 : i32
        %dma_wait3A_156 = tpu.memref_slice %arg9[%run_scoped3A_78, %dma_wait3A_155] : memref<8x128xi32, #tpu.memory_space<vmem>> -> memref<1x128xi32, #tpu.memory_space<vmem>>
        %dma_wait3A_157 = tpu.memref_squeeze %dma_wait3A_156 : memref<1x128xi32, #tpu.memory_space<vmem>> -> memref<128xi32, #tpu.memory_space<vmem>>
        %dma_wait3A_158 = arith.constant 0 : i32
        %dma_wait3A_159 = arith.constant 0 : i32
        %dma_wait3A_160 = tpu.memref_slice %arg7[%dma_wait3A_158, %dma_wait3A_159] : memref<10112x128xf32, #tpu.memory_space<vmem_shared>> -> memref<10112x128xf32, #tpu.memory_space<vmem_shared>>
        tpu.wait_indirect_dma semaphore(%run_scoped3A_148 : memref<!tpu.dma_semaphore, #tpu.memory_space<semaphore_mem>>) src(%arg10 : memref<128x128xf32, #tpu.memory_space<vmem>>) dst(%dma_wait3A_160 : memref<10112x128xf32, #tpu.memory_space<vmem_shared>>)
        tpu.yield
      }) : () -> ()
      %dma_start3A_79 = arith.constant 4 : i32
      %dma_start3A_80 = arith.constant 0 : i32
      %dma_start3A_81 = tpu.memref_slice %arg8[%dma_start3A_79, %dma_start3A_80] : memref<8x128xi32, #tpu.memory_space<vmem>> -> memref<1x128xi32, #tpu.memory_space<vmem>>
      %dma_start3A_82 = tpu.memref_squeeze %dma_start3A_81 : memref<1x128xi32, #tpu.memory_space<vmem>> -> memref<128xi32, #tpu.memory_space<vmem>>
      %dma_start3A_83 = arith.constant 0 : i32
      %dma_start3A_84 = arith.constant 0 : i32
      %dma_start3A_85 = tpu.memref_slice %arg2[%dma_start3A_83, %dma_start3A_84] : memref<10000x128xf32, #tpu.memory_space<hbm>> -> memref<10000x128xf32, #tpu.memory_space<hbm>>
      tpu.enqueue_indirect_dma source(%dma_start3A_85 : memref<10000x128xf32, #tpu.memory_space<hbm>>) target(%arg10 : memref<128x128xf32, #tpu.memory_space<vmem>>) offsets(%dma_start3A_82 : memref<128xi32, #tpu.memory_space<vmem>>) semaphore(%arg12 : memref<!tpu.dma_semaphore, #tpu.memory_space<semaphore_mem>>)
      %dma_wait3A_86 = arith.constant 3 : i32
      %dma_wait3A_87 = arith.constant 0 : i32
      %dma_wait3A_88 = tpu.memref_slice %arg8[%dma_wait3A_86, %dma_wait3A_87] : memref<8x128xi32, #tpu.memory_space<vmem>> -> memref<1x128xi32, #tpu.memory_space<vmem>>
      %dma_wait3A_89 = tpu.memref_squeeze %dma_wait3A_88 : memref<1x128xi32, #tpu.memory_space<vmem>> -> memref<128xi32, #tpu.memory_space<vmem>>
      %dma_wait3A_90 = arith.constant 0 : i32
      %dma_wait3A_91 = arith.constant 0 : i32
      %dma_wait3A_92 = tpu.memref_slice %arg2[%dma_wait3A_90, %dma_wait3A_91] : memref<10000x128xf32, #tpu.memory_space<hbm>> -> memref<10000x128xf32, #tpu.memory_space<hbm>>
      tpu.wait_indirect_dma semaphore(%arg13 : memref<!tpu.dma_semaphore, #tpu.memory_space<semaphore_mem>>) src(%dma_wait3A_92 : memref<10000x128xf32, #tpu.memory_space<hbm>>) dst(%arg11 : memref<128x128xf32, #tpu.memory_space<vmem>>)
      %run_scoped3A_93 = arith.constant 3 : i32
      "tpu.region"() ({
        %run_scoped3A_148 = tpu.sem_alloc : memref<!tpu.dma_semaphore, #tpu.memory_space<semaphore_mem>>
        %dma_start3A_149 = arith.constant 0 : i32
        %dma_start3A_150 = tpu.memref_slice %arg9[%run_scoped3A_93, %dma_start3A_149] : memref<8x128xi32, #tpu.memory_space<vmem>> -> memref<1x128xi32, #tpu.memory_space<vmem>>
        %dma_start3A_151 = tpu.memref_squeeze %dma_start3A_150 : memref<1x128xi32, #tpu.memory_space<vmem>> -> memref<128xi32, #tpu.memory_space<vmem>>
        %dma_start3A_152 = arith.constant 0 : i32
        %dma_start3A_153 = arith.constant 0 : i32
        %dma_start3A_154 = tpu.memref_slice %arg7[%dma_start3A_152, %dma_start3A_153] : memref<10112x128xf32, #tpu.memory_space<vmem_shared>> -> memref<10112x128xf32, #tpu.memory_space<vmem_shared>>
        tpu.enqueue_indirect_dma source(%arg11 : memref<128x128xf32, #tpu.memory_space<vmem>>) target(%dma_start3A_154 : memref<10112x128xf32, #tpu.memory_space<vmem_shared>>) offsets(%dma_start3A_151 : memref<128xi32, #tpu.memory_space<vmem>>) semaphore(%run_scoped3A_148 : memref<!tpu.dma_semaphore, #tpu.memory_space<semaphore_mem>>) {add = true}
        %dma_wait3A_155 = arith.constant 0 : i32
        %dma_wait3A_156 = tpu.memref_slice %arg9[%run_scoped3A_93, %dma_wait3A_155] : memref<8x128xi32, #tpu.memory_space<vmem>> -> memref<1x128xi32, #tpu.memory_space<vmem>>
        %dma_wait3A_157 = tpu.memref_squeeze %dma_wait3A_156 : memref<1x128xi32, #tpu.memory_space<vmem>> -> memref<128xi32, #tpu.memory_space<vmem>>
        %dma_wait3A_158 = arith.constant 0 : i32
        %dma_wait3A_159 = arith.constant 0 : i32
        %dma_wait3A_160 = tpu.memref_slice %arg7[%dma_wait3A_158, %dma_wait3A_159] : memref<10112x128xf32, #tpu.memory_space<vmem_shared>> -> memref<10112x128xf32, #tpu.memory_space<vmem_shared>>
        tpu.wait_indirect_dma semaphore(%run_scoped3A_148 : memref<!tpu.dma_semaphore, #tpu.memory_space<semaphore_mem>>) src(%arg11 : memref<128x128xf32, #tpu.memory_space<vmem>>) dst(%dma_wait3A_160 : memref<10112x128xf32, #tpu.memory_space<vmem_shared>>)
        tpu.yield
      }) : () -> ()
      %dma_start3A_94 = arith.constant 5 : i32
      %dma_start3A_95 = arith.constant 0 : i32
      %dma_start3A_96 = tpu.memref_slice %arg8[%dma_start3A_94, %dma_start3A_95] : memref<8x128xi32, #tpu.memory_space<vmem>> -> memref<1x128xi32, #tpu.memory_space<vmem>>
      %dma_start3A_97 = tpu.memref_squeeze %dma_start3A_96 : memref<1x128xi32, #tpu.memory_space<vmem>> -> memref<128xi32, #tpu.memory_space<vmem>>
      %dma_start3A_98 = arith.constant 0 : i32
      %dma_start3A_99 = arith.constant 0 : i32
      %dma_start3A_100 = tpu.memref_slice %arg2[%dma_start3A_98, %dma_start3A_99] : memref<10000x128xf32, #tpu.memory_space<hbm>> -> memref<10000x128xf32, #tpu.memory_space<hbm>>
      tpu.enqueue_indirect_dma source(%dma_start3A_100 : memref<10000x128xf32, #tpu.memory_space<hbm>>) target(%arg11 : memref<128x128xf32, #tpu.memory_space<vmem>>) offsets(%dma_start3A_97 : memref<128xi32, #tpu.memory_space<vmem>>) semaphore(%arg13 : memref<!tpu.dma_semaphore, #tpu.memory_space<semaphore_mem>>)
      %dma_wait3A_101 = arith.constant 4 : i32
      %dma_wait3A_102 = arith.constant 0 : i32
      %dma_wait3A_103 = tpu.memref_slice %arg8[%dma_wait3A_101, %dma_wait3A_102] : memref<8x128xi32, #tpu.memory_space<vmem>> -> memref<1x128xi32, #tpu.memory_space<vmem>>
      %dma_wait3A_104 = tpu.memref_squeeze %dma_wait3A_103 : memref<1x128xi32, #tpu.memory_space<vmem>> -> memref<128xi32, #tpu.memory_space<vmem>>
      %dma_wait3A_105 = arith.constant 0 : i32
      %dma_wait3A_106 = arith.constant 0 : i32
      %dma_wait3A_107 = tpu.memref_slice %arg2[%dma_wait3A_105, %dma_wait3A_106] : memref<10000x128xf32, #tpu.memory_space<hbm>> -> memref<10000x128xf32, #tpu.memory_space<hbm>>
      tpu.wait_indirect_dma semaphore(%arg12 : memref<!tpu.dma_semaphore, #tpu.memory_space<semaphore_mem>>) src(%dma_wait3A_107 : memref<10000x128xf32, #tpu.memory_space<hbm>>) dst(%arg10 : memref<128x128xf32, #tpu.memory_space<vmem>>)
      %run_scoped3A_108 = arith.constant 4 : i32
      "tpu.region"() ({
        %run_scoped3A_148 = tpu.sem_alloc : memref<!tpu.dma_semaphore, #tpu.memory_space<semaphore_mem>>
        %dma_start3A_149 = arith.constant 0 : i32
        %dma_start3A_150 = tpu.memref_slice %arg9[%run_scoped3A_108, %dma_start3A_149] : memref<8x128xi32, #tpu.memory_space<vmem>> -> memref<1x128xi32, #tpu.memory_space<vmem>>
        %dma_start3A_151 = tpu.memref_squeeze %dma_start3A_150 : memref<1x128xi32, #tpu.memory_space<vmem>> -> memref<128xi32, #tpu.memory_space<vmem>>
        %dma_start3A_152 = arith.constant 0 : i32
        %dma_start3A_153 = arith.constant 0 : i32
        %dma_start3A_154 = tpu.memref_slice %arg7[%dma_start3A_152, %dma_start3A_153] : memref<10112x128xf32, #tpu.memory_space<vmem_shared>> -> memref<10112x128xf32, #tpu.memory_space<vmem_shared>>
        tpu.enqueue_indirect_dma source(%arg10 : memref<128x128xf32, #tpu.memory_space<vmem>>) target(%dma_start3A_154 : memref<10112x128xf32, #tpu.memory_space<vmem_shared>>) offsets(%dma_start3A_151 : memref<128xi32, #tpu.memory_space<vmem>>) semaphore(%run_scoped3A_148 : memref<!tpu.dma_semaphore, #tpu.memory_space<semaphore_mem>>) {add = true}
        %dma_wait3A_155 = arith.constant 0 : i32
        %dma_wait3A_156 = tpu.memref_slice %arg9[%run_scoped3A_108, %dma_wait3A_155] : memref<8x128xi32, #tpu.memory_space<vmem>> -> memref<1x128xi32, #tpu.memory_space<vmem>>
        %dma_wait3A_157 = tpu.memref_squeeze %dma_wait3A_156 : memref<1x128xi32, #tpu.memory_space<vmem>> -> memref<128xi32, #tpu.memory_space<vmem>>
        %dma_wait3A_158 = arith.constant 0 : i32
        %dma_wait3A_159 = arith.constant 0 : i32
        %dma_wait3A_160 = tpu.memref_slice %arg7[%dma_wait3A_158, %dma_wait3A_159] : memref<10112x128xf32, #tpu.memory_space<vmem_shared>> -> memref<10112x128xf32, #tpu.memory_space<vmem_shared>>
        tpu.wait_indirect_dma semaphore(%run_scoped3A_148 : memref<!tpu.dma_semaphore, #tpu.memory_space<semaphore_mem>>) src(%arg10 : memref<128x128xf32, #tpu.memory_space<vmem>>) dst(%dma_wait3A_160 : memref<10112x128xf32, #tpu.memory_space<vmem_shared>>)
        tpu.yield
      }) : () -> ()
      %dma_start3A_109 = arith.constant 6 : i32
      %dma_start3A_110 = arith.constant 0 : i32
      %dma_start3A_111 = tpu.memref_slice %arg8[%dma_start3A_109, %dma_start3A_110] : memref<8x128xi32, #tpu.memory_space<vmem>> -> memref<1x128xi32, #tpu.memory_space<vmem>>
      %dma_start3A_112 = tpu.memref_squeeze %dma_start3A_111 : memref<1x128xi32, #tpu.memory_space<vmem>> -> memref<128xi32, #tpu.memory_space<vmem>>
      %dma_start3A_113 = arith.constant 0 : i32
      %dma_start3A_114 = arith.constant 0 : i32
      %dma_start3A_115 = tpu.memref_slice %arg2[%dma_start3A_113, %dma_start3A_114] : memref<10000x128xf32, #tpu.memory_space<hbm>> -> memref<10000x128xf32, #tpu.memory_space<hbm>>
      tpu.enqueue_indirect_dma source(%dma_start3A_115 : memref<10000x128xf32, #tpu.memory_space<hbm>>) target(%arg10 : memref<128x128xf32, #tpu.memory_space<vmem>>) offsets(%dma_start3A_112 : memref<128xi32, #tpu.memory_space<vmem>>) semaphore(%arg12 : memref<!tpu.dma_semaphore, #tpu.memory_space<semaphore_mem>>)
      %dma_wait3A_116 = arith.constant 5 : i32
      %dma_wait3A_117 = arith.constant 0 : i32
      %dma_wait3A_118 = tpu.memref_slice %arg8[%dma_wait3A_116, %dma_wait3A_117] : memref<8x128xi32, #tpu.memory_space<vmem>> -> memref<1x128xi32, #tpu.memory_space<vmem>>
      %dma_wait3A_119 = tpu.memref_squeeze %dma_wait3A_118 : memref<1x128xi32, #tpu.memory_space<vmem>> -> memref<128xi32, #tpu.memory_space<vmem>>
      %dma_wait3A_120 = arith.constant 0 : i32
      %dma_wait3A_121 = arith.constant 0 : i32
      %dma_wait3A_122 = tpu.memref_slice %arg2[%dma_wait3A_120, %dma_wait3A_121] : memref<10000x128xf32, #tpu.memory_space<hbm>> -> memref<10000x128xf32, #tpu.memory_space<hbm>>
      tpu.wait_indirect_dma semaphore(%arg13 : memref<!tpu.dma_semaphore, #tpu.memory_space<semaphore_mem>>) src(%dma_wait3A_122 : memref<10000x128xf32, #tpu.memory_space<hbm>>) dst(%arg11 : memref<128x128xf32, #tpu.memory_space<vmem>>)
      %run_scoped3A_123 = arith.constant 5 : i32
      "tpu.region"() ({
        %run_scoped3A_148 = tpu.sem_alloc : memref<!tpu.dma_semaphore, #tpu.memory_space<semaphore_mem>>
        %dma_start3A_149 = arith.constant 0 : i32
        %dma_start3A_150 = tpu.memref_slice %arg9[%run_scoped3A_123, %dma_start3A_149] : memref<8x128xi32, #tpu.memory_space<vmem>> -> memref<1x128xi32, #tpu.memory_space<vmem>>
        %dma_start3A_151 = tpu.memref_squeeze %dma_start3A_150 : memref<1x128xi32, #tpu.memory_space<vmem>> -> memref<128xi32, #tpu.memory_space<vmem>>
        %dma_start3A_152 = arith.constant 0 : i32
        %dma_start3A_153 = arith.constant 0 : i32
        %dma_start3A_154 = tpu.memref_slice %arg7[%dma_start3A_152, %dma_start3A_153] : memref<10112x128xf32, #tpu.memory_space<vmem_shared>> -> memref<10112x128xf32, #tpu.memory_space<vmem_shared>>
        tpu.enqueue_indirect_dma source(%arg11 : memref<128x128xf32, #tpu.memory_space<vmem>>) target(%dma_start3A_154 : memref<10112x128xf32, #tpu.memory_space<vmem_shared>>) offsets(%dma_start3A_151 : memref<128xi32, #tpu.memory_space<vmem>>) semaphore(%run_scoped3A_148 : memref<!tpu.dma_semaphore, #tpu.memory_space<semaphore_mem>>) {add = true}
        %dma_wait3A_155 = arith.constant 0 : i32
        %dma_wait3A_156 = tpu.memref_slice %arg9[%run_scoped3A_123, %dma_wait3A_155] : memref<8x128xi32, #tpu.memory_space<vmem>> -> memref<1x128xi32, #tpu.memory_space<vmem>>
        %dma_wait3A_157 = tpu.memref_squeeze %dma_wait3A_156 : memref<1x128xi32, #tpu.memory_space<vmem>> -> memref<128xi32, #tpu.memory_space<vmem>>
        %dma_wait3A_158 = arith.constant 0 : i32
        %dma_wait3A_159 = arith.constant 0 : i32
        %dma_wait3A_160 = tpu.memref_slice %arg7[%dma_wait3A_158, %dma_wait3A_159] : memref<10112x128xf32, #tpu.memory_space<vmem_shared>> -> memref<10112x128xf32, #tpu.memory_space<vmem_shared>>
        tpu.wait_indirect_dma semaphore(%run_scoped3A_148 : memref<!tpu.dma_semaphore, #tpu.memory_space<semaphore_mem>>) src(%arg11 : memref<128x128xf32, #tpu.memory_space<vmem>>) dst(%dma_wait3A_160 : memref<10112x128xf32, #tpu.memory_space<vmem_shared>>)
        tpu.yield
      }) : () -> ()
      %dma_start3A_124 = arith.constant 7 : i32
      %dma_start3A_125 = arith.constant 0 : i32
      %dma_start3A_126 = tpu.memref_slice %arg8[%dma_start3A_124, %dma_start3A_125] : memref<8x128xi32, #tpu.memory_space<vmem>> -> memref<1x128xi32, #tpu.memory_space<vmem>>
      %dma_start3A_127 = tpu.memref_squeeze %dma_start3A_126 : memref<1x128xi32, #tpu.memory_space<vmem>> -> memref<128xi32, #tpu.memory_space<vmem>>
      %dma_start3A_128 = arith.constant 0 : i32
      %dma_start3A_129 = arith.constant 0 : i32
      %dma_start3A_130 = tpu.memref_slice %arg2[%dma_start3A_128, %dma_start3A_129] : memref<10000x128xf32, #tpu.memory_space<hbm>> -> memref<10000x128xf32, #tpu.memory_space<hbm>>
      tpu.enqueue_indirect_dma source(%dma_start3A_130 : memref<10000x128xf32, #tpu.memory_space<hbm>>) target(%arg11 : memref<128x128xf32, #tpu.memory_space<vmem>>) offsets(%dma_start3A_127 : memref<128xi32, #tpu.memory_space<vmem>>) semaphore(%arg13 : memref<!tpu.dma_semaphore, #tpu.memory_space<semaphore_mem>>)
      %dma_wait3A_131 = arith.constant 6 : i32
      %dma_wait3A_132 = arith.constant 0 : i32
      %dma_wait3A_133 = tpu.memref_slice %arg8[%dma_wait3A_131, %dma_wait3A_132] : memref<8x128xi32, #tpu.memory_space<vmem>> -> memref<1x128xi32, #tpu.memory_space<vmem>>
      %dma_wait3A_134 = tpu.memref_squeeze %dma_wait3A_133 : memref<1x128xi32, #tpu.memory_space<vmem>> -> memref<128xi32, #tpu.memory_space<vmem>>
      %dma_wait3A_135 = arith.constant 0 : i32
      %dma_wait3A_136 = arith.constant 0 : i32
      %dma_wait3A_137 = tpu.memref_slice %arg2[%dma_wait3A_135, %dma_wait3A_136] : memref<10000x128xf32, #tpu.memory_space<hbm>> -> memref<10000x128xf32, #tpu.memory_space<hbm>>
      tpu.wait_indirect_dma semaphore(%arg12 : memref<!tpu.dma_semaphore, #tpu.memory_space<semaphore_mem>>) src(%dma_wait3A_137 : memref<10000x128xf32, #tpu.memory_space<hbm>>) dst(%arg10 : memref<128x128xf32, #tpu.memory_space<vmem>>)
      %run_scoped3A_138 = arith.constant 6 : i32
      "tpu.region"() ({
        %run_scoped3A_148 = tpu.sem_alloc : memref<!tpu.dma_semaphore, #tpu.memory_space<semaphore_mem>>
        %dma_start3A_149 = arith.constant 0 : i32
        %dma_start3A_150 = tpu.memref_slice %arg9[%run_scoped3A_138, %dma_start3A_149] : memref<8x128xi32, #tpu.memory_space<vmem>> -> memref<1x128xi32, #tpu.memory_space<vmem>>
        %dma_start3A_151 = tpu.memref_squeeze %dma_start3A_150 : memref<1x128xi32, #tpu.memory_space<vmem>> -> memref<128xi32, #tpu.memory_space<vmem>>
        %dma_start3A_152 = arith.constant 0 : i32
        %dma_start3A_153 = arith.constant 0 : i32
        %dma_start3A_154 = tpu.memref_slice %arg7[%dma_start3A_152, %dma_start3A_153] : memref<10112x128xf32, #tpu.memory_space<vmem_shared>> -> memref<10112x128xf32, #tpu.memory_space<vmem_shared>>
        tpu.enqueue_indirect_dma source(%arg10 : memref<128x128xf32, #tpu.memory_space<vmem>>) target(%dma_start3A_154 : memref<10112x128xf32, #tpu.memory_space<vmem_shared>>) offsets(%dma_start3A_151 : memref<128xi32, #tpu.memory_space<vmem>>) semaphore(%run_scoped3A_148 : memref<!tpu.dma_semaphore, #tpu.memory_space<semaphore_mem>>) {add = true}
        %dma_wait3A_155 = arith.constant 0 : i32
        %dma_wait3A_156 = tpu.memref_slice %arg9[%run_scoped3A_138, %dma_wait3A_155] : memref<8x128xi32, #tpu.memory_space<vmem>> -> memref<1x128xi32, #tpu.memory_space<vmem>>
        %dma_wait3A_157 = tpu.memref_squeeze %dma_wait3A_156 : memref<1x128xi32, #tpu.memory_space<vmem>> -> memref<128xi32, #tpu.memory_space<vmem>>
        %dma_wait3A_158 = arith.constant 0 : i32
        %dma_wait3A_159 = arith.constant 0 : i32
        %dma_wait3A_160 = tpu.memref_slice %arg7[%dma_wait3A_158, %dma_wait3A_159] : memref<10112x128xf32, #tpu.memory_space<vmem_shared>> -> memref<10112x128xf32, #tpu.memory_space<vmem_shared>>
        tpu.wait_indirect_dma semaphore(%run_scoped3A_148 : memref<!tpu.dma_semaphore, #tpu.memory_space<semaphore_mem>>) src(%arg10 : memref<128x128xf32, #tpu.memory_space<vmem>>) dst(%dma_wait3A_160 : memref<10112x128xf32, #tpu.memory_space<vmem_shared>>)
        tpu.yield
      }) : () -> ()
      %dma_wait3A_139 = arith.constant 7 : i32
      %dma_wait3A_140 = arith.constant 0 : i32
      %dma_wait3A_141 = tpu.memref_slice %arg8[%dma_wait3A_139, %dma_wait3A_140] : memref<8x128xi32, #tpu.memory_space<vmem>> -> memref<1x128xi32, #tpu.memory_space<vmem>>
      %dma_wait3A_142 = tpu.memref_squeeze %dma_wait3A_141 : memref<1x128xi32, #tpu.memory_space<vmem>> -> memref<128xi32, #tpu.memory_space<vmem>>
      %dma_wait3A_143 = arith.constant 0 : i32
      %dma_wait3A_144 = arith.constant 0 : i32
      %dma_wait3A_145 = tpu.memref_slice %arg2[%dma_wait3A_143, %dma_wait3A_144] : memref<10000x128xf32, #tpu.memory_space<hbm>> -> memref<10000x128xf32, #tpu.memory_space<hbm>>
      tpu.wait_indirect_dma semaphore(%arg13 : memref<!tpu.dma_semaphore, #tpu.memory_space<semaphore_mem>>) src(%dma_wait3A_145 : memref<10000x128xf32, #tpu.memory_space<hbm>>) dst(%arg11 : memref<128x128xf32, #tpu.memory_space<vmem>>)
      %run_scoped3A_146 = arith.constant 7 : i32
      "tpu.region"() ({
        %run_scoped3A_148 = tpu.sem_alloc : memref<!tpu.dma_semaphore, #tpu.memory_space<semaphore_mem>>
        %dma_start3A_149 = arith.constant 0 : i32
        %dma_start3A_150 = tpu.memref_slice %arg9[%run_scoped3A_146, %dma_start3A_149] : memref<8x128xi32, #tpu.memory_space<vmem>> -> memref<1x128xi32, #tpu.memory_space<vmem>>
        %dma_start3A_151 = tpu.memref_squeeze %dma_start3A_150 : memref<1x128xi32, #tpu.memory_space<vmem>> -> memref<128xi32, #tpu.memory_space<vmem>>
        %dma_start3A_152 = arith.constant 0 : i32
        %dma_start3A_153 = arith.constant 0 : i32
        %dma_start3A_154 = tpu.memref_slice %arg7[%dma_start3A_152, %dma_start3A_153] : memref<10112x128xf32, #tpu.memory_space<vmem_shared>> -> memref<10112x128xf32, #tpu.memory_space<vmem_shared>>
        tpu.enqueue_indirect_dma source(%arg11 : memref<128x128xf32, #tpu.memory_space<vmem>>) target(%dma_start3A_154 : memref<10112x128xf32, #tpu.memory_space<vmem_shared>>) offsets(%dma_start3A_151 : memref<128xi32, #tpu.memory_space<vmem>>) semaphore(%run_scoped3A_148 : memref<!tpu.dma_semaphore, #tpu.memory_space<semaphore_mem>>) {add = true}
        %dma_wait3A_155 = arith.constant 0 : i32
        %dma_wait3A_156 = tpu.memref_slice %arg9[%run_scoped3A_146, %dma_wait3A_155] : memref<8x128xi32, #tpu.memory_space<vmem>> -> memref<1x128xi32, #tpu.memory_space<vmem>>
        %dma_wait3A_157 = tpu.memref_squeeze %dma_wait3A_156 : memref<1x128xi32, #tpu.memory_space<vmem>> -> memref<128xi32, #tpu.memory_space<vmem>>
        %dma_wait3A_158 = arith.constant 0 : i32
        %dma_wait3A_159 = arith.constant 0 : i32
        %dma_wait3A_160 = tpu.memref_slice %arg7[%dma_wait3A_158, %dma_wait3A_159] : memref<10112x128xf32, #tpu.memory_space<vmem_shared>> -> memref<10112x128xf32, #tpu.memory_space<vmem_shared>>
        tpu.wait_indirect_dma semaphore(%run_scoped3A_148 : memref<!tpu.dma_semaphore, #tpu.memory_space<semaphore_mem>>) src(%arg11 : memref<128x128xf32, #tpu.memory_space<vmem>>) dst(%dma_wait3A_160 : memref<10112x128xf32, #tpu.memory_space<vmem_shared>>)
        tpu.yield
      }) : () -> ()
      %while3A_147 = arith.constant 0 : i32
      scf.yield %while3A_147 : i32
    }
    %while3A_22 = arith.constant 1 : i32
    %while3A_23 = scf.for %while3A_25 = %while3A_19 to %while3A_15 step %while3A_22 iter_args(%while3A_26 = %while3A_21) -> (i32)  : i32 {
      %mul3A_27 = arith.constant 8 : i32
      %mul3A_28 = arith.muli %while3A_25, %mul3A_27 : i32
      %add3A_29 = arith.addi %mul3A_8, %mul3A_28 : i32
      "tpu.region"() ({
        %run_scoped3A_148 = tpu.sem_alloc : memref<!tpu.dma_semaphore, #tpu.memory_space<semaphore_mem>>
        %dma_start3A_149 = arith.constant 0 : i32
        %dma_start3A_150 = tpu.memref_slice %arg3[%add3A_29, %dma_start3A_149] : memref<2560x128xi32, #tpu.memory_space<hbm>> -> memref<8x128xi32, #tpu.memory_space<hbm>>
        %dma_start3A_151 = arith.constant 0 : i32
        %dma_start3A_152 = tpu.memref_slice %arg3[%add3A_29, %dma_start3A_151] : memref<2560x128xi32, #tpu.memory_space<hbm>> -> memref<8x128xi32, #tpu.memory_space<hbm>>
        tpu.enqueue_dma source(%dma_start3A_152 : memref<8x128xi32, #tpu.memory_space<hbm>>) target(%arg8 : memref<8x128xi32, #tpu.memory_space<vmem>>) target_semaphore(%run_scoped3A_148 : memref<!tpu.dma_semaphore, #tpu.memory_space<semaphore_mem>>)
        %dma_wait3A_153 = arith.constant 0 : i32
        %dma_wait3A_154 = tpu.memref_slice %arg3[%add3A_29, %dma_wait3A_153] : memref<2560x128xi32, #tpu.memory_space<hbm>> -> memref<8x128xi32, #tpu.memory_space<hbm>>
        %dma_wait3A_155 = arith.constant 0 : i32
        %dma_wait3A_156 = tpu.memref_slice %arg3[%add3A_29, %dma_wait3A_155] : memref<2560x128xi32, #tpu.memory_space<hbm>> -> memref<8x128xi32, #tpu.memory_space<hbm>>
        tpu.wait_dma2 semaphore(%run_scoped3A_148 : memref<!tpu.dma_semaphore, #tpu.memory_space<semaphore_mem>>) src(%dma_wait3A_156 : memref<8x128xi32, #tpu.memory_space<hbm>>) dst(%arg8 : memref<8x128xi32, #tpu.memory_space<vmem>>)
        tpu.yield
      }) : () -> ()
      "tpu.region"() ({
        %run_scoped3A_148 = tpu.sem_alloc : memref<!tpu.dma_semaphore, #tpu.memory_space<semaphore_mem>>
        %dma_start3A_149 = arith.constant 0 : i32
        %dma_start3A_150 = tpu.memref_slice %arg4[%add3A_29, %dma_start3A_149] : memref<2560x128xi32, #tpu.memory_space<hbm>> -> memref<8x128xi32, #tpu.memory_space<hbm>>
        %dma_start3A_151 = arith.constant 0 : i32
        %dma_start3A_152 = tpu.memref_slice %arg4[%add3A_29, %dma_start3A_151] : memref<2560x128xi32, #tpu.memory_space<hbm>> -> memref<8x128xi32, #tpu.memory_space<hbm>>
        tpu.enqueue_dma source(%dma_start3A_152 : memref<8x128xi32, #tpu.memory_space<hbm>>) target(%arg9 : memref<8x128xi32, #tpu.memory_space<vmem>>) target_semaphore(%run_scoped3A_148 : memref<!tpu.dma_semaphore, #tpu.memory_space<semaphore_mem>>)
        %dma_wait3A_153 = arith.constant 0 : i32
        %dma_wait3A_154 = tpu.memref_slice %arg4[%add3A_29, %dma_wait3A_153] : memref<2560x128xi32, #tpu.memory_space<hbm>> -> memref<8x128xi32, #tpu.memory_space<hbm>>
        %dma_wait3A_155 = arith.constant 0 : i32
        %dma_wait3A_156 = tpu.memref_slice %arg4[%add3A_29, %dma_wait3A_155] : memref<2560x128xi32, #tpu.memory_space<hbm>> -> memref<8x128xi32, #tpu.memory_space<hbm>>
        tpu.wait_dma2 semaphore(%run_scoped3A_148 : memref<!tpu.dma_semaphore, #tpu.memory_space<semaphore_mem>>) src(%dma_wait3A_156 : memref<8x128xi32, #tpu.memory_space<hbm>>) dst(%arg9 : memref<8x128xi32, #tpu.memory_space<vmem>>)
        tpu.yield
      }) : () -> ()
      %dma_start3A = arith.constant 0 : i32
      %dma_start3A_30 = arith.constant 0 : i32
      %dma_start3A_31 = tpu.memref_slice %arg8[%dma_start3A, %dma_start3A_30] : memref<8x128xi32, #tpu.memory_space<vmem>> -> memref<1x128xi32, #tpu.memory_space<vmem>>
      %dma_start3A_32 = tpu.memref_squeeze %dma_start3A_31 : memref<1x128xi32, #tpu.memory_space<vmem>> -> memref<128xi32, #tpu.memory_space<vmem>>
      %dma_start3A_33 = arith.constant 0 : i32
      %dma_start3A_34 = arith.constant 0 : i32
      %dma_start3A_35 = tpu.memref_slice %arg2[%dma_start3A_33, %dma_start3A_34] : memref<10000x128xf32, #tpu.memory_space<hbm>> -> memref<10000x128xf32, #tpu.memory_space<hbm>>
      tpu.enqueue_indirect_dma source(%dma_start3A_35 : memref<10000x128xf32, #tpu.memory_space<hbm>>) target(%arg10 : memref<128x128xf32, #tpu.memory_space<vmem>>) offsets(%dma_start3A_32 : memref<128xi32, #tpu.memory_space<vmem>>) semaphore(%arg12 : memref<!tpu.dma_semaphore, #tpu.memory_space<semaphore_mem>>)
      %dma_start3A_36 = arith.constant 1 : i32
      %dma_start3A_37 = arith.constant 0 : i32
      %dma_start3A_38 = tpu.memref_slice %arg8[%dma_start3A_36, %dma_start3A_37] : memref<8x128xi32, #tpu.memory_space<vmem>> -> memref<1x128xi32, #tpu.memory_space<vmem>>
      %dma_start3A_39 = tpu.memref_squeeze %dma_start3A_38 : memref<1x128xi32, #tpu.memory_space<vmem>> -> memref<128xi32, #tpu.memory_space<vmem>>
      %dma_start3A_40 = arith.constant 0 : i32
      %dma_start3A_41 = arith.constant 0 : i32
      %dma_start3A_42 = tpu.memref_slice %arg2[%dma_start3A_40, %dma_start3A_41] : memref<10000x128xf32, #tpu.memory_space<hbm>> -> memref<10000x128xf32, #tpu.memory_space<hbm>>
      tpu.enqueue_indirect_dma source(%dma_start3A_42 : memref<10000x128xf32, #tpu.memory_space<hbm>>) target(%arg11 : memref<128x128xf32, #tpu.memory_space<vmem>>) offsets(%dma_start3A_39 : memref<128xi32, #tpu.memory_space<vmem>>) semaphore(%arg13 : memref<!tpu.dma_semaphore, #tpu.memory_space<semaphore_mem>>)
      %dma_wait3A = arith.constant 0 : i32
      %dma_wait3A_43 = arith.constant 0 : i32
      %dma_wait3A_44 = tpu.memref_slice %arg8[%dma_wait3A, %dma_wait3A_43] : memref<8x128xi32, #tpu.memory_space<vmem>> -> memref<1x128xi32, #tpu.memory_space<vmem>>
      %dma_wait3A_45 = tpu.memref_squeeze %dma_wait3A_44 : memref<1x128xi32, #tpu.memory_space<vmem>> -> memref<128xi32, #tpu.memory_space<vmem>>
      %dma_wait3A_46 = arith.constant 0 : i32
      %dma_wait3A_47 = arith.constant 0 : i32
      %dma_wait3A_48 = tpu.memref_slice %arg2[%dma_wait3A_46, %dma_wait3A_47] : memref<10000x128xf32, #tpu.memory_space<hbm>> -> memref<10000x128xf32, #tpu.memory_space<hbm>>
      tpu.wait_indirect_dma semaphore(%arg12 : memref<!tpu.dma_semaphore, #tpu.memory_space<semaphore_mem>>) src(%dma_wait3A_48 : memref<10000x128xf32, #tpu.memory_space<hbm>>) dst(%arg10 : memref<128x128xf32, #tpu.memory_space<vmem>>)
      %run_scoped3A = arith.constant 0 : i32
      "tpu.region"() ({
        %run_scoped3A_148 = tpu.sem_alloc : memref<!tpu.dma_semaphore, #tpu.memory_space<semaphore_mem>>
        %dma_start3A_149 = arith.constant 0 : i32
        %dma_start3A_150 = tpu.memref_slice %arg9[%run_scoped3A, %dma_start3A_149] : memref<8x128xi32, #tpu.memory_space<vmem>> -> memref<1x128xi32, #tpu.memory_space<vmem>>
        %dma_start3A_151 = tpu.memref_squeeze %dma_start3A_150 : memref<1x128xi32, #tpu.memory_space<vmem>> -> memref<128xi32, #tpu.memory_space<vmem>>
        %dma_start3A_152 = arith.constant 0 : i32
        %dma_start3A_153 = arith.constant 0 : i32
        %dma_start3A_154 = tpu.memref_slice %arg7[%dma_start3A_152, %dma_start3A_153] : memref<10112x128xf32, #tpu.memory_space<vmem_shared>> -> memref<10112x128xf32, #tpu.memory_space<vmem_shared>>
        tpu.enqueue_indirect_dma source(%arg10 : memref<128x128xf32, #tpu.memory_space<vmem>>) target(%dma_start3A_154 : memref<10112x128xf32, #tpu.memory_space<vmem_shared>>) offsets(%dma_start3A_151 : memref<128xi32, #tpu.memory_space<vmem>>) semaphore(%run_scoped3A_148 : memref<!tpu.dma_semaphore, #tpu.memory_space<semaphore_mem>>) {add = true}
        %dma_wait3A_155 = arith.constant 0 : i32
        %dma_wait3A_156 = tpu.memref_slice %arg9[%run_scoped3A, %dma_wait3A_155] : memref<8x128xi32, #tpu.memory_space<vmem>> -> memref<1x128xi32, #tpu.memory_space<vmem>>
        %dma_wait3A_157 = tpu.memref_squeeze %dma_wait3A_156 : memref<1x128xi32, #tpu.memory_space<vmem>> -> memref<128xi32, #tpu.memory_space<vmem>>
        %dma_wait3A_158 = arith.constant 0 : i32
        %dma_wait3A_159 = arith.constant 0 : i32
        %dma_wait3A_160 = tpu.memref_slice %arg7[%dma_wait3A_158, %dma_wait3A_159] : memref<10112x128xf32, #tpu.memory_space<vmem_shared>> -> memref<10112x128xf32, #tpu.memory_space<vmem_shared>>
        tpu.wait_indirect_dma semaphore(%run_scoped3A_148 : memref<!tpu.dma_semaphore, #tpu.memory_space<semaphore_mem>>) src(%arg10 : memref<128x128xf32, #tpu.memory_space<vmem>>) dst(%dma_wait3A_160 : memref<10112x128xf32, #tpu.memory_space<vmem_shared>>)
        tpu.yield
      }) : () -> ()
      %dma_start3A_49 = arith.constant 2 : i32
      %dma_start3A_50 = arith.constant 0 : i32
      %dma_start3A_51 = tpu.memref_slice %arg8[%dma_start3A_49, %dma_start3A_50] : memref<8x128xi32, #tpu.memory_space<vmem>> -> memref<1x128xi32, #tpu.memory_space<vmem>>
      %dma_start3A_52 = tpu.memref_squeeze %dma_start3A_51 : memref<1x128xi32, #tpu.memory_space<vmem>> -> memref<128xi32, #tpu.memory_space<vmem>>
      %dma_start3A_53 = arith.constant 0 : i32
      %dma_start3A_54 = arith.constant 0 : i32
      %dma_start3A_55 = tpu.memref_slice %arg2[%dma_start3A_53, %dma_start3A_54] : memref<10000x128xf32, #tpu.memory_space<hbm>> -> memref<10000x128xf32, #tpu.memory_space<hbm>>
      tpu.enqueue_indirect_dma source(%dma_start3A_55 : memref<10000x128xf32, #tpu.memory_space<hbm>>) target(%arg10 : memref<128x128xf32, #tpu.memory_space<vmem>>) offsets(%dma_start3A_52 : memref<128xi32, #tpu.memory_space<vmem>>) semaphore(%arg12 : memref<!tpu.dma_semaphore, #tpu.memory_space<semaphore_mem>>)
      %dma_wait3A_56 = arith.constant 1 : i32
      %dma_wait3A_57 = arith.constant 0 : i32
      %dma_wait3A_58 = tpu.memref_slice %arg8[%dma_wait3A_56, %dma_wait3A_57] : memref<8x128xi32, #tpu.memory_space<vmem>> -> memref<1x128xi32, #tpu.memory_space<vmem>>
      %dma_wait3A_59 = tpu.memref_squeeze %dma_wait3A_58 : memref<1x128xi32, #tpu.memory_space<vmem>> -> memref<128xi32, #tpu.memory_space<vmem>>
      %dma_wait3A_60 = arith.constant 0 : i32
      %dma_wait3A_61 = arith.constant 0 : i32
      %dma_wait3A_62 = tpu.memref_slice %arg2[%dma_wait3A_60, %dma_wait3A_61] : memref<10000x128xf32, #tpu.memory_space<hbm>> -> memref<10000x128xf32, #tpu.memory_space<hbm>>
      tpu.wait_indirect_dma semaphore(%arg13 : memref<!tpu.dma_semaphore, #tpu.memory_space<semaphore_mem>>) src(%dma_wait3A_62 : memref<10000x128xf32, #tpu.memory_space<hbm>>) dst(%arg11 : memref<128x128xf32, #tpu.memory_space<vmem>>)
      %run_scoped3A_63 = arith.constant 1 : i32
      "tpu.region"() ({
        %run_scoped3A_148 = tpu.sem_alloc : memref<!tpu.dma_semaphore, #tpu.memory_space<semaphore_mem>>
        %dma_start3A_149 = arith.constant 0 : i32
        %dma_start3A_150 = tpu.memref_slice %arg9[%run_scoped3A_63, %dma_start3A_149] : memref<8x128xi32, #tpu.memory_space<vmem>> -> memref<1x128xi32, #tpu.memory_space<vmem>>
        %dma_start3A_151 = tpu.memref_squeeze %dma_start3A_150 : memref<1x128xi32, #tpu.memory_space<vmem>> -> memref<128xi32, #tpu.memory_space<vmem>>
        %dma_start3A_152 = arith.constant 0 : i32
        %dma_start3A_153 = arith.constant 0 : i32
        %dma_start3A_154 = tpu.memref_slice %arg7[%dma_start3A_152, %dma_start3A_153] : memref<10112x128xf32, #tpu.memory_space<vmem_shared>> -> memref<10112x128xf32, #tpu.memory_space<vmem_shared>>
        tpu.enqueue_indirect_dma source(%arg11 : memref<128x128xf32, #tpu.memory_space<vmem>>) target(%dma_start3A_154 : memref<10112x128xf32, #tpu.memory_space<vmem_shared>>) offsets(%dma_start3A_151 : memref<128xi32, #tpu.memory_space<vmem>>) semaphore(%run_scoped3A_148 : memref<!tpu.dma_semaphore, #tpu.memory_space<semaphore_mem>>) {add = true}
        %dma_wait3A_155 = arith.constant 0 : i32
        %dma_wait3A_156 = tpu.memref_slice %arg9[%run_scoped3A_63, %dma_wait3A_155] : memref<8x128xi32, #tpu.memory_space<vmem>> -> memref<1x128xi32, #tpu.memory_space<vmem>>
        %dma_wait3A_157 = tpu.memref_squeeze %dma_wait3A_156 : memref<1x128xi32, #tpu.memory_space<vmem>> -> memref<128xi32, #tpu.memory_space<vmem>>
        %dma_wait3A_158 = arith.constant 0 : i32
        %dma_wait3A_159 = arith.constant 0 : i32
        %dma_wait3A_160 = tpu.memref_slice %arg7[%dma_wait3A_158, %dma_wait3A_159] : memref<10112x128xf32, #tpu.memory_space<vmem_shared>> -> memref<10112x128xf32, #tpu.memory_space<vmem_shared>>
        tpu.wait_indirect_dma semaphore(%run_scoped3A_148 : memref<!tpu.dma_semaphore, #tpu.memory_space<semaphore_mem>>) src(%arg11 : memref<128x128xf32, #tpu.memory_space<vmem>>) dst(%dma_wait3A_160 : memref<10112x128xf32, #tpu.memory_space<vmem_shared>>)
        tpu.yield
      }) : () -> ()
      %dma_start3A_64 = arith.constant 3 : i32
      %dma_start3A_65 = arith.constant 0 : i32
      %dma_start3A_66 = tpu.memref_slice %arg8[%dma_start3A_64, %dma_start3A_65] : memref<8x128xi32, #tpu.memory_space<vmem>> -> memref<1x128xi32, #tpu.memory_space<vmem>>
      %dma_start3A_67 = tpu.memref_squeeze %dma_start3A_66 : memref<1x128xi32, #tpu.memory_space<vmem>> -> memref<128xi32, #tpu.memory_space<vmem>>
      %dma_start3A_68 = arith.constant 0 : i32
      %dma_start3A_69 = arith.constant 0 : i32
      %dma_start3A_70 = tpu.memref_slice %arg2[%dma_start3A_68, %dma_start3A_69] : memref<10000x128xf32, #tpu.memory_space<hbm>> -> memref<10000x128xf32, #tpu.memory_space<hbm>>
      tpu.enqueue_indirect_dma source(%dma_start3A_70 : memref<10000x128xf32, #tpu.memory_space<hbm>>) target(%arg11 : memref<128x128xf32, #tpu.memory_space<vmem>>) offsets(%dma_start3A_67 : memref<128xi32, #tpu.memory_space<vmem>>) semaphore(%arg13 : memref<!tpu.dma_semaphore, #tpu.memory_space<semaphore_mem>>)
      %dma_wait3A_71 = arith.constant 2 : i32
      %dma_wait3A_72 = arith.constant 0 : i32
      %dma_wait3A_73 = tpu.memref_slice %arg8[%dma_wait3A_71, %dma_wait3A_72] : memref<8x128xi32, #tpu.memory_space<vmem>> -> memref<1x128xi32, #tpu.memory_space<vmem>>
      %dma_wait3A_74 = tpu.memref_squeeze %dma_wait3A_73 : memref<1x128xi32, #tpu.memory_space<vmem>> -> memref<128xi32, #tpu.memory_space<vmem>>
      %dma_wait3A_75 = arith.constant 0 : i32
      %dma_wait3A_76 = arith.constant 0 : i32
      %dma_wait3A_77 = tpu.memref_slice %arg2[%dma_wait3A_75, %dma_wait3A_76] : memref<10000x128xf32, #tpu.memory_space<hbm>> -> memref<10000x128xf32, #tpu.memory_space<hbm>>
      tpu.wait_indirect_dma semaphore(%arg12 : memref<!tpu.dma_semaphore, #tpu.memory_space<semaphore_mem>>) src(%dma_wait3A_77 : memref<10000x128xf32, #tpu.memory_space<hbm>>) dst(%arg10 : memref<128x128xf32, #tpu.memory_space<vmem>>)
      %run_scoped3A_78 = arith.constant 2 : i32
      "tpu.region"() ({
        %run_scoped3A_148 = tpu.sem_alloc : memref<!tpu.dma_semaphore, #tpu.memory_space<semaphore_mem>>
        %dma_start3A_149 = arith.constant 0 : i32
        %dma_start3A_150 = tpu.memref_slice %arg9[%run_scoped3A_78, %dma_start3A_149] : memref<8x128xi32, #tpu.memory_space<vmem>> -> memref<1x128xi32, #tpu.memory_space<vmem>>
        %dma_start3A_151 = tpu.memref_squeeze %dma_start3A_150 : memref<1x128xi32, #tpu.memory_space<vmem>> -> memref<128xi32, #tpu.memory_space<vmem>>
        %dma_start3A_152 = arith.constant 0 : i32
        %dma_start3A_153 = arith.constant 0 : i32
        %dma_start3A_154 = tpu.memref_slice %arg7[%dma_start3A_152, %dma_start3A_153] : memref<10112x128xf32, #tpu.memory_space<vmem_shared>> -> memref<10112x128xf32, #tpu.memory_space<vmem_shared>>
        tpu.enqueue_indirect_dma source(%arg10 : memref<128x128xf32, #tpu.memory_space<vmem>>) target(%dma_start3A_154 : memref<10112x128xf32, #tpu.memory_space<vmem_shared>>) offsets(%dma_start3A_151 : memref<128xi32, #tpu.memory_space<vmem>>) semaphore(%run_scoped3A_148 : memref<!tpu.dma_semaphore, #tpu.memory_space<semaphore_mem>>) {add = true}
        %dma_wait3A_155 = arith.constant 0 : i32
        %dma_wait3A_156 = tpu.memref_slice %arg9[%run_scoped3A_78, %dma_wait3A_155] : memref<8x128xi32, #tpu.memory_space<vmem>> -> memref<1x128xi32, #tpu.memory_space<vmem>>
        %dma_wait3A_157 = tpu.memref_squeeze %dma_wait3A_156 : memref<1x128xi32, #tpu.memory_space<vmem>> -> memref<128xi32, #tpu.memory_space<vmem>>
        %dma_wait3A_158 = arith.constant 0 : i32
        %dma_wait3A_159 = arith.constant 0 : i32
        %dma_wait3A_160 = tpu.memref_slice %arg7[%dma_wait3A_158, %dma_wait3A_159] : memref<10112x128xf32, #tpu.memory_space<vmem_shared>> -> memref<10112x128xf32, #tpu.memory_space<vmem_shared>>
        tpu.wait_indirect_dma semaphore(%run_scoped3A_148 : memref<!tpu.dma_semaphore, #tpu.memory_space<semaphore_mem>>) src(%arg10 : memref<128x128xf32, #tpu.memory_space<vmem>>) dst(%dma_wait3A_160 : memref<10112x128xf32, #tpu.memory_space<vmem_shared>>)
        tpu.yield
      }) : () -> ()
      %dma_start3A_79 = arith.constant 4 : i32
      %dma_start3A_80 = arith.constant 0 : i32
      %dma_start3A_81 = tpu.memref_slice %arg8[%dma_start3A_79, %dma_start3A_80] : memref<8x128xi32, #tpu.memory_space<vmem>> -> memref<1x128xi32, #tpu.memory_space<vmem>>
      %dma_start3A_82 = tpu.memref_squeeze %dma_start3A_81 : memref<1x128xi32, #tpu.memory_space<vmem>> -> memref<128xi32, #tpu.memory_space<vmem>>
      %dma_start3A_83 = arith.constant 0 : i32
      %dma_start3A_84 = arith.constant 0 : i32
      %dma_start3A_85 = tpu.memref_slice %arg2[%dma_start3A_83, %dma_start3A_84] : memref<10000x128xf32, #tpu.memory_space<hbm>> -> memref<10000x128xf32, #tpu.memory_space<hbm>>
      tpu.enqueue_indirect_dma source(%dma_start3A_85 : memref<10000x128xf32, #tpu.memory_space<hbm>>) target(%arg10 : memref<128x128xf32, #tpu.memory_space<vmem>>) offsets(%dma_start3A_82 : memref<128xi32, #tpu.memory_space<vmem>>) semaphore(%arg12 : memref<!tpu.dma_semaphore, #tpu.memory_space<semaphore_mem>>)
      %dma_wait3A_86 = arith.constant 3 : i32
      %dma_wait3A_87 = arith.constant 0 : i32
      %dma_wait3A_88 = tpu.memref_slice %arg8[%dma_wait3A_86, %dma_wait3A_87] : memref<8x128xi32, #tpu.memory_space<vmem>> -> memref<1x128xi32, #tpu.memory_space<vmem>>
      %dma_wait3A_89 = tpu.memref_squeeze %dma_wait3A_88 : memref<1x128xi32, #tpu.memory_space<vmem>> -> memref<128xi32, #tpu.memory_space<vmem>>
      %dma_wait3A_90 = arith.constant 0 : i32
      %dma_wait3A_91 = arith.constant 0 : i32
      %dma_wait3A_92 = tpu.memref_slice %arg2[%dma_wait3A_90, %dma_wait3A_91] : memref<10000x128xf32, #tpu.memory_space<hbm>> -> memref<10000x128xf32, #tpu.memory_space<hbm>>
      tpu.wait_indirect_dma semaphore(%arg13 : memref<!tpu.dma_semaphore, #tpu.memory_space<semaphore_mem>>) src(%dma_wait3A_92 : memref<10000x128xf32, #tpu.memory_space<hbm>>) dst(%arg11 : memref<128x128xf32, #tpu.memory_space<vmem>>)
      %run_scoped3A_93 = arith.constant 3 : i32
      "tpu.region"() ({
        %run_scoped3A_148 = tpu.sem_alloc : memref<!tpu.dma_semaphore, #tpu.memory_space<semaphore_mem>>
        %dma_start3A_149 = arith.constant 0 : i32
        %dma_start3A_150 = tpu.memref_slice %arg9[%run_scoped3A_93, %dma_start3A_149] : memref<8x128xi32, #tpu.memory_space<vmem>> -> memref<1x128xi32, #tpu.memory_space<vmem>>
        %dma_start3A_151 = tpu.memref_squeeze %dma_start3A_150 : memref<1x128xi32, #tpu.memory_space<vmem>> -> memref<128xi32, #tpu.memory_space<vmem>>
        %dma_start3A_152 = arith.constant 0 : i32
        %dma_start3A_153 = arith.constant 0 : i32
        %dma_start3A_154 = tpu.memref_slice %arg7[%dma_start3A_152, %dma_start3A_153] : memref<10112x128xf32, #tpu.memory_space<vmem_shared>> -> memref<10112x128xf32, #tpu.memory_space<vmem_shared>>
        tpu.enqueue_indirect_dma source(%arg11 : memref<128x128xf32, #tpu.memory_space<vmem>>) target(%dma_start3A_154 : memref<10112x128xf32, #tpu.memory_space<vmem_shared>>) offsets(%dma_start3A_151 : memref<128xi32, #tpu.memory_space<vmem>>) semaphore(%run_scoped3A_148 : memref<!tpu.dma_semaphore, #tpu.memory_space<semaphore_mem>>) {add = true}
        %dma_wait3A_155 = arith.constant 0 : i32
        %dma_wait3A_156 = tpu.memref_slice %arg9[%run_scoped3A_93, %dma_wait3A_155] : memref<8x128xi32, #tpu.memory_space<vmem>> -> memref<1x128xi32, #tpu.memory_space<vmem>>
        %dma_wait3A_157 = tpu.memref_squeeze %dma_wait3A_156 : memref<1x128xi32, #tpu.memory_space<vmem>> -> memref<128xi32, #tpu.memory_space<vmem>>
        %dma_wait3A_158 = arith.constant 0 : i32
        %dma_wait3A_159 = arith.constant 0 : i32
        %dma_wait3A_160 = tpu.memref_slice %arg7[%dma_wait3A_158, %dma_wait3A_159] : memref<10112x128xf32, #tpu.memory_space<vmem_shared>> -> memref<10112x128xf32, #tpu.memory_space<vmem_shared>>
        tpu.wait_indirect_dma semaphore(%run_scoped3A_148 : memref<!tpu.dma_semaphore, #tpu.memory_space<semaphore_mem>>) src(%arg11 : memref<128x128xf32, #tpu.memory_space<vmem>>) dst(%dma_wait3A_160 : memref<10112x128xf32, #tpu.memory_space<vmem_shared>>)
        tpu.yield
      }) : () -> ()
      %dma_start3A_94 = arith.constant 5 : i32
      %dma_start3A_95 = arith.constant 0 : i32
      %dma_start3A_96 = tpu.memref_slice %arg8[%dma_start3A_94, %dma_start3A_95] : memref<8x128xi32, #tpu.memory_space<vmem>> -> memref<1x128xi32, #tpu.memory_space<vmem>>
      %dma_start3A_97 = tpu.memref_squeeze %dma_start3A_96 : memref<1x128xi32, #tpu.memory_space<vmem>> -> memref<128xi32, #tpu.memory_space<vmem>>
      %dma_start3A_98 = arith.constant 0 : i32
      %dma_start3A_99 = arith.constant 0 : i32
      %dma_start3A_100 = tpu.memref_slice %arg2[%dma_start3A_98, %dma_start3A_99] : memref<10000x128xf32, #tpu.memory_space<hbm>> -> memref<10000x128xf32, #tpu.memory_space<hbm>>
      tpu.enqueue_indirect_dma source(%dma_start3A_100 : memref<10000x128xf32, #tpu.memory_space<hbm>>) target(%arg11 : memref<128x128xf32, #tpu.memory_space<vmem>>) offsets(%dma_start3A_97 : memref<128xi32, #tpu.memory_space<vmem>>) semaphore(%arg13 : memref<!tpu.dma_semaphore, #tpu.memory_space<semaphore_mem>>)
      %dma_wait3A_101 = arith.constant 4 : i32
      %dma_wait3A_102 = arith.constant 0 : i32
      %dma_wait3A_103 = tpu.memref_slice %arg8[%dma_wait3A_101, %dma_wait3A_102] : memref<8x128xi32, #tpu.memory_space<vmem>> -> memref<1x128xi32, #tpu.memory_space<vmem>>
      %dma_wait3A_104 = tpu.memref_squeeze %dma_wait3A_103 : memref<1x128xi32, #tpu.memory_space<vmem>> -> memref<128xi32, #tpu.memory_space<vmem>>
      %dma_wait3A_105 = arith.constant 0 : i32
      %dma_wait3A_106 = arith.constant 0 : i32
      %dma_wait3A_107 = tpu.memref_slice %arg2[%dma_wait3A_105, %dma_wait3A_106] : memref<10000x128xf32, #tpu.memory_space<hbm>> -> memref<10000x128xf32, #tpu.memory_space<hbm>>
      tpu.wait_indirect_dma semaphore(%arg12 : memref<!tpu.dma_semaphore, #tpu.memory_space<semaphore_mem>>) src(%dma_wait3A_107 : memref<10000x128xf32, #tpu.memory_space<hbm>>) dst(%arg10 : memref<128x128xf32, #tpu.memory_space<vmem>>)
      %run_scoped3A_108 = arith.constant 4 : i32
      "tpu.region"() ({
        %run_scoped3A_148 = tpu.sem_alloc : memref<!tpu.dma_semaphore, #tpu.memory_space<semaphore_mem>>
        %dma_start3A_149 = arith.constant 0 : i32
        %dma_start3A_150 = tpu.memref_slice %arg9[%run_scoped3A_108, %dma_start3A_149] : memref<8x128xi32, #tpu.memory_space<vmem>> -> memref<1x128xi32, #tpu.memory_space<vmem>>
        %dma_start3A_151 = tpu.memref_squeeze %dma_start3A_150 : memref<1x128xi32, #tpu.memory_space<vmem>> -> memref<128xi32, #tpu.memory_space<vmem>>
        %dma_start3A_152 = arith.constant 0 : i32
        %dma_start3A_153 = arith.constant 0 : i32
        %dma_start3A_154 = tpu.memref_slice %arg7[%dma_start3A_152, %dma_start3A_153] : memref<10112x128xf32, #tpu.memory_space<vmem_shared>> -> memref<10112x128xf32, #tpu.memory_space<vmem_shared>>
        tpu.enqueue_indirect_dma source(%arg10 : memref<128x128xf32, #tpu.memory_space<vmem>>) target(%dma_start3A_154 : memref<10112x128xf32, #tpu.memory_space<vmem_shared>>) offsets(%dma_start3A_151 : memref<128xi32, #tpu.memory_space<vmem>>) semaphore(%run_scoped3A_148 : memref<!tpu.dma_semaphore, #tpu.memory_space<semaphore_mem>>) {add = true}
        %dma_wait3A_155 = arith.constant 0 : i32
        %dma_wait3A_156 = tpu.memref_slice %arg9[%run_scoped3A_108, %dma_wait3A_155] : memref<8x128xi32, #tpu.memory_space<vmem>> -> memref<1x128xi32, #tpu.memory_space<vmem>>
        %dma_wait3A_157 = tpu.memref_squeeze %dma_wait3A_156 : memref<1x128xi32, #tpu.memory_space<vmem>> -> memref<128xi32, #tpu.memory_space<vmem>>
        %dma_wait3A_158 = arith.constant 0 : i32
        %dma_wait3A_159 = arith.constant 0 : i32
        %dma_wait3A_160 = tpu.memref_slice %arg7[%dma_wait3A_158, %dma_wait3A_159] : memref<10112x128xf32, #tpu.memory_space<vmem_shared>> -> memref<10112x128xf32, #tpu.memory_space<vmem_shared>>
        tpu.wait_indirect_dma semaphore(%run_scoped3A_148 : memref<!tpu.dma_semaphore, #tpu.memory_space<semaphore_mem>>) src(%arg10 : memref<128x128xf32, #tpu.memory_space<vmem>>) dst(%dma_wait3A_160 : memref<10112x128xf32, #tpu.memory_space<vmem_shared>>)
        tpu.yield
      }) : () -> ()
      %dma_start3A_109 = arith.constant 6 : i32
      %dma_start3A_110 = arith.constant 0 : i32
      %dma_start3A_111 = tpu.memref_slice %arg8[%dma_start3A_109, %dma_start3A_110] : memref<8x128xi32, #tpu.memory_space<vmem>> -> memref<1x128xi32, #tpu.memory_space<vmem>>
      %dma_start3A_112 = tpu.memref_squeeze %dma_start3A_111 : memref<1x128xi32, #tpu.memory_space<vmem>> -> memref<128xi32, #tpu.memory_space<vmem>>
      %dma_start3A_113 = arith.constant 0 : i32
      %dma_start3A_114 = arith.constant 0 : i32
      %dma_start3A_115 = tpu.memref_slice %arg2[%dma_start3A_113, %dma_start3A_114] : memref<10000x128xf32, #tpu.memory_space<hbm>> -> memref<10000x128xf32, #tpu.memory_space<hbm>>
      tpu.enqueue_indirect_dma source(%dma_start3A_115 : memref<10000x128xf32, #tpu.memory_space<hbm>>) target(%arg10 : memref<128x128xf32, #tpu.memory_space<vmem>>) offsets(%dma_start3A_112 : memref<128xi32, #tpu.memory_space<vmem>>) semaphore(%arg12 : memref<!tpu.dma_semaphore, #tpu.memory_space<semaphore_mem>>)
      %dma_wait3A_116 = arith.constant 5 : i32
      %dma_wait3A_117 = arith.constant 0 : i32
      %dma_wait3A_118 = tpu.memref_slice %arg8[%dma_wait3A_116, %dma_wait3A_117] : memref<8x128xi32, #tpu.memory_space<vmem>> -> memref<1x128xi32, #tpu.memory_space<vmem>>
      %dma_wait3A_119 = tpu.memref_squeeze %dma_wait3A_118 : memref<1x128xi32, #tpu.memory_space<vmem>> -> memref<128xi32, #tpu.memory_space<vmem>>
      %dma_wait3A_120 = arith.constant 0 : i32
      %dma_wait3A_121 = arith.constant 0 : i32
      %dma_wait3A_122 = tpu.memref_slice %arg2[%dma_wait3A_120, %dma_wait3A_121] : memref<10000x128xf32, #tpu.memory_space<hbm>> -> memref<10000x128xf32, #tpu.memory_space<hbm>>
      tpu.wait_indirect_dma semaphore(%arg13 : memref<!tpu.dma_semaphore, #tpu.memory_space<semaphore_mem>>) src(%dma_wait3A_122 : memref<10000x128xf32, #tpu.memory_space<hbm>>) dst(%arg11 : memref<128x128xf32, #tpu.memory_space<vmem>>)
      %run_scoped3A_123 = arith.constant 5 : i32
      "tpu.region"() ({
        %run_scoped3A_148 = tpu.sem_alloc : memref<!tpu.dma_semaphore, #tpu.memory_space<semaphore_mem>>
        %dma_start3A_149 = arith.constant 0 : i32
        %dma_start3A_150 = tpu.memref_slice %arg9[%run_scoped3A_123, %dma_start3A_149] : memref<8x128xi32, #tpu.memory_space<vmem>> -> memref<1x128xi32, #tpu.memory_space<vmem>>
        %dma_start3A_151 = tpu.memref_squeeze %dma_start3A_150 : memref<1x128xi32, #tpu.memory_space<vmem>> -> memref<128xi32, #tpu.memory_space<vmem>>
        %dma_start3A_152 = arith.constant 0 : i32
        %dma_start3A_153 = arith.constant 0 : i32
        %dma_start3A_154 = tpu.memref_slice %arg7[%dma_start3A_152, %dma_start3A_153] : memref<10112x128xf32, #tpu.memory_space<vmem_shared>> -> memref<10112x128xf32, #tpu.memory_space<vmem_shared>>
        tpu.enqueue_indirect_dma source(%arg11 : memref<128x128xf32, #tpu.memory_space<vmem>>) target(%dma_start3A_154 : memref<10112x128xf32, #tpu.memory_space<vmem_shared>>) offsets(%dma_start3A_151 : memref<128xi32, #tpu.memory_space<vmem>>) semaphore(%run_scoped3A_148 : memref<!tpu.dma_semaphore, #tpu.memory_space<semaphore_mem>>) {add = true}
        %dma_wait3A_155 = arith.constant 0 : i32
        %dma_wait3A_156 = tpu.memref_slice %arg9[%run_scoped3A_123, %dma_wait3A_155] : memref<8x128xi32, #tpu.memory_space<vmem>> -> memref<1x128xi32, #tpu.memory_space<vmem>>
        %dma_wait3A_157 = tpu.memref_squeeze %dma_wait3A_156 : memref<1x128xi32, #tpu.memory_space<vmem>> -> memref<128xi32, #tpu.memory_space<vmem>>
        %dma_wait3A_158 = arith.constant 0 : i32
        %dma_wait3A_159 = arith.constant 0 : i32
        %dma_wait3A_160 = tpu.memref_slice %arg7[%dma_wait3A_158, %dma_wait3A_159] : memref<10112x128xf32, #tpu.memory_space<vmem_shared>> -> memref<10112x128xf32, #tpu.memory_space<vmem_shared>>
        tpu.wait_indirect_dma semaphore(%run_scoped3A_148 : memref<!tpu.dma_semaphore, #tpu.memory_space<semaphore_mem>>) src(%arg11 : memref<128x128xf32, #tpu.memory_space<vmem>>) dst(%dma_wait3A_160 : memref<10112x128xf32, #tpu.memory_space<vmem_shared>>)
        tpu.yield
      }) : () -> ()
      %dma_start3A_124 = arith.constant 7 : i32
      %dma_start3A_125 = arith.constant 0 : i32
      %dma_start3A_126 = tpu.memref_slice %arg8[%dma_start3A_124, %dma_start3A_125] : memref<8x128xi32, #tpu.memory_space<vmem>> -> memref<1x128xi32, #tpu.memory_space<vmem>>
      %dma_start3A_127 = tpu.memref_squeeze %dma_start3A_126 : memref<1x128xi32, #tpu.memory_space<vmem>> -> memref<128xi32, #tpu.memory_space<vmem>>
      %dma_start3A_128 = arith.constant 0 : i32
      %dma_start3A_129 = arith.constant 0 : i32
      %dma_start3A_130 = tpu.memref_slice %arg2[%dma_start3A_128, %dma_start3A_129] : memref<10000x128xf32, #tpu.memory_space<hbm>> -> memref<10000x128xf32, #tpu.memory_space<hbm>>
      tpu.enqueue_indirect_dma source(%dma_start3A_130 : memref<10000x128xf32, #tpu.memory_space<hbm>>) target(%arg11 : memref<128x128xf32, #tpu.memory_space<vmem>>) offsets(%dma_start3A_127 : memref<128xi32, #tpu.memory_space<vmem>>) semaphore(%arg13 : memref<!tpu.dma_semaphore, #tpu.memory_space<semaphore_mem>>)
      %dma_wait3A_131 = arith.constant 6 : i32
      %dma_wait3A_132 = arith.constant 0 : i32
      %dma_wait3A_133 = tpu.memref_slice %arg8[%dma_wait3A_131, %dma_wait3A_132] : memref<8x128xi32, #tpu.memory_space<vmem>> -> memref<1x128xi32, #tpu.memory_space<vmem>>
      %dma_wait3A_134 = tpu.memref_squeeze %dma_wait3A_133 : memref<1x128xi32, #tpu.memory_space<vmem>> -> memref<128xi32, #tpu.memory_space<vmem>>
      %dma_wait3A_135 = arith.constant 0 : i32
      %dma_wait3A_136 = arith.constant 0 : i32
      %dma_wait3A_137 = tpu.memref_slice %arg2[%dma_wait3A_135, %dma_wait3A_136] : memref<10000x128xf32, #tpu.memory_space<hbm>> -> memref<10000x128xf32, #tpu.memory_space<hbm>>
      tpu.wait_indirect_dma semaphore(%arg12 : memref<!tpu.dma_semaphore, #tpu.memory_space<semaphore_mem>>) src(%dma_wait3A_137 : memref<10000x128xf32, #tpu.memory_space<hbm>>) dst(%arg10 : memref<128x128xf32, #tpu.memory_space<vmem>>)
      %run_scoped3A_138 = arith.constant 6 : i32
      "tpu.region"() ({
        %run_scoped3A_148 = tpu.sem_alloc : memref<!tpu.dma_semaphore, #tpu.memory_space<semaphore_mem>>
        %dma_start3A_149 = arith.constant 0 : i32
        %dma_start3A_150 = tpu.memref_slice %arg9[%run_scoped3A_138, %dma_start3A_149] : memref<8x128xi32, #tpu.memory_space<vmem>> -> memref<1x128xi32, #tpu.memory_space<vmem>>
        %dma_start3A_151 = tpu.memref_squeeze %dma_start3A_150 : memref<1x128xi32, #tpu.memory_space<vmem>> -> memref<128xi32, #tpu.memory_space<vmem>>
        %dma_start3A_152 = arith.constant 0 : i32
        %dma_start3A_153 = arith.constant 0 : i32
        %dma_start3A_154 = tpu.memref_slice %arg7[%dma_start3A_152, %dma_start3A_153] : memref<10112x128xf32, #tpu.memory_space<vmem_shared>> -> memref<10112x128xf32, #tpu.memory_space<vmem_shared>>
        tpu.enqueue_indirect_dma source(%arg10 : memref<128x128xf32, #tpu.memory_space<vmem>>) target(%dma_start3A_154 : memref<10112x128xf32, #tpu.memory_space<vmem_shared>>) offsets(%dma_start3A_151 : memref<128xi32, #tpu.memory_space<vmem>>) semaphore(%run_scoped3A_148 : memref<!tpu.dma_semaphore, #tpu.memory_space<semaphore_mem>>) {add = true}
        %dma_wait3A_155 = arith.constant 0 : i32
        %dma_wait3A_156 = tpu.memref_slice %arg9[%run_scoped3A_138, %dma_wait3A_155] : memref<8x128xi32, #tpu.memory_space<vmem>> -> memref<1x128xi32, #tpu.memory_space<vmem>>
        %dma_wait3A_157 = tpu.memref_squeeze %dma_wait3A_156 : memref<1x128xi32, #tpu.memory_space<vmem>> -> memref<128xi32, #tpu.memory_space<vmem>>
        %dma_wait3A_158 = arith.constant 0 : i32
        %dma_wait3A_159 = arith.constant 0 : i32
        %dma_wait3A_160 = tpu.memref_slice %arg7[%dma_wait3A_158, %dma_wait3A_159] : memref<10112x128xf32, #tpu.memory_space<vmem_shared>> -> memref<10112x128xf32, #tpu.memory_space<vmem_shared>>
        tpu.wait_indirect_dma semaphore(%run_scoped3A_148 : memref<!tpu.dma_semaphore, #tpu.memory_space<semaphore_mem>>) src(%arg10 : memref<128x128xf32, #tpu.memory_space<vmem>>) dst(%dma_wait3A_160 : memref<10112x128xf32, #tpu.memory_space<vmem_shared>>)
        tpu.yield
      }) : () -> ()
      %dma_wait3A_139 = arith.constant 7 : i32
      %dma_wait3A_140 = arith.constant 0 : i32
      %dma_wait3A_141 = tpu.memref_slice %arg8[%dma_wait3A_139, %dma_wait3A_140] : memref<8x128xi32, #tpu.memory_space<vmem>> -> memref<1x128xi32, #tpu.memory_space<vmem>>
      %dma_wait3A_142 = tpu.memref_squeeze %dma_wait3A_141 : memref<1x128xi32, #tpu.memory_space<vmem>> -> memref<128xi32, #tpu.memory_space<vmem>>
      %dma_wait3A_143 = arith.constant 0 : i32
      %dma_wait3A_144 = arith.constant 0 : i32
      %dma_wait3A_145 = tpu.memref_slice %arg2[%dma_wait3A_143, %dma_wait3A_144] : memref<10000x128xf32, #tpu.memory_space<hbm>> -> memref<10000x128xf32, #tpu.memory_space<hbm>>
      tpu.wait_indirect_dma semaphore(%arg13 : memref<!tpu.dma_semaphore, #tpu.memory_space<semaphore_mem>>) src(%dma_wait3A_145 : memref<10000x128xf32, #tpu.memory_space<hbm>>) dst(%arg11 : memref<128x128xf32, #tpu.memory_space<vmem>>)
      %run_scoped3A_146 = arith.constant 7 : i32
      "tpu.region"() ({
        %run_scoped3A_148 = tpu.sem_alloc : memref<!tpu.dma_semaphore, #tpu.memory_space<semaphore_mem>>
        %dma_start3A_149 = arith.constant 0 : i32
        %dma_start3A_150 = tpu.memref_slice %arg9[%run_scoped3A_146, %dma_start3A_149] : memref<8x128xi32, #tpu.memory_space<vmem>> -> memref<1x128xi32, #tpu.memory_space<vmem>>
        %dma_start3A_151 = tpu.memref_squeeze %dma_start3A_150 : memref<1x128xi32, #tpu.memory_space<vmem>> -> memref<128xi32, #tpu.memory_space<vmem>>
        %dma_start3A_152 = arith.constant 0 : i32
        %dma_start3A_153 = arith.constant 0 : i32
        %dma_start3A_154 = tpu.memref_slice %arg7[%dma_start3A_152, %dma_start3A_153] : memref<10112x128xf32, #tpu.memory_space<vmem_shared>> -> memref<10112x128xf32, #tpu.memory_space<vmem_shared>>
        tpu.enqueue_indirect_dma source(%arg11 : memref<128x128xf32, #tpu.memory_space<vmem>>) target(%dma_start3A_154 : memref<10112x128xf32, #tpu.memory_space<vmem_shared>>) offsets(%dma_start3A_151 : memref<128xi32, #tpu.memory_space<vmem>>) semaphore(%run_scoped3A_148 : memref<!tpu.dma_semaphore, #tpu.memory_space<semaphore_mem>>) {add = true}
        %dma_wait3A_155 = arith.constant 0 : i32
        %dma_wait3A_156 = tpu.memref_slice %arg9[%run_scoped3A_146, %dma_wait3A_155] : memref<8x128xi32, #tpu.memory_space<vmem>> -> memref<1x128xi32, #tpu.memory_space<vmem>>
        %dma_wait3A_157 = tpu.memref_squeeze %dma_wait3A_156 : memref<1x128xi32, #tpu.memory_space<vmem>> -> memref<128xi32, #tpu.memory_space<vmem>>
        %dma_wait3A_158 = arith.constant 0 : i32
        %dma_wait3A_159 = arith.constant 0 : i32
        %dma_wait3A_160 = tpu.memref_slice %arg7[%dma_wait3A_158, %dma_wait3A_159] : memref<10112x128xf32, #tpu.memory_space<vmem_shared>> -> memref<10112x128xf32, #tpu.memory_space<vmem_shared>>
        tpu.wait_indirect_dma semaphore(%run_scoped3A_148 : memref<!tpu.dma_semaphore, #tpu.memory_space<semaphore_mem>>) src(%arg11 : memref<128x128xf32, #tpu.memory_space<vmem>>) dst(%dma_wait3A_160 : memref<10112x128xf32, #tpu.memory_space<vmem_shared>>)
        tpu.yield
      }) : () -> ()
      %while3A_147 = arith.constant 0 : i32
      scf.yield %while3A_147 : i32
    }
    %barrier3A_24 = arith.constant 0 : index
    tpu.barrier barrier_id(%barrier3A_24)
    "tpu.region"() ({
      %run_scoped3A = tpu.sem_alloc : memref<!tpu.dma_semaphore, #tpu.memory_space<semaphore_mem>>
      %dma_start3A = arith.constant 0 : i32
      %dma_start3A_25 = tpu.memref_slice %arg6[%arg0, %mul3A_0, %dma_start3A] : memref<2x10112x128xf32, #tpu.memory_space<hbm>> -> memref<1x632x128xf32, #tpu.memory_space<hbm>>
      %dma_start3A_26 = tpu.memref_squeeze %dma_start3A_25 : memref<1x632x128xf32, #tpu.memory_space<hbm>> -> memref<632x128xf32, #tpu.memory_space<hbm>>
      %dma_start3A_27 = arith.constant 0 : i32
      %dma_start3A_28 = tpu.memref_slice %arg7[%mul3A_0, %dma_start3A_27] : memref<10112x128xf32, #tpu.memory_space<vmem_shared>> -> memref<632x128xf32, #tpu.memory_space<vmem_shared>>
      tpu.enqueue_dma source(%dma_start3A_28 : memref<632x128xf32, #tpu.memory_space<vmem_shared>>) target(%dma_start3A_26 : memref<632x128xf32, #tpu.memory_space<hbm>>) target_semaphore(%run_scoped3A : memref<!tpu.dma_semaphore, #tpu.memory_space<semaphore_mem>>)
      %dma_wait3A = arith.constant 0 : i32
      %dma_wait3A_29 = tpu.memref_slice %arg6[%arg0, %mul3A_0, %dma_wait3A] : memref<2x10112x128xf32, #tpu.memory_space<hbm>> -> memref<1x632x128xf32, #tpu.memory_space<hbm>>
      %dma_wait3A_30 = tpu.memref_squeeze %dma_wait3A_29 : memref<1x632x128xf32, #tpu.memory_space<hbm>> -> memref<632x128xf32, #tpu.memory_space<hbm>>
      %dma_wait3A_31 = arith.constant 0 : i32
      %dma_wait3A_32 = tpu.memref_slice %arg7[%mul3A_0, %dma_wait3A_31] : memref<10112x128xf32, #tpu.memory_space<vmem_shared>> -> memref<632x128xf32, #tpu.memory_space<vmem_shared>>
      tpu.wait_dma2 semaphore(%run_scoped3A : memref<!tpu.dma_semaphore, #tpu.memory_space<semaphore_mem>>) src(%dma_wait3A_32 : memref<632x128xf32, #tpu.memory_space<vmem_shared>>) dst(%dma_wait3A_30 : memref<632x128xf32, #tpu.memory_space<hbm>>)
      tpu.yield
    }) : () -> ()
    return
  }
}

#map = affine_map<(d0, d1) -> (0, 0)>
#map1 = affine_map<(d0, d1) -> (0, 0, 0)>
module attributes {stable_mosaic.version = 14 : i64} {
  func.func @agg(%arg0: i32, %arg1: i32, %arg2: memref<10000x128xf32, #tpu.memory_space<hbm>>, %arg3: memref<2560x128xi32, #tpu.memory_space<hbm>>, %arg4: memref<2560x128xi32, #tpu.memory_space<hbm>>, %arg5: memref<10112x128xf32, #tpu.memory_space<hbm>>, %arg6: memref<2x10112x128xf32, #tpu.memory_space<hbm>>, %arg7: memref<10112x128xf32, #tpu.memory_space<vmem_shared>>, %arg8: memref<8x128xi32, #tpu.memory_space<vmem>>, %arg9: memref<8x128xi32, #tpu.memory_space<vmem>>, %arg10: memref<128x128xf32, #tpu.memory_space<vmem>>, %arg11: memref<128x128xf32, #tpu.memory_space<vmem>>, %arg12: memref<!tpu.dma_semaphore, #tpu.memory_space<semaphore_mem>>, %arg13: memref<!tpu.dma_semaphore, #tpu.memory_space<semaphore_mem>>) attributes {dimension_semantics = [#tpu.dimension_semantics<core_parallel>, #tpu.dimension_semantics<subcore_parallel>], iteration_bounds = array<i64: 2, 16>, scalar_prefetch = 0 : i64, scratch_operands = 7 : i64, tpu.core_type = #tpu.core_type<sc_vector_subcore>, window_params = [{transform_indices = #map}, {transform_indices = #map}, {transform_indices = #map}, {transform_indices = #map}, {transform_indices = #map1}]} {
    %mul3A = arith.constant 632 : i32
    %mul3A_0 = arith.muli %arg1, %mul3A : i32
    "tpu.region"() ({
      %run_scoped3A = tpu.sem_alloc : memref<!tpu.dma_semaphore, #tpu.memory_space<semaphore_mem>>
      %dma_start3A = arith.constant 0 : i32
      %dma_start3A_25 = tpu.memref_slice %arg7[%mul3A_0, %dma_start3A] : memref<10112x128xf32, #tpu.memory_space<vmem_shared>> -> memref<632x128xf32, #tpu.memory_space<vmem_shared>>
      %dma_start3A_26 = arith.constant 0 : i32
      %dma_start3A_27 = tpu.memref_slice %arg5[%mul3A_0, %dma_start3A_26] : memref<10112x128xf32, #tpu.memory_space<hbm>> -> memref<632x128xf32, #tpu.memory_space<hbm>>
      tpu.enqueue_dma source(%dma_start3A_27 : memref<632x128xf32, #tpu.memory_space<hbm>>) target(%dma_start3A_25 : memref<632x128xf32, #tpu.memory_space<vmem_shared>>) target_semaphore(%run_scoped3A : memref<!tpu.dma_semaphore, #tpu.memory_space<semaphore_mem>>)
      %dma_wait3A = arith.constant 0 : i32
      %dma_wait3A_28 = tpu.memref_slice %arg7[%mul3A_0, %dma_wait3A] : memref<10112x128xf32, #tpu.memory_space<vmem_shared>> -> memref<632x128xf32, #tpu.memory_space<vmem_shared>>
      %dma_wait3A_29 = arith.constant 0 : i32
      %dma_wait3A_30 = tpu.memref_slice %arg5[%mul3A_0, %dma_wait3A_29] : memref<10112x128xf32, #tpu.memory_space<hbm>> -> memref<632x128xf32, #tpu.memory_space<hbm>>
      tpu.wait_dma2 semaphore(%run_scoped3A : memref<!tpu.dma_semaphore, #tpu.memory_space<semaphore_mem>>) src(%dma_wait3A_30 : memref<632x128xf32, #tpu.memory_space<hbm>>) dst(%dma_wait3A_28 : memref<632x128xf32, #tpu.memory_space<vmem_shared>>)
      tpu.yield
    }) : () -> ()
    %barrier3A = arith.constant 0 : index
    tpu.barrier barrier_id(%barrier3A)
    %eq3A = arith.constant 0 : i32
    %eq3A_1 = arith.cmpi eq, %arg0, %eq3A : i32
    %mul3A_2 = arith.constant 20 : i32
    %mul3A_3 = arith.muli %arg1, %mul3A_2 : i32
    %mul3A_4 = arith.constant 0 : i32
    %mul3A_5 = arith.muli %arg1, %mul3A_4 : i32
    %add3A = arith.constant 320 : i32
    %add3A_6 = arith.addi %add3A, %mul3A_5 : i32
    %select_n3A = arith.select %eq3A_1, %mul3A_3, %add3A_6 : i32
    %mul3A_7 = arith.constant 8 : i32
    %mul3A_8 = arith.muli %select_n3A, %mul3A_7 : i32
    %eq3A_9 = arith.constant 0 : i32
    %eq3A_10 = arith.cmpi eq, %arg0, %eq3A_9 : i32
    %jit3A = arith.constant 20 : i32
    %jit3A_11 = arith.constant 0 : i32
    %select_n3A_12 = arith.select %eq3A_10, %jit3A, %jit3A_11 : i32
    %while3A = arith.constant 0 : i32
    %while3A_13 = arith.constant 0 : i32
    %while3A_14 = arith.subi %select_n3A_12, %while3A : i32
    %while3A_15 = arith.addi %while3A, %while3A_14 : i32
    %while3A_16 = arith.constant 1 : i32
    %while3A_17 = arith.divsi %while3A_14, %while3A_16 : i32
    %while3A_18 = arith.muli %while3A_17, %while3A_16 : i32
    %while3A_19 = arith.addi %while3A, %while3A_18 : i32
    %while3A_20 = arith.constant 1 : i32
    %while3A_21 = scf.for %while3A_25 = %while3A to %while3A_19 step %while3A_20 iter_args(%while3A_26 = %while3A_13) -> (i32)  : i32 {
      %mul3A_27 = arith.constant 8 : i32
      %mul3A_28 = arith.muli %while3A_25, %mul3A_27 : i32
      %add3A_29 = arith.addi %mul3A_8, %mul3A_28 : i32
      "tpu.region"() ({
        %run_scoped3A_148 = tpu.sem_alloc : memref<!tpu.dma_semaphore, #tpu.memory_space<semaphore_mem>>
        %dma_start3A_149 = arith.constant 0 : i32
        %dma_start3A_150 = tpu.memref_slice %arg3[%add3A_29, %dma_start3A_149] : memref<2560x128xi32, #tpu.memory_space<hbm>> -> memref<8x128xi32, #tpu.memory_space<hbm>>
        %dma_start3A_151 = arith.constant 0 : i32
        %dma_start3A_152 = tpu.memref_slice %arg3[%add3A_29, %dma_start3A_151] : memref<2560x128xi32, #tpu.memory_space<hbm>> -> memref<8x128xi32, #tpu.memory_space<hbm>>
        tpu.enqueue_dma source(%dma_start3A_152 : memref<8x128xi32, #tpu.memory_space<hbm>>) target(%arg8 : memref<8x128xi32, #tpu.memory_space<vmem>>) target_semaphore(%run_scoped3A_148 : memref<!tpu.dma_semaphore, #tpu.memory_space<semaphore_mem>>)
        %dma_wait3A_153 = arith.constant 0 : i32
        %dma_wait3A_154 = tpu.memref_slice %arg3[%add3A_29, %dma_wait3A_153] : memref<2560x128xi32, #tpu.memory_space<hbm>> -> memref<8x128xi32, #tpu.memory_space<hbm>>
        %dma_wait3A_155 = arith.constant 0 : i32
        %dma_wait3A_156 = tpu.memref_slice %arg3[%add3A_29, %dma_wait3A_155] : memref<2560x128xi32, #tpu.memory_space<hbm>> -> memref<8x128xi32, #tpu.memory_space<hbm>>
        tpu.wait_dma2 semaphore(%run_scoped3A_148 : memref<!tpu.dma_semaphore, #tpu.memory_space<semaphore_mem>>) src(%dma_wait3A_156 : memref<8x128xi32, #tpu.memory_space<hbm>>) dst(%arg8 : memref<8x128xi32, #tpu.memory_space<vmem>>)
        tpu.yield
      }) : () -> ()
      "tpu.region"() ({
        %run_scoped3A_148 = tpu.sem_alloc : memref<!tpu.dma_semaphore, #tpu.memory_space<semaphore_mem>>
        %dma_start3A_149 = arith.constant 0 : i32
        %dma_start3A_150 = tpu.memref_slice %arg4[%add3A_29, %dma_start3A_149] : memref<2560x128xi32, #tpu.memory_space<hbm>> -> memref<8x128xi32, #tpu.memory_space<hbm>>
        %dma_start3A_151 = arith.constant 0 : i32
        %dma_start3A_152 = tpu.memref_slice %arg4[%add3A_29, %dma_start3A_151] : memref<2560x128xi32, #tpu.memory_space<hbm>> -> memref<8x128xi32, #tpu.memory_space<hbm>>
        tpu.enqueue_dma source(%dma_start3A_152 : memref<8x128xi32, #tpu.memory_space<hbm>>) target(%arg9 : memref<8x128xi32, #tpu.memory_space<vmem>>) target_semaphore(%run_scoped3A_148 : memref<!tpu.dma_semaphore, #tpu.memory_space<semaphore_mem>>)
        %dma_wait3A_153 = arith.constant 0 : i32
        %dma_wait3A_154 = tpu.memref_slice %arg4[%add3A_29, %dma_wait3A_153] : memref<2560x128xi32, #tpu.memory_space<hbm>> -> memref<8x128xi32, #tpu.memory_space<hbm>>
        %dma_wait3A_155 = arith.constant 0 : i32
        %dma_wait3A_156 = tpu.memref_slice %arg4[%add3A_29, %dma_wait3A_155] : memref<2560x128xi32, #tpu.memory_space<hbm>> -> memref<8x128xi32, #tpu.memory_space<hbm>>
        tpu.wait_dma2 semaphore(%run_scoped3A_148 : memref<!tpu.dma_semaphore, #tpu.memory_space<semaphore_mem>>) src(%dma_wait3A_156 : memref<8x128xi32, #tpu.memory_space<hbm>>) dst(%arg9 : memref<8x128xi32, #tpu.memory_space<vmem>>)
        tpu.yield
      }) : () -> ()
      %dma_start3A = arith.constant 0 : i32
      %dma_start3A_30 = arith.constant 0 : i32
      %dma_start3A_31 = tpu.memref_slice %arg8[%dma_start3A, %dma_start3A_30] : memref<8x128xi32, #tpu.memory_space<vmem>> -> memref<1x128xi32, #tpu.memory_space<vmem>>
      %dma_start3A_32 = tpu.memref_squeeze %dma_start3A_31 : memref<1x128xi32, #tpu.memory_space<vmem>> -> memref<128xi32, #tpu.memory_space<vmem>>
      %dma_start3A_33 = arith.constant 0 : i32
      %dma_start3A_34 = arith.constant 0 : i32
      %dma_start3A_35 = tpu.memref_slice %arg2[%dma_start3A_33, %dma_start3A_34] : memref<10000x128xf32, #tpu.memory_space<hbm>> -> memref<10000x128xf32, #tpu.memory_space<hbm>>
      tpu.enqueue_indirect_dma source(%dma_start3A_35 : memref<10000x128xf32, #tpu.memory_space<hbm>>) target(%arg10 : memref<128x128xf32, #tpu.memory_space<vmem>>) offsets(%dma_start3A_32 : memref<128xi32, #tpu.memory_space<vmem>>) semaphore(%arg12 : memref<!tpu.dma_semaphore, #tpu.memory_space<semaphore_mem>>)
      %dma_start3A_36 = arith.constant 1 : i32
      %dma_start3A_37 = arith.constant 0 : i32
      %dma_start3A_38 = tpu.memref_slice %arg8[%dma_start3A_36, %dma_start3A_37] : memref<8x128xi32, #tpu.memory_space<vmem>> -> memref<1x128xi32, #tpu.memory_space<vmem>>
      %dma_start3A_39 = tpu.memref_squeeze %dma_start3A_38 : memref<1x128xi32, #tpu.memory_space<vmem>> -> memref<128xi32, #tpu.memory_space<vmem>>
      %dma_start3A_40 = arith.constant 0 : i32
      %dma_start3A_41 = arith.constant 0 : i32
      %dma_start3A_42 = tpu.memref_slice %arg2[%dma_start3A_40, %dma_start3A_41] : memref<10000x128xf32, #tpu.memory_space<hbm>> -> memref<10000x128xf32, #tpu.memory_space<hbm>>
      tpu.enqueue_indirect_dma source(%dma_start3A_42 : memref<10000x128xf32, #tpu.memory_space<hbm>>) target(%arg11 : memref<128x128xf32, #tpu.memory_space<vmem>>) offsets(%dma_start3A_39 : memref<128xi32, #tpu.memory_space<vmem>>) semaphore(%arg13 : memref<!tpu.dma_semaphore, #tpu.memory_space<semaphore_mem>>)
      %dma_wait3A = arith.constant 0 : i32
      %dma_wait3A_43 = arith.constant 0 : i32
      %dma_wait3A_44 = tpu.memref_slice %arg8[%dma_wait3A, %dma_wait3A_43] : memref<8x128xi32, #tpu.memory_space<vmem>> -> memref<1x128xi32, #tpu.memory_space<vmem>>
      %dma_wait3A_45 = tpu.memref_squeeze %dma_wait3A_44 : memref<1x128xi32, #tpu.memory_space<vmem>> -> memref<128xi32, #tpu.memory_space<vmem>>
      %dma_wait3A_46 = arith.constant 0 : i32
      %dma_wait3A_47 = arith.constant 0 : i32
      %dma_wait3A_48 = tpu.memref_slice %arg2[%dma_wait3A_46, %dma_wait3A_47] : memref<10000x128xf32, #tpu.memory_space<hbm>> -> memref<10000x128xf32, #tpu.memory_space<hbm>>
      tpu.wait_indirect_dma semaphore(%arg12 : memref<!tpu.dma_semaphore, #tpu.memory_space<semaphore_mem>>) src(%dma_wait3A_48 : memref<10000x128xf32, #tpu.memory_space<hbm>>) dst(%arg10 : memref<128x128xf32, #tpu.memory_space<vmem>>)
      %run_scoped3A = arith.constant 0 : i32
      "tpu.region"() ({
        %run_scoped3A_148 = tpu.sem_alloc : memref<!tpu.dma_semaphore, #tpu.memory_space<semaphore_mem>>
        %dma_start3A_149 = arith.constant 0 : i32
        %dma_start3A_150 = tpu.memref_slice %arg9[%run_scoped3A, %dma_start3A_149] : memref<8x128xi32, #tpu.memory_space<vmem>> -> memref<1x128xi32, #tpu.memory_space<vmem>>
        %dma_start3A_151 = tpu.memref_squeeze %dma_start3A_150 : memref<1x128xi32, #tpu.memory_space<vmem>> -> memref<128xi32, #tpu.memory_space<vmem>>
        %dma_start3A_152 = arith.constant 0 : i32
        %dma_start3A_153 = arith.constant 0 : i32
        %dma_start3A_154 = tpu.memref_slice %arg7[%dma_start3A_152, %dma_start3A_153] : memref<10112x128xf32, #tpu.memory_space<vmem_shared>> -> memref<10112x128xf32, #tpu.memory_space<vmem_shared>>
        tpu.enqueue_indirect_dma source(%arg10 : memref<128x128xf32, #tpu.memory_space<vmem>>) target(%dma_start3A_154 : memref<10112x128xf32, #tpu.memory_space<vmem_shared>>) offsets(%dma_start3A_151 : memref<128xi32, #tpu.memory_space<vmem>>) semaphore(%run_scoped3A_148 : memref<!tpu.dma_semaphore, #tpu.memory_space<semaphore_mem>>) {add = true}
        %dma_wait3A_155 = arith.constant 0 : i32
        %dma_wait3A_156 = tpu.memref_slice %arg9[%run_scoped3A, %dma_wait3A_155] : memref<8x128xi32, #tpu.memory_space<vmem>> -> memref<1x128xi32, #tpu.memory_space<vmem>>
        %dma_wait3A_157 = tpu.memref_squeeze %dma_wait3A_156 : memref<1x128xi32, #tpu.memory_space<vmem>> -> memref<128xi32, #tpu.memory_space<vmem>>
        %dma_wait3A_158 = arith.constant 0 : i32
        %dma_wait3A_159 = arith.constant 0 : i32
        %dma_wait3A_160 = tpu.memref_slice %arg7[%dma_wait3A_158, %dma_wait3A_159] : memref<10112x128xf32, #tpu.memory_space<vmem_shared>> -> memref<10112x128xf32, #tpu.memory_space<vmem_shared>>
        tpu.wait_indirect_dma semaphore(%run_scoped3A_148 : memref<!tpu.dma_semaphore, #tpu.memory_space<semaphore_mem>>) src(%arg10 : memref<128x128xf32, #tpu.memory_space<vmem>>) dst(%dma_wait3A_160 : memref<10112x128xf32, #tpu.memory_space<vmem_shared>>)
        tpu.yield
      }) : () -> ()
      %dma_start3A_49 = arith.constant 2 : i32
      %dma_start3A_50 = arith.constant 0 : i32
      %dma_start3A_51 = tpu.memref_slice %arg8[%dma_start3A_49, %dma_start3A_50] : memref<8x128xi32, #tpu.memory_space<vmem>> -> memref<1x128xi32, #tpu.memory_space<vmem>>
      %dma_start3A_52 = tpu.memref_squeeze %dma_start3A_51 : memref<1x128xi32, #tpu.memory_space<vmem>> -> memref<128xi32, #tpu.memory_space<vmem>>
      %dma_start3A_53 = arith.constant 0 : i32
      %dma_start3A_54 = arith.constant 0 : i32
      %dma_start3A_55 = tpu.memref_slice %arg2[%dma_start3A_53, %dma_start3A_54] : memref<10000x128xf32, #tpu.memory_space<hbm>> -> memref<10000x128xf32, #tpu.memory_space<hbm>>
      tpu.enqueue_indirect_dma source(%dma_start3A_55 : memref<10000x128xf32, #tpu.memory_space<hbm>>) target(%arg10 : memref<128x128xf32, #tpu.memory_space<vmem>>) offsets(%dma_start3A_52 : memref<128xi32, #tpu.memory_space<vmem>>) semaphore(%arg12 : memref<!tpu.dma_semaphore, #tpu.memory_space<semaphore_mem>>)
      %dma_wait3A_56 = arith.constant 1 : i32
      %dma_wait3A_57 = arith.constant 0 : i32
      %dma_wait3A_58 = tpu.memref_slice %arg8[%dma_wait3A_56, %dma_wait3A_57] : memref<8x128xi32, #tpu.memory_space<vmem>> -> memref<1x128xi32, #tpu.memory_space<vmem>>
      %dma_wait3A_59 = tpu.memref_squeeze %dma_wait3A_58 : memref<1x128xi32, #tpu.memory_space<vmem>> -> memref<128xi32, #tpu.memory_space<vmem>>
      %dma_wait3A_60 = arith.constant 0 : i32
      %dma_wait3A_61 = arith.constant 0 : i32
      %dma_wait3A_62 = tpu.memref_slice %arg2[%dma_wait3A_60, %dma_wait3A_61] : memref<10000x128xf32, #tpu.memory_space<hbm>> -> memref<10000x128xf32, #tpu.memory_space<hbm>>
      tpu.wait_indirect_dma semaphore(%arg13 : memref<!tpu.dma_semaphore, #tpu.memory_space<semaphore_mem>>) src(%dma_wait3A_62 : memref<10000x128xf32, #tpu.memory_space<hbm>>) dst(%arg11 : memref<128x128xf32, #tpu.memory_space<vmem>>)
      %run_scoped3A_63 = arith.constant 1 : i32
      "tpu.region"() ({
        %run_scoped3A_148 = tpu.sem_alloc : memref<!tpu.dma_semaphore, #tpu.memory_space<semaphore_mem>>
        %dma_start3A_149 = arith.constant 0 : i32
        %dma_start3A_150 = tpu.memref_slice %arg9[%run_scoped3A_63, %dma_start3A_149] : memref<8x128xi32, #tpu.memory_space<vmem>> -> memref<1x128xi32, #tpu.memory_space<vmem>>
        %dma_start3A_151 = tpu.memref_squeeze %dma_start3A_150 : memref<1x128xi32, #tpu.memory_space<vmem>> -> memref<128xi32, #tpu.memory_space<vmem>>
        %dma_start3A_152 = arith.constant 0 : i32
        %dma_start3A_153 = arith.constant 0 : i32
        %dma_start3A_154 = tpu.memref_slice %arg7[%dma_start3A_152, %dma_start3A_153] : memref<10112x128xf32, #tpu.memory_space<vmem_shared>> -> memref<10112x128xf32, #tpu.memory_space<vmem_shared>>
        tpu.enqueue_indirect_dma source(%arg11 : memref<128x128xf32, #tpu.memory_space<vmem>>) target(%dma_start3A_154 : memref<10112x128xf32, #tpu.memory_space<vmem_shared>>) offsets(%dma_start3A_151 : memref<128xi32, #tpu.memory_space<vmem>>) semaphore(%run_scoped3A_148 : memref<!tpu.dma_semaphore, #tpu.memory_space<semaphore_mem>>) {add = true}
        %dma_wait3A_155 = arith.constant 0 : i32
        %dma_wait3A_156 = tpu.memref_slice %arg9[%run_scoped3A_63, %dma_wait3A_155] : memref<8x128xi32, #tpu.memory_space<vmem>> -> memref<1x128xi32, #tpu.memory_space<vmem>>
        %dma_wait3A_157 = tpu.memref_squeeze %dma_wait3A_156 : memref<1x128xi32, #tpu.memory_space<vmem>> -> memref<128xi32, #tpu.memory_space<vmem>>
        %dma_wait3A_158 = arith.constant 0 : i32
        %dma_wait3A_159 = arith.constant 0 : i32
        %dma_wait3A_160 = tpu.memref_slice %arg7[%dma_wait3A_158, %dma_wait3A_159] : memref<10112x128xf32, #tpu.memory_space<vmem_shared>> -> memref<10112x128xf32, #tpu.memory_space<vmem_shared>>
        tpu.wait_indirect_dma semaphore(%run_scoped3A_148 : memref<!tpu.dma_semaphore, #tpu.memory_space<semaphore_mem>>) src(%arg11 : memref<128x128xf32, #tpu.memory_space<vmem>>) dst(%dma_wait3A_160 : memref<10112x128xf32, #tpu.memory_space<vmem_shared>>)
        tpu.yield
      }) : () -> ()
      %dma_start3A_64 = arith.constant 3 : i32
      %dma_start3A_65 = arith.constant 0 : i32
      %dma_start3A_66 = tpu.memref_slice %arg8[%dma_start3A_64, %dma_start3A_65] : memref<8x128xi32, #tpu.memory_space<vmem>> -> memref<1x128xi32, #tpu.memory_space<vmem>>
      %dma_start3A_67 = tpu.memref_squeeze %dma_start3A_66 : memref<1x128xi32, #tpu.memory_space<vmem>> -> memref<128xi32, #tpu.memory_space<vmem>>
      %dma_start3A_68 = arith.constant 0 : i32
      %dma_start3A_69 = arith.constant 0 : i32
      %dma_start3A_70 = tpu.memref_slice %arg2[%dma_start3A_68, %dma_start3A_69] : memref<10000x128xf32, #tpu.memory_space<hbm>> -> memref<10000x128xf32, #tpu.memory_space<hbm>>
      tpu.enqueue_indirect_dma source(%dma_start3A_70 : memref<10000x128xf32, #tpu.memory_space<hbm>>) target(%arg11 : memref<128x128xf32, #tpu.memory_space<vmem>>) offsets(%dma_start3A_67 : memref<128xi32, #tpu.memory_space<vmem>>) semaphore(%arg13 : memref<!tpu.dma_semaphore, #tpu.memory_space<semaphore_mem>>)
      %dma_wait3A_71 = arith.constant 2 : i32
      %dma_wait3A_72 = arith.constant 0 : i32
      %dma_wait3A_73 = tpu.memref_slice %arg8[%dma_wait3A_71, %dma_wait3A_72] : memref<8x128xi32, #tpu.memory_space<vmem>> -> memref<1x128xi32, #tpu.memory_space<vmem>>
      %dma_wait3A_74 = tpu.memref_squeeze %dma_wait3A_73 : memref<1x128xi32, #tpu.memory_space<vmem>> -> memref<128xi32, #tpu.memory_space<vmem>>
      %dma_wait3A_75 = arith.constant 0 : i32
      %dma_wait3A_76 = arith.constant 0 : i32
      %dma_wait3A_77 = tpu.memref_slice %arg2[%dma_wait3A_75, %dma_wait3A_76] : memref<10000x128xf32, #tpu.memory_space<hbm>> -> memref<10000x128xf32, #tpu.memory_space<hbm>>
      tpu.wait_indirect_dma semaphore(%arg12 : memref<!tpu.dma_semaphore, #tpu.memory_space<semaphore_mem>>) src(%dma_wait3A_77 : memref<10000x128xf32, #tpu.memory_space<hbm>>) dst(%arg10 : memref<128x128xf32, #tpu.memory_space<vmem>>)
      %run_scoped3A_78 = arith.constant 2 : i32
      "tpu.region"() ({
        %run_scoped3A_148 = tpu.sem_alloc : memref<!tpu.dma_semaphore, #tpu.memory_space<semaphore_mem>>
        %dma_start3A_149 = arith.constant 0 : i32
        %dma_start3A_150 = tpu.memref_slice %arg9[%run_scoped3A_78, %dma_start3A_149] : memref<8x128xi32, #tpu.memory_space<vmem>> -> memref<1x128xi32, #tpu.memory_space<vmem>>
        %dma_start3A_151 = tpu.memref_squeeze %dma_start3A_150 : memref<1x128xi32, #tpu.memory_space<vmem>> -> memref<128xi32, #tpu.memory_space<vmem>>
        %dma_start3A_152 = arith.constant 0 : i32
        %dma_start3A_153 = arith.constant 0 : i32
        %dma_start3A_154 = tpu.memref_slice %arg7[%dma_start3A_152, %dma_start3A_153] : memref<10112x128xf32, #tpu.memory_space<vmem_shared>> -> memref<10112x128xf32, #tpu.memory_space<vmem_shared>>
        tpu.enqueue_indirect_dma source(%arg10 : memref<128x128xf32, #tpu.memory_space<vmem>>) target(%dma_start3A_154 : memref<10112x128xf32, #tpu.memory_space<vmem_shared>>) offsets(%dma_start3A_151 : memref<128xi32, #tpu.memory_space<vmem>>) semaphore(%run_scoped3A_148 : memref<!tpu.dma_semaphore, #tpu.memory_space<semaphore_mem>>) {add = true}
        %dma_wait3A_155 = arith.constant 0 : i32
        %dma_wait3A_156 = tpu.memref_slice %arg9[%run_scoped3A_78, %dma_wait3A_155] : memref<8x128xi32, #tpu.memory_space<vmem>> -> memref<1x128xi32, #tpu.memory_space<vmem>>
        %dma_wait3A_157 = tpu.memref_squeeze %dma_wait3A_156 : memref<1x128xi32, #tpu.memory_space<vmem>> -> memref<128xi32, #tpu.memory_space<vmem>>
        %dma_wait3A_158 = arith.constant 0 : i32
        %dma_wait3A_159 = arith.constant 0 : i32
        %dma_wait3A_160 = tpu.memref_slice %arg7[%dma_wait3A_158, %dma_wait3A_159] : memref<10112x128xf32, #tpu.memory_space<vmem_shared>> -> memref<10112x128xf32, #tpu.memory_space<vmem_shared>>
        tpu.wait_indirect_dma semaphore(%run_scoped3A_148 : memref<!tpu.dma_semaphore, #tpu.memory_space<semaphore_mem>>) src(%arg10 : memref<128x128xf32, #tpu.memory_space<vmem>>) dst(%dma_wait3A_160 : memref<10112x128xf32, #tpu.memory_space<vmem_shared>>)
        tpu.yield
      }) : () -> ()
      %dma_start3A_79 = arith.constant 4 : i32
      %dma_start3A_80 = arith.constant 0 : i32
      %dma_start3A_81 = tpu.memref_slice %arg8[%dma_start3A_79, %dma_start3A_80] : memref<8x128xi32, #tpu.memory_space<vmem>> -> memref<1x128xi32, #tpu.memory_space<vmem>>
      %dma_start3A_82 = tpu.memref_squeeze %dma_start3A_81 : memref<1x128xi32, #tpu.memory_space<vmem>> -> memref<128xi32, #tpu.memory_space<vmem>>
      %dma_start3A_83 = arith.constant 0 : i32
      %dma_start3A_84 = arith.constant 0 : i32
      %dma_start3A_85 = tpu.memref_slice %arg2[%dma_start3A_83, %dma_start3A_84] : memref<10000x128xf32, #tpu.memory_space<hbm>> -> memref<10000x128xf32, #tpu.memory_space<hbm>>
      tpu.enqueue_indirect_dma source(%dma_start3A_85 : memref<10000x128xf32, #tpu.memory_space<hbm>>) target(%arg10 : memref<128x128xf32, #tpu.memory_space<vmem>>) offsets(%dma_start3A_82 : memref<128xi32, #tpu.memory_space<vmem>>) semaphore(%arg12 : memref<!tpu.dma_semaphore, #tpu.memory_space<semaphore_mem>>)
      %dma_wait3A_86 = arith.constant 3 : i32
      %dma_wait3A_87 = arith.constant 0 : i32
      %dma_wait3A_88 = tpu.memref_slice %arg8[%dma_wait3A_86, %dma_wait3A_87] : memref<8x128xi32, #tpu.memory_space<vmem>> -> memref<1x128xi32, #tpu.memory_space<vmem>>
      %dma_wait3A_89 = tpu.memref_squeeze %dma_wait3A_88 : memref<1x128xi32, #tpu.memory_space<vmem>> -> memref<128xi32, #tpu.memory_space<vmem>>
      %dma_wait3A_90 = arith.constant 0 : i32
      %dma_wait3A_91 = arith.constant 0 : i32
      %dma_wait3A_92 = tpu.memref_slice %arg2[%dma_wait3A_90, %dma_wait3A_91] : memref<10000x128xf32, #tpu.memory_space<hbm>> -> memref<10000x128xf32, #tpu.memory_space<hbm>>
      tpu.wait_indirect_dma semaphore(%arg13 : memref<!tpu.dma_semaphore, #tpu.memory_space<semaphore_mem>>) src(%dma_wait3A_92 : memref<10000x128xf32, #tpu.memory_space<hbm>>) dst(%arg11 : memref<128x128xf32, #tpu.memory_space<vmem>>)
      %run_scoped3A_93 = arith.constant 3 : i32
      "tpu.region"() ({
        %run_scoped3A_148 = tpu.sem_alloc : memref<!tpu.dma_semaphore, #tpu.memory_space<semaphore_mem>>
        %dma_start3A_149 = arith.constant 0 : i32
        %dma_start3A_150 = tpu.memref_slice %arg9[%run_scoped3A_93, %dma_start3A_149] : memref<8x128xi32, #tpu.memory_space<vmem>> -> memref<1x128xi32, #tpu.memory_space<vmem>>
        %dma_start3A_151 = tpu.memref_squeeze %dma_start3A_150 : memref<1x128xi32, #tpu.memory_space<vmem>> -> memref<128xi32, #tpu.memory_space<vmem>>
        %dma_start3A_152 = arith.constant 0 : i32
        %dma_start3A_153 = arith.constant 0 : i32
        %dma_start3A_154 = tpu.memref_slice %arg7[%dma_start3A_152, %dma_start3A_153] : memref<10112x128xf32, #tpu.memory_space<vmem_shared>> -> memref<10112x128xf32, #tpu.memory_space<vmem_shared>>
        tpu.enqueue_indirect_dma source(%arg11 : memref<128x128xf32, #tpu.memory_space<vmem>>) target(%dma_start3A_154 : memref<10112x128xf32, #tpu.memory_space<vmem_shared>>) offsets(%dma_start3A_151 : memref<128xi32, #tpu.memory_space<vmem>>) semaphore(%run_scoped3A_148 : memref<!tpu.dma_semaphore, #tpu.memory_space<semaphore_mem>>) {add = true}
        %dma_wait3A_155 = arith.constant 0 : i32
        %dma_wait3A_156 = tpu.memref_slice %arg9[%run_scoped3A_93, %dma_wait3A_155] : memref<8x128xi32, #tpu.memory_space<vmem>> -> memref<1x128xi32, #tpu.memory_space<vmem>>
        %dma_wait3A_157 = tpu.memref_squeeze %dma_wait3A_156 : memref<1x128xi32, #tpu.memory_space<vmem>> -> memref<128xi32, #tpu.memory_space<vmem>>
        %dma_wait3A_158 = arith.constant 0 : i32
        %dma_wait3A_159 = arith.constant 0 : i32
        %dma_wait3A_160 = tpu.memref_slice %arg7[%dma_wait3A_158, %dma_wait3A_159] : memref<10112x128xf32, #tpu.memory_space<vmem_shared>> -> memref<10112x128xf32, #tpu.memory_space<vmem_shared>>
        tpu.wait_indirect_dma semaphore(%run_scoped3A_148 : memref<!tpu.dma_semaphore, #tpu.memory_space<semaphore_mem>>) src(%arg11 : memref<128x128xf32, #tpu.memory_space<vmem>>) dst(%dma_wait3A_160 : memref<10112x128xf32, #tpu.memory_space<vmem_shared>>)
        tpu.yield
      }) : () -> ()
      %dma_start3A_94 = arith.constant 5 : i32
      %dma_start3A_95 = arith.constant 0 : i32
      %dma_start3A_96 = tpu.memref_slice %arg8[%dma_start3A_94, %dma_start3A_95] : memref<8x128xi32, #tpu.memory_space<vmem>> -> memref<1x128xi32, #tpu.memory_space<vmem>>
      %dma_start3A_97 = tpu.memref_squeeze %dma_start3A_96 : memref<1x128xi32, #tpu.memory_space<vmem>> -> memref<128xi32, #tpu.memory_space<vmem>>
      %dma_start3A_98 = arith.constant 0 : i32
      %dma_start3A_99 = arith.constant 0 : i32
      %dma_start3A_100 = tpu.memref_slice %arg2[%dma_start3A_98, %dma_start3A_99] : memref<10000x128xf32, #tpu.memory_space<hbm>> -> memref<10000x128xf32, #tpu.memory_space<hbm>>
      tpu.enqueue_indirect_dma source(%dma_start3A_100 : memref<10000x128xf32, #tpu.memory_space<hbm>>) target(%arg11 : memref<128x128xf32, #tpu.memory_space<vmem>>) offsets(%dma_start3A_97 : memref<128xi32, #tpu.memory_space<vmem>>) semaphore(%arg13 : memref<!tpu.dma_semaphore, #tpu.memory_space<semaphore_mem>>)
      %dma_wait3A_101 = arith.constant 4 : i32
      %dma_wait3A_102 = arith.constant 0 : i32
      %dma_wait3A_103 = tpu.memref_slice %arg8[%dma_wait3A_101, %dma_wait3A_102] : memref<8x128xi32, #tpu.memory_space<vmem>> -> memref<1x128xi32, #tpu.memory_space<vmem>>
      %dma_wait3A_104 = tpu.memref_squeeze %dma_wait3A_103 : memref<1x128xi32, #tpu.memory_space<vmem>> -> memref<128xi32, #tpu.memory_space<vmem>>
      %dma_wait3A_105 = arith.constant 0 : i32
      %dma_wait3A_106 = arith.constant 0 : i32
      %dma_wait3A_107 = tpu.memref_slice %arg2[%dma_wait3A_105, %dma_wait3A_106] : memref<10000x128xf32, #tpu.memory_space<hbm>> -> memref<10000x128xf32, #tpu.memory_space<hbm>>
      tpu.wait_indirect_dma semaphore(%arg12 : memref<!tpu.dma_semaphore, #tpu.memory_space<semaphore_mem>>) src(%dma_wait3A_107 : memref<10000x128xf32, #tpu.memory_space<hbm>>) dst(%arg10 : memref<128x128xf32, #tpu.memory_space<vmem>>)
      %run_scoped3A_108 = arith.constant 4 : i32
      "tpu.region"() ({
        %run_scoped3A_148 = tpu.sem_alloc : memref<!tpu.dma_semaphore, #tpu.memory_space<semaphore_mem>>
        %dma_start3A_149 = arith.constant 0 : i32
        %dma_start3A_150 = tpu.memref_slice %arg9[%run_scoped3A_108, %dma_start3A_149] : memref<8x128xi32, #tpu.memory_space<vmem>> -> memref<1x128xi32, #tpu.memory_space<vmem>>
        %dma_start3A_151 = tpu.memref_squeeze %dma_start3A_150 : memref<1x128xi32, #tpu.memory_space<vmem>> -> memref<128xi32, #tpu.memory_space<vmem>>
        %dma_start3A_152 = arith.constant 0 : i32
        %dma_start3A_153 = arith.constant 0 : i32
        %dma_start3A_154 = tpu.memref_slice %arg7[%dma_start3A_152, %dma_start3A_153] : memref<10112x128xf32, #tpu.memory_space<vmem_shared>> -> memref<10112x128xf32, #tpu.memory_space<vmem_shared>>
        tpu.enqueue_indirect_dma source(%arg10 : memref<128x128xf32, #tpu.memory_space<vmem>>) target(%dma_start3A_154 : memref<10112x128xf32, #tpu.memory_space<vmem_shared>>) offsets(%dma_start3A_151 : memref<128xi32, #tpu.memory_space<vmem>>) semaphore(%run_scoped3A_148 : memref<!tpu.dma_semaphore, #tpu.memory_space<semaphore_mem>>) {add = true}
        %dma_wait3A_155 = arith.constant 0 : i32
        %dma_wait3A_156 = tpu.memref_slice %arg9[%run_scoped3A_108, %dma_wait3A_155] : memref<8x128xi32, #tpu.memory_space<vmem>> -> memref<1x128xi32, #tpu.memory_space<vmem>>
        %dma_wait3A_157 = tpu.memref_squeeze %dma_wait3A_156 : memref<1x128xi32, #tpu.memory_space<vmem>> -> memref<128xi32, #tpu.memory_space<vmem>>
        %dma_wait3A_158 = arith.constant 0 : i32
        %dma_wait3A_159 = arith.constant 0 : i32
        %dma_wait3A_160 = tpu.memref_slice %arg7[%dma_wait3A_158, %dma_wait3A_159] : memref<10112x128xf32, #tpu.memory_space<vmem_shared>> -> memref<10112x128xf32, #tpu.memory_space<vmem_shared>>
        tpu.wait_indirect_dma semaphore(%run_scoped3A_148 : memref<!tpu.dma_semaphore, #tpu.memory_space<semaphore_mem>>) src(%arg10 : memref<128x128xf32, #tpu.memory_space<vmem>>) dst(%dma_wait3A_160 : memref<10112x128xf32, #tpu.memory_space<vmem_shared>>)
        tpu.yield
      }) : () -> ()
      %dma_start3A_109 = arith.constant 6 : i32
      %dma_start3A_110 = arith.constant 0 : i32
      %dma_start3A_111 = tpu.memref_slice %arg8[%dma_start3A_109, %dma_start3A_110] : memref<8x128xi32, #tpu.memory_space<vmem>> -> memref<1x128xi32, #tpu.memory_space<vmem>>
      %dma_start3A_112 = tpu.memref_squeeze %dma_start3A_111 : memref<1x128xi32, #tpu.memory_space<vmem>> -> memref<128xi32, #tpu.memory_space<vmem>>
      %dma_start3A_113 = arith.constant 0 : i32
      %dma_start3A_114 = arith.constant 0 : i32
      %dma_start3A_115 = tpu.memref_slice %arg2[%dma_start3A_113, %dma_start3A_114] : memref<10000x128xf32, #tpu.memory_space<hbm>> -> memref<10000x128xf32, #tpu.memory_space<hbm>>
      tpu.enqueue_indirect_dma source(%dma_start3A_115 : memref<10000x128xf32, #tpu.memory_space<hbm>>) target(%arg10 : memref<128x128xf32, #tpu.memory_space<vmem>>) offsets(%dma_start3A_112 : memref<128xi32, #tpu.memory_space<vmem>>) semaphore(%arg12 : memref<!tpu.dma_semaphore, #tpu.memory_space<semaphore_mem>>)
      %dma_wait3A_116 = arith.constant 5 : i32
      %dma_wait3A_117 = arith.constant 0 : i32
      %dma_wait3A_118 = tpu.memref_slice %arg8[%dma_wait3A_116, %dma_wait3A_117] : memref<8x128xi32, #tpu.memory_space<vmem>> -> memref<1x128xi32, #tpu.memory_space<vmem>>
      %dma_wait3A_119 = tpu.memref_squeeze %dma_wait3A_118 : memref<1x128xi32, #tpu.memory_space<vmem>> -> memref<128xi32, #tpu.memory_space<vmem>>
      %dma_wait3A_120 = arith.constant 0 : i32
      %dma_wait3A_121 = arith.constant 0 : i32
      %dma_wait3A_122 = tpu.memref_slice %arg2[%dma_wait3A_120, %dma_wait3A_121] : memref<10000x128xf32, #tpu.memory_space<hbm>> -> memref<10000x128xf32, #tpu.memory_space<hbm>>
      tpu.wait_indirect_dma semaphore(%arg13 : memref<!tpu.dma_semaphore, #tpu.memory_space<semaphore_mem>>) src(%dma_wait3A_122 : memref<10000x128xf32, #tpu.memory_space<hbm>>) dst(%arg11 : memref<128x128xf32, #tpu.memory_space<vmem>>)
      %run_scoped3A_123 = arith.constant 5 : i32
      "tpu.region"() ({
        %run_scoped3A_148 = tpu.sem_alloc : memref<!tpu.dma_semaphore, #tpu.memory_space<semaphore_mem>>
        %dma_start3A_149 = arith.constant 0 : i32
        %dma_start3A_150 = tpu.memref_slice %arg9[%run_scoped3A_123, %dma_start3A_149] : memref<8x128xi32, #tpu.memory_space<vmem>> -> memref<1x128xi32, #tpu.memory_space<vmem>>
        %dma_start3A_151 = tpu.memref_squeeze %dma_start3A_150 : memref<1x128xi32, #tpu.memory_space<vmem>> -> memref<128xi32, #tpu.memory_space<vmem>>
        %dma_start3A_152 = arith.constant 0 : i32
        %dma_start3A_153 = arith.constant 0 : i32
        %dma_start3A_154 = tpu.memref_slice %arg7[%dma_start3A_152, %dma_start3A_153] : memref<10112x128xf32, #tpu.memory_space<vmem_shared>> -> memref<10112x128xf32, #tpu.memory_space<vmem_shared>>
        tpu.enqueue_indirect_dma source(%arg11 : memref<128x128xf32, #tpu.memory_space<vmem>>) target(%dma_start3A_154 : memref<10112x128xf32, #tpu.memory_space<vmem_shared>>) offsets(%dma_start3A_151 : memref<128xi32, #tpu.memory_space<vmem>>) semaphore(%run_scoped3A_148 : memref<!tpu.dma_semaphore, #tpu.memory_space<semaphore_mem>>) {add = true}
        %dma_wait3A_155 = arith.constant 0 : i32
        %dma_wait3A_156 = tpu.memref_slice %arg9[%run_scoped3A_123, %dma_wait3A_155] : memref<8x128xi32, #tpu.memory_space<vmem>> -> memref<1x128xi32, #tpu.memory_space<vmem>>
        %dma_wait3A_157 = tpu.memref_squeeze %dma_wait3A_156 : memref<1x128xi32, #tpu.memory_space<vmem>> -> memref<128xi32, #tpu.memory_space<vmem>>
        %dma_wait3A_158 = arith.constant 0 : i32
        %dma_wait3A_159 = arith.constant 0 : i32
        %dma_wait3A_160 = tpu.memref_slice %arg7[%dma_wait3A_158, %dma_wait3A_159] : memref<10112x128xf32, #tpu.memory_space<vmem_shared>> -> memref<10112x128xf32, #tpu.memory_space<vmem_shared>>
        tpu.wait_indirect_dma semaphore(%run_scoped3A_148 : memref<!tpu.dma_semaphore, #tpu.memory_space<semaphore_mem>>) src(%arg11 : memref<128x128xf32, #tpu.memory_space<vmem>>) dst(%dma_wait3A_160 : memref<10112x128xf32, #tpu.memory_space<vmem_shared>>)
        tpu.yield
      }) : () -> ()
      %dma_start3A_124 = arith.constant 7 : i32
      %dma_start3A_125 = arith.constant 0 : i32
      %dma_start3A_126 = tpu.memref_slice %arg8[%dma_start3A_124, %dma_start3A_125] : memref<8x128xi32, #tpu.memory_space<vmem>> -> memref<1x128xi32, #tpu.memory_space<vmem>>
      %dma_start3A_127 = tpu.memref_squeeze %dma_start3A_126 : memref<1x128xi32, #tpu.memory_space<vmem>> -> memref<128xi32, #tpu.memory_space<vmem>>
      %dma_start3A_128 = arith.constant 0 : i32
      %dma_start3A_129 = arith.constant 0 : i32
      %dma_start3A_130 = tpu.memref_slice %arg2[%dma_start3A_128, %dma_start3A_129] : memref<10000x128xf32, #tpu.memory_space<hbm>> -> memref<10000x128xf32, #tpu.memory_space<hbm>>
      tpu.enqueue_indirect_dma source(%dma_start3A_130 : memref<10000x128xf32, #tpu.memory_space<hbm>>) target(%arg11 : memref<128x128xf32, #tpu.memory_space<vmem>>) offsets(%dma_start3A_127 : memref<128xi32, #tpu.memory_space<vmem>>) semaphore(%arg13 : memref<!tpu.dma_semaphore, #tpu.memory_space<semaphore_mem>>)
      %dma_wait3A_131 = arith.constant 6 : i32
      %dma_wait3A_132 = arith.constant 0 : i32
      %dma_wait3A_133 = tpu.memref_slice %arg8[%dma_wait3A_131, %dma_wait3A_132] : memref<8x128xi32, #tpu.memory_space<vmem>> -> memref<1x128xi32, #tpu.memory_space<vmem>>
      %dma_wait3A_134 = tpu.memref_squeeze %dma_wait3A_133 : memref<1x128xi32, #tpu.memory_space<vmem>> -> memref<128xi32, #tpu.memory_space<vmem>>
      %dma_wait3A_135 = arith.constant 0 : i32
      %dma_wait3A_136 = arith.constant 0 : i32
      %dma_wait3A_137 = tpu.memref_slice %arg2[%dma_wait3A_135, %dma_wait3A_136] : memref<10000x128xf32, #tpu.memory_space<hbm>> -> memref<10000x128xf32, #tpu.memory_space<hbm>>
      tpu.wait_indirect_dma semaphore(%arg12 : memref<!tpu.dma_semaphore, #tpu.memory_space<semaphore_mem>>) src(%dma_wait3A_137 : memref<10000x128xf32, #tpu.memory_space<hbm>>) dst(%arg10 : memref<128x128xf32, #tpu.memory_space<vmem>>)
      %run_scoped3A_138 = arith.constant 6 : i32
      "tpu.region"() ({
        %run_scoped3A_148 = tpu.sem_alloc : memref<!tpu.dma_semaphore, #tpu.memory_space<semaphore_mem>>
        %dma_start3A_149 = arith.constant 0 : i32
        %dma_start3A_150 = tpu.memref_slice %arg9[%run_scoped3A_138, %dma_start3A_149] : memref<8x128xi32, #tpu.memory_space<vmem>> -> memref<1x128xi32, #tpu.memory_space<vmem>>
        %dma_start3A_151 = tpu.memref_squeeze %dma_start3A_150 : memref<1x128xi32, #tpu.memory_space<vmem>> -> memref<128xi32, #tpu.memory_space<vmem>>
        %dma_start3A_152 = arith.constant 0 : i32
        %dma_start3A_153 = arith.constant 0 : i32
        %dma_start3A_154 = tpu.memref_slice %arg7[%dma_start3A_152, %dma_start3A_153] : memref<10112x128xf32, #tpu.memory_space<vmem_shared>> -> memref<10112x128xf32, #tpu.memory_space<vmem_shared>>
        tpu.enqueue_indirect_dma source(%arg10 : memref<128x128xf32, #tpu.memory_space<vmem>>) target(%dma_start3A_154 : memref<10112x128xf32, #tpu.memory_space<vmem_shared>>) offsets(%dma_start3A_151 : memref<128xi32, #tpu.memory_space<vmem>>) semaphore(%run_scoped3A_148 : memref<!tpu.dma_semaphore, #tpu.memory_space<semaphore_mem>>) {add = true}
        %dma_wait3A_155 = arith.constant 0 : i32
        %dma_wait3A_156 = tpu.memref_slice %arg9[%run_scoped3A_138, %dma_wait3A_155] : memref<8x128xi32, #tpu.memory_space<vmem>> -> memref<1x128xi32, #tpu.memory_space<vmem>>
        %dma_wait3A_157 = tpu.memref_squeeze %dma_wait3A_156 : memref<1x128xi32, #tpu.memory_space<vmem>> -> memref<128xi32, #tpu.memory_space<vmem>>
        %dma_wait3A_158 = arith.constant 0 : i32
        %dma_wait3A_159 = arith.constant 0 : i32
        %dma_wait3A_160 = tpu.memref_slice %arg7[%dma_wait3A_158, %dma_wait3A_159] : memref<10112x128xf32, #tpu.memory_space<vmem_shared>> -> memref<10112x128xf32, #tpu.memory_space<vmem_shared>>
        tpu.wait_indirect_dma semaphore(%run_scoped3A_148 : memref<!tpu.dma_semaphore, #tpu.memory_space<semaphore_mem>>) src(%arg10 : memref<128x128xf32, #tpu.memory_space<vmem>>) dst(%dma_wait3A_160 : memref<10112x128xf32, #tpu.memory_space<vmem_shared>>)
        tpu.yield
      }) : () -> ()
      %dma_wait3A_139 = arith.constant 7 : i32
      %dma_wait3A_140 = arith.constant 0 : i32
      %dma_wait3A_141 = tpu.memref_slice %arg8[%dma_wait3A_139, %dma_wait3A_140] : memref<8x128xi32, #tpu.memory_space<vmem>> -> memref<1x128xi32, #tpu.memory_space<vmem>>
      %dma_wait3A_142 = tpu.memref_squeeze %dma_wait3A_141 : memref<1x128xi32, #tpu.memory_space<vmem>> -> memref<128xi32, #tpu.memory_space<vmem>>
      %dma_wait3A_143 = arith.constant 0 : i32
      %dma_wait3A_144 = arith.constant 0 : i32
      %dma_wait3A_145 = tpu.memref_slice %arg2[%dma_wait3A_143, %dma_wait3A_144] : memref<10000x128xf32, #tpu.memory_space<hbm>> -> memref<10000x128xf32, #tpu.memory_space<hbm>>
      tpu.wait_indirect_dma semaphore(%arg13 : memref<!tpu.dma_semaphore, #tpu.memory_space<semaphore_mem>>) src(%dma_wait3A_145 : memref<10000x128xf32, #tpu.memory_space<hbm>>) dst(%arg11 : memref<128x128xf32, #tpu.memory_space<vmem>>)
      %run_scoped3A_146 = arith.constant 7 : i32
      "tpu.region"() ({
        %run_scoped3A_148 = tpu.sem_alloc : memref<!tpu.dma_semaphore, #tpu.memory_space<semaphore_mem>>
        %dma_start3A_149 = arith.constant 0 : i32
        %dma_start3A_150 = tpu.memref_slice %arg9[%run_scoped3A_146, %dma_start3A_149] : memref<8x128xi32, #tpu.memory_space<vmem>> -> memref<1x128xi32, #tpu.memory_space<vmem>>
        %dma_start3A_151 = tpu.memref_squeeze %dma_start3A_150 : memref<1x128xi32, #tpu.memory_space<vmem>> -> memref<128xi32, #tpu.memory_space<vmem>>
        %dma_start3A_152 = arith.constant 0 : i32
        %dma_start3A_153 = arith.constant 0 : i32
        %dma_start3A_154 = tpu.memref_slice %arg7[%dma_start3A_152, %dma_start3A_153] : memref<10112x128xf32, #tpu.memory_space<vmem_shared>> -> memref<10112x128xf32, #tpu.memory_space<vmem_shared>>
        tpu.enqueue_indirect_dma source(%arg11 : memref<128x128xf32, #tpu.memory_space<vmem>>) target(%dma_start3A_154 : memref<10112x128xf32, #tpu.memory_space<vmem_shared>>) offsets(%dma_start3A_151 : memref<128xi32, #tpu.memory_space<vmem>>) semaphore(%run_scoped3A_148 : memref<!tpu.dma_semaphore, #tpu.memory_space<semaphore_mem>>) {add = true}
        %dma_wait3A_155 = arith.constant 0 : i32
        %dma_wait3A_156 = tpu.memref_slice %arg9[%run_scoped3A_146, %dma_wait3A_155] : memref<8x128xi32, #tpu.memory_space<vmem>> -> memref<1x128xi32, #tpu.memory_space<vmem>>
        %dma_wait3A_157 = tpu.memref_squeeze %dma_wait3A_156 : memref<1x128xi32, #tpu.memory_space<vmem>> -> memref<128xi32, #tpu.memory_space<vmem>>
        %dma_wait3A_158 = arith.constant 0 : i32
        %dma_wait3A_159 = arith.constant 0 : i32
        %dma_wait3A_160 = tpu.memref_slice %arg7[%dma_wait3A_158, %dma_wait3A_159] : memref<10112x128xf32, #tpu.memory_space<vmem_shared>> -> memref<10112x128xf32, #tpu.memory_space<vmem_shared>>
        tpu.wait_indirect_dma semaphore(%run_scoped3A_148 : memref<!tpu.dma_semaphore, #tpu.memory_space<semaphore_mem>>) src(%arg11 : memref<128x128xf32, #tpu.memory_space<vmem>>) dst(%dma_wait3A_160 : memref<10112x128xf32, #tpu.memory_space<vmem_shared>>)
        tpu.yield
      }) : () -> ()
      %while3A_147 = arith.constant 0 : i32
      scf.yield %while3A_147 : i32
    }
    %while3A_22 = arith.constant 1 : i32
    %while3A_23 = scf.for %while3A_25 = %while3A_19 to %while3A_15 step %while3A_22 iter_args(%while3A_26 = %while3A_21) -> (i32)  : i32 {
      %mul3A_27 = arith.constant 8 : i32
      %mul3A_28 = arith.muli %while3A_25, %mul3A_27 : i32
      %add3A_29 = arith.addi %mul3A_8, %mul3A_28 : i32
      "tpu.region"() ({
        %run_scoped3A_148 = tpu.sem_alloc : memref<!tpu.dma_semaphore, #tpu.memory_space<semaphore_mem>>
        %dma_start3A_149 = arith.constant 0 : i32
        %dma_start3A_150 = tpu.memref_slice %arg3[%add3A_29, %dma_start3A_149] : memref<2560x128xi32, #tpu.memory_space<hbm>> -> memref<8x128xi32, #tpu.memory_space<hbm>>
        %dma_start3A_151 = arith.constant 0 : i32
        %dma_start3A_152 = tpu.memref_slice %arg3[%add3A_29, %dma_start3A_151] : memref<2560x128xi32, #tpu.memory_space<hbm>> -> memref<8x128xi32, #tpu.memory_space<hbm>>
        tpu.enqueue_dma source(%dma_start3A_152 : memref<8x128xi32, #tpu.memory_space<hbm>>) target(%arg8 : memref<8x128xi32, #tpu.memory_space<vmem>>) target_semaphore(%run_scoped3A_148 : memref<!tpu.dma_semaphore, #tpu.memory_space<semaphore_mem>>)
        %dma_wait3A_153 = arith.constant 0 : i32
        %dma_wait3A_154 = tpu.memref_slice %arg3[%add3A_29, %dma_wait3A_153] : memref<2560x128xi32, #tpu.memory_space<hbm>> -> memref<8x128xi32, #tpu.memory_space<hbm>>
        %dma_wait3A_155 = arith.constant 0 : i32
        %dma_wait3A_156 = tpu.memref_slice %arg3[%add3A_29, %dma_wait3A_155] : memref<2560x128xi32, #tpu.memory_space<hbm>> -> memref<8x128xi32, #tpu.memory_space<hbm>>
        tpu.wait_dma2 semaphore(%run_scoped3A_148 : memref<!tpu.dma_semaphore, #tpu.memory_space<semaphore_mem>>) src(%dma_wait3A_156 : memref<8x128xi32, #tpu.memory_space<hbm>>) dst(%arg8 : memref<8x128xi32, #tpu.memory_space<vmem>>)
        tpu.yield
      }) : () -> ()
      "tpu.region"() ({
        %run_scoped3A_148 = tpu.sem_alloc : memref<!tpu.dma_semaphore, #tpu.memory_space<semaphore_mem>>
        %dma_start3A_149 = arith.constant 0 : i32
        %dma_start3A_150 = tpu.memref_slice %arg4[%add3A_29, %dma_start3A_149] : memref<2560x128xi32, #tpu.memory_space<hbm>> -> memref<8x128xi32, #tpu.memory_space<hbm>>
        %dma_start3A_151 = arith.constant 0 : i32
        %dma_start3A_152 = tpu.memref_slice %arg4[%add3A_29, %dma_start3A_151] : memref<2560x128xi32, #tpu.memory_space<hbm>> -> memref<8x128xi32, #tpu.memory_space<hbm>>
        tpu.enqueue_dma source(%dma_start3A_152 : memref<8x128xi32, #tpu.memory_space<hbm>>) target(%arg9 : memref<8x128xi32, #tpu.memory_space<vmem>>) target_semaphore(%run_scoped3A_148 : memref<!tpu.dma_semaphore, #tpu.memory_space<semaphore_mem>>)
        %dma_wait3A_153 = arith.constant 0 : i32
        %dma_wait3A_154 = tpu.memref_slice %arg4[%add3A_29, %dma_wait3A_153] : memref<2560x128xi32, #tpu.memory_space<hbm>> -> memref<8x128xi32, #tpu.memory_space<hbm>>
        %dma_wait3A_155 = arith.constant 0 : i32
        %dma_wait3A_156 = tpu.memref_slice %arg4[%add3A_29, %dma_wait3A_155] : memref<2560x128xi32, #tpu.memory_space<hbm>> -> memref<8x128xi32, #tpu.memory_space<hbm>>
        tpu.wait_dma2 semaphore(%run_scoped3A_148 : memref<!tpu.dma_semaphore, #tpu.memory_space<semaphore_mem>>) src(%dma_wait3A_156 : memref<8x128xi32, #tpu.memory_space<hbm>>) dst(%arg9 : memref<8x128xi32, #tpu.memory_space<vmem>>)
        tpu.yield
      }) : () -> ()
      %dma_start3A = arith.constant 0 : i32
      %dma_start3A_30 = arith.constant 0 : i32
      %dma_start3A_31 = tpu.memref_slice %arg8[%dma_start3A, %dma_start3A_30] : memref<8x128xi32, #tpu.memory_space<vmem>> -> memref<1x128xi32, #tpu.memory_space<vmem>>
      %dma_start3A_32 = tpu.memref_squeeze %dma_start3A_31 : memref<1x128xi32, #tpu.memory_space<vmem>> -> memref<128xi32, #tpu.memory_space<vmem>>
      %dma_start3A_33 = arith.constant 0 : i32
      %dma_start3A_34 = arith.constant 0 : i32
      %dma_start3A_35 = tpu.memref_slice %arg2[%dma_start3A_33, %dma_start3A_34] : memref<10000x128xf32, #tpu.memory_space<hbm>> -> memref<10000x128xf32, #tpu.memory_space<hbm>>
      tpu.enqueue_indirect_dma source(%dma_start3A_35 : memref<10000x128xf32, #tpu.memory_space<hbm>>) target(%arg10 : memref<128x128xf32, #tpu.memory_space<vmem>>) offsets(%dma_start3A_32 : memref<128xi32, #tpu.memory_space<vmem>>) semaphore(%arg12 : memref<!tpu.dma_semaphore, #tpu.memory_space<semaphore_mem>>)
      %dma_start3A_36 = arith.constant 1 : i32
      %dma_start3A_37 = arith.constant 0 : i32
      %dma_start3A_38 = tpu.memref_slice %arg8[%dma_start3A_36, %dma_start3A_37] : memref<8x128xi32, #tpu.memory_space<vmem>> -> memref<1x128xi32, #tpu.memory_space<vmem>>
      %dma_start3A_39 = tpu.memref_squeeze %dma_start3A_38 : memref<1x128xi32, #tpu.memory_space<vmem>> -> memref<128xi32, #tpu.memory_space<vmem>>
      %dma_start3A_40 = arith.constant 0 : i32
      %dma_start3A_41 = arith.constant 0 : i32
      %dma_start3A_42 = tpu.memref_slice %arg2[%dma_start3A_40, %dma_start3A_41] : memref<10000x128xf32, #tpu.memory_space<hbm>> -> memref<10000x128xf32, #tpu.memory_space<hbm>>
      tpu.enqueue_indirect_dma source(%dma_start3A_42 : memref<10000x128xf32, #tpu.memory_space<hbm>>) target(%arg11 : memref<128x128xf32, #tpu.memory_space<vmem>>) offsets(%dma_start3A_39 : memref<128xi32, #tpu.memory_space<vmem>>) semaphore(%arg13 : memref<!tpu.dma_semaphore, #tpu.memory_space<semaphore_mem>>)
      %dma_wait3A = arith.constant 0 : i32
      %dma_wait3A_43 = arith.constant 0 : i32
      %dma_wait3A_44 = tpu.memref_slice %arg8[%dma_wait3A, %dma_wait3A_43] : memref<8x128xi32, #tpu.memory_space<vmem>> -> memref<1x128xi32, #tpu.memory_space<vmem>>
      %dma_wait3A_45 = tpu.memref_squeeze %dma_wait3A_44 : memref<1x128xi32, #tpu.memory_space<vmem>> -> memref<128xi32, #tpu.memory_space<vmem>>
      %dma_wait3A_46 = arith.constant 0 : i32
      %dma_wait3A_47 = arith.constant 0 : i32
      %dma_wait3A_48 = tpu.memref_slice %arg2[%dma_wait3A_46, %dma_wait3A_47] : memref<10000x128xf32, #tpu.memory_space<hbm>> -> memref<10000x128xf32, #tpu.memory_space<hbm>>
      tpu.wait_indirect_dma semaphore(%arg12 : memref<!tpu.dma_semaphore, #tpu.memory_space<semaphore_mem>>) src(%dma_wait3A_48 : memref<10000x128xf32, #tpu.memory_space<hbm>>) dst(%arg10 : memref<128x128xf32, #tpu.memory_space<vmem>>)
      %run_scoped3A = arith.constant 0 : i32
      "tpu.region"() ({
        %run_scoped3A_148 = tpu.sem_alloc : memref<!tpu.dma_semaphore, #tpu.memory_space<semaphore_mem>>
        %dma_start3A_149 = arith.constant 0 : i32
        %dma_start3A_150 = tpu.memref_slice %arg9[%run_scoped3A, %dma_start3A_149] : memref<8x128xi32, #tpu.memory_space<vmem>> -> memref<1x128xi32, #tpu.memory_space<vmem>>
        %dma_start3A_151 = tpu.memref_squeeze %dma_start3A_150 : memref<1x128xi32, #tpu.memory_space<vmem>> -> memref<128xi32, #tpu.memory_space<vmem>>
        %dma_start3A_152 = arith.constant 0 : i32
        %dma_start3A_153 = arith.constant 0 : i32
        %dma_start3A_154 = tpu.memref_slice %arg7[%dma_start3A_152, %dma_start3A_153] : memref<10112x128xf32, #tpu.memory_space<vmem_shared>> -> memref<10112x128xf32, #tpu.memory_space<vmem_shared>>
        tpu.enqueue_indirect_dma source(%arg10 : memref<128x128xf32, #tpu.memory_space<vmem>>) target(%dma_start3A_154 : memref<10112x128xf32, #tpu.memory_space<vmem_shared>>) offsets(%dma_start3A_151 : memref<128xi32, #tpu.memory_space<vmem>>) semaphore(%run_scoped3A_148 : memref<!tpu.dma_semaphore, #tpu.memory_space<semaphore_mem>>) {add = true}
        %dma_wait3A_155 = arith.constant 0 : i32
        %dma_wait3A_156 = tpu.memref_slice %arg9[%run_scoped3A, %dma_wait3A_155] : memref<8x128xi32, #tpu.memory_space<vmem>> -> memref<1x128xi32, #tpu.memory_space<vmem>>
        %dma_wait3A_157 = tpu.memref_squeeze %dma_wait3A_156 : memref<1x128xi32, #tpu.memory_space<vmem>> -> memref<128xi32, #tpu.memory_space<vmem>>
        %dma_wait3A_158 = arith.constant 0 : i32
        %dma_wait3A_159 = arith.constant 0 : i32
        %dma_wait3A_160 = tpu.memref_slice %arg7[%dma_wait3A_158, %dma_wait3A_159] : memref<10112x128xf32, #tpu.memory_space<vmem_shared>> -> memref<10112x128xf32, #tpu.memory_space<vmem_shared>>
        tpu.wait_indirect_dma semaphore(%run_scoped3A_148 : memref<!tpu.dma_semaphore, #tpu.memory_space<semaphore_mem>>) src(%arg10 : memref<128x128xf32, #tpu.memory_space<vmem>>) dst(%dma_wait3A_160 : memref<10112x128xf32, #tpu.memory_space<vmem_shared>>)
        tpu.yield
      }) : () -> ()
      %dma_start3A_49 = arith.constant 2 : i32
      %dma_start3A_50 = arith.constant 0 : i32
      %dma_start3A_51 = tpu.memref_slice %arg8[%dma_start3A_49, %dma_start3A_50] : memref<8x128xi32, #tpu.memory_space<vmem>> -> memref<1x128xi32, #tpu.memory_space<vmem>>
      %dma_start3A_52 = tpu.memref_squeeze %dma_start3A_51 : memref<1x128xi32, #tpu.memory_space<vmem>> -> memref<128xi32, #tpu.memory_space<vmem>>
      %dma_start3A_53 = arith.constant 0 : i32
      %dma_start3A_54 = arith.constant 0 : i32
      %dma_start3A_55 = tpu.memref_slice %arg2[%dma_start3A_53, %dma_start3A_54] : memref<10000x128xf32, #tpu.memory_space<hbm>> -> memref<10000x128xf32, #tpu.memory_space<hbm>>
      tpu.enqueue_indirect_dma source(%dma_start3A_55 : memref<10000x128xf32, #tpu.memory_space<hbm>>) target(%arg10 : memref<128x128xf32, #tpu.memory_space<vmem>>) offsets(%dma_start3A_52 : memref<128xi32, #tpu.memory_space<vmem>>) semaphore(%arg12 : memref<!tpu.dma_semaphore, #tpu.memory_space<semaphore_mem>>)
      %dma_wait3A_56 = arith.constant 1 : i32
      %dma_wait3A_57 = arith.constant 0 : i32
      %dma_wait3A_58 = tpu.memref_slice %arg8[%dma_wait3A_56, %dma_wait3A_57] : memref<8x128xi32, #tpu.memory_space<vmem>> -> memref<1x128xi32, #tpu.memory_space<vmem>>
      %dma_wait3A_59 = tpu.memref_squeeze %dma_wait3A_58 : memref<1x128xi32, #tpu.memory_space<vmem>> -> memref<128xi32, #tpu.memory_space<vmem>>
      %dma_wait3A_60 = arith.constant 0 : i32
      %dma_wait3A_61 = arith.constant 0 : i32
      %dma_wait3A_62 = tpu.memref_slice %arg2[%dma_wait3A_60, %dma_wait3A_61] : memref<10000x128xf32, #tpu.memory_space<hbm>> -> memref<10000x128xf32, #tpu.memory_space<hbm>>
      tpu.wait_indirect_dma semaphore(%arg13 : memref<!tpu.dma_semaphore, #tpu.memory_space<semaphore_mem>>) src(%dma_wait3A_62 : memref<10000x128xf32, #tpu.memory_space<hbm>>) dst(%arg11 : memref<128x128xf32, #tpu.memory_space<vmem>>)
      %run_scoped3A_63 = arith.constant 1 : i32
      "tpu.region"() ({
        %run_scoped3A_148 = tpu.sem_alloc : memref<!tpu.dma_semaphore, #tpu.memory_space<semaphore_mem>>
        %dma_start3A_149 = arith.constant 0 : i32
        %dma_start3A_150 = tpu.memref_slice %arg9[%run_scoped3A_63, %dma_start3A_149] : memref<8x128xi32, #tpu.memory_space<vmem>> -> memref<1x128xi32, #tpu.memory_space<vmem>>
        %dma_start3A_151 = tpu.memref_squeeze %dma_start3A_150 : memref<1x128xi32, #tpu.memory_space<vmem>> -> memref<128xi32, #tpu.memory_space<vmem>>
        %dma_start3A_152 = arith.constant 0 : i32
        %dma_start3A_153 = arith.constant 0 : i32
        %dma_start3A_154 = tpu.memref_slice %arg7[%dma_start3A_152, %dma_start3A_153] : memref<10112x128xf32, #tpu.memory_space<vmem_shared>> -> memref<10112x128xf32, #tpu.memory_space<vmem_shared>>
        tpu.enqueue_indirect_dma source(%arg11 : memref<128x128xf32, #tpu.memory_space<vmem>>) target(%dma_start3A_154 : memref<10112x128xf32, #tpu.memory_space<vmem_shared>>) offsets(%dma_start3A_151 : memref<128xi32, #tpu.memory_space<vmem>>) semaphore(%run_scoped3A_148 : memref<!tpu.dma_semaphore, #tpu.memory_space<semaphore_mem>>) {add = true}
        %dma_wait3A_155 = arith.constant 0 : i32
        %dma_wait3A_156 = tpu.memref_slice %arg9[%run_scoped3A_63, %dma_wait3A_155] : memref<8x128xi32, #tpu.memory_space<vmem>> -> memref<1x128xi32, #tpu.memory_space<vmem>>
        %dma_wait3A_157 = tpu.memref_squeeze %dma_wait3A_156 : memref<1x128xi32, #tpu.memory_space<vmem>> -> memref<128xi32, #tpu.memory_space<vmem>>
        %dma_wait3A_158 = arith.constant 0 : i32
        %dma_wait3A_159 = arith.constant 0 : i32
        %dma_wait3A_160 = tpu.memref_slice %arg7[%dma_wait3A_158, %dma_wait3A_159] : memref<10112x128xf32, #tpu.memory_space<vmem_shared>> -> memref<10112x128xf32, #tpu.memory_space<vmem_shared>>
        tpu.wait_indirect_dma semaphore(%run_scoped3A_148 : memref<!tpu.dma_semaphore, #tpu.memory_space<semaphore_mem>>) src(%arg11 : memref<128x128xf32, #tpu.memory_space<vmem>>) dst(%dma_wait3A_160 : memref<10112x128xf32, #tpu.memory_space<vmem_shared>>)
        tpu.yield
      }) : () -> ()
      %dma_start3A_64 = arith.constant 3 : i32
      %dma_start3A_65 = arith.constant 0 : i32
      %dma_start3A_66 = tpu.memref_slice %arg8[%dma_start3A_64, %dma_start3A_65] : memref<8x128xi32, #tpu.memory_space<vmem>> -> memref<1x128xi32, #tpu.memory_space<vmem>>
      %dma_start3A_67 = tpu.memref_squeeze %dma_start3A_66 : memref<1x128xi32, #tpu.memory_space<vmem>> -> memref<128xi32, #tpu.memory_space<vmem>>
      %dma_start3A_68 = arith.constant 0 : i32
      %dma_start3A_69 = arith.constant 0 : i32
      %dma_start3A_70 = tpu.memref_slice %arg2[%dma_start3A_68, %dma_start3A_69] : memref<10000x128xf32, #tpu.memory_space<hbm>> -> memref<10000x128xf32, #tpu.memory_space<hbm>>
      tpu.enqueue_indirect_dma source(%dma_start3A_70 : memref<10000x128xf32, #tpu.memory_space<hbm>>) target(%arg11 : memref<128x128xf32, #tpu.memory_space<vmem>>) offsets(%dma_start3A_67 : memref<128xi32, #tpu.memory_space<vmem>>) semaphore(%arg13 : memref<!tpu.dma_semaphore, #tpu.memory_space<semaphore_mem>>)
      %dma_wait3A_71 = arith.constant 2 : i32
      %dma_wait3A_72 = arith.constant 0 : i32
      %dma_wait3A_73 = tpu.memref_slice %arg8[%dma_wait3A_71, %dma_wait3A_72] : memref<8x128xi32, #tpu.memory_space<vmem>> -> memref<1x128xi32, #tpu.memory_space<vmem>>
      %dma_wait3A_74 = tpu.memref_squeeze %dma_wait3A_73 : memref<1x128xi32, #tpu.memory_space<vmem>> -> memref<128xi32, #tpu.memory_space<vmem>>
      %dma_wait3A_75 = arith.constant 0 : i32
      %dma_wait3A_76 = arith.constant 0 : i32
      %dma_wait3A_77 = tpu.memref_slice %arg2[%dma_wait3A_75, %dma_wait3A_76] : memref<10000x128xf32, #tpu.memory_space<hbm>> -> memref<10000x128xf32, #tpu.memory_space<hbm>>
      tpu.wait_indirect_dma semaphore(%arg12 : memref<!tpu.dma_semaphore, #tpu.memory_space<semaphore_mem>>) src(%dma_wait3A_77 : memref<10000x128xf32, #tpu.memory_space<hbm>>) dst(%arg10 : memref<128x128xf32, #tpu.memory_space<vmem>>)
      %run_scoped3A_78 = arith.constant 2 : i32
      "tpu.region"() ({
        %run_scoped3A_148 = tpu.sem_alloc : memref<!tpu.dma_semaphore, #tpu.memory_space<semaphore_mem>>
        %dma_start3A_149 = arith.constant 0 : i32
        %dma_start3A_150 = tpu.memref_slice %arg9[%run_scoped3A_78, %dma_start3A_149] : memref<8x128xi32, #tpu.memory_space<vmem>> -> memref<1x128xi32, #tpu.memory_space<vmem>>
        %dma_start3A_151 = tpu.memref_squeeze %dma_start3A_150 : memref<1x128xi32, #tpu.memory_space<vmem>> -> memref<128xi32, #tpu.memory_space<vmem>>
        %dma_start3A_152 = arith.constant 0 : i32
        %dma_start3A_153 = arith.constant 0 : i32
        %dma_start3A_154 = tpu.memref_slice %arg7[%dma_start3A_152, %dma_start3A_153] : memref<10112x128xf32, #tpu.memory_space<vmem_shared>> -> memref<10112x128xf32, #tpu.memory_space<vmem_shared>>
        tpu.enqueue_indirect_dma source(%arg10 : memref<128x128xf32, #tpu.memory_space<vmem>>) target(%dma_start3A_154 : memref<10112x128xf32, #tpu.memory_space<vmem_shared>>) offsets(%dma_start3A_151 : memref<128xi32, #tpu.memory_space<vmem>>) semaphore(%run_scoped3A_148 : memref<!tpu.dma_semaphore, #tpu.memory_space<semaphore_mem>>) {add = true}
        %dma_wait3A_155 = arith.constant 0 : i32
        %dma_wait3A_156 = tpu.memref_slice %arg9[%run_scoped3A_78, %dma_wait3A_155] : memref<8x128xi32, #tpu.memory_space<vmem>> -> memref<1x128xi32, #tpu.memory_space<vmem>>
        %dma_wait3A_157 = tpu.memref_squeeze %dma_wait3A_156 : memref<1x128xi32, #tpu.memory_space<vmem>> -> memref<128xi32, #tpu.memory_space<vmem>>
        %dma_wait3A_158 = arith.constant 0 : i32
        %dma_wait3A_159 = arith.constant 0 : i32
        %dma_wait3A_160 = tpu.memref_slice %arg7[%dma_wait3A_158, %dma_wait3A_159] : memref<10112x128xf32, #tpu.memory_space<vmem_shared>> -> memref<10112x128xf32, #tpu.memory_space<vmem_shared>>
        tpu.wait_indirect_dma semaphore(%run_scoped3A_148 : memref<!tpu.dma_semaphore, #tpu.memory_space<semaphore_mem>>) src(%arg10 : memref<128x128xf32, #tpu.memory_space<vmem>>) dst(%dma_wait3A_160 : memref<10112x128xf32, #tpu.memory_space<vmem_shared>>)
        tpu.yield
      }) : () -> ()
      %dma_start3A_79 = arith.constant 4 : i32
      %dma_start3A_80 = arith.constant 0 : i32
      %dma_start3A_81 = tpu.memref_slice %arg8[%dma_start3A_79, %dma_start3A_80] : memref<8x128xi32, #tpu.memory_space<vmem>> -> memref<1x128xi32, #tpu.memory_space<vmem>>
      %dma_start3A_82 = tpu.memref_squeeze %dma_start3A_81 : memref<1x128xi32, #tpu.memory_space<vmem>> -> memref<128xi32, #tpu.memory_space<vmem>>
      %dma_start3A_83 = arith.constant 0 : i32
      %dma_start3A_84 = arith.constant 0 : i32
      %dma_start3A_85 = tpu.memref_slice %arg2[%dma_start3A_83, %dma_start3A_84] : memref<10000x128xf32, #tpu.memory_space<hbm>> -> memref<10000x128xf32, #tpu.memory_space<hbm>>
      tpu.enqueue_indirect_dma source(%dma_start3A_85 : memref<10000x128xf32, #tpu.memory_space<hbm>>) target(%arg10 : memref<128x128xf32, #tpu.memory_space<vmem>>) offsets(%dma_start3A_82 : memref<128xi32, #tpu.memory_space<vmem>>) semaphore(%arg12 : memref<!tpu.dma_semaphore, #tpu.memory_space<semaphore_mem>>)
      %dma_wait3A_86 = arith.constant 3 : i32
      %dma_wait3A_87 = arith.constant 0 : i32
      %dma_wait3A_88 = tpu.memref_slice %arg8[%dma_wait3A_86, %dma_wait3A_87] : memref<8x128xi32, #tpu.memory_space<vmem>> -> memref<1x128xi32, #tpu.memory_space<vmem>>
      %dma_wait3A_89 = tpu.memref_squeeze %dma_wait3A_88 : memref<1x128xi32, #tpu.memory_space<vmem>> -> memref<128xi32, #tpu.memory_space<vmem>>
      %dma_wait3A_90 = arith.constant 0 : i32
      %dma_wait3A_91 = arith.constant 0 : i32
      %dma_wait3A_92 = tpu.memref_slice %arg2[%dma_wait3A_90, %dma_wait3A_91] : memref<10000x128xf32, #tpu.memory_space<hbm>> -> memref<10000x128xf32, #tpu.memory_space<hbm>>
      tpu.wait_indirect_dma semaphore(%arg13 : memref<!tpu.dma_semaphore, #tpu.memory_space<semaphore_mem>>) src(%dma_wait3A_92 : memref<10000x128xf32, #tpu.memory_space<hbm>>) dst(%arg11 : memref<128x128xf32, #tpu.memory_space<vmem>>)
      %run_scoped3A_93 = arith.constant 3 : i32
      "tpu.region"() ({
        %run_scoped3A_148 = tpu.sem_alloc : memref<!tpu.dma_semaphore, #tpu.memory_space<semaphore_mem>>
        %dma_start3A_149 = arith.constant 0 : i32
        %dma_start3A_150 = tpu.memref_slice %arg9[%run_scoped3A_93, %dma_start3A_149] : memref<8x128xi32, #tpu.memory_space<vmem>> -> memref<1x128xi32, #tpu.memory_space<vmem>>
        %dma_start3A_151 = tpu.memref_squeeze %dma_start3A_150 : memref<1x128xi32, #tpu.memory_space<vmem>> -> memref<128xi32, #tpu.memory_space<vmem>>
        %dma_start3A_152 = arith.constant 0 : i32
        %dma_start3A_153 = arith.constant 0 : i32
        %dma_start3A_154 = tpu.memref_slice %arg7[%dma_start3A_152, %dma_start3A_153] : memref<10112x128xf32, #tpu.memory_space<vmem_shared>> -> memref<10112x128xf32, #tpu.memory_space<vmem_shared>>
        tpu.enqueue_indirect_dma source(%arg11 : memref<128x128xf32, #tpu.memory_space<vmem>>) target(%dma_start3A_154 : memref<10112x128xf32, #tpu.memory_space<vmem_shared>>) offsets(%dma_start3A_151 : memref<128xi32, #tpu.memory_space<vmem>>) semaphore(%run_scoped3A_148 : memref<!tpu.dma_semaphore, #tpu.memory_space<semaphore_mem>>) {add = true}
        %dma_wait3A_155 = arith.constant 0 : i32
        %dma_wait3A_156 = tpu.memref_slice %arg9[%run_scoped3A_93, %dma_wait3A_155] : memref<8x128xi32, #tpu.memory_space<vmem>> -> memref<1x128xi32, #tpu.memory_space<vmem>>
        %dma_wait3A_157 = tpu.memref_squeeze %dma_wait3A_156 : memref<1x128xi32, #tpu.memory_space<vmem>> -> memref<128xi32, #tpu.memory_space<vmem>>
        %dma_wait3A_158 = arith.constant 0 : i32
        %dma_wait3A_159 = arith.constant 0 : i32
        %dma_wait3A_160 = tpu.memref_slice %arg7[%dma_wait3A_158, %dma_wait3A_159] : memref<10112x128xf32, #tpu.memory_space<vmem_shared>> -> memref<10112x128xf32, #tpu.memory_space<vmem_shared>>
        tpu.wait_indirect_dma semaphore(%run_scoped3A_148 : memref<!tpu.dma_semaphore, #tpu.memory_space<semaphore_mem>>) src(%arg11 : memref<128x128xf32, #tpu.memory_space<vmem>>) dst(%dma_wait3A_160 : memref<10112x128xf32, #tpu.memory_space<vmem_shared>>)
        tpu.yield
      }) : () -> ()
      %dma_start3A_94 = arith.constant 5 : i32
      %dma_start3A_95 = arith.constant 0 : i32
      %dma_start3A_96 = tpu.memref_slice %arg8[%dma_start3A_94, %dma_start3A_95] : memref<8x128xi32, #tpu.memory_space<vmem>> -> memref<1x128xi32, #tpu.memory_space<vmem>>
      %dma_start3A_97 = tpu.memref_squeeze %dma_start3A_96 : memref<1x128xi32, #tpu.memory_space<vmem>> -> memref<128xi32, #tpu.memory_space<vmem>>
      %dma_start3A_98 = arith.constant 0 : i32
      %dma_start3A_99 = arith.constant 0 : i32
      %dma_start3A_100 = tpu.memref_slice %arg2[%dma_start3A_98, %dma_start3A_99] : memref<10000x128xf32, #tpu.memory_space<hbm>> -> memref<10000x128xf32, #tpu.memory_space<hbm>>
      tpu.enqueue_indirect_dma source(%dma_start3A_100 : memref<10000x128xf32, #tpu.memory_space<hbm>>) target(%arg11 : memref<128x128xf32, #tpu.memory_space<vmem>>) offsets(%dma_start3A_97 : memref<128xi32, #tpu.memory_space<vmem>>) semaphore(%arg13 : memref<!tpu.dma_semaphore, #tpu.memory_space<semaphore_mem>>)
      %dma_wait3A_101 = arith.constant 4 : i32
      %dma_wait3A_102 = arith.constant 0 : i32
      %dma_wait3A_103 = tpu.memref_slice %arg8[%dma_wait3A_101, %dma_wait3A_102] : memref<8x128xi32, #tpu.memory_space<vmem>> -> memref<1x128xi32, #tpu.memory_space<vmem>>
      %dma_wait3A_104 = tpu.memref_squeeze %dma_wait3A_103 : memref<1x128xi32, #tpu.memory_space<vmem>> -> memref<128xi32, #tpu.memory_space<vmem>>
      %dma_wait3A_105 = arith.constant 0 : i32
      %dma_wait3A_106 = arith.constant 0 : i32
      %dma_wait3A_107 = tpu.memref_slice %arg2[%dma_wait3A_105, %dma_wait3A_106] : memref<10000x128xf32, #tpu.memory_space<hbm>> -> memref<10000x128xf32, #tpu.memory_space<hbm>>
      tpu.wait_indirect_dma semaphore(%arg12 : memref<!tpu.dma_semaphore, #tpu.memory_space<semaphore_mem>>) src(%dma_wait3A_107 : memref<10000x128xf32, #tpu.memory_space<hbm>>) dst(%arg10 : memref<128x128xf32, #tpu.memory_space<vmem>>)
      %run_scoped3A_108 = arith.constant 4 : i32
      "tpu.region"() ({
        %run_scoped3A_148 = tpu.sem_alloc : memref<!tpu.dma_semaphore, #tpu.memory_space<semaphore_mem>>
        %dma_start3A_149 = arith.constant 0 : i32
        %dma_start3A_150 = tpu.memref_slice %arg9[%run_scoped3A_108, %dma_start3A_149] : memref<8x128xi32, #tpu.memory_space<vmem>> -> memref<1x128xi32, #tpu.memory_space<vmem>>
        %dma_start3A_151 = tpu.memref_squeeze %dma_start3A_150 : memref<1x128xi32, #tpu.memory_space<vmem>> -> memref<128xi32, #tpu.memory_space<vmem>>
        %dma_start3A_152 = arith.constant 0 : i32
        %dma_start3A_153 = arith.constant 0 : i32
        %dma_start3A_154 = tpu.memref_slice %arg7[%dma_start3A_152, %dma_start3A_153] : memref<10112x128xf32, #tpu.memory_space<vmem_shared>> -> memref<10112x128xf32, #tpu.memory_space<vmem_shared>>
        tpu.enqueue_indirect_dma source(%arg10 : memref<128x128xf32, #tpu.memory_space<vmem>>) target(%dma_start3A_154 : memref<10112x128xf32, #tpu.memory_space<vmem_shared>>) offsets(%dma_start3A_151 : memref<128xi32, #tpu.memory_space<vmem>>) semaphore(%run_scoped3A_148 : memref<!tpu.dma_semaphore, #tpu.memory_space<semaphore_mem>>) {add = true}
        %dma_wait3A_155 = arith.constant 0 : i32
        %dma_wait3A_156 = tpu.memref_slice %arg9[%run_scoped3A_108, %dma_wait3A_155] : memref<8x128xi32, #tpu.memory_space<vmem>> -> memref<1x128xi32, #tpu.memory_space<vmem>>
        %dma_wait3A_157 = tpu.memref_squeeze %dma_wait3A_156 : memref<1x128xi32, #tpu.memory_space<vmem>> -> memref<128xi32, #tpu.memory_space<vmem>>
        %dma_wait3A_158 = arith.constant 0 : i32
        %dma_wait3A_159 = arith.constant 0 : i32
        %dma_wait3A_160 = tpu.memref_slice %arg7[%dma_wait3A_158, %dma_wait3A_159] : memref<10112x128xf32, #tpu.memory_space<vmem_shared>> -> memref<10112x128xf32, #tpu.memory_space<vmem_shared>>
        tpu.wait_indirect_dma semaphore(%run_scoped3A_148 : memref<!tpu.dma_semaphore, #tpu.memory_space<semaphore_mem>>) src(%arg10 : memref<128x128xf32, #tpu.memory_space<vmem>>) dst(%dma_wait3A_160 : memref<10112x128xf32, #tpu.memory_space<vmem_shared>>)
        tpu.yield
      }) : () -> ()
      %dma_start3A_109 = arith.constant 6 : i32
      %dma_start3A_110 = arith.constant 0 : i32
      %dma_start3A_111 = tpu.memref_slice %arg8[%dma_start3A_109, %dma_start3A_110] : memref<8x128xi32, #tpu.memory_space<vmem>> -> memref<1x128xi32, #tpu.memory_space<vmem>>
      %dma_start3A_112 = tpu.memref_squeeze %dma_start3A_111 : memref<1x128xi32, #tpu.memory_space<vmem>> -> memref<128xi32, #tpu.memory_space<vmem>>
      %dma_start3A_113 = arith.constant 0 : i32
      %dma_start3A_114 = arith.constant 0 : i32
      %dma_start3A_115 = tpu.memref_slice %arg2[%dma_start3A_113, %dma_start3A_114] : memref<10000x128xf32, #tpu.memory_space<hbm>> -> memref<10000x128xf32, #tpu.memory_space<hbm>>
      tpu.enqueue_indirect_dma source(%dma_start3A_115 : memref<10000x128xf32, #tpu.memory_space<hbm>>) target(%arg10 : memref<128x128xf32, #tpu.memory_space<vmem>>) offsets(%dma_start3A_112 : memref<128xi32, #tpu.memory_space<vmem>>) semaphore(%arg12 : memref<!tpu.dma_semaphore, #tpu.memory_space<semaphore_mem>>)
      %dma_wait3A_116 = arith.constant 5 : i32
      %dma_wait3A_117 = arith.constant 0 : i32
      %dma_wait3A_118 = tpu.memref_slice %arg8[%dma_wait3A_116, %dma_wait3A_117] : memref<8x128xi32, #tpu.memory_space<vmem>> -> memref<1x128xi32, #tpu.memory_space<vmem>>
      %dma_wait3A_119 = tpu.memref_squeeze %dma_wait3A_118 : memref<1x128xi32, #tpu.memory_space<vmem>> -> memref<128xi32, #tpu.memory_space<vmem>>
      %dma_wait3A_120 = arith.constant 0 : i32
      %dma_wait3A_121 = arith.constant 0 : i32
      %dma_wait3A_122 = tpu.memref_slice %arg2[%dma_wait3A_120, %dma_wait3A_121] : memref<10000x128xf32, #tpu.memory_space<hbm>> -> memref<10000x128xf32, #tpu.memory_space<hbm>>
      tpu.wait_indirect_dma semaphore(%arg13 : memref<!tpu.dma_semaphore, #tpu.memory_space<semaphore_mem>>) src(%dma_wait3A_122 : memref<10000x128xf32, #tpu.memory_space<hbm>>) dst(%arg11 : memref<128x128xf32, #tpu.memory_space<vmem>>)
      %run_scoped3A_123 = arith.constant 5 : i32
      "tpu.region"() ({
        %run_scoped3A_148 = tpu.sem_alloc : memref<!tpu.dma_semaphore, #tpu.memory_space<semaphore_mem>>
        %dma_start3A_149 = arith.constant 0 : i32
        %dma_start3A_150 = tpu.memref_slice %arg9[%run_scoped3A_123, %dma_start3A_149] : memref<8x128xi32, #tpu.memory_space<vmem>> -> memref<1x128xi32, #tpu.memory_space<vmem>>
        %dma_start3A_151 = tpu.memref_squeeze %dma_start3A_150 : memref<1x128xi32, #tpu.memory_space<vmem>> -> memref<128xi32, #tpu.memory_space<vmem>>
        %dma_start3A_152 = arith.constant 0 : i32
        %dma_start3A_153 = arith.constant 0 : i32
        %dma_start3A_154 = tpu.memref_slice %arg7[%dma_start3A_152, %dma_start3A_153] : memref<10112x128xf32, #tpu.memory_space<vmem_shared>> -> memref<10112x128xf32, #tpu.memory_space<vmem_shared>>
        tpu.enqueue_indirect_dma source(%arg11 : memref<128x128xf32, #tpu.memory_space<vmem>>) target(%dma_start3A_154 : memref<10112x128xf32, #tpu.memory_space<vmem_shared>>) offsets(%dma_start3A_151 : memref<128xi32, #tpu.memory_space<vmem>>) semaphore(%run_scoped3A_148 : memref<!tpu.dma_semaphore, #tpu.memory_space<semaphore_mem>>) {add = true}
        %dma_wait3A_155 = arith.constant 0 : i32
        %dma_wait3A_156 = tpu.memref_slice %arg9[%run_scoped3A_123, %dma_wait3A_155] : memref<8x128xi32, #tpu.memory_space<vmem>> -> memref<1x128xi32, #tpu.memory_space<vmem>>
        %dma_wait3A_157 = tpu.memref_squeeze %dma_wait3A_156 : memref<1x128xi32, #tpu.memory_space<vmem>> -> memref<128xi32, #tpu.memory_space<vmem>>
        %dma_wait3A_158 = arith.constant 0 : i32
        %dma_wait3A_159 = arith.constant 0 : i32
        %dma_wait3A_160 = tpu.memref_slice %arg7[%dma_wait3A_158, %dma_wait3A_159] : memref<10112x128xf32, #tpu.memory_space<vmem_shared>> -> memref<10112x128xf32, #tpu.memory_space<vmem_shared>>
        tpu.wait_indirect_dma semaphore(%run_scoped3A_148 : memref<!tpu.dma_semaphore, #tpu.memory_space<semaphore_mem>>) src(%arg11 : memref<128x128xf32, #tpu.memory_space<vmem>>) dst(%dma_wait3A_160 : memref<10112x128xf32, #tpu.memory_space<vmem_shared>>)
        tpu.yield
      }) : () -> ()
      %dma_start3A_124 = arith.constant 7 : i32
      %dma_start3A_125 = arith.constant 0 : i32
      %dma_start3A_126 = tpu.memref_slice %arg8[%dma_start3A_124, %dma_start3A_125] : memref<8x128xi32, #tpu.memory_space<vmem>> -> memref<1x128xi32, #tpu.memory_space<vmem>>
      %dma_start3A_127 = tpu.memref_squeeze %dma_start3A_126 : memref<1x128xi32, #tpu.memory_space<vmem>> -> memref<128xi32, #tpu.memory_space<vmem>>
      %dma_start3A_128 = arith.constant 0 : i32
      %dma_start3A_129 = arith.constant 0 : i32
      %dma_start3A_130 = tpu.memref_slice %arg2[%dma_start3A_128, %dma_start3A_129] : memref<10000x128xf32, #tpu.memory_space<hbm>> -> memref<10000x128xf32, #tpu.memory_space<hbm>>
      tpu.enqueue_indirect_dma source(%dma_start3A_130 : memref<10000x128xf32, #tpu.memory_space<hbm>>) target(%arg11 : memref<128x128xf32, #tpu.memory_space<vmem>>) offsets(%dma_start3A_127 : memref<128xi32, #tpu.memory_space<vmem>>) semaphore(%arg13 : memref<!tpu.dma_semaphore, #tpu.memory_space<semaphore_mem>>)
      %dma_wait3A_131 = arith.constant 6 : i32
      %dma_wait3A_132 = arith.constant 0 : i32
      %dma_wait3A_133 = tpu.memref_slice %arg8[%dma_wait3A_131, %dma_wait3A_132] : memref<8x128xi32, #tpu.memory_space<vmem>> -> memref<1x128xi32, #tpu.memory_space<vmem>>
      %dma_wait3A_134 = tpu.memref_squeeze %dma_wait3A_133 : memref<1x128xi32, #tpu.memory_space<vmem>> -> memref<128xi32, #tpu.memory_space<vmem>>
      %dma_wait3A_135 = arith.constant 0 : i32
      %dma_wait3A_136 = arith.constant 0 : i32
      %dma_wait3A_137 = tpu.memref_slice %arg2[%dma_wait3A_135, %dma_wait3A_136] : memref<10000x128xf32, #tpu.memory_space<hbm>> -> memref<10000x128xf32, #tpu.memory_space<hbm>>
      tpu.wait_indirect_dma semaphore(%arg12 : memref<!tpu.dma_semaphore, #tpu.memory_space<semaphore_mem>>) src(%dma_wait3A_137 : memref<10000x128xf32, #tpu.memory_space<hbm>>) dst(%arg10 : memref<128x128xf32, #tpu.memory_space<vmem>>)
      %run_scoped3A_138 = arith.constant 6 : i32
      "tpu.region"() ({
        %run_scoped3A_148 = tpu.sem_alloc : memref<!tpu.dma_semaphore, #tpu.memory_space<semaphore_mem>>
        %dma_start3A_149 = arith.constant 0 : i32
        %dma_start3A_150 = tpu.memref_slice %arg9[%run_scoped3A_138, %dma_start3A_149] : memref<8x128xi32, #tpu.memory_space<vmem>> -> memref<1x128xi32, #tpu.memory_space<vmem>>
        %dma_start3A_151 = tpu.memref_squeeze %dma_start3A_150 : memref<1x128xi32, #tpu.memory_space<vmem>> -> memref<128xi32, #tpu.memory_space<vmem>>
        %dma_start3A_152 = arith.constant 0 : i32
        %dma_start3A_153 = arith.constant 0 : i32
        %dma_start3A_154 = tpu.memref_slice %arg7[%dma_start3A_152, %dma_start3A_153] : memref<10112x128xf32, #tpu.memory_space<vmem_shared>> -> memref<10112x128xf32, #tpu.memory_space<vmem_shared>>
        tpu.enqueue_indirect_dma source(%arg10 : memref<128x128xf32, #tpu.memory_space<vmem>>) target(%dma_start3A_154 : memref<10112x128xf32, #tpu.memory_space<vmem_shared>>) offsets(%dma_start3A_151 : memref<128xi32, #tpu.memory_space<vmem>>) semaphore(%run_scoped3A_148 : memref<!tpu.dma_semaphore, #tpu.memory_space<semaphore_mem>>) {add = true}
        %dma_wait3A_155 = arith.constant 0 : i32
        %dma_wait3A_156 = tpu.memref_slice %arg9[%run_scoped3A_138, %dma_wait3A_155] : memref<8x128xi32, #tpu.memory_space<vmem>> -> memref<1x128xi32, #tpu.memory_space<vmem>>
        %dma_wait3A_157 = tpu.memref_squeeze %dma_wait3A_156 : memref<1x128xi32, #tpu.memory_space<vmem>> -> memref<128xi32, #tpu.memory_space<vmem>>
        %dma_wait3A_158 = arith.constant 0 : i32
        %dma_wait3A_159 = arith.constant 0 : i32
        %dma_wait3A_160 = tpu.memref_slice %arg7[%dma_wait3A_158, %dma_wait3A_159] : memref<10112x128xf32, #tpu.memory_space<vmem_shared>> -> memref<10112x128xf32, #tpu.memory_space<vmem_shared>>
        tpu.wait_indirect_dma semaphore(%run_scoped3A_148 : memref<!tpu.dma_semaphore, #tpu.memory_space<semaphore_mem>>) src(%arg10 : memref<128x128xf32, #tpu.memory_space<vmem>>) dst(%dma_wait3A_160 : memref<10112x128xf32, #tpu.memory_space<vmem_shared>>)
        tpu.yield
      }) : () -> ()
      %dma_wait3A_139 = arith.constant 7 : i32
      %dma_wait3A_140 = arith.constant 0 : i32
      %dma_wait3A_141 = tpu.memref_slice %arg8[%dma_wait3A_139, %dma_wait3A_140] : memref<8x128xi32, #tpu.memory_space<vmem>> -> memref<1x128xi32, #tpu.memory_space<vmem>>
      %dma_wait3A_142 = tpu.memref_squeeze %dma_wait3A_141 : memref<1x128xi32, #tpu.memory_space<vmem>> -> memref<128xi32, #tpu.memory_space<vmem>>
      %dma_wait3A_143 = arith.constant 0 : i32
      %dma_wait3A_144 = arith.constant 0 : i32
      %dma_wait3A_145 = tpu.memref_slice %arg2[%dma_wait3A_143, %dma_wait3A_144] : memref<10000x128xf32, #tpu.memory_space<hbm>> -> memref<10000x128xf32, #tpu.memory_space<hbm>>
      tpu.wait_indirect_dma semaphore(%arg13 : memref<!tpu.dma_semaphore, #tpu.memory_space<semaphore_mem>>) src(%dma_wait3A_145 : memref<10000x128xf32, #tpu.memory_space<hbm>>) dst(%arg11 : memref<128x128xf32, #tpu.memory_space<vmem>>)
      %run_scoped3A_146 = arith.constant 7 : i32
      "tpu.region"() ({
        %run_scoped3A_148 = tpu.sem_alloc : memref<!tpu.dma_semaphore, #tpu.memory_space<semaphore_mem>>
        %dma_start3A_149 = arith.constant 0 : i32
        %dma_start3A_150 = tpu.memref_slice %arg9[%run_scoped3A_146, %dma_start3A_149] : memref<8x128xi32, #tpu.memory_space<vmem>> -> memref<1x128xi32, #tpu.memory_space<vmem>>
        %dma_start3A_151 = tpu.memref_squeeze %dma_start3A_150 : memref<1x128xi32, #tpu.memory_space<vmem>> -> memref<128xi32, #tpu.memory_space<vmem>>
        %dma_start3A_152 = arith.constant 0 : i32
        %dma_start3A_153 = arith.constant 0 : i32
        %dma_start3A_154 = tpu.memref_slice %arg7[%dma_start3A_152, %dma_start3A_153] : memref<10112x128xf32, #tpu.memory_space<vmem_shared>> -> memref<10112x128xf32, #tpu.memory_space<vmem_shared>>
        tpu.enqueue_indirect_dma source(%arg11 : memref<128x128xf32, #tpu.memory_space<vmem>>) target(%dma_start3A_154 : memref<10112x128xf32, #tpu.memory_space<vmem_shared>>) offsets(%dma_start3A_151 : memref<128xi32, #tpu.memory_space<vmem>>) semaphore(%run_scoped3A_148 : memref<!tpu.dma_semaphore, #tpu.memory_space<semaphore_mem>>) {add = true}
        %dma_wait3A_155 = arith.constant 0 : i32
        %dma_wait3A_156 = tpu.memref_slice %arg9[%run_scoped3A_146, %dma_wait3A_155] : memref<8x128xi32, #tpu.memory_space<vmem>> -> memref<1x128xi32, #tpu.memory_space<vmem>>
        %dma_wait3A_157 = tpu.memref_squeeze %dma_wait3A_156 : memref<1x128xi32, #tpu.memory_space<vmem>> -> memref<128xi32, #tpu.memory_space<vmem>>
        %dma_wait3A_158 = arith.constant 0 : i32
        %dma_wait3A_159 = arith.constant 0 : i32
        %dma_wait3A_160 = tpu.memref_slice %arg7[%dma_wait3A_158, %dma_wait3A_159] : memref<10112x128xf32, #tpu.memory_space<vmem_shared>> -> memref<10112x128xf32, #tpu.memory_space<vmem_shared>>
        tpu.wait_indirect_dma semaphore(%run_scoped3A_148 : memref<!tpu.dma_semaphore, #tpu.memory_space<semaphore_mem>>) src(%arg11 : memref<128x128xf32, #tpu.memory_space<vmem>>) dst(%dma_wait3A_160 : memref<10112x128xf32, #tpu.memory_space<vmem_shared>>)
        tpu.yield
      }) : () -> ()
      %while3A_147 = arith.constant 0 : i32
      scf.yield %while3A_147 : i32
    }
    %barrier3A_24 = arith.constant 0 : index
    tpu.barrier barrier_id(%barrier3A_24)
    "tpu.region"() ({
      %run_scoped3A = tpu.sem_alloc : memref<!tpu.dma_semaphore, #tpu.memory_space<semaphore_mem>>
      %dma_start3A = arith.constant 0 : i32
      %dma_start3A_25 = tpu.memref_slice %arg6[%arg0, %mul3A_0, %dma_start3A] : memref<2x10112x128xf32, #tpu.memory_space<hbm>> -> memref<1x632x128xf32, #tpu.memory_space<hbm>>
      %dma_start3A_26 = tpu.memref_squeeze %dma_start3A_25 : memref<1x632x128xf32, #tpu.memory_space<hbm>> -> memref<632x128xf32, #tpu.memory_space<hbm>>
      %dma_start3A_27 = arith.constant 0 : i32
      %dma_start3A_28 = tpu.memref_slice %arg7[%mul3A_0, %dma_start3A_27] : memref<10112x128xf32, #tpu.memory_space<vmem_shared>> -> memref<632x128xf32, #tpu.memory_space<vmem_shared>>
      tpu.enqueue_dma source(%dma_start3A_28 : memref<632x128xf32, #tpu.memory_space<vmem_shared>>) target(%dma_start3A_26 : memref<632x128xf32, #tpu.memory_space<hbm>>) target_semaphore(%run_scoped3A : memref<!tpu.dma_semaphore, #tpu.memory_space<semaphore_mem>>)
      %dma_wait3A = arith.constant 0 : i32
      %dma_wait3A_29 = tpu.memref_slice %arg6[%arg0, %mul3A_0, %dma_wait3A] : memref<2x10112x128xf32, #tpu.memory_space<hbm>> -> memref<1x632x128xf32, #tpu.memory_space<hbm>>
      %dma_wait3A_30 = tpu.memref_squeeze %dma_wait3A_29 : memref<1x632x128xf32, #tpu.memory_space<hbm>> -> memref<632x128xf32, #tpu.memory_space<hbm>>
      %dma_wait3A_31 = arith.constant 0 : i32
      %dma_wait3A_32 = tpu.memref_slice %arg7[%mul3A_0, %dma_wait3A_31] : memref<10112x128xf32, #tpu.memory_space<vmem_shared>> -> memref<632x128xf32, #tpu.memory_space<vmem_shared>>
      tpu.wait_dma2 semaphore(%run_scoped3A : memref<!tpu.dma_semaphore, #tpu.memory_space<semaphore_mem>>) src(%dma_wait3A_32 : memref<632x128xf32, #tpu.memory_space<vmem_shared>>) dst(%dma_wait3A_30 : memref<632x128xf32, #tpu.memory_space<hbm>>)
      tpu.yield
    }) : () -> ()
    return
  }
}

module attributes {stable_mosaic.version = 14 : i64} {
  func.func @_mm_body(%arg0: i32, %arg1: memref<1000x128xf32, #tpu.memory_space<vmem>>, %arg2: memref<128x256xf32, #tpu.memory_space<vmem>>, %arg3: memref<1000x128xf32, #tpu.memory_space<vmem>>, %arg4: memref<1000x128xf32, #tpu.memory_space<vmem>>) attributes {dimension_semantics = [#tpu.dimension_semantics<arbitrary>], iteration_bounds = array<i64: 10>, scalar_prefetch = 0 : i64, scratch_operands = 0 : i64, tpu.core_type = #tpu.core_type<tc>, window_params = [{transform_indices = @transform_0, window_bounds = array<i64: 1000, 128>}, {pipeline_mode = #tpu.pipeline_mode<synchronous>, transform_indices = @transform_1, window_bounds = array<i64: 128, 256>}, {transform_indices = @transform_2, window_bounds = array<i64: 1000, 128>}, {transform_indices = @transform_3, window_bounds = array<i64: 1000, 128>}]} {
    %get3A = arith.constant 0 : index
    %get3A_0 = arith.constant 0 : index
    %get3A_1 = vector.load %arg1[%get3A, %get3A_0] : memref<1000x128xf32, #tpu.memory_space<vmem>>, vector<1000x128xf32>
    %get3A_2 = arith.constant 0 : index
    %get3A_3 = arith.constant 0 : index
    %get3A_4 = vector.load %arg2[%get3A_2, %get3A_3] : memref<128x256xf32, #tpu.memory_space<vmem>>, vector<128x256xf32>
    %dot_general3A = arith.constant dense<0.000000e+00> : vector<1000x256xf32>
    %dot_general3A_5 = tpu.matmul %get3A_1, %get3A_4, %dot_general3A {dimension_numbers = #tpu.dot_dimension_numbers<[1], [0], [0], [1], [0, 0, 1, 1], [], []>, transpose_lhs_hint = false} : vector<1000x128xf32>, vector<128x256xf32>, vector<1000x256xf32> -> vector<1000x256xf32>
    %slice3A = vector.extract_strided_slice %dot_general3A_5 {offsets = [0, 0], sizes = [1000, 128], strides = [1, 1]} : vector<1000x256xf32> to vector<1000x128xf32>
    %swap3A = arith.constant 0 : index
    %swap3A_6 = arith.constant 0 : index
    %swap3A_7 = vector.load %arg3[%swap3A, %swap3A_6] : memref<1000x128xf32, #tpu.memory_space<vmem>>, vector<1000x128xf32>
    tpu.vector_store %arg3[%swap3A, %swap3A_6], %slice3A {strides = array<i32>} : memref<1000x128xf32, #tpu.memory_space<vmem>>, vector<1000x128xf32>,
    %slice3A_8 = vector.extract_strided_slice %dot_general3A_5 {offsets = [0, 128], sizes = [1000, 128], strides = [1, 1]} : vector<1000x256xf32> to vector<1000x128xf32>
    %swap3A_9 = arith.constant 0 : index
    %swap3A_10 = arith.constant 0 : index
    %swap3A_11 = vector.load %arg4[%swap3A_9, %swap3A_10] : memref<1000x128xf32, #tpu.memory_space<vmem>>, vector<1000x128xf32>
    tpu.vector_store %arg4[%swap3A_9, %swap3A_10], %slice3A_8 {strides = array<i32>} : memref<1000x128xf32, #tpu.memory_space<vmem>>, vector<1000x128xf32>,
    return
  }
  func.func @transform_0(%arg0: i32) -> (i32, i32) {
    %c0_i32 = arith.constant 0 : i32
    %c0_i32_0 = arith.constant 0 : i32
    return %arg0, %c0_i32 : i32, i32
  }
  func.func @transform_1(%arg0: i32) -> (i32, i32) {
    %c0_i32 = arith.constant 0 : i32
    %c0_i32_0 = arith.constant 0 : i32
    %c0_i32_1 = arith.constant 0 : i32
    return %c0_i32, %c0_i32_0 : i32, i32
  }
  func.func @transform_2(%arg0: i32) -> (i32, i32) {
    %c0_i32 = arith.constant 0 : i32
    %c0_i32_0 = arith.constant 0 : i32
    return %arg0, %c0_i32 : i32, i32
  }
  func.func @transform_3(%arg0: i32) -> (i32, i32) {
    %c0_i32 = arith.constant 0 : i32
    %c0_i32_0 = arith.constant 0 : i32
    return %arg0, %c0_i32 : i32, i32
  }
}

module attributes {stable_mosaic.version = 14 : i64} {
  func.func @_comb_body(%arg0: i32, %arg1: memref<2x1000x128xf32, #tpu.memory_space<vmem>>, %arg2: memref<1000x128xf32, #tpu.memory_space<vmem>>, %arg3: memref<1x128xf32, #tpu.memory_space<vmem>>, %arg4: memref<1000x128xf32, #tpu.memory_space<vmem>>, %arg5: memref<2x128xf32, #tpu.memory_space<vmem>>) attributes {dimension_semantics = [#tpu.dimension_semantics<arbitrary>], iteration_bounds = array<i64: 10>, scalar_prefetch = 0 : i64, scratch_operands = 0 : i64, tpu.core_type = #tpu.core_type<tc>, window_params = [{transform_indices = @transform_0, window_bounds = array<i64: 2, 1000, 128>}, {transform_indices = @transform_1, window_bounds = array<i64: 1000, 128>}, {pipeline_mode = #tpu.pipeline_mode<synchronous>, transform_indices = @transform_2, window_bounds = array<i64: 1, 128>}, {transform_indices = @transform_3, window_bounds = array<i64: 1000, 128>}, {pipeline_mode = #tpu.pipeline_mode<synchronous>, transform_indices = @transform_4, window_bounds = array<i64: 2, 128>}]} {
    %get3A = arith.constant 0 : index
    %get3A_0 = arith.constant 0 : index
    %get3A_1 = arith.constant 0 : index
    %get3A_2 = vector.load %arg1[%get3A, %get3A_0, %get3A_1] : memref<2x1000x128xf32, #tpu.memory_space<vmem>>, vector<1x1000x128xf32>
    %get3A_3 = vector.shape_cast %get3A_2 : vector<1x1000x128xf32> to vector<1000x128xf32>
    %get3A_4 = arith.constant 1 : index
    %get3A_5 = arith.constant 0 : index
    %get3A_6 = arith.constant 0 : index
    %get3A_7 = vector.load %arg1[%get3A_4, %get3A_5, %get3A_6] : memref<2x1000x128xf32, #tpu.memory_space<vmem>>, vector<1x1000x128xf32>
    %get3A_8 = vector.shape_cast %get3A_7 : vector<1x1000x128xf32> to vector<1000x128xf32>
    %add3A = arith.addf %get3A_3, %get3A_8 : vector<1000x128xf32>
    %get3A_9 = arith.constant 0 : index
    %get3A_10 = arith.constant 0 : index
    %get3A_11 = vector.load %arg2[%get3A_9, %get3A_10] : memref<1000x128xf32, #tpu.memory_space<vmem>>, vector<1000x128xf32>
    %add3A_12 = arith.addf %add3A, %get3A_11 : vector<1000x128xf32>
    %get3A_13 = arith.constant 0 : index
    %get3A_14 = arith.constant 0 : index
    %get3A_15 = vector.load %arg3[%get3A_13, %get3A_14] : memref<1x128xf32, #tpu.memory_space<vmem>>, vector<1x128xf32>
    %add3A_16 = vector.broadcast %get3A_15 : vector<1x128xf32> to vector<1000x128xf32>
    %add3A_17 = arith.addf %add3A_12, %add3A_16 : vector<1000x128xf32>
    %swap3A = arith.constant 0 : index
    %swap3A_18 = arith.constant 0 : index
    %swap3A_19 = vector.load %arg4[%swap3A, %swap3A_18] : memref<1000x128xf32, #tpu.memory_space<vmem>>, vector<1000x128xf32>
    tpu.vector_store %arg4[%swap3A, %swap3A_18], %add3A_17 {strides = array<i32>} : memref<1000x128xf32, #tpu.memory_space<vmem>>, vector<1000x128xf32>,
    %eq3A = arith.constant 0 : i32
    %eq3A_20 = arith.cmpi eq, %arg0, %eq3A : i32
    %convert_element_type3A = arith.extui %eq3A_20 : i1 to i32
    %cond3A = arith.constant 0 : i32
    %cond3A_21 = arith.cmpi ne, %convert_element_type3A, %cond3A : i32
    scf.if %cond3A_21 {
      %broadcast_in_dim3A_40 = arith.constant 0.000000e+00 : f32
      %broadcast_in_dim3A_41 = vector.broadcast %broadcast_in_dim3A_40 : f32 to vector<2x128xf32>
      %swap3A_42 = arith.constant 0 : index
      %swap3A_43 = arith.constant 0 : index
      %swap3A_44 = vector.load %arg5[%swap3A_42, %swap3A_43] : memref<2x128xf32, #tpu.memory_space<vmem>>, vector<2x128xf32>
      tpu.vector_store %arg5[%swap3A_42, %swap3A_43], %broadcast_in_dim3A_41 {strides = array<i32>} : memref<2x128xf32, #tpu.memory_space<vmem>>, vector<2x128xf32>,
    } else {
    }
    %get3A_22 = arith.constant 0 : index
    %get3A_23 = arith.constant 0 : index
    %get3A_24 = vector.load %arg5[%get3A_22, %get3A_23] : memref<2x128xf32, #tpu.memory_space<vmem>>, vector<1x128xf32>
    %reduce_sum3A = arith.constant dense<0.000000e+00> : vector<128xf32>
    %reduce_sum3A_25 = vector.multi_reduction <add>, %add3A_17, %reduce_sum3A [0] : vector<1000x128xf32> to vector<128xf32>
    %broadcast_in_dim3A = vector.shape_cast %reduce_sum3A_25 : vector<128xf32> to vector<1x128xf32>
    %add3A_26 = arith.addf %get3A_24, %broadcast_in_dim3A : vector<1x128xf32>
    %swap3A_27 = arith.constant 0 : index
    %swap3A_28 = arith.constant 0 : index
    %swap3A_29 = vector.load %arg5[%swap3A_27, %swap3A_28] : memref<2x128xf32, #tpu.memory_space<vmem>>, vector<1x128xf32>
    tpu.vector_store %arg5[%swap3A_27, %swap3A_28], %add3A_26 {strides = array<i32>} : memref<2x128xf32, #tpu.memory_space<vmem>>, vector<1x128xf32>,
    %get3A_30 = arith.constant 1 : index
    %get3A_31 = arith.constant 0 : index
    %get3A_32 = vector.load %arg5[%get3A_30, %get3A_31] : memref<2x128xf32, #tpu.memory_space<vmem>>, vector<1x128xf32>
    %mul3A = arith.mulf %add3A_17, %add3A_17 : vector<1000x128xf32>
    %reduce_sum3A_33 = arith.constant dense<0.000000e+00> : vector<128xf32>
    %reduce_sum3A_34 = vector.multi_reduction <add>, %mul3A, %reduce_sum3A_33 [0] : vector<1000x128xf32> to vector<128xf32>
    %broadcast_in_dim3A_35 = vector.shape_cast %reduce_sum3A_34 : vector<128xf32> to vector<1x128xf32>
    %add3A_36 = arith.addf %get3A_32, %broadcast_in_dim3A_35 : vector<1x128xf32>
    %swap3A_37 = arith.constant 1 : index
    %swap3A_38 = arith.constant 0 : index
    %swap3A_39 = vector.load %arg5[%swap3A_37, %swap3A_38] : memref<2x128xf32, #tpu.memory_space<vmem>>, vector<1x128xf32>
    tpu.vector_store %arg5[%swap3A_37, %swap3A_38], %add3A_36 {strides = array<i32>} : memref<2x128xf32, #tpu.memory_space<vmem>>, vector<1x128xf32>,
    return
  }
  func.func @transform_0(%arg0: i32) -> (i32, i32, i32) {
    %c0_i32 = arith.constant 0 : i32
    %c0_i32_0 = arith.constant 0 : i32
    %c0_i32_1 = arith.constant 0 : i32
    return %c0_i32, %arg0, %c0_i32_0 : i32, i32, i32
  }
  func.func @transform_1(%arg0: i32) -> (i32, i32) {
    %c0_i32 = arith.constant 0 : i32
    %c0_i32_0 = arith.constant 0 : i32
    return %arg0, %c0_i32 : i32, i32
  }
  func.func @transform_2(%arg0: i32) -> (i32, i32) {
    %c0_i32 = arith.constant 0 : i32
    %c0_i32_0 = arith.constant 0 : i32
    %c0_i32_1 = arith.constant 0 : i32
    return %c0_i32, %c0_i32_0 : i32, i32
  }
  func.func @transform_3(%arg0: i32) -> (i32, i32) {
    %c0_i32 = arith.constant 0 : i32
    %c0_i32_0 = arith.constant 0 : i32
    return %arg0, %c0_i32 : i32, i32
  }
  func.func @transform_4(%arg0: i32) -> (i32, i32) {
    %c0_i32 = arith.constant 0 : i32
    %c0_i32_0 = arith.constant 0 : i32
    %c0_i32_1 = arith.constant 0 : i32
    return %c0_i32, %c0_i32_0 : i32, i32
  }
}

module attributes {stable_mosaic.version = 14 : i64} {
  func.func @_bn_mm_body(%arg0: i32, %arg1: memref<1000x128xf32, #tpu.memory_space<vmem>>, %arg2: memref<2x128xf32, #tpu.memory_space<vmem>>, %arg3: memref<1x128xf32, #tpu.memory_space<vmem>>, %arg4: memref<1x128xf32, #tpu.memory_space<vmem>>, %arg5: memref<128x256xf32, #tpu.memory_space<vmem>>, %arg6: memref<1000x128xf32, #tpu.memory_space<vmem>>, %arg7: memref<1000x128xf32, #tpu.memory_space<vmem>>) attributes {dimension_semantics = [#tpu.dimension_semantics<arbitrary>], iteration_bounds = array<i64: 10>, scalar_prefetch = 0 : i64, scratch_operands = 0 : i64, tpu.core_type = #tpu.core_type<tc>, window_params = [{transform_indices = @transform_0, window_bounds = array<i64: 1000, 128>}, {pipeline_mode = #tpu.pipeline_mode<synchronous>, transform_indices = @transform_1, window_bounds = array<i64: 2, 128>}, {pipeline_mode = #tpu.pipeline_mode<synchronous>, transform_indices = @transform_2, window_bounds = array<i64: 1, 128>}, {pipeline_mode = #tpu.pipeline_mode<synchronous>, transform_indices = @transform_3, window_bounds = array<i64: 1, 128>}, {pipeline_mode = #tpu.pipeline_mode<synchronous>, transform_indices = @transform_4, window_bounds = array<i64: 128, 256>}, {transform_indices = @transform_5, window_bounds = array<i64: 1000, 128>}, {transform_indices = @transform_6, window_bounds = array<i64: 1000, 128>}]} {
    %get3A = arith.constant 0 : index
    %get3A_0 = arith.constant 0 : index
    %get3A_1 = vector.load %arg2[%get3A, %get3A_0] : memref<2x128xf32, #tpu.memory_space<vmem>>, vector<1x128xf32>
    %mul3A = arith.constant 9.99999974E-5 : f32
    %mul3A_2 = vector.broadcast %mul3A : f32 to vector<1x128xf32>
    %mul3A_3 = arith.mulf %get3A_1, %mul3A_2 : vector<1x128xf32>
    %get3A_4 = arith.constant 1 : index
    %get3A_5 = arith.constant 0 : index
    %get3A_6 = vector.load %arg2[%get3A_4, %get3A_5] : memref<2x128xf32, #tpu.memory_space<vmem>>, vector<1x128xf32>
    %mul3A_7 = arith.constant 9.99999974E-5 : f32
    %mul3A_8 = vector.broadcast %mul3A_7 : f32 to vector<1x128xf32>
    %mul3A_9 = arith.mulf %get3A_6, %mul3A_8 : vector<1x128xf32>
    %mul3A_10 = arith.mulf %mul3A_3, %mul3A_3 : vector<1x128xf32>
    %sub3A = arith.subf %mul3A_9, %mul3A_10 : vector<1x128xf32>
    %get3A_11 = arith.constant 0 : index
    %get3A_12 = arith.constant 0 : index
    %get3A_13 = vector.load %arg3[%get3A_11, %get3A_12] : memref<1x128xf32, #tpu.memory_space<vmem>>, vector<1x128xf32>
    %add3A = arith.constant 9.99999974E-6 : f32
    %add3A_14 = vector.broadcast %add3A : f32 to vector<1x128xf32>
    %add3A_15 = arith.addf %sub3A, %add3A_14 : vector<1x128xf32>
    %rsqrt3A = math.rsqrt %add3A_15 : vector<1x128xf32>
    %mul3A_16 = arith.mulf %get3A_13, %rsqrt3A : vector<1x128xf32>
    %get3A_17 = arith.constant 0 : index
    %get3A_18 = arith.constant 0 : index
    %get3A_19 = vector.load %arg1[%get3A_17, %get3A_18] : memref<1000x128xf32, #tpu.memory_space<vmem>>, vector<1000x128xf32>
    %sub3A_20 = vector.broadcast %mul3A_3 : vector<1x128xf32> to vector<1000x128xf32>
    %sub3A_21 = arith.subf %get3A_19, %sub3A_20 : vector<1000x128xf32>
    %mul3A_22 = vector.broadcast %mul3A_16 : vector<1x128xf32> to vector<1000x128xf32>
    %mul3A_23 = arith.mulf %sub3A_21, %mul3A_22 : vector<1000x128xf32>
    %get3A_24 = arith.constant 0 : index
    %get3A_25 = arith.constant 0 : index
    %get3A_26 = vector.load %arg4[%get3A_24, %get3A_25] : memref<1x128xf32, #tpu.memory_space<vmem>>, vector<1x128xf32>
    %add3A_27 = vector.broadcast %get3A_26 : vector<1x128xf32> to vector<1000x128xf32>
    %add3A_28 = arith.addf %mul3A_23, %add3A_27 : vector<1000x128xf32>
    %max3A = arith.constant 0.000000e+00 : f32
    %max3A_29 = vector.broadcast %max3A : f32 to vector<1000x128xf32>
    %max3A_30 = arith.maximumf %add3A_28, %max3A_29 : vector<1000x128xf32>
    %get3A_31 = arith.constant 0 : index
    %get3A_32 = arith.constant 0 : index
    %get3A_33 = vector.load %arg5[%get3A_31, %get3A_32] : memref<128x256xf32, #tpu.memory_space<vmem>>, vector<128x256xf32>
    %dot_general3A = arith.constant dense<0.000000e+00> : vector<1000x256xf32>
    %dot_general3A_34 = tpu.matmul %max3A_30, %get3A_33, %dot_general3A {dimension_numbers = #tpu.dot_dimension_numbers<[1], [0], [0], [1], [0, 0, 1, 1], [], []>, transpose_lhs_hint = false} : vector<1000x128xf32>, vector<128x256xf32>, vector<1000x256xf32> -> vector<1000x256xf32>
    %slice3A = vector.extract_strided_slice %dot_general3A_34 {offsets = [0, 0], sizes = [1000, 128], strides = [1, 1]} : vector<1000x256xf32> to vector<1000x128xf32>
    %swap3A = arith.constant 0 : index
    %swap3A_35 = arith.constant 0 : index
    %swap3A_36 = vector.load %arg6[%swap3A, %swap3A_35] : memref<1000x128xf32, #tpu.memory_space<vmem>>, vector<1000x128xf32>
    tpu.vector_store %arg6[%swap3A, %swap3A_35], %slice3A {strides = array<i32>} : memref<1000x128xf32, #tpu.memory_space<vmem>>, vector<1000x128xf32>,
    %slice3A_37 = vector.extract_strided_slice %dot_general3A_34 {offsets = [0, 128], sizes = [1000, 128], strides = [1, 1]} : vector<1000x256xf32> to vector<1000x128xf32>
    %swap3A_38 = arith.constant 0 : index
    %swap3A_39 = arith.constant 0 : index
    %swap3A_40 = vector.load %arg7[%swap3A_38, %swap3A_39] : memref<1000x128xf32, #tpu.memory_space<vmem>>, vector<1000x128xf32>
    tpu.vector_store %arg7[%swap3A_38, %swap3A_39], %slice3A_37 {strides = array<i32>} : memref<1000x128xf32, #tpu.memory_space<vmem>>, vector<1000x128xf32>,
    return
  }
  func.func @transform_0(%arg0: i32) -> (i32, i32) {
    %c0_i32 = arith.constant 0 : i32
    %c0_i32_0 = arith.constant 0 : i32
    return %arg0, %c0_i32 : i32, i32
  }
  func.func @transform_1(%arg0: i32) -> (i32, i32) {
    %c0_i32 = arith.constant 0 : i32
    %c0_i32_0 = arith.constant 0 : i32
    %c0_i32_1 = arith.constant 0 : i32
    return %c0_i32, %c0_i32_0 : i32, i32
  }
  func.func @transform_2(%arg0: i32) -> (i32, i32) {
    %c0_i32 = arith.constant 0 : i32
    %c0_i32_0 = arith.constant 0 : i32
    %c0_i32_1 = arith.constant 0 : i32
    return %c0_i32, %c0_i32_0 : i32, i32
  }
  func.func @transform_3(%arg0: i32) -> (i32, i32) {
    %c0_i32 = arith.constant 0 : i32
    %c0_i32_0 = arith.constant 0 : i32
    %c0_i32_1 = arith.constant 0 : i32
    return %c0_i32, %c0_i32_0 : i32, i32
  }
  func.func @transform_4(%arg0: i32) -> (i32, i32) {
    %c0_i32 = arith.constant 0 : i32
    %c0_i32_0 = arith.constant 0 : i32
    %c0_i32_1 = arith.constant 0 : i32
    return %c0_i32, %c0_i32_0 : i32, i32
  }
  func.func @transform_5(%arg0: i32) -> (i32, i32) {
    %c0_i32 = arith.constant 0 : i32
    %c0_i32_0 = arith.constant 0 : i32
    return %arg0, %c0_i32 : i32, i32
  }
  func.func @transform_6(%arg0: i32) -> (i32, i32) {
    %c0_i32 = arith.constant 0 : i32
    %c0_i32_0 = arith.constant 0 : i32
    return %arg0, %c0_i32 : i32, i32
  }
}

module attributes {stable_mosaic.version = 14 : i64} {
  func.func @_bn_mm_body(%arg0: i32, %arg1: memref<1000x128xf32, #tpu.memory_space<vmem>>, %arg2: memref<2x128xf32, #tpu.memory_space<vmem>>, %arg3: memref<1x128xf32, #tpu.memory_space<vmem>>, %arg4: memref<1x128xf32, #tpu.memory_space<vmem>>, %arg5: memref<128x192xf32, #tpu.memory_space<vmem>>, %arg6: memref<1000x128xf32, #tpu.memory_space<vmem>>, %arg7: memref<1000x64xf32, #tpu.memory_space<vmem>>) attributes {dimension_semantics = [#tpu.dimension_semantics<arbitrary>], iteration_bounds = array<i64: 10>, scalar_prefetch = 0 : i64, scratch_operands = 0 : i64, tpu.core_type = #tpu.core_type<tc>, window_params = [{transform_indices = @transform_0, window_bounds = array<i64: 1000, 128>}, {pipeline_mode = #tpu.pipeline_mode<synchronous>, transform_indices = @transform_1, window_bounds = array<i64: 2, 128>}, {pipeline_mode = #tpu.pipeline_mode<synchronous>, transform_indices = @transform_2, window_bounds = array<i64: 1, 128>}, {pipeline_mode = #tpu.pipeline_mode<synchronous>, transform_indices = @transform_3, window_bounds = array<i64: 1, 128>}, {pipeline_mode = #tpu.pipeline_mode<synchronous>, transform_indices = @transform_4, window_bounds = array<i64: 128, 192>}, {transform_indices = @transform_5, window_bounds = array<i64: 1000, 128>}, {transform_indices = @transform_6, window_bounds = array<i64: 1000, 64>}]} {
    %get3A = arith.constant 0 : index
    %get3A_0 = arith.constant 0 : index
    %get3A_1 = vector.load %arg2[%get3A, %get3A_0] : memref<2x128xf32, #tpu.memory_space<vmem>>, vector<1x128xf32>
    %mul3A = arith.constant 9.99999974E-5 : f32
    %mul3A_2 = vector.broadcast %mul3A : f32 to vector<1x128xf32>
    %mul3A_3 = arith.mulf %get3A_1, %mul3A_2 : vector<1x128xf32>
    %get3A_4 = arith.constant 1 : index
    %get3A_5 = arith.constant 0 : index
    %get3A_6 = vector.load %arg2[%get3A_4, %get3A_5] : memref<2x128xf32, #tpu.memory_space<vmem>>, vector<1x128xf32>
    %mul3A_7 = arith.constant 9.99999974E-5 : f32
    %mul3A_8 = vector.broadcast %mul3A_7 : f32 to vector<1x128xf32>
    %mul3A_9 = arith.mulf %get3A_6, %mul3A_8 : vector<1x128xf32>
    %mul3A_10 = arith.mulf %mul3A_3, %mul3A_3 : vector<1x128xf32>
    %sub3A = arith.subf %mul3A_9, %mul3A_10 : vector<1x128xf32>
    %get3A_11 = arith.constant 0 : index
    %get3A_12 = arith.constant 0 : index
    %get3A_13 = vector.load %arg3[%get3A_11, %get3A_12] : memref<1x128xf32, #tpu.memory_space<vmem>>, vector<1x128xf32>
    %add3A = arith.constant 9.99999974E-6 : f32
    %add3A_14 = vector.broadcast %add3A : f32 to vector<1x128xf32>
    %add3A_15 = arith.addf %sub3A, %add3A_14 : vector<1x128xf32>
    %rsqrt3A = math.rsqrt %add3A_15 : vector<1x128xf32>
    %mul3A_16 = arith.mulf %get3A_13, %rsqrt3A : vector<1x128xf32>
    %get3A_17 = arith.constant 0 : index
    %get3A_18 = arith.constant 0 : index
    %get3A_19 = vector.load %arg1[%get3A_17, %get3A_18] : memref<1000x128xf32, #tpu.memory_space<vmem>>, vector<1000x128xf32>
    %sub3A_20 = vector.broadcast %mul3A_3 : vector<1x128xf32> to vector<1000x128xf32>
    %sub3A_21 = arith.subf %get3A_19, %sub3A_20 : vector<1000x128xf32>
    %mul3A_22 = vector.broadcast %mul3A_16 : vector<1x128xf32> to vector<1000x128xf32>
    %mul3A_23 = arith.mulf %sub3A_21, %mul3A_22 : vector<1000x128xf32>
    %get3A_24 = arith.constant 0 : index
    %get3A_25 = arith.constant 0 : index
    %get3A_26 = vector.load %arg4[%get3A_24, %get3A_25] : memref<1x128xf32, #tpu.memory_space<vmem>>, vector<1x128xf32>
    %add3A_27 = vector.broadcast %get3A_26 : vector<1x128xf32> to vector<1000x128xf32>
    %add3A_28 = arith.addf %mul3A_23, %add3A_27 : vector<1000x128xf32>
    %max3A = arith.constant 0.000000e+00 : f32
    %max3A_29 = vector.broadcast %max3A : f32 to vector<1000x128xf32>
    %max3A_30 = arith.maximumf %add3A_28, %max3A_29 : vector<1000x128xf32>
    %get3A_31 = arith.constant 0 : index
    %get3A_32 = arith.constant 0 : index
    %get3A_33 = vector.load %arg5[%get3A_31, %get3A_32] : memref<128x192xf32, #tpu.memory_space<vmem>>, vector<128x192xf32>
    %dot_general3A = arith.constant dense<0.000000e+00> : vector<1000x192xf32>
    %dot_general3A_34 = tpu.matmul %max3A_30, %get3A_33, %dot_general3A {dimension_numbers = #tpu.dot_dimension_numbers<[1], [0], [0], [1], [0, 0, 1, 1], [], []>, transpose_lhs_hint = false} : vector<1000x128xf32>, vector<128x192xf32>, vector<1000x192xf32> -> vector<1000x192xf32>
    %slice3A = vector.extract_strided_slice %dot_general3A_34 {offsets = [0, 0], sizes = [1000, 128], strides = [1, 1]} : vector<1000x192xf32> to vector<1000x128xf32>
    %swap3A = arith.constant 0 : index
    %swap3A_35 = arith.constant 0 : index
    %swap3A_36 = vector.load %arg6[%swap3A, %swap3A_35] : memref<1000x128xf32, #tpu.memory_space<vmem>>, vector<1000x128xf32>
    tpu.vector_store %arg6[%swap3A, %swap3A_35], %slice3A {strides = array<i32>} : memref<1000x128xf32, #tpu.memory_space<vmem>>, vector<1000x128xf32>,
    %slice3A_37 = vector.extract_strided_slice %dot_general3A_34 {offsets = [0, 128], sizes = [1000, 64], strides = [1, 1]} : vector<1000x192xf32> to vector<1000x64xf32>
    %swap3A_38 = arith.constant 0 : index
    %swap3A_39 = arith.constant 0 : index
    %swap3A_40 = vector.load %arg7[%swap3A_38, %swap3A_39] : memref<1000x64xf32, #tpu.memory_space<vmem>>, vector<1000x64xf32>
    tpu.vector_store %arg7[%swap3A_38, %swap3A_39], %slice3A_37 {strides = array<i32>} : memref<1000x64xf32, #tpu.memory_space<vmem>>, vector<1000x64xf32>,
    return
  }
  func.func @transform_0(%arg0: i32) -> (i32, i32) {
    %c0_i32 = arith.constant 0 : i32
    %c0_i32_0 = arith.constant 0 : i32
    return %arg0, %c0_i32 : i32, i32
  }
  func.func @transform_1(%arg0: i32) -> (i32, i32) {
    %c0_i32 = arith.constant 0 : i32
    %c0_i32_0 = arith.constant 0 : i32
    %c0_i32_1 = arith.constant 0 : i32
    return %c0_i32, %c0_i32_0 : i32, i32
  }
  func.func @transform_2(%arg0: i32) -> (i32, i32) {
    %c0_i32 = arith.constant 0 : i32
    %c0_i32_0 = arith.constant 0 : i32
    %c0_i32_1 = arith.constant 0 : i32
    return %c0_i32, %c0_i32_0 : i32, i32
  }
  func.func @transform_3(%arg0: i32) -> (i32, i32) {
    %c0_i32 = arith.constant 0 : i32
    %c0_i32_0 = arith.constant 0 : i32
    %c0_i32_1 = arith.constant 0 : i32
    return %c0_i32, %c0_i32_0 : i32, i32
  }
  func.func @transform_4(%arg0: i32) -> (i32, i32) {
    %c0_i32 = arith.constant 0 : i32
    %c0_i32_0 = arith.constant 0 : i32
    %c0_i32_1 = arith.constant 0 : i32
    return %c0_i32, %c0_i32_0 : i32, i32
  }
  func.func @transform_5(%arg0: i32) -> (i32, i32) {
    %c0_i32 = arith.constant 0 : i32
    %c0_i32_0 = arith.constant 0 : i32
    return %arg0, %c0_i32 : i32, i32
  }
  func.func @transform_6(%arg0: i32) -> (i32, i32) {
    %c0_i32 = arith.constant 0 : i32
    %c0_i32_0 = arith.constant 0 : i32
    return %arg0, %c0_i32 : i32, i32
  }
}

module attributes {stable_mosaic.version = 14 : i64} {
  func.func @_final_body(%arg0: i32, %arg1: memref<2x1000x128xf32, #tpu.memory_space<vmem>>, %arg2: memref<1000x64xf32, #tpu.memory_space<vmem>>, %arg3: memref<1x64xf32, #tpu.memory_space<vmem>>, %arg4: memref<1000x64xf32, #tpu.memory_space<vmem>>) attributes {dimension_semantics = [#tpu.dimension_semantics<arbitrary>], iteration_bounds = array<i64: 10>, scalar_prefetch = 0 : i64, scratch_operands = 0 : i64, tpu.core_type = #tpu.core_type<tc>, window_params = [{transform_indices = @transform_0, window_bounds = array<i64: 2, 1000, 128>}, {transform_indices = @transform_1, window_bounds = array<i64: 1000, 64>}, {pipeline_mode = #tpu.pipeline_mode<synchronous>, transform_indices = @transform_2, window_bounds = array<i64: 1, 64>}, {transform_indices = @transform_3, window_bounds = array<i64: 1000, 64>}]} {
    %get3A = arith.constant 0 : index
    %get3A_0 = arith.constant 0 : index
    %get3A_1 = arith.constant 0 : index
    %get3A_2 = vector.load %arg1[%get3A, %get3A_0, %get3A_1] : memref<2x1000x128xf32, #tpu.memory_space<vmem>>, vector<1x1000x128xf32>
    %get3A_3 = vector.shape_cast %get3A_2 : vector<1x1000x128xf32> to vector<1000x128xf32>
    %slice3A = vector.extract_strided_slice %get3A_3 {offsets = [0, 0], sizes = [1000, 64], strides = [1, 1]} : vector<1000x128xf32> to vector<1000x64xf32>
    %get3A_4 = arith.constant 1 : index
    %get3A_5 = arith.constant 0 : index
    %get3A_6 = arith.constant 0 : index
    %get3A_7 = vector.load %arg1[%get3A_4, %get3A_5, %get3A_6] : memref<2x1000x128xf32, #tpu.memory_space<vmem>>, vector<1x1000x128xf32>
    %get3A_8 = vector.shape_cast %get3A_7 : vector<1x1000x128xf32> to vector<1000x128xf32>
    %slice3A_9 = vector.extract_strided_slice %get3A_8 {offsets = [0, 0], sizes = [1000, 64], strides = [1, 1]} : vector<1000x128xf32> to vector<1000x64xf32>
    %add3A = arith.addf %slice3A, %slice3A_9 : vector<1000x64xf32>
    %get3A_10 = arith.constant 0 : index
    %get3A_11 = arith.constant 0 : index
    %get3A_12 = vector.load %arg2[%get3A_10, %get3A_11] : memref<1000x64xf32, #tpu.memory_space<vmem>>, vector<1000x64xf32>
    %add3A_13 = arith.addf %add3A, %get3A_12 : vector<1000x64xf32>
    %get3A_14 = arith.constant 0 : index
    %get3A_15 = arith.constant 0 : index
    %get3A_16 = vector.load %arg3[%get3A_14, %get3A_15] : memref<1x64xf32, #tpu.memory_space<vmem>>, vector<1x64xf32>
    %add3A_17 = vector.broadcast %get3A_16 : vector<1x64xf32> to vector<1000x64xf32>
    %add3A_18 = arith.addf %add3A_13, %add3A_17 : vector<1000x64xf32>
    %reduce_max3A = arith.constant dense<0xFF800000> : vector<1000xf32>
    %reduce_max3A_19 = vector.multi_reduction <maximumf>, %add3A_18, %reduce_max3A [1] : vector<1000x64xf32> to vector<1000xf32>
    %broadcast_in_dim3A = vector.shape_cast %reduce_max3A_19 : vector<1000xf32> to vector<1000x1xf32>
    %sub3A = vector.broadcast %broadcast_in_dim3A : vector<1000x1xf32> to vector<1000x64xf32>
    %sub3A_20 = arith.subf %add3A_18, %sub3A : vector<1000x64xf32>
    %exp3A = math.exp %sub3A_20 : vector<1000x64xf32>
    %reduce_sum3A = arith.constant dense<0.000000e+00> : vector<1000xf32>
    %reduce_sum3A_21 = vector.multi_reduction <add>, %exp3A, %reduce_sum3A [1] : vector<1000x64xf32> to vector<1000xf32>
    %broadcast_in_dim3A_22 = vector.shape_cast %reduce_sum3A_21 : vector<1000xf32> to vector<1000x1xf32>
    %log3A = math.log %broadcast_in_dim3A_22 : vector<1000x1xf32>
    %add3A_23 = arith.addf %log3A, %broadcast_in_dim3A : vector<1000x1xf32>
    %sub3A_24 = vector.broadcast %add3A_23 : vector<1000x1xf32> to vector<1000x64xf32>
    %sub3A_25 = arith.subf %add3A_18, %sub3A_24 : vector<1000x64xf32>
    %swap3A = arith.constant 0 : index
    %swap3A_26 = arith.constant 0 : index
    %swap3A_27 = vector.load %arg4[%swap3A, %swap3A_26] : memref<1000x64xf32, #tpu.memory_space<vmem>>, vector<1000x64xf32>
    tpu.vector_store %arg4[%swap3A, %swap3A_26], %sub3A_25 {strides = array<i32>} : memref<1000x64xf32, #tpu.memory_space<vmem>>, vector<1000x64xf32>,
    return
  }
  func.func @transform_0(%arg0: i32) -> (i32, i32, i32) {
    %c0_i32 = arith.constant 0 : i32
    %c0_i32_0 = arith.constant 0 : i32
    %c0_i32_1 = arith.constant 0 : i32
    return %c0_i32, %arg0, %c0_i32_0 : i32, i32, i32
  }
  func.func @transform_1(%arg0: i32) -> (i32, i32) {
    %c0_i32 = arith.constant 0 : i32
    %c0_i32_0 = arith.constant 0 : i32
    return %arg0, %c0_i32 : i32, i32
  }
  func.func @transform_2(%arg0: i32) -> (i32, i32) {
    %c0_i32 = arith.constant 0 : i32
    %c0_i32_0 = arith.constant 0 : i32
    %c0_i32_1 = arith.constant 0 : i32
    return %c0_i32, %c0_i32_0 : i32, i32
  }
  func.func @transform_3(%arg0: i32) -> (i32, i32) {
    %c0_i32 = arith.constant 0 : i32
    %c0_i32_0 = arith.constant 0 : i32
    return %arg0, %c0_i32 : i32, i32
  }
}

</mosaic_0001>

<sc_bundles>
// kernel: kernel.11.cloned.1.call-start
scs
__scs_entry_jumppad:
0x0: {  	(pc) =	sbr.rel $0x88, $3  }
0x1: {  	(tag) =	ssettag $0x0;
	lr =	simm.s32 $0x1  }
0x2: {  	[smem:$0x3F92] =	sst lr;
	_ =	strace $0xD0000000  }
0x3: {  	_ = 	snop  }
0x4: {  	_ = 	snop  }
0x5: {  	_ = 	snop  }
0x6: {  	_ = 	snop  }
0x7: {  	_ = 	snop  }
__scs_overlays_trampoline_lowered:
0x8: {  	[smem:$0x3FA1] =	sst s0  }
0x9: {  	[smem:$0x3FA2] =	sst s1  }
0xa: {  	[smem:$0x3FA3] =	sst s2  }
0xb: {  	[smem:$0x3FA4] =	sst s3  }
0xc: {  	[smem:$0x3FA5] =	sst s4  }
0xd: {  	[smem:$0x3FA6] =	sst s5  }
0xe: {  	[smem:$0x3FA7] =	sst s6  }
0xf: {  	[smem:$0x3FA8] =	sst s7  }
0x10: {  	[smem:$0x3FA9] =	sst s8  }
0x11: {  	[smem:$0x3FAA] =	sst s9;
	s0 =	simm.s32 @!p0 $0x0  }
0x12: {  	s1 =	sld [smem:$0x3F90];
	s0 =	simm.s32 @p0 $0x1  }
0x13: {  	[smem:$0x3FAB] =	sst s0;
	s0 =	simm.s32 @!p1 $0x0  }
0x14: {  	s2 =	sld [smem:$0x3F8F];
	s0 =	simm.s32 @p1 $0x1  }
0x15: {  	[smem:$0x3FAC] =	sst s0;
	s0 =	simm.s32 @!p2 $0x0  }
0x16: {  	s3 =	sld [smem:$0x3FDB];
	s0 =	simm.s32 @p2 $0x1  }
0x17: {  	s4 =	simm.s32 $0x1BF5;
	[smem:$0x3FAE] =	sst s0  }
0x18: {  	s0 =	sld [smem:$0x3F91];
	_ =	swait.ge [sflag:s4], $0x0  }
0x19: {  	s7 =	sld [smem:$0x3F92]  }
0x1a: {  	s8 =	sadd.s32 $0xFFFFE003, lr  }
0x1b: {  	s9 =	sadd.s32 $0xFFFFFEF7, lr;
	s5 =	simm.s32 $0xFFFFFFFF;
	p2 =	slt.u32 s8, $0xFFFFF086  }
0x1c: {  	p1 =	slt.u32 s9, $0xF7A;
	s5 =	simm.s32 @!p2 $0x0  }
0x1d: {  	s5 =	simm.s32 @p1 $0x1;
	p0 =	seq.s32 s7, s2  }
0x1e: {  	s7 =	smul.u32 @!p0 $0xF7A, s2;
	p2 =	seq.s32 @!p0 s5, $0x0  }
0x1f: {  	s9 =	smul.u32 $0xF7A, s1;
	s8 =	simm.s32 @!p0 $0x1BF5;
	p2 =	por !p2, p0  }
0x20: {  	[sflag:s8] =	ssyncset.s32 @!p0 $0xFFFFF086;
	s6 =	sadd.s32 @!p0 s3, s7;
	s7 =	simm.s32 @!p0 $0x108  }
0x21: {  	s3 =	sadd.s32 s3, s9;
	s6 =	sadd.s32 @!p0 $0x88, s6;
	s7 =	simm.s32 @p2 $0x1082  }
0x22: {  	[simem:s7], [sflag:s8] =	dma.local @!p0 [hbm:s6], $0xF7A  }
0x23: {  	s9 =	sor.u32 $0xD0000000, s2;
	s6 =	simm.s32 $0x108;
	_ =	swait.ge @!p0 [sflag:s8], $0x0  }
0x24: {  	s3 =	sadd.s32 $0x88, s3;
	s6 =	simm.s32 @!p1 $0x1082;
	[sflag:s4] =	ssyncset.s32 $0xFFFFF086  }
0x25: {  	[simem:s6], [sflag:s4] =	dma.local [hbm:s3], $0xF7A  }
0x26: {  	[smem:$0x3F92] =	sst s1;
	(tag) =	ssettag s2;
	_ =	strace s9  }
0x27: {  	s1 =	sld [smem:$0x3FA2]  }
0x28: {  	s2 =	sld [smem:$0x3FA3]  }
0x29: {  	s4 =	sld [smem:$0x3FA5]  }
0x2a: {  	p0 =	seq.s32 s5, $0x0;
	s5 =	sld [smem:$0x3FA6]  }
0x2b: {  	s6 =	sld [smem:$0x3FA7]  }
0x2c: {  	s7 =	sld [smem:$0x3FA8]  }
0x2d: {  	s3 =	simm.s32 $0x108;
	s8 =	sld [smem:$0x3FA9]  }
0x2e: {  	s3 =	simm.s32 @!p0 $0x1082;
	s9 =	sld [smem:$0x3FAA]  }
0x2f: {  	lr =	sadd.s32 s0, s3;
	s0 =	sld [smem:$0x3FA1]  }
0x30: {  	s3 =	sld [smem:$0x3FA4]  }
0x31: {  	[smem:$0x3FAD] =	sst s10  }
0x32: {  	s10 =	sld [smem:$0x3FAB];
	_ =	sdelay $0x3  }
0x33: {  	p0 =	seq.s32 s10, $0x1;
	s10 =	sld [smem:$0x3FAD];
	_ =	sdelay $0x3  }
0x34: {  	[smem:$0x3FAD] =	sst s10  }
0x35: {  	s10 =	sld [smem:$0x3FAC];
	_ =	sdelay $0x3  }
0x36: {  	p1 =	seq.s32 s10, $0x1;
	s10 =	sld [smem:$0x3FAD];
	_ =	sdelay $0x3  }
0x37: {  	[smem:$0x3FAD] =	sst s10  }
0x38: {  	s10 =	sld [smem:$0x3FAE]  }
0x39: {  	_ = 	snop;
	(pc) =	sbr.ind lr, $3  }
0x3a: {  	_ = 	snop  }
0x3b: {  	_ = 	snop  }
0x3c: {  	p2 =	seq.s32 s10, $0x1;
	s10 =	sld [smem:$0x3FAD]  }
0x3d: {  	_ =	shalt  }
0x3e: {  	_ =	shalt  }
0x3f: {  	_ =	shalt  }
0x40: {  	_ =	shalt  }
0x41: {  	_ =	shalt  }
0x42: {  	_ =	shalt  }
0x43: {  	_ =	shalt  }
0x44: {  	_ =	shalt  }
0x45: {  	_ =	shalt  }
0x46: {  	_ =	shalt  }
0x47: {  	_ =	shalt  }
0x48: {  	_ =	shalt  }
0x49: {  	_ =	shalt  }
0x4a: {  	_ =	shalt  }
0x4b: {  	_ =	shalt  }
0x4c: {  	_ =	shalt  }
0x4d: {  	_ =	shalt  }
0x4e: {  	_ =	shalt  }
0x4f: {  	_ =	shalt  }
0x50: {  	_ =	shalt  }
0x51: {  	_ =	shalt  }
0x52: {  	_ =	shalt  }
0x53: {  	_ =	shalt  }
0x54: {  	_ =	shalt  }
0x55: {  	_ =	shalt  }
0x56: {  	_ =	shalt  }
0x57: {  	_ =	shalt  }
0x58: {  	_ =	shalt  }
0x59: {  	_ =	shalt  }
0x5a: {  	_ =	shalt  }
0x5b: {  	_ =	shalt  }
0x5c: {  	_ =	shalt  }
0x5d: {  	_ =	shalt  }
0x5e: {  	_ =	shalt  }
0x5f: {  	_ =	shalt  }
0x60: {  	_ =	shalt  }
0x61: {  	_ =	shalt  }
0x62: {  	_ =	shalt  }
0x63: {  	_ =	shalt  }
0x64: {  	_ =	shalt  }
0x65: {  	_ =	shalt  }
0x66: {  	_ =	shalt  }
0x67: {  	_ =	shalt  }
0x68: {  	_ =	shalt  }
0x69: {  	_ =	shalt  }
0x6a: {  	_ =	shalt  }
0x6b: {  	_ =	shalt  }
0x6c: {  	_ =	shalt  }
0x6d: {  	_ =	shalt  }
0x6e: {  	_ =	shalt  }
0x6f: {  	_ =	shalt  }
0x70: {  	_ =	shalt  }
0x71: {  	_ =	shalt  }
0x72: {  	_ =	shalt  }
0x73: {  	_ =	shalt  }
0x74: {  	_ =	shalt  }
0x75: {  	_ =	shalt  }
0x76: {  	_ =	shalt  }
0x77: {  	_ =	shalt  }
0x78: {  	_ =	shalt  }
0x79: {  	_ =	shalt  }
0x7a: {  	_ =	shalt  }
0x7b: {  	_ =	shalt  }
0x7c: {  	_ =	shalt  }
0x7d: {  	_ =	shalt  }
0x7e: {  	_ =	shalt  }
0x7f: {  	_ =	shalt  }
0x80: {  	_ =	shalt  }
0x81: {  	_ =	shalt  }
0x82: {  	_ =	shalt  }
0x83: {  	_ =	shalt  }
0x84: {  	_ =	shalt  }
0x85: {  	_ =	shalt  }
0x86: {  	_ =	shalt  }
0x87: {  	_ =	shalt  }
.Lfunc_end0:
.L_simem_size_0:
called_computation_lowered:
.L_overlay_start_0:
0x88: {  	s2 =	sld [smem:$0x3FD9]  }
0x89: {  	s3 =	sld [smem:$0x3FFE];
	_ =	sdelay $0x1  }
0x8a: {  	s1 =	srdreg.scid  }
0x8b: {  	s0 =	sand.u32 $0x1, s1  }
0x8c: {  	s17 =	sshll.u32 s0, $0xA;
	s2 =	sadd.s32 s3, s2  }
0x8d: {  	s2 =	sadd.s32 s2, s17  }
0x8e: {  	[smem:$0x3FB9] =	sst s2  }
0x8f: {  	_ = 	snop  }
0x90: {  	s2 =	sld [smem:$0x3FD0];
	(tm) =	ssettm $0x1  }
0x91: {  	s18 =	sld [smem:$0x3FFB];
	_ =	sdelay $0x3  }
0x92: {  	_ =	strace s18  }
0x93: {  	s3 =	sld [smem:$0x3FFC];
	_ =	sdelay $0x3  }
0x94: {  	_ =	strace s3  }
0x95: {  	s3 =	sld [smem:$0x3FFD];
	_ =	sdelay $0x3  }
0x96: {  	_ =	strace s3  }
0x97: {  	_ =	strace $0x8FFFFFFF  }
0x98: {  	s19 =	sld [smem:$0x3FDB];
	_ =	sdelay $0x1  }
0x99: {  	s4 =	simm.s32 $_scs_section_size  }
0x9a: {  	s5 =	simm.s32 $_size__tile_overlayer_lowered;
	s6 =	simm.s32 $_tile_overlayer_lowered  }
0x9b: {  	s22 =	simm.s32 $0x1BFF;
	s21 =	sshll.u32 s6, $0x1;
	s3 =	sadd.s32 s4, s19  }
0x9c: {  	s7 =	simm.s32 $0x0;
	s20 =	sshll.u32 s5, $0x1;
	s5 =	sadd.s32 s21, s3  }
0x9d: {  	[timem:s7], [sflag:s22] =	dma.local [hbm:s5], s20  }
0x9e: {  	_ =	swait.ge [sflag:s22], s20  }
0x9f: {  	s4 =	ssub.s32 $0x0, s20;
	[sflag:s22] =	ssyncset.done $0x0  }
0xa0: {  	[sflag:s22] =	ssyncadd.s32 s4;
	_ =	sdelay $0x1  }
0xa1: {  	s23 =	simm.s32 $0x1B8B  }
0xa2: {  	_ =	swait.ge [sflag:s23], $0x1  }
0xa3: {  	[sflag:s23] =	ssyncset.done $0x0  }
0xa4: {  	s25 =	simm.s32 $0x1B8E;
	s24 =	sld [smem:$0x3FFE];
	[sflag:s23] =	ssyncadd.s32 $0xFFFFFFFF  }
0xa5: {  	s26 =	simm.s32 $execute0_lowered;
	[smem:$0x3FD2] =	sst s25  }
0xa6: {  	s5 =	sshll.u32 s26, $0x1;
	_ =	strace $0x80000046;
	[dreg:$0x1] =	wrdreg $0xFFFFFFFF  }
0xa7: {  	s28 =	simm.s32 $_size_execute0_lowered;
	s3 =	sadd.s32 s3, s5;
	[dreg:$0x0] =	wrdreg $0x0  }
0xa8: {  	s5 =	sshll.u32 s28, $0x1;
	[dreg:$0x2] =	wrdreg s3  }
0xa9: {  	[dreg:$0x3] =	wrdreg s5  }
0xaa: {  	[dreg:$0x4] =	wrdreg $0xC0  }
0xab: {  	_ =	task [dreg:s7], $0x5FFFF  }
0xac: {  	[dreg:$0x1] =	wrdreg $0xFFFFFFFF  }
0xad: {  	[dreg:$0x0] =	wrdreg $0x60  }
0xae: {  	[dreg:$0x2] =	wrdreg s24  }
0xaf: {  	[dreg:$0x3] =	wrdreg s2  }
0xb0: {  	[dreg:$0x4] =	wrdreg $0x0  }
0xb1: {  	[dreg:$0x5] =	wrdreg $0x9  }
0xb2: {  	_ =	task.clear_ibuf [dreg:s7], $0x6FFFF;
	_ =	strace $0x90000046  }
0xb3: {  	s29 =	simm.s32 $0x9;
	_ =	strace $0x80000048  }
0xb4: {  	_ =	swait.ge [sflag:s29], $0x1  }
0xb5: {  	[sflag:s29] =	ssyncadd.s32 $0xFFFFFFFF  }
0xb6: {  	_ =	strace $0x90000048  }
0xb7: {  	_ =	sfence  }
0xb8: {  	s30 =	sld [smem:$0x0];
	_ =	sdelay $0x2  }
0xb9: {  	s31 =	sshll.u32 s1, $0xD;
	s1 =	sshrl.u32 s1, $0x2  }
0xba: {  	s3 =	sand.u32 $0x4000, s31;
	s1 =	sadd.s32 s1, s30  }
0xbb: {  	s0 =	sor.u32 s3, s0;
	s1 =	sshll.u32 s1, $0x11  }
0xbc: {  	s0 =	sor.u32 s1, s0  }
0xbd: {  	s0 =	sadd.s32 $0x8F2B, s0  }
0xbe: {  	[sflag:s0] =	ssyncadd.remote.s32 $0x1  }
0xbf: {  	_ =	sfence.sel $0xFFFF  }
0xc0: {  	[dreg:$0x0] =	wrdreg $0xFFFFFFFF;
	(pc) =	sbr.abs _section_cstart, $3  }
0xc1: {  	[dreg:$0x1] =	wrdreg $0xFFFFFFFF  }
0xc2: {  	_ =	task.clear_ibuf [dreg:s7], $0x2FFFF;
	_ =	strace $0x9FFFFFFF  }
0xc3: {  	(tm) =	ssettm $0x7FFFFFFF  }
tec
execute0_lowered:
.L_overlay_start_1:
0x0: {  	(tag) =	ssettag $0x1  }
0x1: {  	s0 =	rddreg [dreg:$0x0]  }
0x2: {  	s1 =	rddreg [dreg:$0x1]  }
0x3: {  	s2 =	rddreg [dreg:$0x2]  }
0x4: {  	s12 =	stileid.u32;
	s4 =	srdreg.scid  }
0x5: {  	s3 =	simm.s32 $0x0;
	s13 =	simm.s32 $0x14000;
	s14 =	simm.s32 $0x80  }
0x6: {  	s15 =	simm.s32 $0x14400;
	s16 =	simm.s32 $0x13C80;
	s17 =	simm.s32 $0x18400  }
0x7: {  	s18 =	simm.s32 $0x1;
	s19 =	simm.s32 $0x13D00;
	s20 =	simm.s32 $0x2  }
0x8: {  	s28 =	simm.s32 $0x14200;
	s29 =	simm.s32 $0x13F00;
	s5 =	smul.u32 $0xA00, s12  }
0x9: {  	s30 =	simm.s32 $0x14280;
	s31 =	simm.s32 $0x13F80;
	s6 =	smul.u32 $0x13C00, s12  }
0xa: {  	s7 =	sand.u32 $0x1, s4;
	[smem:$0x7FF] =	sst s3;
	s4 =	sadd.s32 $0xD800, s0  }
0xb: {  	s11 =	smul.u32 $0x4F000, s12;
	s24 =	sshll.u32 s12, $0x6;
	s12 =	simm.s32 $0x13C00  }
0xc: {  	s8 =	smul.u32 $0x13C000, s7;
	_ =	strace $0x80000047;
	s21 =	ssub.s32 $0x2, s7  }
0xd: {  	p0 =	sne.s32 s7, $0x0;
	s9 =	sadd.s32 s5, s0;
	s10 =	sshrl.u32 s6, $0x3  }
0xe: {  	s22 =	sshrl.u32 s21, $0x1;
	s23 =	sshrl.u32 s11, $0x2;
	s11 =	sor.u32 $0x1C03, s24  }
0xf: {  	s26 =	sadd.s32 s5, s1;
	s24 =	simm.s32 $0x13E00;
	s1 =	simm.s32 $0x14380  }
0x10: {  	s6 =	sadd.s32 s6, s8;
	s10 =	sadd.s32 s10, s0;
	s8 =	sadd.s32 s23, s2  }
0x11: {  	s5 =	smov.u32 s11;
	[dreg:$0x4] =	wrdreg s26;
	s9 =	sadd.s32 $0x3800, s9  }
0x12: {  	s11 =	simm.s32 $0x3;
	s23 =	simm.s32 $0x14100;
	s26 =	simm.s32 $0x13E80  }
0x13: {  	s6 =	sshrl.u32 s6, $0x3;
	s10 =	sadd.s32 $0x34A00, s10;
	s7 =	sshrl.u32 s8, $0x3  }
.Ltmp0:
0x14: {  	s8 =	simm.s32 $0x0;
	[dreg:$0x6] =	wrdreg s5;
	(pc) =	sbr.rel .LBB2_1-.Ltmp0, $4  }
0x15: {  	s0 =	sadd.s32 s6, s0;
	s6 =	ssub.s32 s21, s22;
	[dreg:$0x5] =	wrdreg s10  }
0x16: {  	s21 =	simm.s32 $0x14080;
	[dreg:$0x9] =	wrdreg s7;
	s0 =	sadd.s32 $0x5C200, s0  }
0x17: {  	s22 =	simm.s32 $0x13D80;
	s25 =	smax.u32 s6, $0x1;
	[dreg:$0x7] =	wrdreg s0  }
0x18: {  	[dreg:$0x8] =	wrdreg s25;
	s25 =	simm.s32 $0x14180;
	s0 =	simm.s32 $0x14300  }
.LBB2_4:
0x19: {  	s5 =	sadd.s32 s7, s9;
	[sflag:s11] =	ssyncadd.s32 $0xFFFFC000  }
0x1a: {  	[tilespmem:s12], [sflag:$0x3] =	stream.linear.gather [hbm4b:s5+s3], $0x400, $0x38;
	[tilespmem:$0x1C400] =	vst v63  }
0x1b: {  	_ =	swait.ge [sflag:s11], $0x400  }
0x1c: {  	s10 =	rddreg [dreg:$0x4];
	[sflag:s11] =	ssyncset.done $0x0  }
0x1d: {  	s5 =	sadd.s32 s7, s10;
	[sflag:s11] =	ssyncadd.s32 $0xFFFFFC00  }
0x1e: {  	[tilespmem:s13], [sflag:$0x3] =	stream.linear.gather [hbm4b:s5+s3], $0x400, $0x38;
	[tilespmem:$0x1C400] =	vst v63  }
0x1f: {  	_ =	swait.ge [sflag:s11], $0x400  }
0x20: {  	[sflag:s11] =	ssyncset.done $0x0  }
0x21: {  	[sflag:s11] =	ssyncadd.s32 $0xFFFFFC00  }
0x22: {  	[tilespmem:s15], [sflag:$0x1] =	stream.indirect.gather [hbm4b:s4+s14], $0x80, s12, s14, $0xb8;
	[tilespmem:$0x1C400] =	vst v63  }
0x23: {  	_ = 	snop  }
0x24: {  	[tilespmem:s17], [sflag:$0x2] =	stream.indirect.gather [hbm4b:s4+s14], $0x80, s16, s14, $0xb8;
	[tilespmem:$0x1C400] =	vst v63  }
0x25: {  	_ =	swait.ge [sflag:s18], $0x4000  }
0x26: {  	[sflag:s18] =	ssyncset.done $0x0  }
0x27: {  	[sflag:s18] =	ssyncadd.s32 $0xFFFFC000  }
0x28: {  	[spmem:s2] =	stream.indirect.scatter.add.f32 [tilespmem:s15], [sflag:$0x3], $0x80, s13, s14, $0xb8;
	[tilespmem:$0x1C400] =	vst v63  }
0x29: {  	_ =	swait.ge [sflag:s11], $0x4000  }
0x2a: {  	[sflag:s11] =	ssyncset.done $0x0  }
0x2b: {  	[sflag:s11] =	ssyncadd.s32 $0xFFFFC000  }
0x2c: {  	[tilespmem:s15], [sflag:$0x1] =	stream.indirect.gather [hbm4b:s4+s14], $0x80, s19, s14, $0xb8;
	[tilespmem:$0x1C400] =	vst v63  }
0x2d: {  	_ =	swait.ge [sflag:s20], $0x4000  }
0x2e: {  	[sflag:s20] =	ssyncset.done $0x0  }
0x2f: {  	[sflag:s20] =	ssyncadd.s32 $0xFFFFC000  }
0x30: {  	[spmem:s2] =	stream.indirect.scatter.add.f32 [tilespmem:s17], [sflag:$0x3], $0x80, s21, s14, $0xb8;
	[tilespmem:$0x1C400] =	vst v63  }
0x31: {  	_ =	swait.ge [sflag:s11], $0x4000  }
0x32: {  	[sflag:s11] =	ssyncset.done $0x0  }
0x33: {  	[sflag:s11] =	ssyncadd.s32 $0xFFFFC000  }
0x34: {  	[tilespmem:s17], [sflag:$0x2] =	stream.indirect.gather [hbm4b:s4+s14], $0x80, s22, s14, $0xb8;
	[tilespmem:$0x1C400] =	vst v63  }
0x35: {  	_ =	swait.ge [sflag:s18], $0x4000  }
0x36: {  	[sflag:s18] =	ssyncset.done $0x0  }
0x37: {  	[sflag:s18] =	ssyncadd.s32 $0xFFFFC000  }
0x38: {  	[spmem:s2] =	stream.indirect.scatter.add.f32 [tilespmem:s15], [sflag:$0x3], $0x80, s23, s14, $0xb8;
	[tilespmem:$0x1C400] =	vst v63  }
0x39: {  	_ =	swait.ge [sflag:s11], $0x4000  }
0x3a: {  	[sflag:s11] =	ssyncset.done $0x0  }
0x3b: {  	[sflag:s11] =	ssyncadd.s32 $0xFFFFC000  }
0x3c: {  	[tilespmem:s15], [sflag:$0x1] =	stream.indirect.gather [hbm4b:s4+s14], $0x80, s24, s14, $0xb8;
	[tilespmem:$0x1C400] =	vst v63  }
0x3d: {  	_ =	swait.ge [sflag:s20], $0x4000  }
0x3e: {  	[sflag:s20] =	ssyncset.done $0x0  }
0x3f: {  	[sflag:s20] =	ssyncadd.s32 $0xFFFFC000  }
0x40: {  	[spmem:s2] =	stream.indirect.scatter.add.f32 [tilespmem:s17], [sflag:$0x3], $0x80, s25, s14, $0xb8;
	[tilespmem:$0x1C400] =	vst v63  }
0x41: {  	_ =	swait.ge [sflag:s11], $0x4000  }
0x42: {  	[sflag:s11] =	ssyncset.done $0x0  }
0x43: {  	[sflag:s11] =	ssyncadd.s32 $0xFFFFC000  }
0x44: {  	[tilespmem:s17], [sflag:$0x2] =	stream.indirect.gather [hbm4b:s4+s14], $0x80, s26, s14, $0xb8;
	[tilespmem:$0x1C400] =	vst v63  }
0x45: {  	_ =	swait.ge [sflag:s18], $0x4000  }
0x46: {  	[sflag:s18] =	ssyncset.done $0x0  }
0x47: {  	[sflag:s18] =	ssyncadd.s32 $0xFFFFC000  }
0x48: {  	[spmem:s2] =	stream.indirect.scatter.add.f32 [tilespmem:s15], [sflag:$0x3], $0x80, s28, s14, $0xb8;
	[tilespmem:$0x1C400] =	vst v63  }
0x49: {  	_ =	swait.ge [sflag:s11], $0x4000  }
0x4a: {  	[sflag:s11] =	ssyncset.done $0x0  }
0x4b: {  	[sflag:s11] =	ssyncadd.s32 $0xFFFFC000  }
0x4c: {  	[tilespmem:s15], [sflag:$0x1] =	stream.indirect.gather [hbm4b:s4+s14], $0x80, s29, s14, $0xb8;
	[tilespmem:$0x1C400] =	vst v63  }
0x4d: {  	_ =	swait.ge [sflag:s20], $0x4000  }
0x4e: {  	[sflag:s20] =	ssyncset.done $0x0  }
0x4f: {  	[sflag:s20] =	ssyncadd.s32 $0xFFFFC000  }
0x50: {  	[spmem:s2] =	stream.indirect.scatter.add.f32 [tilespmem:s17], [sflag:$0x3], $0x80, s30, s14, $0xb8;
	[tilespmem:$0x1C400] =	vst v63  }
0x51: {  	_ =	swait.ge [sflag:s11], $0x4000  }
0x52: {  	[sflag:s11] =	ssyncset.done $0x0  }
0x53: {  	[sflag:s11] =	ssyncadd.s32 $0xFFFFC000  }
0x54: {  	[tilespmem:s17], [sflag:$0x2] =	stream.indirect.gather [hbm4b:s4+s14], $0x80, s31, s14, $0xb8;
	[tilespmem:$0x1C400] =	vst v63  }
0x55: {  	_ =	swait.ge [sflag:s18], $0x4000  }
0x56: {  	[sflag:s18] =	ssyncset.done $0x0  }
0x57: {  	[sflag:s18] =	ssyncadd.s32 $0xFFFFC000  }
0x58: {  	[spmem:s2] =	stream.indirect.scatter.add.f32 [tilespmem:s15], [sflag:$0x3], $0x80, s0, s14, $0xb8;
	[tilespmem:$0x1C400] =	vst v63  }
0x59: {  	_ =	swait.ge [sflag:s11], $0x4000  }
0x5a: {  	[sflag:s11] =	ssyncset.done $0x0  }
0x5b: {  	[sflag:s11] =	ssyncadd.s32 $0xFFFFC000  }
0x5c: {  	_ =	swait.ge [sflag:s20], $0x4000  }
0x5d: {  	[sflag:s20] =	ssyncset.done $0x0  }
0x5e: {  	[sflag:s20] =	ssyncadd.s32 $0xFFFFC000  }
0x5f: {  	[spmem:s2] =	stream.indirect.scatter.add.f32 [tilespmem:s17], [sflag:$0x3], $0x80, s1, s14, $0xb8;
	[tilespmem:$0x1C400] =	vst v63  }
0x60: {  	_ =	swait.ge [sflag:s11], $0x4000  }
0x61: {  	s10 =	rddreg [dreg:$0x5]  }
0x62: {  	s5 =	rddreg [dreg:$0x6]  }
0x63: {  	[sflag:s11] =	ssyncset.done $0x0;
	s7 =	rddreg [dreg:$0x9]  }
0x64: {  	s8 =	rddreg [dreg:$0xa];
	[sflag:s11] =	ssyncadd.s32 $0xFFFFC000  }
.LBB2_5:
0x65: {  	[bflag:$0x0] =	sbarrier.arrive $0xFFFF  }
0x66: {  	s6 =	rddreg [dreg:$0x7]  }
0x67: {  	[hbm:s6], [sflag:s5] =	dma.local [spmem:s7], $0x2780  }
0x68: {  	_ =	swait.ge [sflag:s11], $0x2780  }
0x69: {  	s8 =	sadd.s32 $0x1, s8;
	s6 =	rddreg [dreg:$0x8]  }
0x6a: {  	p1 =	sne.s32 s8, s6  }
.Ltmp1:
0x6b: {  	_ = 	snop;
	(pc) =	sbr.rel @!p1 .LBB2_6-.Ltmp1, $3  }
0x6c: {  	_ =	sdelay $0x1  }
0x6d: {  	[sflag:s11] =	ssyncset.done $0x0  }
0x6e: {  	[sflag:s11] =	ssyncadd.s32 $0xFFFFD880  }
.LBB2_1:
0x6f: {  	[spmem:s7], [sflag:s5] =	dma.local [hbm:s10], $0x2780  }
.Ltmp2:
0x70: {  	_ =	swait.ge [sflag:s11], $0x2780;
	(pc) =	sbr.rel @p0 .LBB2_5-.Ltmp2, $3  }
0x71: {  	[sflag:s11] =	ssyncset.done $0x0  }
0x72: {  	[sflag:s11] =	ssyncadd.s32 $0xFFFFD880  }
0x73: {  	[bflag:$0x0] =	sbarrier.arrive $0xFFFF;
	_ =	sdelay $0x1  }
0x74: {  	[dreg:$0xa] =	wrdreg s8;
	s6 =	sadd.s32 $0x0, s9  }
0x75: {  	[tilespmem:s12], [sflag:$0x3] =	stream.linear.gather [hbm4b:s6+s3], $0x400, $0x38;
	[tilespmem:$0x1C400] =	vst v63  }
0x76: {  	_ =	swait.ge [sflag:s11], $0x400  }
0x77: {  	s10 =	rddreg [dreg:$0x4];
	[sflag:s11] =	ssyncset.done $0x0  }
0x78: {  	[sflag:s11] =	ssyncadd.s32 $0xFFFFFC00;
	s6 =	sadd.s32 $0x0, s10  }
0x79: {  	[tilespmem:s13], [sflag:$0x3] =	stream.linear.gather [hbm4b:s6+s3], $0x400, $0x38;
	[tilespmem:$0x1C400] =	vst v63  }
0x7a: {  	_ =	swait.ge [sflag:s11], $0x400  }
0x7b: {  	[sflag:s11] =	ssyncset.done $0x0  }
0x7c: {  	[sflag:s11] =	ssyncadd.s32 $0xFFFFFC00  }
0x7d: {  	[tilespmem:s15], [sflag:$0x1] =	stream.indirect.gather [hbm4b:s4+s14], $0x80, s12, s14, $0xb8;
	[tilespmem:$0x1C400] =	vst v63  }
0x7e: {  	_ = 	snop  }
0x7f: {  	[tilespmem:s17], [sflag:$0x2] =	stream.indirect.gather [hbm4b:s4+s14], $0x80, s16, s14, $0xb8;
	[tilespmem:$0x1C400] =	vst v63  }
0x80: {  	_ =	swait.ge [sflag:s18], $0x4000  }
0x81: {  	[sflag:s18] =	ssyncset.done $0x0  }
0x82: {  	[sflag:s18] =	ssyncadd.s32 $0xFFFFC000  }
0x83: {  	[spmem:s2] =	stream.indirect.scatter.add.f32 [tilespmem:s15], [sflag:$0x3], $0x80, s13, s14, $0xb8;
	[tilespmem:$0x1C400] =	vst v63  }
0x84: {  	_ =	swait.ge [sflag:s11], $0x4000  }
0x85: {  	[sflag:s11] =	ssyncset.done $0x0  }
0x86: {  	[sflag:s11] =	ssyncadd.s32 $0xFFFFC000  }
0x87: {  	[tilespmem:s15], [sflag:$0x1] =	stream.indirect.gather [hbm4b:s4+s14], $0x80, s19, s14, $0xb8;
	[tilespmem:$0x1C400] =	vst v63  }
0x88: {  	_ =	swait.ge [sflag:s20], $0x4000  }
0x89: {  	[sflag:s20] =	ssyncset.done $0x0  }
0x8a: {  	[sflag:s20] =	ssyncadd.s32 $0xFFFFC000  }
0x8b: {  	[spmem:s2] =	stream.indirect.scatter.add.f32 [tilespmem:s17], [sflag:$0x3], $0x80, s21, s14, $0xb8;
	[tilespmem:$0x1C400] =	vst v63  }
0x8c: {  	_ =	swait.ge [sflag:s11], $0x4000  }
0x8d: {  	[sflag:s11] =	ssyncset.done $0x0  }
0x8e: {  	[sflag:s11] =	ssyncadd.s32 $0xFFFFC000  }
0x8f: {  	[tilespmem:s17], [sflag:$0x2] =	stream.indirect.gather [hbm4b:s4+s14], $0x80, s22, s14, $0xb8;
	[tilespmem:$0x1C400] =	vst v63  }
0x90: {  	_ =	swait.ge [sflag:s18], $0x4000  }
0x91: {  	[sflag:s18] =	ssyncset.done $0x0  }
0x92: {  	[sflag:s18] =	ssyncadd.s32 $0xFFFFC000  }
0x93: {  	[spmem:s2] =	stream.indirect.scatter.add.f32 [tilespmem:s15], [sflag:$0x3], $0x80, s23, s14, $0xb8;
	[tilespmem:$0x1C400] =	vst v63  }
0x94: {  	_ =	swait.ge [sflag:s11], $0x4000  }
0x95: {  	[sflag:s11] =	ssyncset.done $0x0  }
0x96: {  	[sflag:s11] =	ssyncadd.s32 $0xFFFFC000  }
0x97: {  	[tilespmem:s15], [sflag:$0x1] =	stream.indirect.gather [hbm4b:s4+s14], $0x80, s24, s14, $0xb8;
	[tilespmem:$0x1C400] =	vst v63  }
0x98: {  	_ =	swait.ge [sflag:s20], $0x4000  }
0x99: {  	[sflag:s20] =	ssyncset.done $0x0  }
0x9a: {  	[sflag:s20] =	ssyncadd.s32 $0xFFFFC000  }
0x9b: {  	[spmem:s2] =	stream.indirect.scatter.add.f32 [tilespmem:s17], [sflag:$0x3], $0x80, s25, s14, $0xb8;
	[tilespmem:$0x1C400] =	vst v63  }
0x9c: {  	_ =	swait.ge [sflag:s11], $0x4000  }
0x9d: {  	[sflag:s11] =	ssyncset.done $0x0  }
0x9e: {  	[sflag:s11] =	ssyncadd.s32 $0xFFFFC000  }
0x9f: {  	[tilespmem:s17], [sflag:$0x2] =	stream.indirect.gather [hbm4b:s4+s14], $0x80, s26, s14, $0xb8;
	[tilespmem:$0x1C400] =	vst v63  }
0xa0: {  	_ =	swait.ge [sflag:s18], $0x4000  }
0xa1: {  	[sflag:s18] =	ssyncset.done $0x0  }
0xa2: {  	[sflag:s18] =	ssyncadd.s32 $0xFFFFC000  }
0xa3: {  	[spmem:s2] =	stream.indirect.scatter.add.f32 [tilespmem:s15], [sflag:$0x3], $0x80, s28, s14, $0xb8;
	[tilespmem:$0x1C400] =	vst v63  }
0xa4: {  	_ =	swait.ge [sflag:s11], $0x4000  }
0xa5: {  	[sflag:s11] =	ssyncset.done $0x0  }
0xa6: {  	[sflag:s11] =	ssyncadd.s32 $0xFFFFC000  }
0xa7: {  	[tilespmem:s15], [sflag:$0x1] =	stream.indirect.gather [hbm4b:s4+s14], $0x80, s29, s14, $0xb8;
	[tilespmem:$0x1C400] =	vst v63  }
0xa8: {  	_ =	swait.ge [sflag:s20], $0x4000  }
0xa9: {  	[sflag:s20] =	ssyncset.done $0x0  }
0xaa: {  	[sflag:s20] =	ssyncadd.s32 $0xFFFFC000  }
0xab: {  	[spmem:s2] =	stream.indirect.scatter.add.f32 [tilespmem:s17], [sflag:$0x3], $0x80, s30, s14, $0xb8;
	[tilespmem:$0x1C400] =	vst v63  }
0xac: {  	_ =	swait.ge [sflag:s11], $0x4000  }
0xad: {  	[sflag:s11] =	ssyncset.done $0x0  }
0xae: {  	[sflag:s11] =	ssyncadd.s32 $0xFFFFC000  }
0xaf: {  	[tilespmem:s17], [sflag:$0x2] =	stream.indirect.gather [hbm4b:s4+s14], $0x80, s31, s14, $0xb8;
	[tilespmem:$0x1C400] =	vst v63  }
0xb0: {  	_ =	swait.ge [sflag:s18], $0x4000  }
0xb1: {  	[sflag:s18] =	ssyncset.done $0x0  }
0xb2: {  	[sflag:s18] =	ssyncadd.s32 $0xFFFFC000  }
0xb3: {  	[spmem:s2] =	stream.indirect.scatter.add.f32 [tilespmem:s15], [sflag:$0x3], $0x80, s0, s14, $0xb8;
	[tilespmem:$0x1C400] =	vst v63  }
0xb4: {  	_ =	swait.ge [sflag:s11], $0x4000  }
0xb5: {  	[sflag:s11] =	ssyncset.done $0x0  }
0xb6: {  	[sflag:s11] =	ssyncadd.s32 $0xFFFFC000  }
0xb7: {  	_ =	swait.ge [sflag:s20], $0x4000  }
0xb8: {  	[sflag:s20] =	ssyncset.done $0x0  }
0xb9: {  	[sflag:s20] =	ssyncadd.s32 $0xFFFFC000  }
0xba: {  	[spmem:s2] =	stream.indirect.scatter.add.f32 [tilespmem:s17], [sflag:$0x3], $0x80, s1, s14, $0xb8;
	[tilespmem:$0x1C400] =	vst v63  }
0xbb: {  	_ =	swait.ge [sflag:s11], $0x4000  }
0xbc: {  	s7 =	simm.s32 $0x80;
	s8 =	simm.s32 $0x100;
	[sflag:s11] =	ssyncset.done $0x0  }
.LBB2_3:
0xbd: {  	s10 =	sadd.s32 s7, s9;
	[sflag:s11] =	ssyncadd.s32 $0xFFFFC000  }
0xbe: {  	[tilespmem:s12], [sflag:$0x3] =	stream.linear.gather [hbm4b:s10+s3], $0x400, $0x38;
	[tilespmem:$0x1C400] =	vst v63  }
0xbf: {  	s5 =	smov.u32 s8;
	_ =	swait.ge [sflag:s11], $0x400  }
0xc0: {  	s6 =	sadd.s32 $0x80, s8;
	s10 =	rddreg [dreg:$0x4];
	[sflag:s11] =	ssyncset.done $0x0  }
0xc1: {  	p1 =	sne.s32 s8, $0x980;
	[sflag:s11] =	ssyncadd.s32 $0xFFFFFC00;
	s8 =	sadd.s32 s7, s10  }
0xc2: {  	[tilespmem:s13], [sflag:$0x3] =	stream.linear.gather [hbm4b:s8+s3], $0x400, $0x38;
	[tilespmem:$0x1C400] =	vst v63  }
0xc3: {  	_ =	swait.ge [sflag:s11], $0x400  }
0xc4: {  	[sflag:s11] =	ssyncset.done $0x0  }
0xc5: {  	[sflag:s11] =	ssyncadd.s32 $0xFFFFFC00  }
0xc6: {  	[tilespmem:s15], [sflag:$0x1] =	stream.indirect.gather [hbm4b:s4+s14], $0x80, s12, s14, $0xb8;
	[tilespmem:$0x1C400] =	vst v63  }
0xc7: {  	_ = 	snop  }
0xc8: {  	[tilespmem:s17], [sflag:$0x2] =	stream.indirect.gather [hbm4b:s4+s14], $0x80, s16, s14, $0xb8;
	[tilespmem:$0x1C400] =	vst v63  }
0xc9: {  	_ =	swait.ge [sflag:s18], $0x4000  }
0xca: {  	[sflag:s18] =	ssyncset.done $0x0  }
0xcb: {  	[sflag:s18] =	ssyncadd.s32 $0xFFFFC000  }
0xcc: {  	[spmem:s2] =	stream.indirect.scatter.add.f32 [tilespmem:s15], [sflag:$0x3], $0x80, s13, s14, $0xb8;
	[tilespmem:$0x1C400] =	vst v63  }
0xcd: {  	_ =	swait.ge [sflag:s11], $0x4000  }
0xce: {  	[sflag:s11] =	ssyncset.done $0x0  }
0xcf: {  	[sflag:s11] =	ssyncadd.s32 $0xFFFFC000  }
0xd0: {  	[tilespmem:s15], [sflag:$0x1] =	stream.indirect.gather [hbm4b:s4+s14], $0x80, s19, s14, $0xb8;
	[tilespmem:$0x1C400] =	vst v63  }
0xd1: {  	_ =	swait.ge [sflag:s20], $0x4000  }
0xd2: {  	[sflag:s20] =	ssyncset.done $0x0  }
0xd3: {  	[sflag:s20] =	ssyncadd.s32 $0xFFFFC000  }
0xd4: {  	[spmem:s2] =	stream.indirect.scatter.add.f32 [tilespmem:s17], [sflag:$0x3], $0x80, s21, s14, $0xb8;
	[tilespmem:$0x1C400] =	vst v63  }
0xd5: {  	_ =	swait.ge [sflag:s11], $0x4000  }
0xd6: {  	[sflag:s11] =	ssyncset.done $0x0  }
0xd7: {  	[sflag:s11] =	ssyncadd.s32 $0xFFFFC000  }
0xd8: {  	[tilespmem:s17], [sflag:$0x2] =	stream.indirect.gather [hbm4b:s4+s14], $0x80, s22, s14, $0xb8;
	[tilespmem:$0x1C400] =	vst v63  }
0xd9: {  	_ =	swait.ge [sflag:s18], $0x4000  }
0xda: {  	[sflag:s18] =	ssyncset.done $0x0  }
0xdb: {  	[sflag:s18] =	ssyncadd.s32 $0xFFFFC000  }
0xdc: {  	[spmem:s2] =	stream.indirect.scatter.add.f32 [tilespmem:s15], [sflag:$0x3], $0x80, s23, s14, $0xb8;
	[tilespmem:$0x1C400] =	vst v63  }
0xdd: {  	_ =	swait.ge [sflag:s11], $0x4000  }
0xde: {  	[sflag:s11] =	ssyncset.done $0x0  }
0xdf: {  	[sflag:s11] =	ssyncadd.s32 $0xFFFFC000  }
0xe0: {  	[tilespmem:s15], [sflag:$0x1] =	stream.indirect.gather [hbm4b:s4+s14], $0x80, s24, s14, $0xb8;
	[tilespmem:$0x1C400] =	vst v63  }
0xe1: {  	_ =	swait.ge [sflag:s20], $0x4000  }
0xe2: {  	[sflag:s20] =	ssyncset.done $0x0  }
0xe3: {  	[sflag:s20] =	ssyncadd.s32 $0xFFFFC000  }
0xe4: {  	[spmem:s2] =	stream.indirect.scatter.add.f32 [tilespmem:s17], [sflag:$0x3], $0x80, s25, s14, $0xb8;
	[tilespmem:$0x1C400] =	vst v63  }
0xe5: {  	_ =	swait.ge [sflag:s11], $0x4000  }
0xe6: {  	[sflag:s11] =	ssyncset.done $0x0  }
0xe7: {  	[sflag:s11] =	ssyncadd.s32 $0xFFFFC000  }
0xe8: {  	[tilespmem:s17], [sflag:$0x2] =	stream.indirect.gather [hbm4b:s4+s14], $0x80, s26, s14, $0xb8;
	[tilespmem:$0x1C400] =	vst v63  }
0xe9: {  	_ =	swait.ge [sflag:s18], $0x4000  }
0xea: {  	[sflag:s18] =	ssyncset.done $0x0  }
0xeb: {  	[sflag:s18] =	ssyncadd.s32 $0xFFFFC000  }
0xec: {  	[spmem:s2] =	stream.indirect.scatter.add.f32 [tilespmem:s15], [sflag:$0x3], $0x80, s28, s14, $0xb8;
	[tilespmem:$0x1C400] =	vst v63  }
0xed: {  	_ =	swait.ge [sflag:s11], $0x4000  }
0xee: {  	[sflag:s11] =	ssyncset.done $0x0  }
0xef: {  	[sflag:s11] =	ssyncadd.s32 $0xFFFFC000  }
0xf0: {  	[tilespmem:s15], [sflag:$0x1] =	stream.indirect.gather [hbm4b:s4+s14], $0x80, s29, s14, $0xb8;
	[tilespmem:$0x1C400] =	vst v63  }
0xf1: {  	_ =	swait.ge [sflag:s20], $0x4000  }
0xf2: {  	[sflag:s20] =	ssyncset.done $0x0  }
0xf3: {  	[sflag:s20] =	ssyncadd.s32 $0xFFFFC000  }
0xf4: {  	[spmem:s2] =	stream.indirect.scatter.add.f32 [tilespmem:s17], [sflag:$0x3], $0x80, s30, s14, $0xb8;
	[tilespmem:$0x1C400] =	vst v63  }
0xf5: {  	_ =	swait.ge [sflag:s11], $0x4000  }
0xf6: {  	[sflag:s11] =	ssyncset.done $0x0  }
0xf7: {  	[sflag:s11] =	ssyncadd.s32 $0xFFFFC000  }
0xf8: {  	[tilespmem:s17], [sflag:$0x2] =	stream.indirect.gather [hbm4b:s4+s14], $0x80, s31, s14, $0xb8;
	[tilespmem:$0x1C400] =	vst v63  }
0xf9: {  	_ =	swait.ge [sflag:s18], $0x4000  }
0xfa: {  	[sflag:s18] =	ssyncset.done $0x0  }
0xfb: {  	[sflag:s18] =	ssyncadd.s32 $0xFFFFC000  }
0xfc: {  	[spmem:s2] =	stream.indirect.scatter.add.f32 [tilespmem:s15], [sflag:$0x3], $0x80, s0, s14, $0xb8;
	[tilespmem:$0x1C400] =	vst v63  }
0xfd: {  	_ =	swait.ge [sflag:s11], $0x4000  }
0xfe: {  	[sflag:s11] =	ssyncset.done $0x0  }
0xff: {  	[sflag:s11] =	ssyncadd.s32 $0xFFFFC000  }
0x100: {  	_ =	swait.ge [sflag:s20], $0x4000  }
.Ltmp3:
0x101: {  	[sflag:s20] =	ssyncset.done $0x0;
	(pc) =	sbr.rel @p1 .LBB2_3-.Ltmp3, $4  }
0x102: {  	[sflag:s20] =	ssyncadd.s32 $0xFFFFC000  }
0x103: {  	[spmem:s2] =	stream.indirect.scatter.add.f32 [tilespmem:s17], [sflag:$0x3], $0x80, s1, s14, $0xb8;
	[tilespmem:$0x1C400] =	vst v63  }
0x104: {  	_ =	swait.ge [sflag:s11], $0x4000  }
0x105: {  	s7 =	smov.u32 s5;
	s8 =	smov.u32 s6;
	[sflag:s11] =	ssyncset.done $0x0  }
.Ltmp4:
0x106: {  	_ = 	snop;
	(pc) =	sbr.rel .LBB2_4-.Ltmp4, $1  }
0x107: {  	_ =	sdelay $0x3  }
.LBB2_6:
0x108: {  	_ =	sfence.sel $0x180000  }
0x109: {  	[bflag:$0x0] =	sbarrier.arrive $0xFFFF  }
0x10a: {  	_ =	strace $0x90000047  }
0x10b: {  	s0 =	stileid.u32;
	[bflag:$0x2] =	sbarrier.arrive $0xFFFF  }
0x10c: {  	p0 =	sne.s32 s0, $0x0;
	s0 =	rddreg [dreg:$0x3]  }
0x10d: {  	s0 =	sadd.s32 @!p0 $0x100000, s0  }
0x10e: {  	[sflag:s0] =	ssyncadd.tile.s32 @!p0 $0x1;
	_ =	shalt  }
.Lfunc_end2:
_tile_overlayer_lowered:
.L_overlay_start_2:
0x10f: {  	(tag) =	ssettag $0x2  }
0x110: {  	s0 =	rddreg [dreg:$0x0];
	s2 =	stileid.u32  }
0x111: {  	s1 =	rddreg [dreg:$0x1];
	p0 =	sne.s32 s2, $0x0  }
0x112: {  	s3 =	rddreg [dreg:$0x2];
	[bflag:$0x3] =	sbarrier.arrive $0xFFFF;
	s2 =	simm.s32 @!p0 $0x1C03  }
0x113: {  	[timem:s3], [sflag:s2] =	dma.local @!p0 [hbm:s0], s1  }
0x114: {  	s0 =	simm.s32 @!p0 $0x3  }
0x115: {  	_ =	swait.ge @!p0 [sflag:s0], s1  }
0x116: {  	s1 =	ssub.s32 @!p0 $0x0, s1;
	[sflag:s0] =	ssyncset.done @!p0 $0x0  }
0x117: {  	[sflag:s0] =	ssyncadd.s32 @!p0 s1  }
0x118: {  	[bflag:$0x3] =	sbarrier.arrive $0xFFFF  }
0x119: {  	_ =	shalt  }

// kernel: kernel.14.cloned.1.call-start
scs
__scs_entry_jumppad:
0x0: {  	(pc) =	sbr.rel $0x88, $3  }
0x1: {  	(tag) =	ssettag $0x0;
	lr =	simm.s32 $0x1  }
0x2: {  	[smem:$0x3F92] =	sst lr;
	_ =	strace $0xD0000000  }
0x3: {  	_ = 	snop  }
0x4: {  	_ = 	snop  }
0x5: {  	_ = 	snop  }
0x6: {  	_ = 	snop  }
0x7: {  	_ = 	snop  }
__scs_overlays_trampoline_lowered:
0x8: {  	[smem:$0x3FA1] =	sst s0  }
0x9: {  	[smem:$0x3FA2] =	sst s1  }
0xa: {  	[smem:$0x3FA3] =	sst s2  }
0xb: {  	[smem:$0x3FA4] =	sst s3  }
0xc: {  	[smem:$0x3FA5] =	sst s4  }
0xd: {  	[smem:$0x3FA6] =	sst s5  }
0xe: {  	[smem:$0x3FA7] =	sst s6  }
0xf: {  	[smem:$0x3FA8] =	sst s7  }
0x10: {  	[smem:$0x3FA9] =	sst s8  }
0x11: {  	[smem:$0x3FAA] =	sst s9;
	s0 =	simm.s32 @!p0 $0x0  }
0x12: {  	s1 =	sld [smem:$0x3F90];
	s0 =	simm.s32 @p0 $0x1  }
0x13: {  	[smem:$0x3FAB] =	sst s0;
	s0 =	simm.s32 @!p1 $0x0  }
0x14: {  	s2 =	sld [smem:$0x3F8F];
	s0 =	simm.s32 @p1 $0x1  }
0x15: {  	[smem:$0x3FAC] =	sst s0;
	s0 =	simm.s32 @!p2 $0x0  }
0x16: {  	s3 =	sld [smem:$0x3FDB];
	s0 =	simm.s32 @p2 $0x1  }
0x17: {  	s4 =	simm.s32 $0x1BF5;
	[smem:$0x3FAE] =	sst s0  }
0x18: {  	s0 =	sld [smem:$0x3F91];
	_ =	swait.ge [sflag:s4], $0x0  }
0x19: {  	s7 =	sld [smem:$0x3F92]  }
0x1a: {  	s8 =	sadd.s32 $0xFFFFE003, lr  }
0x1b: {  	s9 =	sadd.s32 $0xFFFFFEF7, lr;
	s5 =	simm.s32 $0xFFFFFFFF;
	p2 =	slt.u32 s8, $0xFFFFF086  }
0x1c: {  	p1 =	slt.u32 s9, $0xF7A;
	s5 =	simm.s32 @!p2 $0x0  }
0x1d: {  	s5 =	simm.s32 @p1 $0x1;
	p0 =	seq.s32 s7, s2  }
0x1e: {  	s7 =	smul.u32 @!p0 $0xF7A, s2;
	p2 =	seq.s32 @!p0 s5, $0x0  }
0x1f: {  	s9 =	smul.u32 $0xF7A, s1;
	s8 =	simm.s32 @!p0 $0x1BF5;
	p2 =	por !p2, p0  }
0x20: {  	[sflag:s8] =	ssyncset.s32 @!p0 $0xFFFFF086;
	s6 =	sadd.s32 @!p0 s3, s7;
	s7 =	simm.s32 @!p0 $0x108  }
0x21: {  	s3 =	sadd.s32 s3, s9;
	s6 =	sadd.s32 @!p0 $0x88, s6;
	s7 =	simm.s32 @p2 $0x1082  }
0x22: {  	[simem:s7], [sflag:s8] =	dma.local @!p0 [hbm:s6], $0xF7A  }
0x23: {  	s9 =	sor.u32 $0xD0000000, s2;
	s6 =	simm.s32 $0x108;
	_ =	swait.ge @!p0 [sflag:s8], $0x0  }
0x24: {  	s3 =	sadd.s32 $0x88, s3;
	s6 =	simm.s32 @!p1 $0x1082;
	[sflag:s4] =	ssyncset.s32 $0xFFFFF086  }
0x25: {  	[simem:s6], [sflag:s4] =	dma.local [hbm:s3], $0xF7A  }
0x26: {  	[smem:$0x3F92] =	sst s1;
	(tag) =	ssettag s2;
	_ =	strace s9  }
0x27: {  	s1 =	sld [smem:$0x3FA2]  }
0x28: {  	s2 =	sld [smem:$0x3FA3]  }
0x29: {  	s4 =	sld [smem:$0x3FA5]  }
0x2a: {  	p0 =	seq.s32 s5, $0x0;
	s5 =	sld [smem:$0x3FA6]  }
0x2b: {  	s6 =	sld [smem:$0x3FA7]  }
0x2c: {  	s7 =	sld [smem:$0x3FA8]  }
0x2d: {  	s3 =	simm.s32 $0x108;
	s8 =	sld [smem:$0x3FA9]  }
0x2e: {  	s3 =	simm.s32 @!p0 $0x1082;
	s9 =	sld [smem:$0x3FAA]  }
0x2f: {  	lr =	sadd.s32 s0, s3;
	s0 =	sld [smem:$0x3FA1]  }
0x30: {  	s3 =	sld [smem:$0x3FA4]  }
0x31: {  	[smem:$0x3FAD] =	sst s10  }
0x32: {  	s10 =	sld [smem:$0x3FAB];
	_ =	sdelay $0x3  }
0x33: {  	p0 =	seq.s32 s10, $0x1;
	s10 =	sld [smem:$0x3FAD];
	_ =	sdelay $0x3  }
0x34: {  	[smem:$0x3FAD] =	sst s10  }
0x35: {  	s10 =	sld [smem:$0x3FAC];
	_ =	sdelay $0x3  }
0x36: {  	p1 =	seq.s32 s10, $0x1;
	s10 =	sld [smem:$0x3FAD];
	_ =	sdelay $0x3  }
0x37: {  	[smem:$0x3FAD] =	sst s10  }
0x38: {  	s10 =	sld [smem:$0x3FAE]  }
0x39: {  	_ = 	snop;
	(pc) =	sbr.ind lr, $3  }
0x3a: {  	_ = 	snop  }
0x3b: {  	_ = 	snop  }
0x3c: {  	p2 =	seq.s32 s10, $0x1;
	s10 =	sld [smem:$0x3FAD]  }
0x3d: {  	_ =	shalt  }
0x3e: {  	_ =	shalt  }
0x3f: {  	_ =	shalt  }
0x40: {  	_ =	shalt  }
0x41: {  	_ =	shalt  }
0x42: {  	_ =	shalt  }
0x43: {  	_ =	shalt  }
0x44: {  	_ =	shalt  }
0x45: {  	_ =	shalt  }
0x46: {  	_ =	shalt  }
0x47: {  	_ =	shalt  }
0x48: {  	_ =	shalt  }
0x49: {  	_ =	shalt  }
0x4a: {  	_ =	shalt  }
0x4b: {  	_ =	shalt  }
0x4c: {  	_ =	shalt  }
0x4d: {  	_ =	shalt  }
0x4e: {  	_ =	shalt  }
0x4f: {  	_ =	shalt  }
0x50: {  	_ =	shalt  }
0x51: {  	_ =	shalt  }
0x52: {  	_ =	shalt  }
0x53: {  	_ =	shalt  }
0x54: {  	_ =	shalt  }
0x55: {  	_ =	shalt  }
0x56: {  	_ =	shalt  }
0x57: {  	_ =	shalt  }
0x58: {  	_ =	shalt  }
0x59: {  	_ =	shalt  }
0x5a: {  	_ =	shalt  }
0x5b: {  	_ =	shalt  }
0x5c: {  	_ =	shalt  }
0x5d: {  	_ =	shalt  }
0x5e: {  	_ =	shalt  }
0x5f: {  	_ =	shalt  }
0x60: {  	_ =	shalt  }
0x61: {  	_ =	shalt  }
0x62: {  	_ =	shalt  }
0x63: {  	_ =	shalt  }
0x64: {  	_ =	shalt  }
0x65: {  	_ =	shalt  }
0x66: {  	_ =	shalt  }
0x67: {  	_ =	shalt  }
0x68: {  	_ =	shalt  }
0x69: {  	_ =	shalt  }
0x6a: {  	_ =	shalt  }
0x6b: {  	_ =	shalt  }
0x6c: {  	_ =	shalt  }
0x6d: {  	_ =	shalt  }
0x6e: {  	_ =	shalt  }
0x6f: {  	_ =	shalt  }
0x70: {  	_ =	shalt  }
0x71: {  	_ =	shalt  }
0x72: {  	_ =	shalt  }
0x73: {  	_ =	shalt  }
0x74: {  	_ =	shalt  }
0x75: {  	_ =	shalt  }
0x76: {  	_ =	shalt  }
0x77: {  	_ =	shalt  }
0x78: {  	_ =	shalt  }
0x79: {  	_ =	shalt  }
0x7a: {  	_ =	shalt  }
0x7b: {  	_ =	shalt  }
0x7c: {  	_ =	shalt  }
0x7d: {  	_ =	shalt  }
0x7e: {  	_ =	shalt  }
0x7f: {  	_ =	shalt  }
0x80: {  	_ =	shalt  }
0x81: {  	_ =	shalt  }
0x82: {  	_ =	shalt  }
0x83: {  	_ =	shalt  }
0x84: {  	_ =	shalt  }
0x85: {  	_ =	shalt  }
0x86: {  	_ =	shalt  }
0x87: {  	_ =	shalt  }
.Lfunc_end0:
.L_simem_size_0:
called_computation.1_lowered:
.L_overlay_start_0:
0x88: {  	s2 =	sld [smem:$0x3FD9]  }
0x89: {  	s3 =	sld [smem:$0x3FFE];
	_ =	sdelay $0x1  }
0x8a: {  	s1 =	srdreg.scid  }
0x8b: {  	s0 =	sand.u32 $0x1, s1  }
0x8c: {  	s17 =	sshll.u32 s0, $0xA;
	s2 =	sadd.s32 s3, s2  }
0x8d: {  	s2 =	sadd.s32 s2, s17  }
0x8e: {  	[smem:$0x3FB9] =	sst s2  }
0x8f: {  	_ = 	snop  }
0x90: {  	s2 =	sld [smem:$0x3FD0];
	(tm) =	ssettm $0x1  }
0x91: {  	s18 =	sld [smem:$0x3FFB];
	_ =	sdelay $0x3  }
0x92: {  	_ =	strace s18  }
0x93: {  	s3 =	sld [smem:$0x3FFC];
	_ =	sdelay $0x3  }
0x94: {  	_ =	strace s3  }
0x95: {  	s3 =	sld [smem:$0x3FFD];
	_ =	sdelay $0x3  }
0x96: {  	_ =	strace s3  }
0x97: {  	_ =	strace $0x8FFFFFFF  }
0x98: {  	s19 =	sld [smem:$0x3FDB];
	_ =	sdelay $0x1  }
0x99: {  	s4 =	simm.s32 $_scs_section_size  }
0x9a: {  	s5 =	simm.s32 $_size__tile_overlayer_lowered;
	s6 =	simm.s32 $_tile_overlayer_lowered  }
0x9b: {  	s22 =	simm.s32 $0x1BFF;
	s21 =	sshll.u32 s6, $0x1;
	s3 =	sadd.s32 s4, s19  }
0x9c: {  	s7 =	simm.s32 $0x0;
	s20 =	sshll.u32 s5, $0x1;
	s5 =	sadd.s32 s21, s3  }
0x9d: {  	[timem:s7], [sflag:s22] =	dma.local [hbm:s5], s20  }
0x9e: {  	_ =	swait.ge [sflag:s22], s20  }
0x9f: {  	s4 =	ssub.s32 $0x0, s20;
	[sflag:s22] =	ssyncset.done $0x0  }
0xa0: {  	[sflag:s22] =	ssyncadd.s32 s4;
	_ =	sdelay $0x1  }
0xa1: {  	s23 =	simm.s32 $0x1B8B  }
0xa2: {  	_ =	swait.ge [sflag:s23], $0x1  }
0xa3: {  	[sflag:s23] =	ssyncset.done $0x0  }
0xa4: {  	s25 =	simm.s32 $0x1B8E;
	s24 =	sld [smem:$0x3FFE];
	[sflag:s23] =	ssyncadd.s32 $0xFFFFFFFF  }
0xa5: {  	s26 =	simm.s32 $execute0_lowered;
	[smem:$0x3FD2] =	sst s25  }
0xa6: {  	s5 =	sshll.u32 s26, $0x1;
	_ =	strace $0x80000049;
	[dreg:$0x1] =	wrdreg $0xFFFFFFFF  }
0xa7: {  	s28 =	simm.s32 $_size_execute0_lowered;
	s3 =	sadd.s32 s3, s5;
	[dreg:$0x0] =	wrdreg $0x0  }
0xa8: {  	s5 =	sshll.u32 s28, $0x1;
	[dreg:$0x2] =	wrdreg s3  }
0xa9: {  	[dreg:$0x3] =	wrdreg s5  }
0xaa: {  	[dreg:$0x4] =	wrdreg $0xC0  }
0xab: {  	_ =	task [dreg:s7], $0x5FFFF  }
0xac: {  	[dreg:$0x1] =	wrdreg $0xFFFFFFFF  }
0xad: {  	[dreg:$0x0] =	wrdreg $0x60  }
0xae: {  	[dreg:$0x2] =	wrdreg s24  }
0xaf: {  	[dreg:$0x3] =	wrdreg s2  }
0xb0: {  	[dreg:$0x4] =	wrdreg $0x0  }
0xb1: {  	[dreg:$0x5] =	wrdreg $0x9  }
0xb2: {  	_ =	task.clear_ibuf [dreg:s7], $0x6FFFF;
	_ =	strace $0x90000049  }
0xb3: {  	s29 =	simm.s32 $0x9;
	_ =	strace $0x8000004B  }
0xb4: {  	_ =	swait.ge [sflag:s29], $0x1  }
0xb5: {  	[sflag:s29] =	ssyncadd.s32 $0xFFFFFFFF  }
0xb6: {  	_ =	strace $0x9000004B  }
0xb7: {  	_ =	sfence  }
0xb8: {  	s30 =	sld [smem:$0x0];
	_ =	sdelay $0x2  }
0xb9: {  	s31 =	sshll.u32 s1, $0xD;
	s1 =	sshrl.u32 s1, $0x2  }
0xba: {  	s3 =	sand.u32 $0x4000, s31;
	s1 =	sadd.s32 s1, s30  }
0xbb: {  	s0 =	sor.u32 s3, s0;
	s1 =	sshll.u32 s1, $0x11  }
0xbc: {  	s0 =	sor.u32 s1, s0  }
0xbd: {  	s0 =	sadd.s32 $0x8F2B, s0  }
0xbe: {  	[sflag:s0] =	ssyncadd.remote.s32 $0x1  }
0xbf: {  	_ =	sfence.sel $0xFFFF  }
0xc0: {  	[dreg:$0x0] =	wrdreg $0xFFFFFFFF;
	(pc) =	sbr.abs _section_cstart, $3  }
0xc1: {  	[dreg:$0x1] =	wrdreg $0xFFFFFFFF  }
0xc2: {  	_ =	task.clear_ibuf [dreg:s7], $0x2FFFF;
	_ =	strace $0x9FFFFFFF  }
0xc3: {  	(tm) =	ssettm $0x7FFFFFFF  }
tec
execute0_lowered:
.L_overlay_start_1:
0x0: {  	(tag) =	ssettag $0x1  }
0x1: {  	s0 =	rddreg [dreg:$0x0]  }
0x2: {  	s1 =	rddreg [dreg:$0x1]  }
0x3: {  	s2 =	rddreg [dreg:$0x2]  }
0x4: {  	s12 =	stileid.u32;
	s4 =	srdreg.scid  }
0x5: {  	s3 =	simm.s32 $0x0;
	s13 =	simm.s32 $0x14000;
	s14 =	simm.s32 $0x80  }
0x6: {  	s15 =	simm.s32 $0x14400;
	s16 =	simm.s32 $0x13C80;
	s17 =	simm.s32 $0x18400  }
0x7: {  	s18 =	simm.s32 $0x1;
	s19 =	simm.s32 $0x13D00;
	s20 =	simm.s32 $0x2  }
0x8: {  	s28 =	simm.s32 $0x14200;
	s29 =	simm.s32 $0x13F00;
	s5 =	smul.u32 $0xA00, s12  }
0x9: {  	s30 =	simm.s32 $0x14280;
	s31 =	simm.s32 $0x13F80;
	s6 =	smul.u32 $0x13C00, s12  }
0xa: {  	s7 =	sand.u32 $0x1, s4;
	[smem:$0x7FF] =	sst s3;
	s4 =	sadd.s32 $0xD800, s0  }
0xb: {  	s11 =	smul.u32 $0x4F000, s12;
	s24 =	sshll.u32 s12, $0x6;
	s12 =	simm.s32 $0x13C00  }
0xc: {  	s8 =	smul.u32 $0x13C000, s7;
	_ =	strace $0x8000004A;
	s21 =	ssub.s32 $0x2, s7  }
0xd: {  	p0 =	sne.s32 s7, $0x0;
	s9 =	sadd.s32 s5, s0;
	s10 =	sshrl.u32 s6, $0x3  }
0xe: {  	s22 =	sshrl.u32 s21, $0x1;
	s23 =	sshrl.u32 s11, $0x2;
	s11 =	sor.u32 $0x1C03, s24  }
0xf: {  	s26 =	sadd.s32 s5, s1;
	s24 =	simm.s32 $0x13E00;
	s1 =	simm.s32 $0x14380  }
0x10: {  	s6 =	sadd.s32 s6, s8;
	s10 =	sadd.s32 s10, s0;
	s8 =	sadd.s32 s23, s2  }
0x11: {  	s5 =	smov.u32 s11;
	[dreg:$0x4] =	wrdreg s26;
	s9 =	sadd.s32 $0x3800, s9  }
0x12: {  	s11 =	simm.s32 $0x3;
	s23 =	simm.s32 $0x14100;
	s26 =	simm.s32 $0x13E80  }
0x13: {  	s6 =	sshrl.u32 s6, $0x3;
	s10 =	sadd.s32 $0x34A00, s10;
	s7 =	sshrl.u32 s8, $0x3  }
.Ltmp0:
0x14: {  	s8 =	simm.s32 $0x0;
	[dreg:$0x6] =	wrdreg s5;
	(pc) =	sbr.rel .LBB2_1-.Ltmp0, $4  }
0x15: {  	s0 =	sadd.s32 s6, s0;
	s6 =	ssub.s32 s21, s22;
	[dreg:$0x5] =	wrdreg s10  }
0x16: {  	s21 =	simm.s32 $0x14080;
	[dreg:$0x9] =	wrdreg s7;
	s0 =	sadd.s32 $0x5C200, s0  }
0x17: {  	s22 =	simm.s32 $0x13D80;
	s25 =	smax.u32 s6, $0x1;
	[dreg:$0x7] =	wrdreg s0  }
0x18: {  	[dreg:$0x8] =	wrdreg s25;
	s25 =	simm.s32 $0x14180;
	s0 =	simm.s32 $0x14300  }
.LBB2_4:
0x19: {  	s5 =	sadd.s32 s7, s9;
	[sflag:s11] =	ssyncadd.s32 $0xFFFFC000  }
0x1a: {  	[tilespmem:s12], [sflag:$0x3] =	stream.linear.gather [hbm4b:s5+s3], $0x400, $0x38;
	[tilespmem:$0x1C400] =	vst v63  }
0x1b: {  	_ =	swait.ge [sflag:s11], $0x400  }
0x1c: {  	s10 =	rddreg [dreg:$0x4];
	[sflag:s11] =	ssyncset.done $0x0  }
0x1d: {  	s5 =	sadd.s32 s7, s10;
	[sflag:s11] =	ssyncadd.s32 $0xFFFFFC00  }
0x1e: {  	[tilespmem:s13], [sflag:$0x3] =	stream.linear.gather [hbm4b:s5+s3], $0x400, $0x38;
	[tilespmem:$0x1C400] =	vst v63  }
0x1f: {  	_ =	swait.ge [sflag:s11], $0x400  }
0x20: {  	[sflag:s11] =	ssyncset.done $0x0  }
0x21: {  	[sflag:s11] =	ssyncadd.s32 $0xFFFFFC00  }
0x22: {  	[tilespmem:s15], [sflag:$0x1] =	stream.indirect.gather [hbm4b:s4+s14], $0x80, s12, s14, $0xb8;
	[tilespmem:$0x1C400] =	vst v63  }
0x23: {  	_ = 	snop  }
0x24: {  	[tilespmem:s17], [sflag:$0x2] =	stream.indirect.gather [hbm4b:s4+s14], $0x80, s16, s14, $0xb8;
	[tilespmem:$0x1C400] =	vst v63  }
0x25: {  	_ =	swait.ge [sflag:s18], $0x4000  }
0x26: {  	[sflag:s18] =	ssyncset.done $0x0  }
0x27: {  	[sflag:s18] =	ssyncadd.s32 $0xFFFFC000  }
0x28: {  	[spmem:s2] =	stream.indirect.scatter.add.f32 [tilespmem:s15], [sflag:$0x3], $0x80, s13, s14, $0xb8;
	[tilespmem:$0x1C400] =	vst v63  }
0x29: {  	_ =	swait.ge [sflag:s11], $0x4000  }
0x2a: {  	[sflag:s11] =	ssyncset.done $0x0  }
0x2b: {  	[sflag:s11] =	ssyncadd.s32 $0xFFFFC000  }
0x2c: {  	[tilespmem:s15], [sflag:$0x1] =	stream.indirect.gather [hbm4b:s4+s14], $0x80, s19, s14, $0xb8;
	[tilespmem:$0x1C400] =	vst v63  }
0x2d: {  	_ =	swait.ge [sflag:s20], $0x4000  }
0x2e: {  	[sflag:s20] =	ssyncset.done $0x0  }
0x2f: {  	[sflag:s20] =	ssyncadd.s32 $0xFFFFC000  }
0x30: {  	[spmem:s2] =	stream.indirect.scatter.add.f32 [tilespmem:s17], [sflag:$0x3], $0x80, s21, s14, $0xb8;
	[tilespmem:$0x1C400] =	vst v63  }
0x31: {  	_ =	swait.ge [sflag:s11], $0x4000  }
0x32: {  	[sflag:s11] =	ssyncset.done $0x0  }
0x33: {  	[sflag:s11] =	ssyncadd.s32 $0xFFFFC000  }
0x34: {  	[tilespmem:s17], [sflag:$0x2] =	stream.indirect.gather [hbm4b:s4+s14], $0x80, s22, s14, $0xb8;
	[tilespmem:$0x1C400] =	vst v63  }
0x35: {  	_ =	swait.ge [sflag:s18], $0x4000  }
0x36: {  	[sflag:s18] =	ssyncset.done $0x0  }
0x37: {  	[sflag:s18] =	ssyncadd.s32 $0xFFFFC000  }
0x38: {  	[spmem:s2] =	stream.indirect.scatter.add.f32 [tilespmem:s15], [sflag:$0x3], $0x80, s23, s14, $0xb8;
	[tilespmem:$0x1C400] =	vst v63  }
0x39: {  	_ =	swait.ge [sflag:s11], $0x4000  }
0x3a: {  	[sflag:s11] =	ssyncset.done $0x0  }
0x3b: {  	[sflag:s11] =	ssyncadd.s32 $0xFFFFC000  }
0x3c: {  	[tilespmem:s15], [sflag:$0x1] =	stream.indirect.gather [hbm4b:s4+s14], $0x80, s24, s14, $0xb8;
	[tilespmem:$0x1C400] =	vst v63  }
0x3d: {  	_ =	swait.ge [sflag:s20], $0x4000  }
0x3e: {  	[sflag:s20] =	ssyncset.done $0x0  }
0x3f: {  	[sflag:s20] =	ssyncadd.s32 $0xFFFFC000  }
0x40: {  	[spmem:s2] =	stream.indirect.scatter.add.f32 [tilespmem:s17], [sflag:$0x3], $0x80, s25, s14, $0xb8;
	[tilespmem:$0x1C400] =	vst v63  }
0x41: {  	_ =	swait.ge [sflag:s11], $0x4000  }
0x42: {  	[sflag:s11] =	ssyncset.done $0x0  }
0x43: {  	[sflag:s11] =	ssyncadd.s32 $0xFFFFC000  }
0x44: {  	[tilespmem:s17], [sflag:$0x2] =	stream.indirect.gather [hbm4b:s4+s14], $0x80, s26, s14, $0xb8;
	[tilespmem:$0x1C400] =	vst v63  }
0x45: {  	_ =	swait.ge [sflag:s18], $0x4000  }
0x46: {  	[sflag:s18] =	ssyncset.done $0x0  }
0x47: {  	[sflag:s18] =	ssyncadd.s32 $0xFFFFC000  }
0x48: {  	[spmem:s2] =	stream.indirect.scatter.add.f32 [tilespmem:s15], [sflag:$0x3], $0x80, s28, s14, $0xb8;
	[tilespmem:$0x1C400] =	vst v63  }
0x49: {  	_ =	swait.ge [sflag:s11], $0x4000  }
0x4a: {  	[sflag:s11] =	ssyncset.done $0x0  }
0x4b: {  	[sflag:s11] =	ssyncadd.s32 $0xFFFFC000  }
0x4c: {  	[tilespmem:s15], [sflag:$0x1] =	stream.indirect.gather [hbm4b:s4+s14], $0x80, s29, s14, $0xb8;
	[tilespmem:$0x1C400] =	vst v63  }
0x4d: {  	_ =	swait.ge [sflag:s20], $0x4000  }
0x4e: {  	[sflag:s20] =	ssyncset.done $0x0  }
0x4f: {  	[sflag:s20] =	ssyncadd.s32 $0xFFFFC000  }
0x50: {  	[spmem:s2] =	stream.indirect.scatter.add.f32 [tilespmem:s17], [sflag:$0x3], $0x80, s30, s14, $0xb8;
	[tilespmem:$0x1C400] =	vst v63  }
0x51: {  	_ =	swait.ge [sflag:s11], $0x4000  }
0x52: {  	[sflag:s11] =	ssyncset.done $0x0  }
0x53: {  	[sflag:s11] =	ssyncadd.s32 $0xFFFFC000  }
0x54: {  	[tilespmem:s17], [sflag:$0x2] =	stream.indirect.gather [hbm4b:s4+s14], $0x80, s31, s14, $0xb8;
	[tilespmem:$0x1C400] =	vst v63  }
0x55: {  	_ =	swait.ge [sflag:s18], $0x4000  }
0x56: {  	[sflag:s18] =	ssyncset.done $0x0  }
0x57: {  	[sflag:s18] =	ssyncadd.s32 $0xFFFFC000  }
0x58: {  	[spmem:s2] =	stream.indirect.scatter.add.f32 [tilespmem:s15], [sflag:$0x3], $0x80, s0, s14, $0xb8;
	[tilespmem:$0x1C400] =	vst v63  }
0x59: {  	_ =	swait.ge [sflag:s11], $0x4000  }
0x5a: {  	[sflag:s11] =	ssyncset.done $0x0  }
0x5b: {  	[sflag:s11] =	ssyncadd.s32 $0xFFFFC000  }
0x5c: {  	_ =	swait.ge [sflag:s20], $0x4000  }
0x5d: {  	[sflag:s20] =	ssyncset.done $0x0  }
0x5e: {  	[sflag:s20] =	ssyncadd.s32 $0xFFFFC000  }
0x5f: {  	[spmem:s2] =	stream.indirect.scatter.add.f32 [tilespmem:s17], [sflag:$0x3], $0x80, s1, s14, $0xb8;
	[tilespmem:$0x1C400] =	vst v63  }
0x60: {  	_ =	swait.ge [sflag:s11], $0x4000  }
0x61: {  	s10 =	rddreg [dreg:$0x5]  }
0x62: {  	s5 =	rddreg [dreg:$0x6]  }
0x63: {  	[sflag:s11] =	ssyncset.done $0x0;
	s7 =	rddreg [dreg:$0x9]  }
0x64: {  	s8 =	rddreg [dreg:$0xa];
	[sflag:s11] =	ssyncadd.s32 $0xFFFFC000  }
.LBB2_5:
0x65: {  	[bflag:$0x0] =	sbarrier.arrive $0xFFFF  }
0x66: {  	s6 =	rddreg [dreg:$0x7]  }
0x67: {  	[hbm:s6], [sflag:s5] =	dma.local [spmem:s7], $0x2780  }
0x68: {  	_ =	swait.ge [sflag:s11], $0x2780  }
0x69: {  	s8 =	sadd.s32 $0x1, s8;
	s6 =	rddreg [dreg:$0x8]  }
0x6a: {  	p1 =	sne.s32 s8, s6  }
.Ltmp1:
0x6b: {  	_ = 	snop;
	(pc) =	sbr.rel @!p1 .LBB2_6-.Ltmp1, $3  }
0x6c: {  	_ =	sdelay $0x1  }
0x6d: {  	[sflag:s11] =	ssyncset.done $0x0  }
0x6e: {  	[sflag:s11] =	ssyncadd.s32 $0xFFFFD880  }
.LBB2_1:
0x6f: {  	[spmem:s7], [sflag:s5] =	dma.local [hbm:s10], $0x2780  }
.Ltmp2:
0x70: {  	_ =	swait.ge [sflag:s11], $0x2780;
	(pc) =	sbr.rel @p0 .LBB2_5-.Ltmp2, $3  }
0x71: {  	[sflag:s11] =	ssyncset.done $0x0  }
0x72: {  	[sflag:s11] =	ssyncadd.s32 $0xFFFFD880  }
0x73: {  	[bflag:$0x0] =	sbarrier.arrive $0xFFFF;
	_ =	sdelay $0x1  }
0x74: {  	[dreg:$0xa] =	wrdreg s8;
	s6 =	sadd.s32 $0x0, s9  }
0x75: {  	[tilespmem:s12], [sflag:$0x3] =	stream.linear.gather [hbm4b:s6+s3], $0x400, $0x38;
	[tilespmem:$0x1C400] =	vst v63  }
0x76: {  	_ =	swait.ge [sflag:s11], $0x400  }
0x77: {  	s10 =	rddreg [dreg:$0x4];
	[sflag:s11] =	ssyncset.done $0x0  }
0x78: {  	[sflag:s11] =	ssyncadd.s32 $0xFFFFFC00;
	s6 =	sadd.s32 $0x0, s10  }
0x79: {  	[tilespmem:s13], [sflag:$0x3] =	stream.linear.gather [hbm4b:s6+s3], $0x400, $0x38;
	[tilespmem:$0x1C400] =	vst v63  }
0x7a: {  	_ =	swait.ge [sflag:s11], $0x400  }
0x7b: {  	[sflag:s11] =	ssyncset.done $0x0  }
0x7c: {  	[sflag:s11] =	ssyncadd.s32 $0xFFFFFC00  }
0x7d: {  	[tilespmem:s15], [sflag:$0x1] =	stream.indirect.gather [hbm4b:s4+s14], $0x80, s12, s14, $0xb8;
	[tilespmem:$0x1C400] =	vst v63  }
0x7e: {  	_ = 	snop  }
0x7f: {  	[tilespmem:s17], [sflag:$0x2] =	stream.indirect.gather [hbm4b:s4+s14], $0x80, s16, s14, $0xb8;
	[tilespmem:$0x1C400] =	vst v63  }
0x80: {  	_ =	swait.ge [sflag:s18], $0x4000  }
0x81: {  	[sflag:s18] =	ssyncset.done $0x0  }
0x82: {  	[sflag:s18] =	ssyncadd.s32 $0xFFFFC000  }
0x83: {  	[spmem:s2] =	stream.indirect.scatter.add.f32 [tilespmem:s15], [sflag:$0x3], $0x80, s13, s14, $0xb8;
	[tilespmem:$0x1C400] =	vst v63  }
0x84: {  	_ =	swait.ge [sflag:s11], $0x4000  }
0x85: {  	[sflag:s11] =	ssyncset.done $0x0  }
0x86: {  	[sflag:s11] =	ssyncadd.s32 $0xFFFFC000  }
0x87: {  	[tilespmem:s15], [sflag:$0x1] =	stream.indirect.gather [hbm4b:s4+s14], $0x80, s19, s14, $0xb8;
	[tilespmem:$0x1C400] =	vst v63  }
0x88: {  	_ =	swait.ge [sflag:s20], $0x4000  }
0x89: {  	[sflag:s20] =	ssyncset.done $0x0  }
0x8a: {  	[sflag:s20] =	ssyncadd.s32 $0xFFFFC000  }
0x8b: {  	[spmem:s2] =	stream.indirect.scatter.add.f32 [tilespmem:s17], [sflag:$0x3], $0x80, s21, s14, $0xb8;
	[tilespmem:$0x1C400] =	vst v63  }
0x8c: {  	_ =	swait.ge [sflag:s11], $0x4000  }
0x8d: {  	[sflag:s11] =	ssyncset.done $0x0  }
0x8e: {  	[sflag:s11] =	ssyncadd.s32 $0xFFFFC000  }
0x8f: {  	[tilespmem:s17], [sflag:$0x2] =	stream.indirect.gather [hbm4b:s4+s14], $0x80, s22, s14, $0xb8;
	[tilespmem:$0x1C400] =	vst v63  }
0x90: {  	_ =	swait.ge [sflag:s18], $0x4000  }
0x91: {  	[sflag:s18] =	ssyncset.done $0x0  }
0x92: {  	[sflag:s18] =	ssyncadd.s32 $0xFFFFC000  }
0x93: {  	[spmem:s2] =	stream.indirect.scatter.add.f32 [tilespmem:s15], [sflag:$0x3], $0x80, s23, s14, $0xb8;
	[tilespmem:$0x1C400] =	vst v63  }
0x94: {  	_ =	swait.ge [sflag:s11], $0x4000  }
0x95: {  	[sflag:s11] =	ssyncset.done $0x0  }
0x96: {  	[sflag:s11] =	ssyncadd.s32 $0xFFFFC000  }
0x97: {  	[tilespmem:s15], [sflag:$0x1] =	stream.indirect.gather [hbm4b:s4+s14], $0x80, s24, s14, $0xb8;
	[tilespmem:$0x1C400] =	vst v63  }
0x98: {  	_ =	swait.ge [sflag:s20], $0x4000  }
0x99: {  	[sflag:s20] =	ssyncset.done $0x0  }
0x9a: {  	[sflag:s20] =	ssyncadd.s32 $0xFFFFC000  }
0x9b: {  	[spmem:s2] =	stream.indirect.scatter.add.f32 [tilespmem:s17], [sflag:$0x3], $0x80, s25, s14, $0xb8;
	[tilespmem:$0x1C400] =	vst v63  }
0x9c: {  	_ =	swait.ge [sflag:s11], $0x4000  }
0x9d: {  	[sflag:s11] =	ssyncset.done $0x0  }
0x9e: {  	[sflag:s11] =	ssyncadd.s32 $0xFFFFC000  }
0x9f: {  	[tilespmem:s17], [sflag:$0x2] =	stream.indirect.gather [hbm4b:s4+s14], $0x80, s26, s14, $0xb8;
	[tilespmem:$0x1C400] =	vst v63  }
0xa0: {  	_ =	swait.ge [sflag:s18], $0x4000  }
0xa1: {  	[sflag:s18] =	ssyncset.done $0x0  }
0xa2: {  	[sflag:s18] =	ssyncadd.s32 $0xFFFFC000  }
0xa3: {  	[spmem:s2] =	stream.indirect.scatter.add.f32 [tilespmem:s15], [sflag:$0x3], $0x80, s28, s14, $0xb8;
	[tilespmem:$0x1C400] =	vst v63  }
0xa4: {  	_ =	swait.ge [sflag:s11], $0x4000  }
0xa5: {  	[sflag:s11] =	ssyncset.done $0x0  }
0xa6: {  	[sflag:s11] =	ssyncadd.s32 $0xFFFFC000  }
0xa7: {  	[tilespmem:s15], [sflag:$0x1] =	stream.indirect.gather [hbm4b:s4+s14], $0x80, s29, s14, $0xb8;
	[tilespmem:$0x1C400] =	vst v63  }
0xa8: {  	_ =	swait.ge [sflag:s20], $0x4000  }
0xa9: {  	[sflag:s20] =	ssyncset.done $0x0  }
0xaa: {  	[sflag:s20] =	ssyncadd.s32 $0xFFFFC000  }
0xab: {  	[spmem:s2] =	stream.indirect.scatter.add.f32 [tilespmem:s17], [sflag:$0x3], $0x80, s30, s14, $0xb8;
	[tilespmem:$0x1C400] =	vst v63  }
0xac: {  	_ =	swait.ge [sflag:s11], $0x4000  }
0xad: {  	[sflag:s11] =	ssyncset.done $0x0  }
0xae: {  	[sflag:s11] =	ssyncadd.s32 $0xFFFFC000  }
0xaf: {  	[tilespmem:s17], [sflag:$0x2] =	stream.indirect.gather [hbm4b:s4+s14], $0x80, s31, s14, $0xb8;
	[tilespmem:$0x1C400] =	vst v63  }
0xb0: {  	_ =	swait.ge [sflag:s18], $0x4000  }
0xb1: {  	[sflag:s18] =	ssyncset.done $0x0  }
0xb2: {  	[sflag:s18] =	ssyncadd.s32 $0xFFFFC000  }
0xb3: {  	[spmem:s2] =	stream.indirect.scatter.add.f32 [tilespmem:s15], [sflag:$0x3], $0x80, s0, s14, $0xb8;
	[tilespmem:$0x1C400] =	vst v63  }
0xb4: {  	_ =	swait.ge [sflag:s11], $0x4000  }
0xb5: {  	[sflag:s11] =	ssyncset.done $0x0  }
0xb6: {  	[sflag:s11] =	ssyncadd.s32 $0xFFFFC000  }
0xb7: {  	_ =	swait.ge [sflag:s20], $0x4000  }
0xb8: {  	[sflag:s20] =	ssyncset.done $0x0  }
0xb9: {  	[sflag:s20] =	ssyncadd.s32 $0xFFFFC000  }
0xba: {  	[spmem:s2] =	stream.indirect.scatter.add.f32 [tilespmem:s17], [sflag:$0x3], $0x80, s1, s14, $0xb8;
	[tilespmem:$0x1C400] =	vst v63  }
0xbb: {  	_ =	swait.ge [sflag:s11], $0x4000  }
0xbc: {  	s7 =	simm.s32 $0x80;
	s8 =	simm.s32 $0x100;
	[sflag:s11] =	ssyncset.done $0x0  }
.LBB2_3:
0xbd: {  	s10 =	sadd.s32 s7, s9;
	[sflag:s11] =	ssyncadd.s32 $0xFFFFC000  }
0xbe: {  	[tilespmem:s12], [sflag:$0x3] =	stream.linear.gather [hbm4b:s10+s3], $0x400, $0x38;
	[tilespmem:$0x1C400] =	vst v63  }
0xbf: {  	s5 =	smov.u32 s8;
	_ =	swait.ge [sflag:s11], $0x400  }
0xc0: {  	s6 =	sadd.s32 $0x80, s8;
	s10 =	rddreg [dreg:$0x4];
	[sflag:s11] =	ssyncset.done $0x0  }
0xc1: {  	p1 =	sne.s32 s8, $0x980;
	[sflag:s11] =	ssyncadd.s32 $0xFFFFFC00;
	s8 =	sadd.s32 s7, s10  }
0xc2: {  	[tilespmem:s13], [sflag:$0x3] =	stream.linear.gather [hbm4b:s8+s3], $0x400, $0x38;
	[tilespmem:$0x1C400] =	vst v63  }
0xc3: {  	_ =	swait.ge [sflag:s11], $0x400  }
0xc4: {  	[sflag:s11] =	ssyncset.done $0x0  }
0xc5: {  	[sflag:s11] =	ssyncadd.s32 $0xFFFFFC00  }
0xc6: {  	[tilespmem:s15], [sflag:$0x1] =	stream.indirect.gather [hbm4b:s4+s14], $0x80, s12, s14, $0xb8;
	[tilespmem:$0x1C400] =	vst v63  }
0xc7: {  	_ = 	snop  }
0xc8: {  	[tilespmem:s17], [sflag:$0x2] =	stream.indirect.gather [hbm4b:s4+s14], $0x80, s16, s14, $0xb8;
	[tilespmem:$0x1C400] =	vst v63  }
0xc9: {  	_ =	swait.ge [sflag:s18], $0x4000  }
0xca: {  	[sflag:s18] =	ssyncset.done $0x0  }
0xcb: {  	[sflag:s18] =	ssyncadd.s32 $0xFFFFC000  }
0xcc: {  	[spmem:s2] =	stream.indirect.scatter.add.f32 [tilespmem:s15], [sflag:$0x3], $0x80, s13, s14, $0xb8;
	[tilespmem:$0x1C400] =	vst v63  }
0xcd: {  	_ =	swait.ge [sflag:s11], $0x4000  }
0xce: {  	[sflag:s11] =	ssyncset.done $0x0  }
0xcf: {  	[sflag:s11] =	ssyncadd.s32 $0xFFFFC000  }
0xd0: {  	[tilespmem:s15], [sflag:$0x1] =	stream.indirect.gather [hbm4b:s4+s14], $0x80, s19, s14, $0xb8;
	[tilespmem:$0x1C400] =	vst v63  }
0xd1: {  	_ =	swait.ge [sflag:s20], $0x4000  }
0xd2: {  	[sflag:s20] =	ssyncset.done $0x0  }
0xd3: {  	[sflag:s20] =	ssyncadd.s32 $0xFFFFC000  }
0xd4: {  	[spmem:s2] =	stream.indirect.scatter.add.f32 [tilespmem:s17], [sflag:$0x3], $0x80, s21, s14, $0xb8;
	[tilespmem:$0x1C400] =	vst v63  }
0xd5: {  	_ =	swait.ge [sflag:s11], $0x4000  }
0xd6: {  	[sflag:s11] =	ssyncset.done $0x0  }
0xd7: {  	[sflag:s11] =	ssyncadd.s32 $0xFFFFC000  }
0xd8: {  	[tilespmem:s17], [sflag:$0x2] =	stream.indirect.gather [hbm4b:s4+s14], $0x80, s22, s14, $0xb8;
	[tilespmem:$0x1C400] =	vst v63  }
0xd9: {  	_ =	swait.ge [sflag:s18], $0x4000  }
0xda: {  	[sflag:s18] =	ssyncset.done $0x0  }
0xdb: {  	[sflag:s18] =	ssyncadd.s32 $0xFFFFC000  }
0xdc: {  	[spmem:s2] =	stream.indirect.scatter.add.f32 [tilespmem:s15], [sflag:$0x3], $0x80, s23, s14, $0xb8;
	[tilespmem:$0x1C400] =	vst v63  }
0xdd: {  	_ =	swait.ge [sflag:s11], $0x4000  }
0xde: {  	[sflag:s11] =	ssyncset.done $0x0  }
0xdf: {  	[sflag:s11] =	ssyncadd.s32 $0xFFFFC000  }
0xe0: {  	[tilespmem:s15], [sflag:$0x1] =	stream.indirect.gather [hbm4b:s4+s14], $0x80, s24, s14, $0xb8;
	[tilespmem:$0x1C400] =	vst v63  }
0xe1: {  	_ =	swait.ge [sflag:s20], $0x4000  }
0xe2: {  	[sflag:s20] =	ssyncset.done $0x0  }
0xe3: {  	[sflag:s20] =	ssyncadd.s32 $0xFFFFC000  }
0xe4: {  	[spmem:s2] =	stream.indirect.scatter.add.f32 [tilespmem:s17], [sflag:$0x3], $0x80, s25, s14, $0xb8;
	[tilespmem:$0x1C400] =	vst v63  }
0xe5: {  	_ =	swait.ge [sflag:s11], $0x4000  }
0xe6: {  	[sflag:s11] =	ssyncset.done $0x0  }
0xe7: {  	[sflag:s11] =	ssyncadd.s32 $0xFFFFC000  }
0xe8: {  	[tilespmem:s17], [sflag:$0x2] =	stream.indirect.gather [hbm4b:s4+s14], $0x80, s26, s14, $0xb8;
	[tilespmem:$0x1C400] =	vst v63  }
0xe9: {  	_ =	swait.ge [sflag:s18], $0x4000  }
0xea: {  	[sflag:s18] =	ssyncset.done $0x0  }
0xeb: {  	[sflag:s18] =	ssyncadd.s32 $0xFFFFC000  }
0xec: {  	[spmem:s2] =	stream.indirect.scatter.add.f32 [tilespmem:s15], [sflag:$0x3], $0x80, s28, s14, $0xb8;
	[tilespmem:$0x1C400] =	vst v63  }
0xed: {  	_ =	swait.ge [sflag:s11], $0x4000  }
0xee: {  	[sflag:s11] =	ssyncset.done $0x0  }
0xef: {  	[sflag:s11] =	ssyncadd.s32 $0xFFFFC000  }
0xf0: {  	[tilespmem:s15], [sflag:$0x1] =	stream.indirect.gather [hbm4b:s4+s14], $0x80, s29, s14, $0xb8;
	[tilespmem:$0x1C400] =	vst v63  }
0xf1: {  	_ =	swait.ge [sflag:s20], $0x4000  }
0xf2: {  	[sflag:s20] =	ssyncset.done $0x0  }
0xf3: {  	[sflag:s20] =	ssyncadd.s32 $0xFFFFC000  }
0xf4: {  	[spmem:s2] =	stream.indirect.scatter.add.f32 [tilespmem:s17], [sflag:$0x3], $0x80, s30, s14, $0xb8;
	[tilespmem:$0x1C400] =	vst v63  }
0xf5: {  	_ =	swait.ge [sflag:s11], $0x4000  }
0xf6: {  	[sflag:s11] =	ssyncset.done $0x0  }
0xf7: {  	[sflag:s11] =	ssyncadd.s32 $0xFFFFC000  }
0xf8: {  	[tilespmem:s17], [sflag:$0x2] =	stream.indirect.gather [hbm4b:s4+s14], $0x80, s31, s14, $0xb8;
	[tilespmem:$0x1C400] =	vst v63  }
0xf9: {  	_ =	swait.ge [sflag:s18], $0x4000  }
0xfa: {  	[sflag:s18] =	ssyncset.done $0x0  }
0xfb: {  	[sflag:s18] =	ssyncadd.s32 $0xFFFFC000  }
0xfc: {  	[spmem:s2] =	stream.indirect.scatter.add.f32 [tilespmem:s15], [sflag:$0x3], $0x80, s0, s14, $0xb8;
	[tilespmem:$0x1C400] =	vst v63  }
0xfd: {  	_ =	swait.ge [sflag:s11], $0x4000  }
0xfe: {  	[sflag:s11] =	ssyncset.done $0x0  }
0xff: {  	[sflag:s11] =	ssyncadd.s32 $0xFFFFC000  }
0x100: {  	_ =	swait.ge [sflag:s20], $0x4000  }
.Ltmp3:
0x101: {  	[sflag:s20] =	ssyncset.done $0x0;
	(pc) =	sbr.rel @p1 .LBB2_3-.Ltmp3, $4  }
0x102: {  	[sflag:s20] =	ssyncadd.s32 $0xFFFFC000  }
0x103: {  	[spmem:s2] =	stream.indirect.scatter.add.f32 [tilespmem:s17], [sflag:$0x3], $0x80, s1, s14, $0xb8;
	[tilespmem:$0x1C400] =	vst v63  }
0x104: {  	_ =	swait.ge [sflag:s11], $0x4000  }
0x105: {  	s7 =	smov.u32 s5;
	s8 =	smov.u32 s6;
	[sflag:s11] =	ssyncset.done $0x0  }
.Ltmp4:
0x106: {  	_ = 	snop;
	(pc) =	sbr.rel .LBB2_4-.Ltmp4, $1  }
0x107: {  	_ =	sdelay $0x3  }
.LBB2_6:
0x108: {  	_ =	sfence.sel $0x180000  }
0x109: {  	[bflag:$0x0] =	sbarrier.arrive $0xFFFF  }
0x10a: {  	_ =	strace $0x9000004A  }
0x10b: {  	s0 =	stileid.u32;
	[bflag:$0x2] =	sbarrier.arrive $0xFFFF  }
0x10c: {  	p0 =	sne.s32 s0, $0x0;
	s0 =	rddreg [dreg:$0x3]  }
0x10d: {  	s0 =	sadd.s32 @!p0 $0x100000, s0  }
0x10e: {  	[sflag:s0] =	ssyncadd.tile.s32 @!p0 $0x1;
	_ =	shalt  }
.Lfunc_end2:
_tile_overlayer_lowered:
.L_overlay_start_2:
0x10f: {  	(tag) =	ssettag $0x2  }
0x110: {  	s0 =	rddreg [dreg:$0x0];
	s2 =	stileid.u32  }
0x111: {  	s1 =	rddreg [dreg:$0x1];
	p0 =	sne.s32 s2, $0x0  }
0x112: {  	s3 =	rddreg [dreg:$0x2];
	[bflag:$0x3] =	sbarrier.arrive $0xFFFF;
	s2 =	simm.s32 @!p0 $0x1C03  }
0x113: {  	[timem:s3], [sflag:s2] =	dma.local @!p0 [hbm:s0], s1  }
0x114: {  	s0 =	simm.s32 @!p0 $0x3  }
0x115: {  	_ =	swait.ge @!p0 [sflag:s0], s1  }
0x116: {  	s1 =	ssub.s32 @!p0 $0x0, s1;
	[sflag:s0] =	ssyncset.done @!p0 $0x0  }
0x117: {  	[sflag:s0] =	ssyncadd.s32 @!p0 s1  }
0x118: {  	[bflag:$0x3] =	sbarrier.arrive $0xFFFF  }
0x119: {  	_ =	shalt  }

// kernel: kernel.17.cloned.1.call-start
scs
__scs_entry_jumppad:
0x0: {  	(pc) =	sbr.rel $0x88, $3  }
0x1: {  	(tag) =	ssettag $0x0;
	lr =	simm.s32 $0x1  }
0x2: {  	[smem:$0x3F92] =	sst lr;
	_ =	strace $0xD0000000  }
0x3: {  	_ = 	snop  }
0x4: {  	_ = 	snop  }
0x5: {  	_ = 	snop  }
0x6: {  	_ = 	snop  }
0x7: {  	_ = 	snop  }
__scs_overlays_trampoline_lowered:
0x8: {  	[smem:$0x3FA1] =	sst s0  }
0x9: {  	[smem:$0x3FA2] =	sst s1  }
0xa: {  	[smem:$0x3FA3] =	sst s2  }
0xb: {  	[smem:$0x3FA4] =	sst s3  }
0xc: {  	[smem:$0x3FA5] =	sst s4  }
0xd: {  	[smem:$0x3FA6] =	sst s5  }
0xe: {  	[smem:$0x3FA7] =	sst s6  }
0xf: {  	[smem:$0x3FA8] =	sst s7  }
0x10: {  	[smem:$0x3FA9] =	sst s8  }
0x11: {  	[smem:$0x3FAA] =	sst s9;
	s0 =	simm.s32 @!p0 $0x0  }
0x12: {  	s1 =	sld [smem:$0x3F90];
	s0 =	simm.s32 @p0 $0x1  }
0x13: {  	[smem:$0x3FAB] =	sst s0;
	s0 =	simm.s32 @!p1 $0x0  }
0x14: {  	s2 =	sld [smem:$0x3F8F];
	s0 =	simm.s32 @p1 $0x1  }
0x15: {  	[smem:$0x3FAC] =	sst s0;
	s0 =	simm.s32 @!p2 $0x0  }
0x16: {  	s3 =	sld [smem:$0x3FDB];
	s0 =	simm.s32 @p2 $0x1  }
0x17: {  	s4 =	simm.s32 $0x1BF5;
	[smem:$0x3FAE] =	sst s0  }
0x18: {  	s0 =	sld [smem:$0x3F91];
	_ =	swait.ge [sflag:s4], $0x0  }
0x19: {  	s7 =	sld [smem:$0x3F92]  }
0x1a: {  	s8 =	sadd.s32 $0xFFFFE003, lr  }
0x1b: {  	s9 =	sadd.s32 $0xFFFFFEF7, lr;
	s5 =	simm.s32 $0xFFFFFFFF;
	p2 =	slt.u32 s8, $0xFFFFF086  }
0x1c: {  	p1 =	slt.u32 s9, $0xF7A;
	s5 =	simm.s32 @!p2 $0x0  }
0x1d: {  	s5 =	simm.s32 @p1 $0x1;
	p0 =	seq.s32 s7, s2  }
0x1e: {  	s7 =	smul.u32 @!p0 $0xF7A, s2;
	p2 =	seq.s32 @!p0 s5, $0x0  }
0x1f: {  	s9 =	smul.u32 $0xF7A, s1;
	s8 =	simm.s32 @!p0 $0x1BF5;
	p2 =	por !p2, p0  }
0x20: {  	[sflag:s8] =	ssyncset.s32 @!p0 $0xFFFFF086;
	s6 =	sadd.s32 @!p0 s3, s7;
	s7 =	simm.s32 @!p0 $0x108  }
0x21: {  	s3 =	sadd.s32 s3, s9;
	s6 =	sadd.s32 @!p0 $0x88, s6;
	s7 =	simm.s32 @p2 $0x1082  }
0x22: {  	[simem:s7], [sflag:s8] =	dma.local @!p0 [hbm:s6], $0xF7A  }
0x23: {  	s9 =	sor.u32 $0xD0000000, s2;
	s6 =	simm.s32 $0x108;
	_ =	swait.ge @!p0 [sflag:s8], $0x0  }
0x24: {  	s3 =	sadd.s32 $0x88, s3;
	s6 =	simm.s32 @!p1 $0x1082;
	[sflag:s4] =	ssyncset.s32 $0xFFFFF086  }
0x25: {  	[simem:s6], [sflag:s4] =	dma.local [hbm:s3], $0xF7A  }
0x26: {  	[smem:$0x3F92] =	sst s1;
	(tag) =	ssettag s2;
	_ =	strace s9  }
0x27: {  	s1 =	sld [smem:$0x3FA2]  }
0x28: {  	s2 =	sld [smem:$0x3FA3]  }
0x29: {  	s4 =	sld [smem:$0x3FA5]  }
0x2a: {  	p0 =	seq.s32 s5, $0x0;
	s5 =	sld [smem:$0x3FA6]  }
0x2b: {  	s6 =	sld [smem:$0x3FA7]  }
0x2c: {  	s7 =	sld [smem:$0x3FA8]  }
0x2d: {  	s3 =	simm.s32 $0x108;
	s8 =	sld [smem:$0x3FA9]  }
0x2e: {  	s3 =	simm.s32 @!p0 $0x1082;
	s9 =	sld [smem:$0x3FAA]  }
0x2f: {  	lr =	sadd.s32 s0, s3;
	s0 =	sld [smem:$0x3FA1]  }
0x30: {  	s3 =	sld [smem:$0x3FA4]  }
0x31: {  	[smem:$0x3FAD] =	sst s10  }
0x32: {  	s10 =	sld [smem:$0x3FAB];
	_ =	sdelay $0x3  }
0x33: {  	p0 =	seq.s32 s10, $0x1;
	s10 =	sld [smem:$0x3FAD];
	_ =	sdelay $0x3  }
0x34: {  	[smem:$0x3FAD] =	sst s10  }
0x35: {  	s10 =	sld [smem:$0x3FAC];
	_ =	sdelay $0x3  }
0x36: {  	p1 =	seq.s32 s10, $0x1;
	s10 =	sld [smem:$0x3FAD];
	_ =	sdelay $0x3  }
0x37: {  	[smem:$0x3FAD] =	sst s10  }
0x38: {  	s10 =	sld [smem:$0x3FAE]  }
0x39: {  	_ = 	snop;
	(pc) =	sbr.ind lr, $3  }
0x3a: {  	_ = 	snop  }
0x3b: {  	_ = 	snop  }
0x3c: {  	p2 =	seq.s32 s10, $0x1;
	s10 =	sld [smem:$0x3FAD]  }
0x3d: {  	_ =	shalt  }
0x3e: {  	_ =	shalt  }
0x3f: {  	_ =	shalt  }
0x40: {  	_ =	shalt  }
0x41: {  	_ =	shalt  }
0x42: {  	_ =	shalt  }
0x43: {  	_ =	shalt  }
0x44: {  	_ =	shalt  }
0x45: {  	_ =	shalt  }
0x46: {  	_ =	shalt  }
0x47: {  	_ =	shalt  }
0x48: {  	_ =	shalt  }
0x49: {  	_ =	shalt  }
0x4a: {  	_ =	shalt  }
0x4b: {  	_ =	shalt  }
0x4c: {  	_ =	shalt  }
0x4d: {  	_ =	shalt  }
0x4e: {  	_ =	shalt  }
0x4f: {  	_ =	shalt  }
0x50: {  	_ =	shalt  }
0x51: {  	_ =	shalt  }
0x52: {  	_ =	shalt  }
0x53: {  	_ =	shalt  }
0x54: {  	_ =	shalt  }
0x55: {  	_ =	shalt  }
0x56: {  	_ =	shalt  }
0x57: {  	_ =	shalt  }
0x58: {  	_ =	shalt  }
0x59: {  	_ =	shalt  }
0x5a: {  	_ =	shalt  }
0x5b: {  	_ =	shalt  }
0x5c: {  	_ =	shalt  }
0x5d: {  	_ =	shalt  }
0x5e: {  	_ =	shalt  }
0x5f: {  	_ =	shalt  }
0x60: {  	_ =	shalt  }
0x61: {  	_ =	shalt  }
0x62: {  	_ =	shalt  }
0x63: {  	_ =	shalt  }
0x64: {  	_ =	shalt  }
0x65: {  	_ =	shalt  }
0x66: {  	_ =	shalt  }
0x67: {  	_ =	shalt  }
0x68: {  	_ =	shalt  }
0x69: {  	_ =	shalt  }
0x6a: {  	_ =	shalt  }
0x6b: {  	_ =	shalt  }
0x6c: {  	_ =	shalt  }
0x6d: {  	_ =	shalt  }
0x6e: {  	_ =	shalt  }
0x6f: {  	_ =	shalt  }
0x70: {  	_ =	shalt  }
0x71: {  	_ =	shalt  }
0x72: {  	_ =	shalt  }
0x73: {  	_ =	shalt  }
0x74: {  	_ =	shalt  }
0x75: {  	_ =	shalt  }
0x76: {  	_ =	shalt  }
0x77: {  	_ =	shalt  }
0x78: {  	_ =	shalt  }
0x79: {  	_ =	shalt  }
0x7a: {  	_ =	shalt  }
0x7b: {  	_ =	shalt  }
0x7c: {  	_ =	shalt  }
0x7d: {  	_ =	shalt  }
0x7e: {  	_ =	shalt  }
0x7f: {  	_ =	shalt  }
0x80: {  	_ =	shalt  }
0x81: {  	_ =	shalt  }
0x82: {  	_ =	shalt  }
0x83: {  	_ =	shalt  }
0x84: {  	_ =	shalt  }
0x85: {  	_ =	shalt  }
0x86: {  	_ =	shalt  }
0x87: {  	_ =	shalt  }
.Lfunc_end0:
.L_simem_size_0:
called_computation.2_lowered:
.L_overlay_start_0:
0x88: {  	s2 =	sld [smem:$0x3FD9]  }
0x89: {  	s3 =	sld [smem:$0x3FFE];
	_ =	sdelay $0x1  }
0x8a: {  	s1 =	srdreg.scid  }
0x8b: {  	s0 =	sand.u32 $0x1, s1  }
0x8c: {  	s17 =	sshll.u32 s0, $0xA;
	s2 =	sadd.s32 s3, s2  }
0x8d: {  	s2 =	sadd.s32 s2, s17  }
0x8e: {  	[smem:$0x3FB9] =	sst s2  }
0x8f: {  	_ = 	snop  }
0x90: {  	s2 =	sld [smem:$0x3FD0];
	(tm) =	ssettm $0x1  }
0x91: {  	s18 =	sld [smem:$0x3FFB];
	_ =	sdelay $0x3  }
0x92: {  	_ =	strace s18  }
0x93: {  	s3 =	sld [smem:$0x3FFC];
	_ =	sdelay $0x3  }
0x94: {  	_ =	strace s3  }
0x95: {  	s3 =	sld [smem:$0x3FFD];
	_ =	sdelay $0x3  }
0x96: {  	_ =	strace s3  }
0x97: {  	_ =	strace $0x8FFFFFFF  }
0x98: {  	s19 =	sld [smem:$0x3FDB];
	_ =	sdelay $0x1  }
0x99: {  	s4 =	simm.s32 $_scs_section_size  }
0x9a: {  	s5 =	simm.s32 $_size__tile_overlayer_lowered;
	s6 =	simm.s32 $_tile_overlayer_lowered  }
0x9b: {  	s22 =	simm.s32 $0x1BFF;
	s21 =	sshll.u32 s6, $0x1;
	s3 =	sadd.s32 s4, s19  }
0x9c: {  	s7 =	simm.s32 $0x0;
	s20 =	sshll.u32 s5, $0x1;
	s5 =	sadd.s32 s21, s3  }
0x9d: {  	[timem:s7], [sflag:s22] =	dma.local [hbm:s5], s20  }
0x9e: {  	_ =	swait.ge [sflag:s22], s20  }
0x9f: {  	s4 =	ssub.s32 $0x0, s20;
	[sflag:s22] =	ssyncset.done $0x0  }
0xa0: {  	[sflag:s22] =	ssyncadd.s32 s4;
	_ =	sdelay $0x1  }
0xa1: {  	s23 =	simm.s32 $0x1B8B  }
0xa2: {  	_ =	swait.ge [sflag:s23], $0x1  }
0xa3: {  	[sflag:s23] =	ssyncset.done $0x0  }
0xa4: {  	s25 =	simm.s32 $0x1B8E;
	s24 =	sld [smem:$0x3FFE];
	[sflag:s23] =	ssyncadd.s32 $0xFFFFFFFF  }
0xa5: {  	s26 =	simm.s32 $execute0_lowered;
	[smem:$0x3FD2] =	sst s25  }
0xa6: {  	s5 =	sshll.u32 s26, $0x1;
	_ =	strace $0x8000004C;
	[dreg:$0x1] =	wrdreg $0xFFFFFFFF  }
0xa7: {  	s28 =	simm.s32 $_size_execute0_lowered;
	s3 =	sadd.s32 s3, s5;
	[dreg:$0x0] =	wrdreg $0x0  }
0xa8: {  	s5 =	sshll.u32 s28, $0x1;
	[dreg:$0x2] =	wrdreg s3  }
0xa9: {  	[dreg:$0x3] =	wrdreg s5  }
0xaa: {  	[dreg:$0x4] =	wrdreg $0xC0  }
0xab: {  	_ =	task [dreg:s7], $0x5FFFF  }
0xac: {  	[dreg:$0x1] =	wrdreg $0xFFFFFFFF  }
0xad: {  	[dreg:$0x0] =	wrdreg $0x60  }
0xae: {  	[dreg:$0x2] =	wrdreg s24  }
0xaf: {  	[dreg:$0x3] =	wrdreg s2  }
0xb0: {  	[dreg:$0x4] =	wrdreg $0x0  }
0xb1: {  	[dreg:$0x5] =	wrdreg $0x9  }
0xb2: {  	_ =	task.clear_ibuf [dreg:s7], $0x6FFFF;
	_ =	strace $0x9000004C  }
0xb3: {  	s29 =	simm.s32 $0x9;
	_ =	strace $0x8000004E  }
0xb4: {  	_ =	swait.ge [sflag:s29], $0x1  }
0xb5: {  	[sflag:s29] =	ssyncadd.s32 $0xFFFFFFFF  }
0xb6: {  	_ =	strace $0x9000004E  }
0xb7: {  	_ =	sfence  }
0xb8: {  	s30 =	sld [smem:$0x0];
	_ =	sdelay $0x2  }
0xb9: {  	s31 =	sshll.u32 s1, $0xD;
	s1 =	sshrl.u32 s1, $0x2  }
0xba: {  	s3 =	sand.u32 $0x4000, s31;
	s1 =	sadd.s32 s1, s30  }
0xbb: {  	s0 =	sor.u32 s3, s0;
	s1 =	sshll.u32 s1, $0x11  }
0xbc: {  	s0 =	sor.u32 s1, s0  }
0xbd: {  	s0 =	sadd.s32 $0x8F2B, s0  }
0xbe: {  	[sflag:s0] =	ssyncadd.remote.s32 $0x1  }
0xbf: {  	_ =	sfence.sel $0xFFFF  }
0xc0: {  	[dreg:$0x0] =	wrdreg $0xFFFFFFFF;
	(pc) =	sbr.abs _section_cstart, $3  }
0xc1: {  	[dreg:$0x1] =	wrdreg $0xFFFFFFFF  }
0xc2: {  	_ =	task.clear_ibuf [dreg:s7], $0x2FFFF;
	_ =	strace $0x9FFFFFFF  }
0xc3: {  	(tm) =	ssettm $0x7FFFFFFF  }
tec
execute0_lowered:
.L_overlay_start_1:
0x0: {  	(tag) =	ssettag $0x1  }
0x1: {  	s0 =	rddreg [dreg:$0x0]  }
0x2: {  	s1 =	rddreg [dreg:$0x1]  }
0x3: {  	s2 =	rddreg [dreg:$0x2]  }
0x4: {  	s12 =	stileid.u32;
	s4 =	srdreg.scid  }
0x5: {  	s3 =	simm.s32 $0x0;
	s13 =	simm.s32 $0x14000;
	s14 =	simm.s32 $0x80  }
0x6: {  	s15 =	simm.s32 $0x14400;
	s16 =	simm.s32 $0x13C80;
	s17 =	simm.s32 $0x18400  }
0x7: {  	s18 =	simm.s32 $0x1;
	s19 =	simm.s32 $0x13D00;
	s20 =	simm.s32 $0x2  }
0x8: {  	s28 =	simm.s32 $0x14200;
	s29 =	simm.s32 $0x13F00;
	s5 =	smul.u32 $0xA00, s12  }
0x9: {  	s30 =	simm.s32 $0x14280;
	s31 =	simm.s32 $0x13F80;
	s6 =	smul.u32 $0x13C00, s12  }
0xa: {  	s7 =	sand.u32 $0x1, s4;
	[smem:$0x7FF] =	sst s3;
	s4 =	sadd.s32 $0xD800, s0  }
0xb: {  	s11 =	smul.u32 $0x4F000, s12;
	s24 =	sshll.u32 s12, $0x6;
	s12 =	simm.s32 $0x13C00  }
0xc: {  	s8 =	smul.u32 $0x13C000, s7;
	_ =	strace $0x8000004D;
	s21 =	ssub.s32 $0x2, s7  }
0xd: {  	p0 =	sne.s32 s7, $0x0;
	s9 =	sadd.s32 s5, s0;
	s10 =	sshrl.u32 s6, $0x3  }
0xe: {  	s22 =	sshrl.u32 s21, $0x1;
	s23 =	sshrl.u32 s11, $0x2;
	s11 =	sor.u32 $0x1C03, s24  }
0xf: {  	s26 =	sadd.s32 s5, s1;
	s24 =	simm.s32 $0x13E00;
	s1 =	simm.s32 $0x14380  }
0x10: {  	s6 =	sadd.s32 s6, s8;
	s10 =	sadd.s32 s10, s0;
	s8 =	sadd.s32 s23, s2  }
0x11: {  	s5 =	smov.u32 s11;
	[dreg:$0x4] =	wrdreg s26;
	s9 =	sadd.s32 $0x3800, s9  }
0x12: {  	s11 =	simm.s32 $0x3;
	s23 =	simm.s32 $0x14100;
	s26 =	simm.s32 $0x13E80  }
0x13: {  	s6 =	sshrl.u32 s6, $0x3;
	s10 =	sadd.s32 $0x34A00, s10;
	s7 =	sshrl.u32 s8, $0x3  }
.Ltmp0:
0x14: {  	s8 =	simm.s32 $0x0;
	[dreg:$0x6] =	wrdreg s5;
	(pc) =	sbr.rel .LBB2_1-.Ltmp0, $4  }
0x15: {  	s0 =	sadd.s32 s6, s0;
	s6 =	ssub.s32 s21, s22;
	[dreg:$0x5] =	wrdreg s10  }
0x16: {  	s21 =	simm.s32 $0x14080;
	[dreg:$0x9] =	wrdreg s7;
	s0 =	sadd.s32 $0x5C200, s0  }
0x17: {  	s22 =	simm.s32 $0x13D80;
	s25 =	smax.u32 s6, $0x1;
	[dreg:$0x7] =	wrdreg s0  }
0x18: {  	[dreg:$0x8] =	wrdreg s25;
	s25 =	simm.s32 $0x14180;
	s0 =	simm.s32 $0x14300  }
.LBB2_4:
0x19: {  	s5 =	sadd.s32 s7, s9;
	[sflag:s11] =	ssyncadd.s32 $0xFFFFC000  }
0x1a: {  	[tilespmem:s12], [sflag:$0x3] =	stream.linear.gather [hbm4b:s5+s3], $0x400, $0x38;
	[tilespmem:$0x1C400] =	vst v63  }
0x1b: {  	_ =	swait.ge [sflag:s11], $0x400  }
0x1c: {  	s10 =	rddreg [dreg:$0x4];
	[sflag:s11] =	ssyncset.done $0x0  }
0x1d: {  	s5 =	sadd.s32 s7, s10;
	[sflag:s11] =	ssyncadd.s32 $0xFFFFFC00  }
0x1e: {  	[tilespmem:s13], [sflag:$0x3] =	stream.linear.gather [hbm4b:s5+s3], $0x400, $0x38;
	[tilespmem:$0x1C400] =	vst v63  }
0x1f: {  	_ =	swait.ge [sflag:s11], $0x400  }
0x20: {  	[sflag:s11] =	ssyncset.done $0x0  }
0x21: {  	[sflag:s11] =	ssyncadd.s32 $0xFFFFFC00  }
0x22: {  	[tilespmem:s15], [sflag:$0x1] =	stream.indirect.gather [hbm4b:s4+s14], $0x80, s12, s14, $0xb8;
	[tilespmem:$0x1C400] =	vst v63  }
0x23: {  	_ = 	snop  }
0x24: {  	[tilespmem:s17], [sflag:$0x2] =	stream.indirect.gather [hbm4b:s4+s14], $0x80, s16, s14, $0xb8;
	[tilespmem:$0x1C400] =	vst v63  }
0x25: {  	_ =	swait.ge [sflag:s18], $0x4000  }
0x26: {  	[sflag:s18] =	ssyncset.done $0x0  }
0x27: {  	[sflag:s18] =	ssyncadd.s32 $0xFFFFC000  }
0x28: {  	[spmem:s2] =	stream.indirect.scatter.add.f32 [tilespmem:s15], [sflag:$0x3], $0x80, s13, s14, $0xb8;
	[tilespmem:$0x1C400] =	vst v63  }
0x29: {  	_ =	swait.ge [sflag:s11], $0x4000  }
0x2a: {  	[sflag:s11] =	ssyncset.done $0x0  }
0x2b: {  	[sflag:s11] =	ssyncadd.s32 $0xFFFFC000  }
0x2c: {  	[tilespmem:s15], [sflag:$0x1] =	stream.indirect.gather [hbm4b:s4+s14], $0x80, s19, s14, $0xb8;
	[tilespmem:$0x1C400] =	vst v63  }
0x2d: {  	_ =	swait.ge [sflag:s20], $0x4000  }
0x2e: {  	[sflag:s20] =	ssyncset.done $0x0  }
0x2f: {  	[sflag:s20] =	ssyncadd.s32 $0xFFFFC000  }
0x30: {  	[spmem:s2] =	stream.indirect.scatter.add.f32 [tilespmem:s17], [sflag:$0x3], $0x80, s21, s14, $0xb8;
	[tilespmem:$0x1C400] =	vst v63  }
0x31: {  	_ =	swait.ge [sflag:s11], $0x4000  }
0x32: {  	[sflag:s11] =	ssyncset.done $0x0  }
0x33: {  	[sflag:s11] =	ssyncadd.s32 $0xFFFFC000  }
0x34: {  	[tilespmem:s17], [sflag:$0x2] =	stream.indirect.gather [hbm4b:s4+s14], $0x80, s22, s14, $0xb8;
	[tilespmem:$0x1C400] =	vst v63  }
0x35: {  	_ =	swait.ge [sflag:s18], $0x4000  }
0x36: {  	[sflag:s18] =	ssyncset.done $0x0  }
0x37: {  	[sflag:s18] =	ssyncadd.s32 $0xFFFFC000  }
0x38: {  	[spmem:s2] =	stream.indirect.scatter.add.f32 [tilespmem:s15], [sflag:$0x3], $0x80, s23, s14, $0xb8;
	[tilespmem:$0x1C400] =	vst v63  }
0x39: {  	_ =	swait.ge [sflag:s11], $0x4000  }
0x3a: {  	[sflag:s11] =	ssyncset.done $0x0  }
0x3b: {  	[sflag:s11] =	ssyncadd.s32 $0xFFFFC000  }
0x3c: {  	[tilespmem:s15], [sflag:$0x1] =	stream.indirect.gather [hbm4b:s4+s14], $0x80, s24, s14, $0xb8;
	[tilespmem:$0x1C400] =	vst v63  }
0x3d: {  	_ =	swait.ge [sflag:s20], $0x4000  }
0x3e: {  	[sflag:s20] =	ssyncset.done $0x0  }
0x3f: {  	[sflag:s20] =	ssyncadd.s32 $0xFFFFC000  }
0x40: {  	[spmem:s2] =	stream.indirect.scatter.add.f32 [tilespmem:s17], [sflag:$0x3], $0x80, s25, s14, $0xb8;
	[tilespmem:$0x1C400] =	vst v63  }
0x41: {  	_ =	swait.ge [sflag:s11], $0x4000  }
0x42: {  	[sflag:s11] =	ssyncset.done $0x0  }
0x43: {  	[sflag:s11] =	ssyncadd.s32 $0xFFFFC000  }
0x44: {  	[tilespmem:s17], [sflag:$0x2] =	stream.indirect.gather [hbm4b:s4+s14], $0x80, s26, s14, $0xb8;
	[tilespmem:$0x1C400] =	vst v63  }
0x45: {  	_ =	swait.ge [sflag:s18], $0x4000  }
0x46: {  	[sflag:s18] =	ssyncset.done $0x0  }
0x47: {  	[sflag:s18] =	ssyncadd.s32 $0xFFFFC000  }
0x48: {  	[spmem:s2] =	stream.indirect.scatter.add.f32 [tilespmem:s15], [sflag:$0x3], $0x80, s28, s14, $0xb8;
	[tilespmem:$0x1C400] =	vst v63  }
0x49: {  	_ =	swait.ge [sflag:s11], $0x4000  }
0x4a: {  	[sflag:s11] =	ssyncset.done $0x0  }
0x4b: {  	[sflag:s11] =	ssyncadd.s32 $0xFFFFC000  }
0x4c: {  	[tilespmem:s15], [sflag:$0x1] =	stream.indirect.gather [hbm4b:s4+s14], $0x80, s29, s14, $0xb8;
	[tilespmem:$0x1C400] =	vst v63  }
0x4d: {  	_ =	swait.ge [sflag:s20], $0x4000  }
0x4e: {  	[sflag:s20] =	ssyncset.done $0x0  }
0x4f: {  	[sflag:s20] =	ssyncadd.s32 $0xFFFFC000  }
0x50: {  	[spmem:s2] =	stream.indirect.scatter.add.f32 [tilespmem:s17], [sflag:$0x3], $0x80, s30, s14, $0xb8;
	[tilespmem:$0x1C400] =	vst v63  }
0x51: {  	_ =	swait.ge [sflag:s11], $0x4000  }
0x52: {  	[sflag:s11] =	ssyncset.done $0x0  }
0x53: {  	[sflag:s11] =	ssyncadd.s32 $0xFFFFC000  }
0x54: {  	[tilespmem:s17], [sflag:$0x2] =	stream.indirect.gather [hbm4b:s4+s14], $0x80, s31, s14, $0xb8;
	[tilespmem:$0x1C400] =	vst v63  }
0x55: {  	_ =	swait.ge [sflag:s18], $0x4000  }
0x56: {  	[sflag:s18] =	ssyncset.done $0x0  }
0x57: {  	[sflag:s18] =	ssyncadd.s32 $0xFFFFC000  }
0x58: {  	[spmem:s2] =	stream.indirect.scatter.add.f32 [tilespmem:s15], [sflag:$0x3], $0x80, s0, s14, $0xb8;
	[tilespmem:$0x1C400] =	vst v63  }
0x59: {  	_ =	swait.ge [sflag:s11], $0x4000  }
0x5a: {  	[sflag:s11] =	ssyncset.done $0x0  }
0x5b: {  	[sflag:s11] =	ssyncadd.s32 $0xFFFFC000  }
0x5c: {  	_ =	swait.ge [sflag:s20], $0x4000  }
0x5d: {  	[sflag:s20] =	ssyncset.done $0x0  }
0x5e: {  	[sflag:s20] =	ssyncadd.s32 $0xFFFFC000  }
0x5f: {  	[spmem:s2] =	stream.indirect.scatter.add.f32 [tilespmem:s17], [sflag:$0x3], $0x80, s1, s14, $0xb8;
	[tilespmem:$0x1C400] =	vst v63  }
0x60: {  	_ =	swait.ge [sflag:s11], $0x4000  }
0x61: {  	s10 =	rddreg [dreg:$0x5]  }
0x62: {  	s5 =	rddreg [dreg:$0x6]  }
0x63: {  	[sflag:s11] =	ssyncset.done $0x0;
	s7 =	rddreg [dreg:$0x9]  }
0x64: {  	s8 =	rddreg [dreg:$0xa];
	[sflag:s11] =	ssyncadd.s32 $0xFFFFC000  }
.LBB2_5:
0x65: {  	[bflag:$0x0] =	sbarrier.arrive $0xFFFF  }
0x66: {  	s6 =	rddreg [dreg:$0x7]  }
0x67: {  	[hbm:s6], [sflag:s5] =	dma.local [spmem:s7], $0x2780  }
0x68: {  	_ =	swait.ge [sflag:s11], $0x2780  }
0x69: {  	s8 =	sadd.s32 $0x1, s8;
	s6 =	rddreg [dreg:$0x8]  }
0x6a: {  	p1 =	sne.s32 s8, s6  }
.Ltmp1:
0x6b: {  	_ = 	snop;
	(pc) =	sbr.rel @!p1 .LBB2_6-.Ltmp1, $3  }
0x6c: {  	_ =	sdelay $0x1  }
0x6d: {  	[sflag:s11] =	ssyncset.done $0x0  }
0x6e: {  	[sflag:s11] =	ssyncadd.s32 $0xFFFFD880  }
.LBB2_1:
0x6f: {  	[spmem:s7], [sflag:s5] =	dma.local [hbm:s10], $0x2780  }
.Ltmp2:
0x70: {  	_ =	swait.ge [sflag:s11], $0x2780;
	(pc) =	sbr.rel @p0 .LBB2_5-.Ltmp2, $3  }
0x71: {  	[sflag:s11] =	ssyncset.done $0x0  }
0x72: {  	[sflag:s11] =	ssyncadd.s32 $0xFFFFD880  }
0x73: {  	[bflag:$0x0] =	sbarrier.arrive $0xFFFF;
	_ =	sdelay $0x1  }
0x74: {  	[dreg:$0xa] =	wrdreg s8;
	s6 =	sadd.s32 $0x0, s9  }
0x75: {  	[tilespmem:s12], [sflag:$0x3] =	stream.linear.gather [hbm4b:s6+s3], $0x400, $0x38;
	[tilespmem:$0x1C400] =	vst v63  }
0x76: {  	_ =	swait.ge [sflag:s11], $0x400  }
0x77: {  	s10 =	rddreg [dreg:$0x4];
	[sflag:s11] =	ssyncset.done $0x0  }
0x78: {  	[sflag:s11] =	ssyncadd.s32 $0xFFFFFC00;
	s6 =	sadd.s32 $0x0, s10  }
0x79: {  	[tilespmem:s13], [sflag:$0x3] =	stream.linear.gather [hbm4b:s6+s3], $0x400, $0x38;
	[tilespmem:$0x1C400] =	vst v63  }
0x7a: {  	_ =	swait.ge [sflag:s11], $0x400  }
0x7b: {  	[sflag:s11] =	ssyncset.done $0x0  }
0x7c: {  	[sflag:s11] =	ssyncadd.s32 $0xFFFFFC00  }
0x7d: {  	[tilespmem:s15], [sflag:$0x1] =	stream.indirect.gather [hbm4b:s4+s14], $0x80, s12, s14, $0xb8;
	[tilespmem:$0x1C400] =	vst v63  }
0x7e: {  	_ = 	snop  }
0x7f: {  	[tilespmem:s17], [sflag:$0x2] =	stream.indirect.gather [hbm4b:s4+s14], $0x80, s16, s14, $0xb8;
	[tilespmem:$0x1C400] =	vst v63  }
0x80: {  	_ =	swait.ge [sflag:s18], $0x4000  }
0x81: {  	[sflag:s18] =	ssyncset.done $0x0  }
0x82: {  	[sflag:s18] =	ssyncadd.s32 $0xFFFFC000  }
0x83: {  	[spmem:s2] =	stream.indirect.scatter.add.f32 [tilespmem:s15], [sflag:$0x3], $0x80, s13, s14, $0xb8;
	[tilespmem:$0x1C400] =	vst v63  }
0x84: {  	_ =	swait.ge [sflag:s11], $0x4000  }
0x85: {  	[sflag:s11] =	ssyncset.done $0x0  }
0x86: {  	[sflag:s11] =	ssyncadd.s32 $0xFFFFC000  }
0x87: {  	[tilespmem:s15], [sflag:$0x1] =	stream.indirect.gather [hbm4b:s4+s14], $0x80, s19, s14, $0xb8;
	[tilespmem:$0x1C400] =	vst v63  }
0x88: {  	_ =	swait.ge [sflag:s20], $0x4000  }
0x89: {  	[sflag:s20] =	ssyncset.done $0x0  }
0x8a: {  	[sflag:s20] =	ssyncadd.s32 $0xFFFFC000  }
0x8b: {  	[spmem:s2] =	stream.indirect.scatter.add.f32 [tilespmem:s17], [sflag:$0x3], $0x80, s21, s14, $0xb8;
	[tilespmem:$0x1C400] =	vst v63  }
0x8c: {  	_ =	swait.ge [sflag:s11], $0x4000  }
0x8d: {  	[sflag:s11] =	ssyncset.done $0x0  }
0x8e: {  	[sflag:s11] =	ssyncadd.s32 $0xFFFFC000  }
0x8f: {  	[tilespmem:s17], [sflag:$0x2] =	stream.indirect.gather [hbm4b:s4+s14], $0x80, s22, s14, $0xb8;
	[tilespmem:$0x1C400] =	vst v63  }
0x90: {  	_ =	swait.ge [sflag:s18], $0x4000  }
0x91: {  	[sflag:s18] =	ssyncset.done $0x0  }
0x92: {  	[sflag:s18] =	ssyncadd.s32 $0xFFFFC000  }
0x93: {  	[spmem:s2] =	stream.indirect.scatter.add.f32 [tilespmem:s15], [sflag:$0x3], $0x80, s23, s14, $0xb8;
	[tilespmem:$0x1C400] =	vst v63  }
0x94: {  	_ =	swait.ge [sflag:s11], $0x4000  }
0x95: {  	[sflag:s11] =	ssyncset.done $0x0  }
0x96: {  	[sflag:s11] =	ssyncadd.s32 $0xFFFFC000  }
0x97: {  	[tilespmem:s15], [sflag:$0x1] =	stream.indirect.gather [hbm4b:s4+s14], $0x80, s24, s14, $0xb8;
	[tilespmem:$0x1C400] =	vst v63  }
0x98: {  	_ =	swait.ge [sflag:s20], $0x4000  }
0x99: {  	[sflag:s20] =	ssyncset.done $0x0  }
0x9a: {  	[sflag:s20] =	ssyncadd.s32 $0xFFFFC000  }
0x9b: {  	[spmem:s2] =	stream.indirect.scatter.add.f32 [tilespmem:s17], [sflag:$0x3], $0x80, s25, s14, $0xb8;
	[tilespmem:$0x1C400] =	vst v63  }
0x9c: {  	_ =	swait.ge [sflag:s11], $0x4000  }
0x9d: {  	[sflag:s11] =	ssyncset.done $0x0  }
0x9e: {  	[sflag:s11] =	ssyncadd.s32 $0xFFFFC000  }
0x9f: {  	[tilespmem:s17], [sflag:$0x2] =	stream.indirect.gather [hbm4b:s4+s14], $0x80, s26, s14, $0xb8;
	[tilespmem:$0x1C400] =	vst v63  }
0xa0: {  	_ =	swait.ge [sflag:s18], $0x4000  }
0xa1: {  	[sflag:s18] =	ssyncset.done $0x0  }
0xa2: {  	[sflag:s18] =	ssyncadd.s32 $0xFFFFC000  }
0xa3: {  	[spmem:s2] =	stream.indirect.scatter.add.f32 [tilespmem:s15], [sflag:$0x3], $0x80, s28, s14, $0xb8;
	[tilespmem:$0x1C400] =	vst v63  }
0xa4: {  	_ =	swait.ge [sflag:s11], $0x4000  }
0xa5: {  	[sflag:s11] =	ssyncset.done $0x0  }
0xa6: {  	[sflag:s11] =	ssyncadd.s32 $0xFFFFC000  }
0xa7: {  	[tilespmem:s15], [sflag:$0x1] =	stream.indirect.gather [hbm4b:s4+s14], $0x80, s29, s14, $0xb8;
	[tilespmem:$0x1C400] =	vst v63  }
0xa8: {  	_ =	swait.ge [sflag:s20], $0x4000  }
0xa9: {  	[sflag:s20] =	ssyncset.done $0x0  }
0xaa: {  	[sflag:s20] =	ssyncadd.s32 $0xFFFFC000  }
0xab: {  	[spmem:s2] =	stream.indirect.scatter.add.f32 [tilespmem:s17], [sflag:$0x3], $0x80, s30, s14, $0xb8;
	[tilespmem:$0x1C400] =	vst v63  }
0xac: {  	_ =	swait.ge [sflag:s11], $0x4000  }
0xad: {  	[sflag:s11] =	ssyncset.done $0x0  }
0xae: {  	[sflag:s11] =	ssyncadd.s32 $0xFFFFC000  }
0xaf: {  	[tilespmem:s17], [sflag:$0x2] =	stream.indirect.gather [hbm4b:s4+s14], $0x80, s31, s14, $0xb8;
	[tilespmem:$0x1C400] =	vst v63  }
0xb0: {  	_ =	swait.ge [sflag:s18], $0x4000  }
0xb1: {  	[sflag:s18] =	ssyncset.done $0x0  }
0xb2: {  	[sflag:s18] =	ssyncadd.s32 $0xFFFFC000  }
0xb3: {  	[spmem:s2] =	stream.indirect.scatter.add.f32 [tilespmem:s15], [sflag:$0x3], $0x80, s0, s14, $0xb8;
	[tilespmem:$0x1C400] =	vst v63  }
0xb4: {  	_ =	swait.ge [sflag:s11], $0x4000  }
0xb5: {  	[sflag:s11] =	ssyncset.done $0x0  }
0xb6: {  	[sflag:s11] =	ssyncadd.s32 $0xFFFFC000  }
0xb7: {  	_ =	swait.ge [sflag:s20], $0x4000  }
0xb8: {  	[sflag:s20] =	ssyncset.done $0x0  }
0xb9: {  	[sflag:s20] =	ssyncadd.s32 $0xFFFFC000  }
0xba: {  	[spmem:s2] =	stream.indirect.scatter.add.f32 [tilespmem:s17], [sflag:$0x3], $0x80, s1, s14, $0xb8;
	[tilespmem:$0x1C400] =	vst v63  }
0xbb: {  	_ =	swait.ge [sflag:s11], $0x4000  }
0xbc: {  	s7 =	simm.s32 $0x80;
	s8 =	simm.s32 $0x100;
	[sflag:s11] =	ssyncset.done $0x0  }
.LBB2_3:
0xbd: {  	s10 =	sadd.s32 s7, s9;
	[sflag:s11] =	ssyncadd.s32 $0xFFFFC000  }
0xbe: {  	[tilespmem:s12], [sflag:$0x3] =	stream.linear.gather [hbm4b:s10+s3], $0x400, $0x38;
	[tilespmem:$0x1C400] =	vst v63  }
0xbf: {  	s5 =	smov.u32 s8;
	_ =	swait.ge [sflag:s11], $0x400  }
0xc0: {  	s6 =	sadd.s32 $0x80, s8;
	s10 =	rddreg [dreg:$0x4];
	[sflag:s11] =	ssyncset.done $0x0  }
0xc1: {  	p1 =	sne.s32 s8, $0x980;
	[sflag:s11] =	ssyncadd.s32 $0xFFFFFC00;
	s8 =	sadd.s32 s7, s10  }
0xc2: {  	[tilespmem:s13], [sflag:$0x3] =	stream.linear.gather [hbm4b:s8+s3], $0x400, $0x38;
	[tilespmem:$0x1C400] =	vst v63  }
0xc3: {  	_ =	swait.ge [sflag:s11], $0x400  }
0xc4: {  	[sflag:s11] =	ssyncset.done $0x0  }
0xc5: {  	[sflag:s11] =	ssyncadd.s32 $0xFFFFFC00  }
0xc6: {  	[tilespmem:s15], [sflag:$0x1] =	stream.indirect.gather [hbm4b:s4+s14], $0x80, s12, s14, $0xb8;
	[tilespmem:$0x1C400] =	vst v63  }
0xc7: {  	_ = 	snop  }
0xc8: {  	[tilespmem:s17], [sflag:$0x2] =	stream.indirect.gather [hbm4b:s4+s14], $0x80, s16, s14, $0xb8;
	[tilespmem:$0x1C400] =	vst v63  }
0xc9: {  	_ =	swait.ge [sflag:s18], $0x4000  }
0xca: {  	[sflag:s18] =	ssyncset.done $0x0  }
0xcb: {  	[sflag:s18] =	ssyncadd.s32 $0xFFFFC000  }
0xcc: {  	[spmem:s2] =	stream.indirect.scatter.add.f32 [tilespmem:s15], [sflag:$0x3], $0x80, s13, s14, $0xb8;
	[tilespmem:$0x1C400] =	vst v63  }
0xcd: {  	_ =	swait.ge [sflag:s11], $0x4000  }
0xce: {  	[sflag:s11] =	ssyncset.done $0x0  }
0xcf: {  	[sflag:s11] =	ssyncadd.s32 $0xFFFFC000  }
0xd0: {  	[tilespmem:s15], [sflag:$0x1] =	stream.indirect.gather [hbm4b:s4+s14], $0x80, s19, s14, $0xb8;
	[tilespmem:$0x1C400] =	vst v63  }
0xd1: {  	_ =	swait.ge [sflag:s20], $0x4000  }
0xd2: {  	[sflag:s20] =	ssyncset.done $0x0  }
0xd3: {  	[sflag:s20] =	ssyncadd.s32 $0xFFFFC000  }
0xd4: {  	[spmem:s2] =	stream.indirect.scatter.add.f32 [tilespmem:s17], [sflag:$0x3], $0x80, s21, s14, $0xb8;
	[tilespmem:$0x1C400] =	vst v63  }
0xd5: {  	_ =	swait.ge [sflag:s11], $0x4000  }
0xd6: {  	[sflag:s11] =	ssyncset.done $0x0  }
0xd7: {  	[sflag:s11] =	ssyncadd.s32 $0xFFFFC000  }
0xd8: {  	[tilespmem:s17], [sflag:$0x2] =	stream.indirect.gather [hbm4b:s4+s14], $0x80, s22, s14, $0xb8;
	[tilespmem:$0x1C400] =	vst v63  }
0xd9: {  	_ =	swait.ge [sflag:s18], $0x4000  }
0xda: {  	[sflag:s18] =	ssyncset.done $0x0  }
0xdb: {  	[sflag:s18] =	ssyncadd.s32 $0xFFFFC000  }
0xdc: {  	[spmem:s2] =	stream.indirect.scatter.add.f32 [tilespmem:s15], [sflag:$0x3], $0x80, s23, s14, $0xb8;
	[tilespmem:$0x1C400] =	vst v63  }
0xdd: {  	_ =	swait.ge [sflag:s11], $0x4000  }
0xde: {  	[sflag:s11] =	ssyncset.done $0x0  }
0xdf: {  	[sflag:s11] =	ssyncadd.s32 $0xFFFFC000  }
0xe0: {  	[tilespmem:s15], [sflag:$0x1] =	stream.indirect.gather [hbm4b:s4+s14], $0x80, s24, s14, $0xb8;
	[tilespmem:$0x1C400] =	vst v63  }
0xe1: {  	_ =	swait.ge [sflag:s20], $0x4000  }
0xe2: {  	[sflag:s20] =	ssyncset.done $0x0  }
0xe3: {  	[sflag:s20] =	ssyncadd.s32 $0xFFFFC000  }
0xe4: {  	[spmem:s2] =	stream.indirect.scatter.add.f32 [tilespmem:s17], [sflag:$0x3], $0x80, s25, s14, $0xb8;
	[tilespmem:$0x1C400] =	vst v63  }
0xe5: {  	_ =	swait.ge [sflag:s11], $0x4000  }
0xe6: {  	[sflag:s11] =	ssyncset.done $0x0  }
0xe7: {  	[sflag:s11] =	ssyncadd.s32 $0xFFFFC000  }
0xe8: {  	[tilespmem:s17], [sflag:$0x2] =	stream.indirect.gather [hbm4b:s4+s14], $0x80, s26, s14, $0xb8;
	[tilespmem:$0x1C400] =	vst v63  }
0xe9: {  	_ =	swait.ge [sflag:s18], $0x4000  }
0xea: {  	[sflag:s18] =	ssyncset.done $0x0  }
0xeb: {  	[sflag:s18] =	ssyncadd.s32 $0xFFFFC000  }
0xec: {  	[spmem:s2] =	stream.indirect.scatter.add.f32 [tilespmem:s15], [sflag:$0x3], $0x80, s28, s14, $0xb8;
	[tilespmem:$0x1C400] =	vst v63  }
0xed: {  	_ =	swait.ge [sflag:s11], $0x4000  }
0xee: {  	[sflag:s11] =	ssyncset.done $0x0  }
0xef: {  	[sflag:s11] =	ssyncadd.s32 $0xFFFFC000  }
0xf0: {  	[tilespmem:s15], [sflag:$0x1] =	stream.indirect.gather [hbm4b:s4+s14], $0x80, s29, s14, $0xb8;
	[tilespmem:$0x1C400] =	vst v63  }
0xf1: {  	_ =	swait.ge [sflag:s20], $0x4000  }
0xf2: {  	[sflag:s20] =	ssyncset.done $0x0  }
0xf3: {  	[sflag:s20] =	ssyncadd.s32 $0xFFFFC000  }
0xf4: {  	[spmem:s2] =	stream.indirect.scatter.add.f32 [tilespmem:s17], [sflag:$0x3], $0x80, s30, s14, $0xb8;
	[tilespmem:$0x1C400] =	vst v63  }
0xf5: {  	_ =	swait.ge [sflag:s11], $0x4000  }
0xf6: {  	[sflag:s11] =	ssyncset.done $0x0  }
0xf7: {  	[sflag:s11] =	ssyncadd.s32 $0xFFFFC000  }
0xf8: {  	[tilespmem:s17], [sflag:$0x2] =	stream.indirect.gather [hbm4b:s4+s14], $0x80, s31, s14, $0xb8;
	[tilespmem:$0x1C400] =	vst v63  }
0xf9: {  	_ =	swait.ge [sflag:s18], $0x4000  }
0xfa: {  	[sflag:s18] =	ssyncset.done $0x0  }
0xfb: {  	[sflag:s18] =	ssyncadd.s32 $0xFFFFC000  }
0xfc: {  	[spmem:s2] =	stream.indirect.scatter.add.f32 [tilespmem:s15], [sflag:$0x3], $0x80, s0, s14, $0xb8;
	[tilespmem:$0x1C400] =	vst v63  }
0xfd: {  	_ =	swait.ge [sflag:s11], $0x4000  }
0xfe: {  	[sflag:s11] =	ssyncset.done $0x0  }
0xff: {  	[sflag:s11] =	ssyncadd.s32 $0xFFFFC000  }
0x100: {  	_ =	swait.ge [sflag:s20], $0x4000  }
.Ltmp3:
0x101: {  	[sflag:s20] =	ssyncset.done $0x0;
	(pc) =	sbr.rel @p1 .LBB2_3-.Ltmp3, $4  }
0x102: {  	[sflag:s20] =	ssyncadd.s32 $0xFFFFC000  }
0x103: {  	[spmem:s2] =	stream.indirect.scatter.add.f32 [tilespmem:s17], [sflag:$0x3], $0x80, s1, s14, $0xb8;
	[tilespmem:$0x1C400] =	vst v63  }
0x104: {  	_ =	swait.ge [sflag:s11], $0x4000  }
0x105: {  	s7 =	smov.u32 s5;
	s8 =	smov.u32 s6;
	[sflag:s11] =	ssyncset.done $0x0  }
.Ltmp4:
0x106: {  	_ = 	snop;
	(pc) =	sbr.rel .LBB2_4-.Ltmp4, $1  }
0x107: {  	_ =	sdelay $0x3  }
.LBB2_6:
0x108: {  	_ =	sfence.sel $0x180000  }
0x109: {  	[bflag:$0x0] =	sbarrier.arrive $0xFFFF  }
0x10a: {  	_ =	strace $0x9000004D  }
0x10b: {  	s0 =	stileid.u32;
	[bflag:$0x2] =	sbarrier.arrive $0xFFFF  }
0x10c: {  	p0 =	sne.s32 s0, $0x0;
	s0 =	rddreg [dreg:$0x3]  }
0x10d: {  	s0 =	sadd.s32 @!p0 $0x100000, s0  }
0x10e: {  	[sflag:s0] =	ssyncadd.tile.s32 @!p0 $0x1;
	_ =	shalt  }
.Lfunc_end2:
_tile_overlayer_lowered:
.L_overlay_start_2:
0x10f: {  	(tag) =	ssettag $0x2  }
0x110: {  	s0 =	rddreg [dreg:$0x0];
	s2 =	stileid.u32  }
0x111: {  	s1 =	rddreg [dreg:$0x1];
	p0 =	sne.s32 s2, $0x0  }
0x112: {  	s3 =	rddreg [dreg:$0x2];
	[bflag:$0x3] =	sbarrier.arrive $0xFFFF;
	s2 =	simm.s32 @!p0 $0x1C03  }
0x113: {  	[timem:s3], [sflag:s2] =	dma.local @!p0 [hbm:s0], s1  }
0x114: {  	s0 =	simm.s32 @!p0 $0x3  }
0x115: {  	_ =	swait.ge @!p0 [sflag:s0], s1  }
0x116: {  	s1 =	ssub.s32 @!p0 $0x0, s1;
	[sflag:s0] =	ssyncset.done @!p0 $0x0  }
0x117: {  	[sflag:s0] =	ssyncadd.s32 @!p0 s1  }
0x118: {  	[bflag:$0x3] =	sbarrier.arrive $0xFFFF  }
0x119: {  	_ =	shalt  }

</sc_bundles>
